<compile_context>
chip_gen: v7x
topology: tpu7x:2x2x1
jax: 0.10.2.dev20260603
libtpu: 0.0.44.dev20260713+nightly
codegen_flags: <defaults>
</compile_context>

<pallas_src>
import jax
import jax.numpy as jnp
from jax import lax
from jax.experimental import pallas as pl
from jax.experimental.pallas import tpu as pltpu
from jax.experimental.pallas import tpu_sc as plsc

OUT_D = 64
NB_ACT = 26
BATCH = 16384
WIDTH = OUT_D * NB_ACT

SPLIT = 9216

NC = 2
NS = 16
L = 16
NW = NC * NS
B_PER_W = SPLIT // NW
G = 16
NG = B_PER_W // G
NBUF = 4

TC_BLK = 512
TC_ROWS = BATCH - SPLIT


def _sc_kernel(full_hbm, idx_hbm, out_hbm, idx_v, land_v, out_v,
               in_sems, out_sems):
    wid = lax.axis_index("s") * NC + lax.axis_index("c")
    base = wid * B_PER_W

    pltpu.sync_copy(idx_hbm.at[pl.ds(base, B_PER_W)], idx_v)

    lane = lax.iota(jnp.int32, L)

    def start_group(g, buf):
        j16 = lax.div(idx_v[pl.ds(g * G, L)], 2) * 128
        for l in range(L):
            col = pl.multiple_of(j16[l], 128)
            pltpu.make_async_copy(
                full_hbm.at[pl.ds(base + g * G + (l & ~7), 8),
                            pl.ds(col, 128)],
                land_v.at[buf, l],
                in_sems.at[buf],
            ).start()

    def wait_group(buf):
        for l in range(L):
            pltpu.make_async_copy(
                full_hbm.at[pl.ds(0, 8), pl.ds(0, 128)],
                land_v.at[buf, l],
                in_sems.at[buf],
            ).wait()

    def out_copy(g, buf):
        return pltpu.make_async_copy(
            out_v.at[buf],
            out_hbm.at[pl.ds(base + g * G, G)],
            out_sems.at[buf],
        )

    for b in range(NBUF):
        start_group(b, b)

    sub = lax.rem(lane, 8)

    def body(g, _):
        buf = lax.rem(g, NBUF)
        wait_group(buf)

        @pl.when(g >= NBUF)
        def _():
            out_copy(g - NBUF, buf).wait()

        v16 = idx_v[pl.ds(g * G, L)]
        h16 = lax.rem(v16, 2) * OUT_D
        bufl = jnp.full((L,), buf, jnp.int32)
        for c in range(OUT_D):
            vals = plsc.load_gather(land_v, [bufl, lane, sub, h16 + c])
            plsc.store_scatter(
                out_v, [bufl, lane, jnp.full((L,), c, jnp.int32)], vals
            )
        out_copy(g, buf).start()

        @pl.when(g + NBUF < NG)
        def _():
            start_group(g + NBUF, buf)

        return 0

    lax.fori_loop(0, NG, body, 0)

    for b in range(NBUF):
        out_copy(NG - NBUF + b, lax.rem(NG - NBUF + b, NBUF)).wait()


def _tc_kernel(x_ref, idx_ref, out_ref):
    idx = idx_ref[...]
    x = x_ref[...]
    idx2 = lax.div(idx, 2)
    lvl = [x[:, j * 128:(j + 1) * 128] for j in range(NB_ACT // 2)]
    lvl = lvl + [lvl[0]] * (16 - len(lvl))
    for k in range(4):
        bit = lax.rem(lax.shift_right_logical(idx2, k), 2) == 1
        lvl = [jnp.where(bit, lvl[2 * i + 1], lvl[2 * i])
               for i in range(len(lvl) // 2)]
    acc = lvl[0]
    out_ref[...] = jnp.where(
        lax.rem(idx, 2) == 0, acc[:, :OUT_D], acc[:, OUT_D:]
    )


@jax.jit
def _run(full_output, idx1d, idx2d):
    mesh = plsc.VectorSubcoreMesh(core_axis_name="c", subcore_axis_name="s")
    sc_out = pl.kernel(
        _sc_kernel,
        out_type=jax.ShapeDtypeStruct((SPLIT, OUT_D), jnp.float32),
        mesh=mesh,
        scratch_types=[
            pltpu.VMEM((B_PER_W,), jnp.int32),
            pltpu.VMEM((NBUF, G, 8, 128), jnp.float32),
            pltpu.VMEM((NBUF, G, OUT_D), jnp.float32),
            pltpu.SemaphoreType.DMA((NBUF,)),
            pltpu.SemaphoreType.DMA((NBUF,)),
        ],
        compiler_params=pltpu.CompilerParams(needs_layout_passes=False),
    )(full_output, idx1d)

    nblk = TC_ROWS // TC_BLK
    blk0 = SPLIT // TC_BLK
    tc_out = pl.pallas_call(
        _tc_kernel,
        grid=(nblk,),
        in_specs=[
            pl.BlockSpec((TC_BLK, WIDTH), lambda i: (blk0 + i, 0)),
            pl.BlockSpec((TC_BLK, 1), lambda i: (blk0 + i, 0)),
        ],
        out_specs=pl.BlockSpec((TC_BLK, OUT_D), lambda i: (i, 0)),
        out_shape=jax.ShapeDtypeStruct((TC_ROWS, OUT_D), jnp.float32),
    )(full_output, idx2d)

    return jnp.concatenate([sc_out, tc_out], axis=0)


def kernel(full_output, indices):
    idx2d = indices.astype(jnp.int32)
    idx1d = idx2d.reshape(BATCH)
    return _run(full_output, idx1d, idx2d)

# --- scband reference (transcript-rebuilt; emitter-appended) ---
"""Pipeline reference for scband-gather-layer-1468878815558 (READ-ONLY COPY).

The authoritative reference and input builder live on the scoring server;
editing this copy changes nothing except your own understanding.
"""

import jax, jax.numpy as jnp
import numpy as np

OUTPUT_DIM = 64
NB_ACTIONS = 26
BATCH = 16384


def setup_inputs(seed: int = 0) -> dict:
    key = jax.random.key(seed)
    k1, k2 = jax.random.split(key)
    full_output = jax.random.normal(k1, (BATCH, OUTPUT_DIM * NB_ACTIONS), dtype=jnp.float32)
    indices = jax.random.randint(k2, (BATCH, 1), 0, NB_ACTIONS, dtype=jnp.int64)
    return {"full_output": full_output, "indices": indices}


def reference(full_output, indices):
    output_size = OUTPUT_DIM
    nb_actions = NB_ACTIONS
    # base absolute indices: first absolute index of each selected group
    base_absolute_indices = indices * output_size  # [B, 1]
    # repeat output_size times
    bai_repeated = jnp.tile(base_absolute_indices, [1, output_size])  # [B, output_size]
    # add range(output_size) to get full absolute indices
    absolute_indices = bai_repeated + jnp.arange(output_size)  # [B, output_size]
    # flatten
    ai_flat = absolute_indices.reshape(-1)
    # one-hot encode each absolute index
    ai_onehot = jax.nn.one_hot(ai_flat, output_size * nb_actions, dtype=jnp.float32)
    # group into output_size-dimensional sub-tensors and reduce-sum to build masks
    group = ai_onehot.reshape(-1, output_size, output_size * nb_actions)
    masks = jnp.sum(group, axis=1)  # [B, output_size * nb_actions]
    # boolean mask
    bool_masks = masks != jnp.float32(0.0)
    # absolute (row, col) indices where mask is True (equivalent of tf.where);
    # each row has exactly output_size True entries, so the count is static
    rows, cols = jnp.nonzero(bool_masks, size=bool_masks.shape[0] * output_size)
    # gather (equivalent of tf.gather_nd) and reshape
    reduced_output = full_output[rows, cols]
    return reduced_output.reshape(-1, output_size)

if __name__ == "__main__":
    import jax
    _d = setup_inputs()
    print(jax.jit(kernel)(*tuple(_d.values())))

</pallas_src>

<mosaic_0001>
#map = affine_map<(d0, d1) -> (0, 0)>
#map1 = affine_map<(d0, d1) -> (0)>
module attributes {stable_mosaic.version = 14 : i64} {
  func.func @_sc_kernel(%arg0: i32, %arg1: i32, %arg2: memref<16384x1664xf32, #tpu.memory_space<hbm>>, %arg3: memref<16384xi32, #tpu.memory_space<hbm>>, %arg4: memref<9216x64xf32, #tpu.memory_space<hbm>>, %arg5: memref<288xi32, #tpu.memory_space<vmem>>, %arg6: memref<4x16x8x128xf32, #tpu.memory_space<vmem>>, %arg7: memref<4x16x64xf32, #tpu.memory_space<vmem>>, %arg8: memref<4x!tpu.dma_semaphore, #tpu.memory_space<semaphore_mem>>, %arg9: memref<4x!tpu.dma_semaphore, #tpu.memory_space<semaphore_mem>>) attributes {dimension_semantics = [#tpu.dimension_semantics<core_parallel>, #tpu.dimension_semantics<subcore_parallel>], iteration_bounds = array<i64: 2, 16>, scalar_prefetch = 0 : i64, scratch_operands = 5 : i64, tpu.core_type = #tpu.core_type<sc_vector_subcore>, window_params = [{transform_indices = #map}, {transform_indices = #map1}, {transform_indices = #map}]} {
    %mul3A = arith.constant 2 : i32
    %mul3A_0 = arith.muli %arg1, %mul3A : i32
    %add3A = arith.addi %mul3A_0, %arg0 : i32
    %mul3A_1 = arith.constant 288 : i32
    %mul3A_2 = arith.muli %add3A, %mul3A_1 : i32
    "tpu.region"() ({
      %run_scoped3A = tpu.sem_alloc : memref<!tpu.dma_semaphore, #tpu.memory_space<semaphore_mem>>
      %dma_start3A_1520 = tpu.memref_slice %arg3[%mul3A_2] : memref<16384xi32, #tpu.memory_space<hbm>> -> memref<288xi32, #tpu.memory_space<hbm>>
      %dma_start3A_1521 = tpu.memref_slice %arg3[%mul3A_2] : memref<16384xi32, #tpu.memory_space<hbm>> -> memref<288xi32, #tpu.memory_space<hbm>>
      tpu.enqueue_dma source(%dma_start3A_1521 : memref<288xi32, #tpu.memory_space<hbm>>) target(%arg5 : memref<288xi32, #tpu.memory_space<vmem>>) target_semaphore(%run_scoped3A : memref<!tpu.dma_semaphore, #tpu.memory_space<semaphore_mem>>)
      %dma_wait3A_1522 = tpu.memref_slice %arg3[%mul3A_2] : memref<16384xi32, #tpu.memory_space<hbm>> -> memref<288xi32, #tpu.memory_space<hbm>>
      %dma_wait3A_1523 = tpu.memref_slice %arg3[%mul3A_2] : memref<16384xi32, #tpu.memory_space<hbm>> -> memref<288xi32, #tpu.memory_space<hbm>>
      tpu.wait_dma2 semaphore(%run_scoped3A : memref<!tpu.dma_semaphore, #tpu.memory_space<semaphore_mem>>) src(%dma_wait3A_1523 : memref<288xi32, #tpu.memory_space<hbm>>) dst(%arg5 : memref<288xi32, #tpu.memory_space<vmem>>)
      tpu.yield
    }) : () -> ()
    %iota3A = tpu.iota {dimensions = array<i32: 0>} : vector<16xi32>
    %get3A = arith.constant 0 : index
    %get3A_3 = tpu.vector_load %arg5[%get3A] {strides = array<i32>} : memref<288xi32, #tpu.memory_space<vmem>>, vector<16xi32>,
    %div3A = arith.constant 2 : i32
    %div3A_4 = vector.broadcast %div3A : i32 to vector<16xi32>
    %div3A_5 = arith.divsi %get3A_3, %div3A_4 : vector<16xi32>
    %mul3A_6 = arith.constant 128 : i32
    %mul3A_7 = vector.broadcast %mul3A_6 : i32 to vector<16xi32>
    %mul3A_8 = arith.muli %div3A_5, %mul3A_7 : vector<16xi32>
    %slice3A = vector.extract_strided_slice %mul3A_8 {offsets = [0], sizes = [1], strides = [1]} : vector<16xi32> to vector<1xi32>
    %squeeze3A = vector.extract %slice3A[0] : i32 from vector<1xi32>
    %multiple_of3A = tpu.assume_multiple %squeeze3A, 128 : i32
    %add3A_9 = arith.constant 0 : i32
    %add3A_10 = arith.addi %mul3A_2, %add3A_9 : i32
    %add3A_11 = arith.constant 0 : i32
    %add3A_12 = arith.addi %add3A_10, %add3A_11 : i32
    %dma_start3A = arith.constant 0 : i32
    %dma_start3A_13 = arith.constant 0 : i32
    %dma_start3A_14 = arith.constant 0 : i32
    %dma_start3A_15 = arith.constant 0 : i32
    %dma_start3A_16 = arith.constant 0 : i32
    %dma_start3A_17 = tpu.memref_slice %arg6[%dma_start3A, %dma_start3A_13, %dma_start3A_15, %dma_start3A_16] : memref<4x16x8x128xf32, #tpu.memory_space<vmem>> -> memref<1x1x8x128xf32, #tpu.memory_space<vmem>>
    %dma_start3A_18 = tpu.memref_squeeze %dma_start3A_17 : memref<1x1x8x128xf32, #tpu.memory_space<vmem>> -> memref<8x128xf32, #tpu.memory_space<vmem>>
    %dma_start3A_19 = tpu.memref_slice %arg2[%add3A_12, %multiple_of3A] : memref<16384x1664xf32, #tpu.memory_space<hbm>> -> memref<8x128xf32, #tpu.memory_space<hbm>>
    %dma_start3A_20 = tpu.memref_slice %arg8[%dma_start3A_14] : memref<4x!tpu.dma_semaphore, #tpu.memory_space<semaphore_mem>> -> memref<1x!tpu.dma_semaphore, #tpu.memory_space<semaphore_mem>>
    %dma_start3A_21 = tpu.memref_squeeze %dma_start3A_20 : memref<1x!tpu.dma_semaphore, #tpu.memory_space<semaphore_mem>> -> memref<!tpu.dma_semaphore, #tpu.memory_space<semaphore_mem>>
    %dma_start3A_22 = arith.constant 0 : i32
    %dma_start3A_23 = arith.constant 0 : i32
    %dma_start3A_24 = tpu.memref_slice %arg6[%dma_start3A, %dma_start3A_13, %dma_start3A_22, %dma_start3A_23] : memref<4x16x8x128xf32, #tpu.memory_space<vmem>> -> memref<1x1x8x128xf32, #tpu.memory_space<vmem>>
    %dma_start3A_25 = tpu.memref_squeeze %dma_start3A_24 : memref<1x1x8x128xf32, #tpu.memory_space<vmem>> -> memref<8x128xf32, #tpu.memory_space<vmem>>
    %dma_start3A_26 = tpu.memref_slice %arg2[%add3A_12, %multiple_of3A] : memref<16384x1664xf32, #tpu.memory_space<hbm>> -> memref<8x128xf32, #tpu.memory_space<hbm>>
    tpu.enqueue_dma source(%dma_start3A_26 : memref<8x128xf32, #tpu.memory_space<hbm>>) target(%dma_start3A_25 : memref<8x128xf32, #tpu.memory_space<vmem>>) target_semaphore(%dma_start3A_21 : memref<!tpu.dma_semaphore, #tpu.memory_space<semaphore_mem>>)
    %slice3A_27 = vector.extract_strided_slice %mul3A_8 {offsets = [1], sizes = [1], strides = [1]} : vector<16xi32> to vector<1xi32>
    %squeeze3A_28 = vector.extract %slice3A_27[0] : i32 from vector<1xi32>
    %multiple_of3A_29 = tpu.assume_multiple %squeeze3A_28, 128 : i32
    %add3A_30 = arith.constant 0 : i32
    %add3A_31 = arith.addi %mul3A_2, %add3A_30 : i32
    %add3A_32 = arith.constant 0 : i32
    %add3A_33 = arith.addi %add3A_31, %add3A_32 : i32
    %dma_start3A_34 = arith.constant 0 : i32
    %dma_start3A_35 = arith.constant 1 : i32
    %dma_start3A_36 = arith.constant 0 : i32
    %dma_start3A_37 = arith.constant 0 : i32
    %dma_start3A_38 = arith.constant 0 : i32
    %dma_start3A_39 = tpu.memref_slice %arg6[%dma_start3A_34, %dma_start3A_35, %dma_start3A_37, %dma_start3A_38] : memref<4x16x8x128xf32, #tpu.memory_space<vmem>> -> memref<1x1x8x128xf32, #tpu.memory_space<vmem>>
    %dma_start3A_40 = tpu.memref_squeeze %dma_start3A_39 : memref<1x1x8x128xf32, #tpu.memory_space<vmem>> -> memref<8x128xf32, #tpu.memory_space<vmem>>
    %dma_start3A_41 = tpu.memref_slice %arg2[%add3A_33, %multiple_of3A_29] : memref<16384x1664xf32, #tpu.memory_space<hbm>> -> memref<8x128xf32, #tpu.memory_space<hbm>>
    %dma_start3A_42 = tpu.memref_slice %arg8[%dma_start3A_36] : memref<4x!tpu.dma_semaphore, #tpu.memory_space<semaphore_mem>> -> memref<1x!tpu.dma_semaphore, #tpu.memory_space<semaphore_mem>>
    %dma_start3A_43 = tpu.memref_squeeze %dma_start3A_42 : memref<1x!tpu.dma_semaphore, #tpu.memory_space<semaphore_mem>> -> memref<!tpu.dma_semaphore, #tpu.memory_space<semaphore_mem>>
    %dma_start3A_44 = arith.constant 0 : i32
    %dma_start3A_45 = arith.constant 0 : i32
    %dma_start3A_46 = tpu.memref_slice %arg6[%dma_start3A_34, %dma_start3A_35, %dma_start3A_44, %dma_start3A_45] : memref<4x16x8x128xf32, #tpu.memory_space<vmem>> -> memref<1x1x8x128xf32, #tpu.memory_space<vmem>>
    %dma_start3A_47 = tpu.memref_squeeze %dma_start3A_46 : memref<1x1x8x128xf32, #tpu.memory_space<vmem>> -> memref<8x128xf32, #tpu.memory_space<vmem>>
    %dma_start3A_48 = tpu.memref_slice %arg2[%add3A_33, %multiple_of3A_29] : memref<16384x1664xf32, #tpu.memory_space<hbm>> -> memref<8x128xf32, #tpu.memory_space<hbm>>
    tpu.enqueue_dma source(%dma_start3A_48 : memref<8x128xf32, #tpu.memory_space<hbm>>) target(%dma_start3A_47 : memref<8x128xf32, #tpu.memory_space<vmem>>) target_semaphore(%dma_start3A_43 : memref<!tpu.dma_semaphore, #tpu.memory_space<semaphore_mem>>)
    %slice3A_49 = vector.extract_strided_slice %mul3A_8 {offsets = [2], sizes = [1], strides = [1]} : vector<16xi32> to vector<1xi32>
    %squeeze3A_50 = vector.extract %slice3A_49[0] : i32 from vector<1xi32>
    %multiple_of3A_51 = tpu.assume_multiple %squeeze3A_50, 128 : i32
    %add3A_52 = arith.constant 0 : i32
    %add3A_53 = arith.addi %mul3A_2, %add3A_52 : i32
    %add3A_54 = arith.constant 0 : i32
    %add3A_55 = arith.addi %add3A_53, %add3A_54 : i32
    %dma_start3A_56 = arith.constant 0 : i32
    %dma_start3A_57 = arith.constant 2 : i32
    %dma_start3A_58 = arith.constant 0 : i32
    %dma_start3A_59 = arith.constant 0 : i32
    %dma_start3A_60 = arith.constant 0 : i32
    %dma_start3A_61 = tpu.memref_slice %arg6[%dma_start3A_56, %dma_start3A_57, %dma_start3A_59, %dma_start3A_60] : memref<4x16x8x128xf32, #tpu.memory_space<vmem>> -> memref<1x1x8x128xf32, #tpu.memory_space<vmem>>
    %dma_start3A_62 = tpu.memref_squeeze %dma_start3A_61 : memref<1x1x8x128xf32, #tpu.memory_space<vmem>> -> memref<8x128xf32, #tpu.memory_space<vmem>>
    %dma_start3A_63 = tpu.memref_slice %arg2[%add3A_55, %multiple_of3A_51] : memref<16384x1664xf32, #tpu.memory_space<hbm>> -> memref<8x128xf32, #tpu.memory_space<hbm>>
    %dma_start3A_64 = tpu.memref_slice %arg8[%dma_start3A_58] : memref<4x!tpu.dma_semaphore, #tpu.memory_space<semaphore_mem>> -> memref<1x!tpu.dma_semaphore, #tpu.memory_space<semaphore_mem>>
    %dma_start3A_65 = tpu.memref_squeeze %dma_start3A_64 : memref<1x!tpu.dma_semaphore, #tpu.memory_space<semaphore_mem>> -> memref<!tpu.dma_semaphore, #tpu.memory_space<semaphore_mem>>
    %dma_start3A_66 = arith.constant 0 : i32
    %dma_start3A_67 = arith.constant 0 : i32
    %dma_start3A_68 = tpu.memref_slice %arg6[%dma_start3A_56, %dma_start3A_57, %dma_start3A_66, %dma_start3A_67] : memref<4x16x8x128xf32, #tpu.memory_space<vmem>> -> memref<1x1x8x128xf32, #tpu.memory_space<vmem>>
    %dma_start3A_69 = tpu.memref_squeeze %dma_start3A_68 : memref<1x1x8x128xf32, #tpu.memory_space<vmem>> -> memref<8x128xf32, #tpu.memory_space<vmem>>
    %dma_start3A_70 = tpu.memref_slice %arg2[%add3A_55, %multiple_of3A_51] : memref<16384x1664xf32, #tpu.memory_space<hbm>> -> memref<8x128xf32, #tpu.memory_space<hbm>>
    tpu.enqueue_dma source(%dma_start3A_70 : memref<8x128xf32, #tpu.memory_space<hbm>>) target(%dma_start3A_69 : memref<8x128xf32, #tpu.memory_space<vmem>>) target_semaphore(%dma_start3A_65 : memref<!tpu.dma_semaphore, #tpu.memory_space<semaphore_mem>>)
    %slice3A_71 = vector.extract_strided_slice %mul3A_8 {offsets = [3], sizes = [1], strides = [1]} : vector<16xi32> to vector<1xi32>
    %squeeze3A_72 = vector.extract %slice3A_71[0] : i32 from vector<1xi32>
    %multiple_of3A_73 = tpu.assume_multiple %squeeze3A_72, 128 : i32
    %add3A_74 = arith.constant 0 : i32
    %add3A_75 = arith.addi %mul3A_2, %add3A_74 : i32
    %add3A_76 = arith.constant 0 : i32
    %add3A_77 = arith.addi %add3A_75, %add3A_76 : i32
    %dma_start3A_78 = arith.constant 0 : i32
    %dma_start3A_79 = arith.constant 3 : i32
    %dma_start3A_80 = arith.constant 0 : i32
    %dma_start3A_81 = arith.constant 0 : i32
    %dma_start3A_82 = arith.constant 0 : i32
    %dma_start3A_83 = tpu.memref_slice %arg6[%dma_start3A_78, %dma_start3A_79, %dma_start3A_81, %dma_start3A_82] : memref<4x16x8x128xf32, #tpu.memory_space<vmem>> -> memref<1x1x8x128xf32, #tpu.memory_space<vmem>>
    %dma_start3A_84 = tpu.memref_squeeze %dma_start3A_83 : memref<1x1x8x128xf32, #tpu.memory_space<vmem>> -> memref<8x128xf32, #tpu.memory_space<vmem>>
    %dma_start3A_85 = tpu.memref_slice %arg2[%add3A_77, %multiple_of3A_73] : memref<16384x1664xf32, #tpu.memory_space<hbm>> -> memref<8x128xf32, #tpu.memory_space<hbm>>
    %dma_start3A_86 = tpu.memref_slice %arg8[%dma_start3A_80] : memref<4x!tpu.dma_semaphore, #tpu.memory_space<semaphore_mem>> -> memref<1x!tpu.dma_semaphore, #tpu.memory_space<semaphore_mem>>
    %dma_start3A_87 = tpu.memref_squeeze %dma_start3A_86 : memref<1x!tpu.dma_semaphore, #tpu.memory_space<semaphore_mem>> -> memref<!tpu.dma_semaphore, #tpu.memory_space<semaphore_mem>>
    %dma_start3A_88 = arith.constant 0 : i32
    %dma_start3A_89 = arith.constant 0 : i32
    %dma_start3A_90 = tpu.memref_slice %arg6[%dma_start3A_78, %dma_start3A_79, %dma_start3A_88, %dma_start3A_89] : memref<4x16x8x128xf32, #tpu.memory_space<vmem>> -> memref<1x1x8x128xf32, #tpu.memory_space<vmem>>
    %dma_start3A_91 = tpu.memref_squeeze %dma_start3A_90 : memref<1x1x8x128xf32, #tpu.memory_space<vmem>> -> memref<8x128xf32, #tpu.memory_space<vmem>>
    %dma_start3A_92 = tpu.memref_slice %arg2[%add3A_77, %multiple_of3A_73] : memref<16384x1664xf32, #tpu.memory_space<hbm>> -> memref<8x128xf32, #tpu.memory_space<hbm>>
    tpu.enqueue_dma source(%dma_start3A_92 : memref<8x128xf32, #tpu.memory_space<hbm>>) target(%dma_start3A_91 : memref<8x128xf32, #tpu.memory_space<vmem>>) target_semaphore(%dma_start3A_87 : memref<!tpu.dma_semaphore, #tpu.memory_space<semaphore_mem>>)
    %slice3A_93 = vector.extract_strided_slice %mul3A_8 {offsets = [4], sizes = [1], strides = [1]} : vector<16xi32> to vector<1xi32>
    %squeeze3A_94 = vector.extract %slice3A_93[0] : i32 from vector<1xi32>
    %multiple_of3A_95 = tpu.assume_multiple %squeeze3A_94, 128 : i32
    %add3A_96 = arith.constant 0 : i32
    %add3A_97 = arith.addi %mul3A_2, %add3A_96 : i32
    %add3A_98 = arith.constant 0 : i32
    %add3A_99 = arith.addi %add3A_97, %add3A_98 : i32
    %dma_start3A_100 = arith.constant 0 : i32
    %dma_start3A_101 = arith.constant 4 : i32
    %dma_start3A_102 = arith.constant 0 : i32
    %dma_start3A_103 = arith.constant 0 : i32
    %dma_start3A_104 = arith.constant 0 : i32
    %dma_start3A_105 = tpu.memref_slice %arg6[%dma_start3A_100, %dma_start3A_101, %dma_start3A_103, %dma_start3A_104] : memref<4x16x8x128xf32, #tpu.memory_space<vmem>> -> memref<1x1x8x128xf32, #tpu.memory_space<vmem>>
    %dma_start3A_106 = tpu.memref_squeeze %dma_start3A_105 : memref<1x1x8x128xf32, #tpu.memory_space<vmem>> -> memref<8x128xf32, #tpu.memory_space<vmem>>
    %dma_start3A_107 = tpu.memref_slice %arg2[%add3A_99, %multiple_of3A_95] : memref<16384x1664xf32, #tpu.memory_space<hbm>> -> memref<8x128xf32, #tpu.memory_space<hbm>>
    %dma_start3A_108 = tpu.memref_slice %arg8[%dma_start3A_102] : memref<4x!tpu.dma_semaphore, #tpu.memory_space<semaphore_mem>> -> memref<1x!tpu.dma_semaphore, #tpu.memory_space<semaphore_mem>>
    %dma_start3A_109 = tpu.memref_squeeze %dma_start3A_108 : memref<1x!tpu.dma_semaphore, #tpu.memory_space<semaphore_mem>> -> memref<!tpu.dma_semaphore, #tpu.memory_space<semaphore_mem>>
    %dma_start3A_110 = arith.constant 0 : i32
    %dma_start3A_111 = arith.constant 0 : i32
    %dma_start3A_112 = tpu.memref_slice %arg6[%dma_start3A_100, %dma_start3A_101, %dma_start3A_110, %dma_start3A_111] : memref<4x16x8x128xf32, #tpu.memory_space<vmem>> -> memref<1x1x8x128xf32, #tpu.memory_space<vmem>>
    %dma_start3A_113 = tpu.memref_squeeze %dma_start3A_112 : memref<1x1x8x128xf32, #tpu.memory_space<vmem>> -> memref<8x128xf32, #tpu.memory_space<vmem>>
    %dma_start3A_114 = tpu.memref_slice %arg2[%add3A_99, %multiple_of3A_95] : memref<16384x1664xf32, #tpu.memory_space<hbm>> -> memref<8x128xf32, #tpu.memory_space<hbm>>
    tpu.enqueue_dma source(%dma_start3A_114 : memref<8x128xf32, #tpu.memory_space<hbm>>) target(%dma_start3A_113 : memref<8x128xf32, #tpu.memory_space<vmem>>) target_semaphore(%dma_start3A_109 : memref<!tpu.dma_semaphore, #tpu.memory_space<semaphore_mem>>)
    %slice3A_115 = vector.extract_strided_slice %mul3A_8 {offsets = [5], sizes = [1], strides = [1]} : vector<16xi32> to vector<1xi32>
    %squeeze3A_116 = vector.extract %slice3A_115[0] : i32 from vector<1xi32>
    %multiple_of3A_117 = tpu.assume_multiple %squeeze3A_116, 128 : i32
    %add3A_118 = arith.constant 0 : i32
    %add3A_119 = arith.addi %mul3A_2, %add3A_118 : i32
    %add3A_120 = arith.constant 0 : i32
    %add3A_121 = arith.addi %add3A_119, %add3A_120 : i32
    %dma_start3A_122 = arith.constant 0 : i32
    %dma_start3A_123 = arith.constant 5 : i32
    %dma_start3A_124 = arith.constant 0 : i32
    %dma_start3A_125 = arith.constant 0 : i32
    %dma_start3A_126 = arith.constant 0 : i32
    %dma_start3A_127 = tpu.memref_slice %arg6[%dma_start3A_122, %dma_start3A_123, %dma_start3A_125, %dma_start3A_126] : memref<4x16x8x128xf32, #tpu.memory_space<vmem>> -> memref<1x1x8x128xf32, #tpu.memory_space<vmem>>
    %dma_start3A_128 = tpu.memref_squeeze %dma_start3A_127 : memref<1x1x8x128xf32, #tpu.memory_space<vmem>> -> memref<8x128xf32, #tpu.memory_space<vmem>>
    %dma_start3A_129 = tpu.memref_slice %arg2[%add3A_121, %multiple_of3A_117] : memref<16384x1664xf32, #tpu.memory_space<hbm>> -> memref<8x128xf32, #tpu.memory_space<hbm>>
    %dma_start3A_130 = tpu.memref_slice %arg8[%dma_start3A_124] : memref<4x!tpu.dma_semaphore, #tpu.memory_space<semaphore_mem>> -> memref<1x!tpu.dma_semaphore, #tpu.memory_space<semaphore_mem>>
    %dma_start3A_131 = tpu.memref_squeeze %dma_start3A_130 : memref<1x!tpu.dma_semaphore, #tpu.memory_space<semaphore_mem>> -> memref<!tpu.dma_semaphore, #tpu.memory_space<semaphore_mem>>
    %dma_start3A_132 = arith.constant 0 : i32
    %dma_start3A_133 = arith.constant 0 : i32
    %dma_start3A_134 = tpu.memref_slice %arg6[%dma_start3A_122, %dma_start3A_123, %dma_start3A_132, %dma_start3A_133] : memref<4x16x8x128xf32, #tpu.memory_space<vmem>> -> memref<1x1x8x128xf32, #tpu.memory_space<vmem>>
    %dma_start3A_135 = tpu.memref_squeeze %dma_start3A_134 : memref<1x1x8x128xf32, #tpu.memory_space<vmem>> -> memref<8x128xf32, #tpu.memory_space<vmem>>
    %dma_start3A_136 = tpu.memref_slice %arg2[%add3A_121, %multiple_of3A_117] : memref<16384x1664xf32, #tpu.memory_space<hbm>> -> memref<8x128xf32, #tpu.memory_space<hbm>>
    tpu.enqueue_dma source(%dma_start3A_136 : memref<8x128xf32, #tpu.memory_space<hbm>>) target(%dma_start3A_135 : memref<8x128xf32, #tpu.memory_space<vmem>>) target_semaphore(%dma_start3A_131 : memref<!tpu.dma_semaphore, #tpu.memory_space<semaphore_mem>>)
    %slice3A_137 = vector.extract_strided_slice %mul3A_8 {offsets = [6], sizes = [1], strides = [1]} : vector<16xi32> to vector<1xi32>
    %squeeze3A_138 = vector.extract %slice3A_137[0] : i32 from vector<1xi32>
    %multiple_of3A_139 = tpu.assume_multiple %squeeze3A_138, 128 : i32
    %add3A_140 = arith.constant 0 : i32
    %add3A_141 = arith.addi %mul3A_2, %add3A_140 : i32
    %add3A_142 = arith.constant 0 : i32
    %add3A_143 = arith.addi %add3A_141, %add3A_142 : i32
    %dma_start3A_144 = arith.constant 0 : i32
    %dma_start3A_145 = arith.constant 6 : i32
    %dma_start3A_146 = arith.constant 0 : i32
    %dma_start3A_147 = arith.constant 0 : i32
    %dma_start3A_148 = arith.constant 0 : i32
    %dma_start3A_149 = tpu.memref_slice %arg6[%dma_start3A_144, %dma_start3A_145, %dma_start3A_147, %dma_start3A_148] : memref<4x16x8x128xf32, #tpu.memory_space<vmem>> -> memref<1x1x8x128xf32, #tpu.memory_space<vmem>>
    %dma_start3A_150 = tpu.memref_squeeze %dma_start3A_149 : memref<1x1x8x128xf32, #tpu.memory_space<vmem>> -> memref<8x128xf32, #tpu.memory_space<vmem>>
    %dma_start3A_151 = tpu.memref_slice %arg2[%add3A_143, %multiple_of3A_139] : memref<16384x1664xf32, #tpu.memory_space<hbm>> -> memref<8x128xf32, #tpu.memory_space<hbm>>
    %dma_start3A_152 = tpu.memref_slice %arg8[%dma_start3A_146] : memref<4x!tpu.dma_semaphore, #tpu.memory_space<semaphore_mem>> -> memref<1x!tpu.dma_semaphore, #tpu.memory_space<semaphore_mem>>
    %dma_start3A_153 = tpu.memref_squeeze %dma_start3A_152 : memref<1x!tpu.dma_semaphore, #tpu.memory_space<semaphore_mem>> -> memref<!tpu.dma_semaphore, #tpu.memory_space<semaphore_mem>>
    %dma_start3A_154 = arith.constant 0 : i32
    %dma_start3A_155 = arith.constant 0 : i32
    %dma_start3A_156 = tpu.memref_slice %arg6[%dma_start3A_144, %dma_start3A_145, %dma_start3A_154, %dma_start3A_155] : memref<4x16x8x128xf32, #tpu.memory_space<vmem>> -> memref<1x1x8x128xf32, #tpu.memory_space<vmem>>
    %dma_start3A_157 = tpu.memref_squeeze %dma_start3A_156 : memref<1x1x8x128xf32, #tpu.memory_space<vmem>> -> memref<8x128xf32, #tpu.memory_space<vmem>>
    %dma_start3A_158 = tpu.memref_slice %arg2[%add3A_143, %multiple_of3A_139] : memref<16384x1664xf32, #tpu.memory_space<hbm>> -> memref<8x128xf32, #tpu.memory_space<hbm>>
    tpu.enqueue_dma source(%dma_start3A_158 : memref<8x128xf32, #tpu.memory_space<hbm>>) target(%dma_start3A_157 : memref<8x128xf32, #tpu.memory_space<vmem>>) target_semaphore(%dma_start3A_153 : memref<!tpu.dma_semaphore, #tpu.memory_space<semaphore_mem>>)
    %slice3A_159 = vector.extract_strided_slice %mul3A_8 {offsets = [7], sizes = [1], strides = [1]} : vector<16xi32> to vector<1xi32>
    %squeeze3A_160 = vector.extract %slice3A_159[0] : i32 from vector<1xi32>
    %multiple_of3A_161 = tpu.assume_multiple %squeeze3A_160, 128 : i32
    %add3A_162 = arith.constant 0 : i32
    %add3A_163 = arith.addi %mul3A_2, %add3A_162 : i32
    %add3A_164 = arith.constant 0 : i32
    %add3A_165 = arith.addi %add3A_163, %add3A_164 : i32
    %dma_start3A_166 = arith.constant 0 : i32
    %dma_start3A_167 = arith.constant 7 : i32
    %dma_start3A_168 = arith.constant 0 : i32
    %dma_start3A_169 = arith.constant 0 : i32
    %dma_start3A_170 = arith.constant 0 : i32
    %dma_start3A_171 = tpu.memref_slice %arg6[%dma_start3A_166, %dma_start3A_167, %dma_start3A_169, %dma_start3A_170] : memref<4x16x8x128xf32, #tpu.memory_space<vmem>> -> memref<1x1x8x128xf32, #tpu.memory_space<vmem>>
    %dma_start3A_172 = tpu.memref_squeeze %dma_start3A_171 : memref<1x1x8x128xf32, #tpu.memory_space<vmem>> -> memref<8x128xf32, #tpu.memory_space<vmem>>
    %dma_start3A_173 = tpu.memref_slice %arg2[%add3A_165, %multiple_of3A_161] : memref<16384x1664xf32, #tpu.memory_space<hbm>> -> memref<8x128xf32, #tpu.memory_space<hbm>>
    %dma_start3A_174 = tpu.memref_slice %arg8[%dma_start3A_168] : memref<4x!tpu.dma_semaphore, #tpu.memory_space<semaphore_mem>> -> memref<1x!tpu.dma_semaphore, #tpu.memory_space<semaphore_mem>>
    %dma_start3A_175 = tpu.memref_squeeze %dma_start3A_174 : memref<1x!tpu.dma_semaphore, #tpu.memory_space<semaphore_mem>> -> memref<!tpu.dma_semaphore, #tpu.memory_space<semaphore_mem>>
    %dma_start3A_176 = arith.constant 0 : i32
    %dma_start3A_177 = arith.constant 0 : i32
    %dma_start3A_178 = tpu.memref_slice %arg6[%dma_start3A_166, %dma_start3A_167, %dma_start3A_176, %dma_start3A_177] : memref<4x16x8x128xf32, #tpu.memory_space<vmem>> -> memref<1x1x8x128xf32, #tpu.memory_space<vmem>>
    %dma_start3A_179 = tpu.memref_squeeze %dma_start3A_178 : memref<1x1x8x128xf32, #tpu.memory_space<vmem>> -> memref<8x128xf32, #tpu.memory_space<vmem>>
    %dma_start3A_180 = tpu.memref_slice %arg2[%add3A_165, %multiple_of3A_161] : memref<16384x1664xf32, #tpu.memory_space<hbm>> -> memref<8x128xf32, #tpu.memory_space<hbm>>
    tpu.enqueue_dma source(%dma_start3A_180 : memref<8x128xf32, #tpu.memory_space<hbm>>) target(%dma_start3A_179 : memref<8x128xf32, #tpu.memory_space<vmem>>) target_semaphore(%dma_start3A_175 : memref<!tpu.dma_semaphore, #tpu.memory_space<semaphore_mem>>)
    %slice3A_181 = vector.extract_strided_slice %mul3A_8 {offsets = [8], sizes = [1], strides = [1]} : vector<16xi32> to vector<1xi32>
    %squeeze3A_182 = vector.extract %slice3A_181[0] : i32 from vector<1xi32>
    %multiple_of3A_183 = tpu.assume_multiple %squeeze3A_182, 128 : i32
    %add3A_184 = arith.constant 0 : i32
    %add3A_185 = arith.addi %mul3A_2, %add3A_184 : i32
    %add3A_186 = arith.constant 8 : i32
    %add3A_187 = arith.addi %add3A_185, %add3A_186 : i32
    %dma_start3A_188 = arith.constant 0 : i32
    %dma_start3A_189 = arith.constant 8 : i32
    %dma_start3A_190 = arith.constant 0 : i32
    %dma_start3A_191 = arith.constant 0 : i32
    %dma_start3A_192 = arith.constant 0 : i32
    %dma_start3A_193 = tpu.memref_slice %arg6[%dma_start3A_188, %dma_start3A_189, %dma_start3A_191, %dma_start3A_192] : memref<4x16x8x128xf32, #tpu.memory_space<vmem>> -> memref<1x1x8x128xf32, #tpu.memory_space<vmem>>
    %dma_start3A_194 = tpu.memref_squeeze %dma_start3A_193 : memref<1x1x8x128xf32, #tpu.memory_space<vmem>> -> memref<8x128xf32, #tpu.memory_space<vmem>>
    %dma_start3A_195 = tpu.memref_slice %arg2[%add3A_187, %multiple_of3A_183] : memref<16384x1664xf32, #tpu.memory_space<hbm>> -> memref<8x128xf32, #tpu.memory_space<hbm>>
    %dma_start3A_196 = tpu.memref_slice %arg8[%dma_start3A_190] : memref<4x!tpu.dma_semaphore, #tpu.memory_space<semaphore_mem>> -> memref<1x!tpu.dma_semaphore, #tpu.memory_space<semaphore_mem>>
    %dma_start3A_197 = tpu.memref_squeeze %dma_start3A_196 : memref<1x!tpu.dma_semaphore, #tpu.memory_space<semaphore_mem>> -> memref<!tpu.dma_semaphore, #tpu.memory_space<semaphore_mem>>
    %dma_start3A_198 = arith.constant 0 : i32
    %dma_start3A_199 = arith.constant 0 : i32
    %dma_start3A_200 = tpu.memref_slice %arg6[%dma_start3A_188, %dma_start3A_189, %dma_start3A_198, %dma_start3A_199] : memref<4x16x8x128xf32, #tpu.memory_space<vmem>> -> memref<1x1x8x128xf32, #tpu.memory_space<vmem>>
    %dma_start3A_201 = tpu.memref_squeeze %dma_start3A_200 : memref<1x1x8x128xf32, #tpu.memory_space<vmem>> -> memref<8x128xf32, #tpu.memory_space<vmem>>
    %dma_start3A_202 = tpu.memref_slice %arg2[%add3A_187, %multiple_of3A_183] : memref<16384x1664xf32, #tpu.memory_space<hbm>> -> memref<8x128xf32, #tpu.memory_space<hbm>>
    tpu.enqueue_dma source(%dma_start3A_202 : memref<8x128xf32, #tpu.memory_space<hbm>>) target(%dma_start3A_201 : memref<8x128xf32, #tpu.memory_space<vmem>>) target_semaphore(%dma_start3A_197 : memref<!tpu.dma_semaphore, #tpu.memory_space<semaphore_mem>>)
    %slice3A_203 = vector.extract_strided_slice %mul3A_8 {offsets = [9], sizes = [1], strides = [1]} : vector<16xi32> to vector<1xi32>
    %squeeze3A_204 = vector.extract %slice3A_203[0] : i32 from vector<1xi32>
    %multiple_of3A_205 = tpu.assume_multiple %squeeze3A_204, 128 : i32
    %add3A_206 = arith.constant 0 : i32
    %add3A_207 = arith.addi %mul3A_2, %add3A_206 : i32
    %add3A_208 = arith.constant 8 : i32
    %add3A_209 = arith.addi %add3A_207, %add3A_208 : i32
    %dma_start3A_210 = arith.constant 0 : i32
    %dma_start3A_211 = arith.constant 9 : i32
    %dma_start3A_212 = arith.constant 0 : i32
    %dma_start3A_213 = arith.constant 0 : i32
    %dma_start3A_214 = arith.constant 0 : i32
    %dma_start3A_215 = tpu.memref_slice %arg6[%dma_start3A_210, %dma_start3A_211, %dma_start3A_213, %dma_start3A_214] : memref<4x16x8x128xf32, #tpu.memory_space<vmem>> -> memref<1x1x8x128xf32, #tpu.memory_space<vmem>>
    %dma_start3A_216 = tpu.memref_squeeze %dma_start3A_215 : memref<1x1x8x128xf32, #tpu.memory_space<vmem>> -> memref<8x128xf32, #tpu.memory_space<vmem>>
    %dma_start3A_217 = tpu.memref_slice %arg2[%add3A_209, %multiple_of3A_205] : memref<16384x1664xf32, #tpu.memory_space<hbm>> -> memref<8x128xf32, #tpu.memory_space<hbm>>
    %dma_start3A_218 = tpu.memref_slice %arg8[%dma_start3A_212] : memref<4x!tpu.dma_semaphore, #tpu.memory_space<semaphore_mem>> -> memref<1x!tpu.dma_semaphore, #tpu.memory_space<semaphore_mem>>
    %dma_start3A_219 = tpu.memref_squeeze %dma_start3A_218 : memref<1x!tpu.dma_semaphore, #tpu.memory_space<semaphore_mem>> -> memref<!tpu.dma_semaphore, #tpu.memory_space<semaphore_mem>>
    %dma_start3A_220 = arith.constant 0 : i32
    %dma_start3A_221 = arith.constant 0 : i32
    %dma_start3A_222 = tpu.memref_slice %arg6[%dma_start3A_210, %dma_start3A_211, %dma_start3A_220, %dma_start3A_221] : memref<4x16x8x128xf32, #tpu.memory_space<vmem>> -> memref<1x1x8x128xf32, #tpu.memory_space<vmem>>
    %dma_start3A_223 = tpu.memref_squeeze %dma_start3A_222 : memref<1x1x8x128xf32, #tpu.memory_space<vmem>> -> memref<8x128xf32, #tpu.memory_space<vmem>>
    %dma_start3A_224 = tpu.memref_slice %arg2[%add3A_209, %multiple_of3A_205] : memref<16384x1664xf32, #tpu.memory_space<hbm>> -> memref<8x128xf32, #tpu.memory_space<hbm>>
    tpu.enqueue_dma source(%dma_start3A_224 : memref<8x128xf32, #tpu.memory_space<hbm>>) target(%dma_start3A_223 : memref<8x128xf32, #tpu.memory_space<vmem>>) target_semaphore(%dma_start3A_219 : memref<!tpu.dma_semaphore, #tpu.memory_space<semaphore_mem>>)
    %slice3A_225 = vector.extract_strided_slice %mul3A_8 {offsets = [10], sizes = [1], strides = [1]} : vector<16xi32> to vector<1xi32>
    %squeeze3A_226 = vector.extract %slice3A_225[0] : i32 from vector<1xi32>
    %multiple_of3A_227 = tpu.assume_multiple %squeeze3A_226, 128 : i32
    %add3A_228 = arith.constant 0 : i32
    %add3A_229 = arith.addi %mul3A_2, %add3A_228 : i32
    %add3A_230 = arith.constant 8 : i32
    %add3A_231 = arith.addi %add3A_229, %add3A_230 : i32
    %dma_start3A_232 = arith.constant 0 : i32
    %dma_start3A_233 = arith.constant 10 : i32
    %dma_start3A_234 = arith.constant 0 : i32
    %dma_start3A_235 = arith.constant 0 : i32
    %dma_start3A_236 = arith.constant 0 : i32
    %dma_start3A_237 = tpu.memref_slice %arg6[%dma_start3A_232, %dma_start3A_233, %dma_start3A_235, %dma_start3A_236] : memref<4x16x8x128xf32, #tpu.memory_space<vmem>> -> memref<1x1x8x128xf32, #tpu.memory_space<vmem>>
    %dma_start3A_238 = tpu.memref_squeeze %dma_start3A_237 : memref<1x1x8x128xf32, #tpu.memory_space<vmem>> -> memref<8x128xf32, #tpu.memory_space<vmem>>
    %dma_start3A_239 = tpu.memref_slice %arg2[%add3A_231, %multiple_of3A_227] : memref<16384x1664xf32, #tpu.memory_space<hbm>> -> memref<8x128xf32, #tpu.memory_space<hbm>>
    %dma_start3A_240 = tpu.memref_slice %arg8[%dma_start3A_234] : memref<4x!tpu.dma_semaphore, #tpu.memory_space<semaphore_mem>> -> memref<1x!tpu.dma_semaphore, #tpu.memory_space<semaphore_mem>>
    %dma_start3A_241 = tpu.memref_squeeze %dma_start3A_240 : memref<1x!tpu.dma_semaphore, #tpu.memory_space<semaphore_mem>> -> memref<!tpu.dma_semaphore, #tpu.memory_space<semaphore_mem>>
    %dma_start3A_242 = arith.constant 0 : i32
    %dma_start3A_243 = arith.constant 0 : i32
    %dma_start3A_244 = tpu.memref_slice %arg6[%dma_start3A_232, %dma_start3A_233, %dma_start3A_242, %dma_start3A_243] : memref<4x16x8x128xf32, #tpu.memory_space<vmem>> -> memref<1x1x8x128xf32, #tpu.memory_space<vmem>>
    %dma_start3A_245 = tpu.memref_squeeze %dma_start3A_244 : memref<1x1x8x128xf32, #tpu.memory_space<vmem>> -> memref<8x128xf32, #tpu.memory_space<vmem>>
    %dma_start3A_246 = tpu.memref_slice %arg2[%add3A_231, %multiple_of3A_227] : memref<16384x1664xf32, #tpu.memory_space<hbm>> -> memref<8x128xf32, #tpu.memory_space<hbm>>
    tpu.enqueue_dma source(%dma_start3A_246 : memref<8x128xf32, #tpu.memory_space<hbm>>) target(%dma_start3A_245 : memref<8x128xf32, #tpu.memory_space<vmem>>) target_semaphore(%dma_start3A_241 : memref<!tpu.dma_semaphore, #tpu.memory_space<semaphore_mem>>)
    %slice3A_247 = vector.extract_strided_slice %mul3A_8 {offsets = [11], sizes = [1], strides = [1]} : vector<16xi32> to vector<1xi32>
    %squeeze3A_248 = vector.extract %slice3A_247[0] : i32 from vector<1xi32>
    %multiple_of3A_249 = tpu.assume_multiple %squeeze3A_248, 128 : i32
    %add3A_250 = arith.constant 0 : i32
    %add3A_251 = arith.addi %mul3A_2, %add3A_250 : i32
    %add3A_252 = arith.constant 8 : i32
    %add3A_253 = arith.addi %add3A_251, %add3A_252 : i32
    %dma_start3A_254 = arith.constant 0 : i32
    %dma_start3A_255 = arith.constant 11 : i32
    %dma_start3A_256 = arith.constant 0 : i32
    %dma_start3A_257 = arith.constant 0 : i32
    %dma_start3A_258 = arith.constant 0 : i32
    %dma_start3A_259 = tpu.memref_slice %arg6[%dma_start3A_254, %dma_start3A_255, %dma_start3A_257, %dma_start3A_258] : memref<4x16x8x128xf32, #tpu.memory_space<vmem>> -> memref<1x1x8x128xf32, #tpu.memory_space<vmem>>
    %dma_start3A_260 = tpu.memref_squeeze %dma_start3A_259 : memref<1x1x8x128xf32, #tpu.memory_space<vmem>> -> memref<8x128xf32, #tpu.memory_space<vmem>>
    %dma_start3A_261 = tpu.memref_slice %arg2[%add3A_253, %multiple_of3A_249] : memref<16384x1664xf32, #tpu.memory_space<hbm>> -> memref<8x128xf32, #tpu.memory_space<hbm>>
    %dma_start3A_262 = tpu.memref_slice %arg8[%dma_start3A_256] : memref<4x!tpu.dma_semaphore, #tpu.memory_space<semaphore_mem>> -> memref<1x!tpu.dma_semaphore, #tpu.memory_space<semaphore_mem>>
    %dma_start3A_263 = tpu.memref_squeeze %dma_start3A_262 : memref<1x!tpu.dma_semaphore, #tpu.memory_space<semaphore_mem>> -> memref<!tpu.dma_semaphore, #tpu.memory_space<semaphore_mem>>
    %dma_start3A_264 = arith.constant 0 : i32
    %dma_start3A_265 = arith.constant 0 : i32
    %dma_start3A_266 = tpu.memref_slice %arg6[%dma_start3A_254, %dma_start3A_255, %dma_start3A_264, %dma_start3A_265] : memref<4x16x8x128xf32, #tpu.memory_space<vmem>> -> memref<1x1x8x128xf32, #tpu.memory_space<vmem>>
    %dma_start3A_267 = tpu.memref_squeeze %dma_start3A_266 : memref<1x1x8x128xf32, #tpu.memory_space<vmem>> -> memref<8x128xf32, #tpu.memory_space<vmem>>
    %dma_start3A_268 = tpu.memref_slice %arg2[%add3A_253, %multiple_of3A_249] : memref<16384x1664xf32, #tpu.memory_space<hbm>> -> memref<8x128xf32, #tpu.memory_space<hbm>>
    tpu.enqueue_dma source(%dma_start3A_268 : memref<8x128xf32, #tpu.memory_space<hbm>>) target(%dma_start3A_267 : memref<8x128xf32, #tpu.memory_space<vmem>>) target_semaphore(%dma_start3A_263 : memref<!tpu.dma_semaphore, #tpu.memory_space<semaphore_mem>>)
    %slice3A_269 = vector.extract_strided_slice %mul3A_8 {offsets = [12], sizes = [1], strides = [1]} : vector<16xi32> to vector<1xi32>
    %squeeze3A_270 = vector.extract %slice3A_269[0] : i32 from vector<1xi32>
    %multiple_of3A_271 = tpu.assume_multiple %squeeze3A_270, 128 : i32
    %add3A_272 = arith.constant 0 : i32
    %add3A_273 = arith.addi %mul3A_2, %add3A_272 : i32
    %add3A_274 = arith.constant 8 : i32
    %add3A_275 = arith.addi %add3A_273, %add3A_274 : i32
    %dma_start3A_276 = arith.constant 0 : i32
    %dma_start3A_277 = arith.constant 12 : i32
    %dma_start3A_278 = arith.constant 0 : i32
    %dma_start3A_279 = arith.constant 0 : i32
    %dma_start3A_280 = arith.constant 0 : i32
    %dma_start3A_281 = tpu.memref_slice %arg6[%dma_start3A_276, %dma_start3A_277, %dma_start3A_279, %dma_start3A_280] : memref<4x16x8x128xf32, #tpu.memory_space<vmem>> -> memref<1x1x8x128xf32, #tpu.memory_space<vmem>>
    %dma_start3A_282 = tpu.memref_squeeze %dma_start3A_281 : memref<1x1x8x128xf32, #tpu.memory_space<vmem>> -> memref<8x128xf32, #tpu.memory_space<vmem>>
    %dma_start3A_283 = tpu.memref_slice %arg2[%add3A_275, %multiple_of3A_271] : memref<16384x1664xf32, #tpu.memory_space<hbm>> -> memref<8x128xf32, #tpu.memory_space<hbm>>
    %dma_start3A_284 = tpu.memref_slice %arg8[%dma_start3A_278] : memref<4x!tpu.dma_semaphore, #tpu.memory_space<semaphore_mem>> -> memref<1x!tpu.dma_semaphore, #tpu.memory_space<semaphore_mem>>
    %dma_start3A_285 = tpu.memref_squeeze %dma_start3A_284 : memref<1x!tpu.dma_semaphore, #tpu.memory_space<semaphore_mem>> -> memref<!tpu.dma_semaphore, #tpu.memory_space<semaphore_mem>>
    %dma_start3A_286 = arith.constant 0 : i32
    %dma_start3A_287 = arith.constant 0 : i32
    %dma_start3A_288 = tpu.memref_slice %arg6[%dma_start3A_276, %dma_start3A_277, %dma_start3A_286, %dma_start3A_287] : memref<4x16x8x128xf32, #tpu.memory_space<vmem>> -> memref<1x1x8x128xf32, #tpu.memory_space<vmem>>
    %dma_start3A_289 = tpu.memref_squeeze %dma_start3A_288 : memref<1x1x8x128xf32, #tpu.memory_space<vmem>> -> memref<8x128xf32, #tpu.memory_space<vmem>>
    %dma_start3A_290 = tpu.memref_slice %arg2[%add3A_275, %multiple_of3A_271] : memref<16384x1664xf32, #tpu.memory_space<hbm>> -> memref<8x128xf32, #tpu.memory_space<hbm>>
    tpu.enqueue_dma source(%dma_start3A_290 : memref<8x128xf32, #tpu.memory_space<hbm>>) target(%dma_start3A_289 : memref<8x128xf32, #tpu.memory_space<vmem>>) target_semaphore(%dma_start3A_285 : memref<!tpu.dma_semaphore, #tpu.memory_space<semaphore_mem>>)
    %slice3A_291 = vector.extract_strided_slice %mul3A_8 {offsets = [13], sizes = [1], strides = [1]} : vector<16xi32> to vector<1xi32>
    %squeeze3A_292 = vector.extract %slice3A_291[0] : i32 from vector<1xi32>
    %multiple_of3A_293 = tpu.assume_multiple %squeeze3A_292, 128 : i32
    %add3A_294 = arith.constant 0 : i32
    %add3A_295 = arith.addi %mul3A_2, %add3A_294 : i32
    %add3A_296 = arith.constant 8 : i32
    %add3A_297 = arith.addi %add3A_295, %add3A_296 : i32
    %dma_start3A_298 = arith.constant 0 : i32
    %dma_start3A_299 = arith.constant 13 : i32
    %dma_start3A_300 = arith.constant 0 : i32
    %dma_start3A_301 = arith.constant 0 : i32
    %dma_start3A_302 = arith.constant 0 : i32
    %dma_start3A_303 = tpu.memref_slice %arg6[%dma_start3A_298, %dma_start3A_299, %dma_start3A_301, %dma_start3A_302] : memref<4x16x8x128xf32, #tpu.memory_space<vmem>> -> memref<1x1x8x128xf32, #tpu.memory_space<vmem>>
    %dma_start3A_304 = tpu.memref_squeeze %dma_start3A_303 : memref<1x1x8x128xf32, #tpu.memory_space<vmem>> -> memref<8x128xf32, #tpu.memory_space<vmem>>
    %dma_start3A_305 = tpu.memref_slice %arg2[%add3A_297, %multiple_of3A_293] : memref<16384x1664xf32, #tpu.memory_space<hbm>> -> memref<8x128xf32, #tpu.memory_space<hbm>>
    %dma_start3A_306 = tpu.memref_slice %arg8[%dma_start3A_300] : memref<4x!tpu.dma_semaphore, #tpu.memory_space<semaphore_mem>> -> memref<1x!tpu.dma_semaphore, #tpu.memory_space<semaphore_mem>>
    %dma_start3A_307 = tpu.memref_squeeze %dma_start3A_306 : memref<1x!tpu.dma_semaphore, #tpu.memory_space<semaphore_mem>> -> memref<!tpu.dma_semaphore, #tpu.memory_space<semaphore_mem>>
    %dma_start3A_308 = arith.constant 0 : i32
    %dma_start3A_309 = arith.constant 0 : i32
    %dma_start3A_310 = tpu.memref_slice %arg6[%dma_start3A_298, %dma_start3A_299, %dma_start3A_308, %dma_start3A_309] : memref<4x16x8x128xf32, #tpu.memory_space<vmem>> -> memref<1x1x8x128xf32, #tpu.memory_space<vmem>>
    %dma_start3A_311 = tpu.memref_squeeze %dma_start3A_310 : memref<1x1x8x128xf32, #tpu.memory_space<vmem>> -> memref<8x128xf32, #tpu.memory_space<vmem>>
    %dma_start3A_312 = tpu.memref_slice %arg2[%add3A_297, %multiple_of3A_293] : memref<16384x1664xf32, #tpu.memory_space<hbm>> -> memref<8x128xf32, #tpu.memory_space<hbm>>
    tpu.enqueue_dma source(%dma_start3A_312 : memref<8x128xf32, #tpu.memory_space<hbm>>) target(%dma_start3A_311 : memref<8x128xf32, #tpu.memory_space<vmem>>) target_semaphore(%dma_start3A_307 : memref<!tpu.dma_semaphore, #tpu.memory_space<semaphore_mem>>)
    %slice3A_313 = vector.extract_strided_slice %mul3A_8 {offsets = [14], sizes = [1], strides = [1]} : vector<16xi32> to vector<1xi32>
    %squeeze3A_314 = vector.extract %slice3A_313[0] : i32 from vector<1xi32>
    %multiple_of3A_315 = tpu.assume_multiple %squeeze3A_314, 128 : i32
    %add3A_316 = arith.constant 0 : i32
    %add3A_317 = arith.addi %mul3A_2, %add3A_316 : i32
    %add3A_318 = arith.constant 8 : i32
    %add3A_319 = arith.addi %add3A_317, %add3A_318 : i32
    %dma_start3A_320 = arith.constant 0 : i32
    %dma_start3A_321 = arith.constant 14 : i32
    %dma_start3A_322 = arith.constant 0 : i32
    %dma_start3A_323 = arith.constant 0 : i32
    %dma_start3A_324 = arith.constant 0 : i32
    %dma_start3A_325 = tpu.memref_slice %arg6[%dma_start3A_320, %dma_start3A_321, %dma_start3A_323, %dma_start3A_324] : memref<4x16x8x128xf32, #tpu.memory_space<vmem>> -> memref<1x1x8x128xf32, #tpu.memory_space<vmem>>
    %dma_start3A_326 = tpu.memref_squeeze %dma_start3A_325 : memref<1x1x8x128xf32, #tpu.memory_space<vmem>> -> memref<8x128xf32, #tpu.memory_space<vmem>>
    %dma_start3A_327 = tpu.memref_slice %arg2[%add3A_319, %multiple_of3A_315] : memref<16384x1664xf32, #tpu.memory_space<hbm>> -> memref<8x128xf32, #tpu.memory_space<hbm>>
    %dma_start3A_328 = tpu.memref_slice %arg8[%dma_start3A_322] : memref<4x!tpu.dma_semaphore, #tpu.memory_space<semaphore_mem>> -> memref<1x!tpu.dma_semaphore, #tpu.memory_space<semaphore_mem>>
    %dma_start3A_329 = tpu.memref_squeeze %dma_start3A_328 : memref<1x!tpu.dma_semaphore, #tpu.memory_space<semaphore_mem>> -> memref<!tpu.dma_semaphore, #tpu.memory_space<semaphore_mem>>
    %dma_start3A_330 = arith.constant 0 : i32
    %dma_start3A_331 = arith.constant 0 : i32
    %dma_start3A_332 = tpu.memref_slice %arg6[%dma_start3A_320, %dma_start3A_321, %dma_start3A_330, %dma_start3A_331] : memref<4x16x8x128xf32, #tpu.memory_space<vmem>> -> memref<1x1x8x128xf32, #tpu.memory_space<vmem>>
    %dma_start3A_333 = tpu.memref_squeeze %dma_start3A_332 : memref<1x1x8x128xf32, #tpu.memory_space<vmem>> -> memref<8x128xf32, #tpu.memory_space<vmem>>
    %dma_start3A_334 = tpu.memref_slice %arg2[%add3A_319, %multiple_of3A_315] : memref<16384x1664xf32, #tpu.memory_space<hbm>> -> memref<8x128xf32, #tpu.memory_space<hbm>>
    tpu.enqueue_dma source(%dma_start3A_334 : memref<8x128xf32, #tpu.memory_space<hbm>>) target(%dma_start3A_333 : memref<8x128xf32, #tpu.memory_space<vmem>>) target_semaphore(%dma_start3A_329 : memref<!tpu.dma_semaphore, #tpu.memory_space<semaphore_mem>>)
    %slice3A_335 = vector.extract_strided_slice %mul3A_8 {offsets = [15], sizes = [1], strides = [1]} : vector<16xi32> to vector<1xi32>
    %squeeze3A_336 = vector.extract %slice3A_335[0] : i32 from vector<1xi32>
    %multiple_of3A_337 = tpu.assume_multiple %squeeze3A_336, 128 : i32
    %add3A_338 = arith.constant 0 : i32
    %add3A_339 = arith.addi %mul3A_2, %add3A_338 : i32
    %add3A_340 = arith.constant 8 : i32
    %add3A_341 = arith.addi %add3A_339, %add3A_340 : i32
    %dma_start3A_342 = arith.constant 0 : i32
    %dma_start3A_343 = arith.constant 15 : i32
    %dma_start3A_344 = arith.constant 0 : i32
    %dma_start3A_345 = arith.constant 0 : i32
    %dma_start3A_346 = arith.constant 0 : i32
    %dma_start3A_347 = tpu.memref_slice %arg6[%dma_start3A_342, %dma_start3A_343, %dma_start3A_345, %dma_start3A_346] : memref<4x16x8x128xf32, #tpu.memory_space<vmem>> -> memref<1x1x8x128xf32, #tpu.memory_space<vmem>>
    %dma_start3A_348 = tpu.memref_squeeze %dma_start3A_347 : memref<1x1x8x128xf32, #tpu.memory_space<vmem>> -> memref<8x128xf32, #tpu.memory_space<vmem>>
    %dma_start3A_349 = tpu.memref_slice %arg2[%add3A_341, %multiple_of3A_337] : memref<16384x1664xf32, #tpu.memory_space<hbm>> -> memref<8x128xf32, #tpu.memory_space<hbm>>
    %dma_start3A_350 = tpu.memref_slice %arg8[%dma_start3A_344] : memref<4x!tpu.dma_semaphore, #tpu.memory_space<semaphore_mem>> -> memref<1x!tpu.dma_semaphore, #tpu.memory_space<semaphore_mem>>
    %dma_start3A_351 = tpu.memref_squeeze %dma_start3A_350 : memref<1x!tpu.dma_semaphore, #tpu.memory_space<semaphore_mem>> -> memref<!tpu.dma_semaphore, #tpu.memory_space<semaphore_mem>>
    %dma_start3A_352 = arith.constant 0 : i32
    %dma_start3A_353 = arith.constant 0 : i32
    %dma_start3A_354 = tpu.memref_slice %arg6[%dma_start3A_342, %dma_start3A_343, %dma_start3A_352, %dma_start3A_353] : memref<4x16x8x128xf32, #tpu.memory_space<vmem>> -> memref<1x1x8x128xf32, #tpu.memory_space<vmem>>
    %dma_start3A_355 = tpu.memref_squeeze %dma_start3A_354 : memref<1x1x8x128xf32, #tpu.memory_space<vmem>> -> memref<8x128xf32, #tpu.memory_space<vmem>>
    %dma_start3A_356 = tpu.memref_slice %arg2[%add3A_341, %multiple_of3A_337] : memref<16384x1664xf32, #tpu.memory_space<hbm>> -> memref<8x128xf32, #tpu.memory_space<hbm>>
    tpu.enqueue_dma source(%dma_start3A_356 : memref<8x128xf32, #tpu.memory_space<hbm>>) target(%dma_start3A_355 : memref<8x128xf32, #tpu.memory_space<vmem>>) target_semaphore(%dma_start3A_351 : memref<!tpu.dma_semaphore, #tpu.memory_space<semaphore_mem>>)
    %get3A_357 = arith.constant 16 : index
    %get3A_358 = tpu.vector_load %arg5[%get3A_357] {strides = array<i32>} : memref<288xi32, #tpu.memory_space<vmem>>, vector<16xi32>,
    %div3A_359 = arith.constant 2 : i32
    %div3A_360 = vector.broadcast %div3A_359 : i32 to vector<16xi32>
    %div3A_361 = arith.divsi %get3A_358, %div3A_360 : vector<16xi32>
    %mul3A_362 = arith.constant 128 : i32
    %mul3A_363 = vector.broadcast %mul3A_362 : i32 to vector<16xi32>
    %mul3A_364 = arith.muli %div3A_361, %mul3A_363 : vector<16xi32>
    %slice3A_365 = vector.extract_strided_slice %mul3A_364 {offsets = [0], sizes = [1], strides = [1]} : vector<16xi32> to vector<1xi32>
    %squeeze3A_366 = vector.extract %slice3A_365[0] : i32 from vector<1xi32>
    %multiple_of3A_367 = tpu.assume_multiple %squeeze3A_366, 128 : i32
    %add3A_368 = arith.constant 16 : i32
    %add3A_369 = arith.addi %mul3A_2, %add3A_368 : i32
    %add3A_370 = arith.constant 0 : i32
    %add3A_371 = arith.addi %add3A_369, %add3A_370 : i32
    %dma_start3A_372 = arith.constant 1 : i32
    %dma_start3A_373 = arith.constant 0 : i32
    %dma_start3A_374 = arith.constant 1 : i32
    %dma_start3A_375 = arith.constant 0 : i32
    %dma_start3A_376 = arith.constant 0 : i32
    %dma_start3A_377 = tpu.memref_slice %arg6[%dma_start3A_372, %dma_start3A_373, %dma_start3A_375, %dma_start3A_376] : memref<4x16x8x128xf32, #tpu.memory_space<vmem>> -> memref<1x1x8x128xf32, #tpu.memory_space<vmem>>
    %dma_start3A_378 = tpu.memref_squeeze %dma_start3A_377 : memref<1x1x8x128xf32, #tpu.memory_space<vmem>> -> memref<8x128xf32, #tpu.memory_space<vmem>>
    %dma_start3A_379 = tpu.memref_slice %arg2[%add3A_371, %multiple_of3A_367] : memref<16384x1664xf32, #tpu.memory_space<hbm>> -> memref<8x128xf32, #tpu.memory_space<hbm>>
    %dma_start3A_380 = tpu.memref_slice %arg8[%dma_start3A_374] : memref<4x!tpu.dma_semaphore, #tpu.memory_space<semaphore_mem>> -> memref<1x!tpu.dma_semaphore, #tpu.memory_space<semaphore_mem>>
    %dma_start3A_381 = tpu.memref_squeeze %dma_start3A_380 : memref<1x!tpu.dma_semaphore, #tpu.memory_space<semaphore_mem>> -> memref<!tpu.dma_semaphore, #tpu.memory_space<semaphore_mem>>
    %dma_start3A_382 = arith.constant 0 : i32
    %dma_start3A_383 = arith.constant 0 : i32
    %dma_start3A_384 = tpu.memref_slice %arg6[%dma_start3A_372, %dma_start3A_373, %dma_start3A_382, %dma_start3A_383] : memref<4x16x8x128xf32, #tpu.memory_space<vmem>> -> memref<1x1x8x128xf32, #tpu.memory_space<vmem>>
    %dma_start3A_385 = tpu.memref_squeeze %dma_start3A_384 : memref<1x1x8x128xf32, #tpu.memory_space<vmem>> -> memref<8x128xf32, #tpu.memory_space<vmem>>
    %dma_start3A_386 = tpu.memref_slice %arg2[%add3A_371, %multiple_of3A_367] : memref<16384x1664xf32, #tpu.memory_space<hbm>> -> memref<8x128xf32, #tpu.memory_space<hbm>>
    tpu.enqueue_dma source(%dma_start3A_386 : memref<8x128xf32, #tpu.memory_space<hbm>>) target(%dma_start3A_385 : memref<8x128xf32, #tpu.memory_space<vmem>>) target_semaphore(%dma_start3A_381 : memref<!tpu.dma_semaphore, #tpu.memory_space<semaphore_mem>>)
    %slice3A_387 = vector.extract_strided_slice %mul3A_364 {offsets = [1], sizes = [1], strides = [1]} : vector<16xi32> to vector<1xi32>
    %squeeze3A_388 = vector.extract %slice3A_387[0] : i32 from vector<1xi32>
    %multiple_of3A_389 = tpu.assume_multiple %squeeze3A_388, 128 : i32
    %add3A_390 = arith.constant 16 : i32
    %add3A_391 = arith.addi %mul3A_2, %add3A_390 : i32
    %add3A_392 = arith.constant 0 : i32
    %add3A_393 = arith.addi %add3A_391, %add3A_392 : i32
    %dma_start3A_394 = arith.constant 1 : i32
    %dma_start3A_395 = arith.constant 1 : i32
    %dma_start3A_396 = arith.constant 1 : i32
    %dma_start3A_397 = arith.constant 0 : i32
    %dma_start3A_398 = arith.constant 0 : i32
    %dma_start3A_399 = tpu.memref_slice %arg6[%dma_start3A_394, %dma_start3A_395, %dma_start3A_397, %dma_start3A_398] : memref<4x16x8x128xf32, #tpu.memory_space<vmem>> -> memref<1x1x8x128xf32, #tpu.memory_space<vmem>>
    %dma_start3A_400 = tpu.memref_squeeze %dma_start3A_399 : memref<1x1x8x128xf32, #tpu.memory_space<vmem>> -> memref<8x128xf32, #tpu.memory_space<vmem>>
    %dma_start3A_401 = tpu.memref_slice %arg2[%add3A_393, %multiple_of3A_389] : memref<16384x1664xf32, #tpu.memory_space<hbm>> -> memref<8x128xf32, #tpu.memory_space<hbm>>
    %dma_start3A_402 = tpu.memref_slice %arg8[%dma_start3A_396] : memref<4x!tpu.dma_semaphore, #tpu.memory_space<semaphore_mem>> -> memref<1x!tpu.dma_semaphore, #tpu.memory_space<semaphore_mem>>
    %dma_start3A_403 = tpu.memref_squeeze %dma_start3A_402 : memref<1x!tpu.dma_semaphore, #tpu.memory_space<semaphore_mem>> -> memref<!tpu.dma_semaphore, #tpu.memory_space<semaphore_mem>>
    %dma_start3A_404 = arith.constant 0 : i32
    %dma_start3A_405 = arith.constant 0 : i32
    %dma_start3A_406 = tpu.memref_slice %arg6[%dma_start3A_394, %dma_start3A_395, %dma_start3A_404, %dma_start3A_405] : memref<4x16x8x128xf32, #tpu.memory_space<vmem>> -> memref<1x1x8x128xf32, #tpu.memory_space<vmem>>
    %dma_start3A_407 = tpu.memref_squeeze %dma_start3A_406 : memref<1x1x8x128xf32, #tpu.memory_space<vmem>> -> memref<8x128xf32, #tpu.memory_space<vmem>>
    %dma_start3A_408 = tpu.memref_slice %arg2[%add3A_393, %multiple_of3A_389] : memref<16384x1664xf32, #tpu.memory_space<hbm>> -> memref<8x128xf32, #tpu.memory_space<hbm>>
    tpu.enqueue_dma source(%dma_start3A_408 : memref<8x128xf32, #tpu.memory_space<hbm>>) target(%dma_start3A_407 : memref<8x128xf32, #tpu.memory_space<vmem>>) target_semaphore(%dma_start3A_403 : memref<!tpu.dma_semaphore, #tpu.memory_space<semaphore_mem>>)
    %slice3A_409 = vector.extract_strided_slice %mul3A_364 {offsets = [2], sizes = [1], strides = [1]} : vector<16xi32> to vector<1xi32>
    %squeeze3A_410 = vector.extract %slice3A_409[0] : i32 from vector<1xi32>
    %multiple_of3A_411 = tpu.assume_multiple %squeeze3A_410, 128 : i32
    %add3A_412 = arith.constant 16 : i32
    %add3A_413 = arith.addi %mul3A_2, %add3A_412 : i32
    %add3A_414 = arith.constant 0 : i32
    %add3A_415 = arith.addi %add3A_413, %add3A_414 : i32
    %dma_start3A_416 = arith.constant 1 : i32
    %dma_start3A_417 = arith.constant 2 : i32
    %dma_start3A_418 = arith.constant 1 : i32
    %dma_start3A_419 = arith.constant 0 : i32
    %dma_start3A_420 = arith.constant 0 : i32
    %dma_start3A_421 = tpu.memref_slice %arg6[%dma_start3A_416, %dma_start3A_417, %dma_start3A_419, %dma_start3A_420] : memref<4x16x8x128xf32, #tpu.memory_space<vmem>> -> memref<1x1x8x128xf32, #tpu.memory_space<vmem>>
    %dma_start3A_422 = tpu.memref_squeeze %dma_start3A_421 : memref<1x1x8x128xf32, #tpu.memory_space<vmem>> -> memref<8x128xf32, #tpu.memory_space<vmem>>
    %dma_start3A_423 = tpu.memref_slice %arg2[%add3A_415, %multiple_of3A_411] : memref<16384x1664xf32, #tpu.memory_space<hbm>> -> memref<8x128xf32, #tpu.memory_space<hbm>>
    %dma_start3A_424 = tpu.memref_slice %arg8[%dma_start3A_418] : memref<4x!tpu.dma_semaphore, #tpu.memory_space<semaphore_mem>> -> memref<1x!tpu.dma_semaphore, #tpu.memory_space<semaphore_mem>>
    %dma_start3A_425 = tpu.memref_squeeze %dma_start3A_424 : memref<1x!tpu.dma_semaphore, #tpu.memory_space<semaphore_mem>> -> memref<!tpu.dma_semaphore, #tpu.memory_space<semaphore_mem>>
    %dma_start3A_426 = arith.constant 0 : i32
    %dma_start3A_427 = arith.constant 0 : i32
    %dma_start3A_428 = tpu.memref_slice %arg6[%dma_start3A_416, %dma_start3A_417, %dma_start3A_426, %dma_start3A_427] : memref<4x16x8x128xf32, #tpu.memory_space<vmem>> -> memref<1x1x8x128xf32, #tpu.memory_space<vmem>>
    %dma_start3A_429 = tpu.memref_squeeze %dma_start3A_428 : memref<1x1x8x128xf32, #tpu.memory_space<vmem>> -> memref<8x128xf32, #tpu.memory_space<vmem>>
    %dma_start3A_430 = tpu.memref_slice %arg2[%add3A_415, %multiple_of3A_411] : memref<16384x1664xf32, #tpu.memory_space<hbm>> -> memref<8x128xf32, #tpu.memory_space<hbm>>
    tpu.enqueue_dma source(%dma_start3A_430 : memref<8x128xf32, #tpu.memory_space<hbm>>) target(%dma_start3A_429 : memref<8x128xf32, #tpu.memory_space<vmem>>) target_semaphore(%dma_start3A_425 : memref<!tpu.dma_semaphore, #tpu.memory_space<semaphore_mem>>)
    %slice3A_431 = vector.extract_strided_slice %mul3A_364 {offsets = [3], sizes = [1], strides = [1]} : vector<16xi32> to vector<1xi32>
    %squeeze3A_432 = vector.extract %slice3A_431[0] : i32 from vector<1xi32>
    %multiple_of3A_433 = tpu.assume_multiple %squeeze3A_432, 128 : i32
    %add3A_434 = arith.constant 16 : i32
    %add3A_435 = arith.addi %mul3A_2, %add3A_434 : i32
    %add3A_436 = arith.constant 0 : i32
    %add3A_437 = arith.addi %add3A_435, %add3A_436 : i32
    %dma_start3A_438 = arith.constant 1 : i32
    %dma_start3A_439 = arith.constant 3 : i32
    %dma_start3A_440 = arith.constant 1 : i32
    %dma_start3A_441 = arith.constant 0 : i32
    %dma_start3A_442 = arith.constant 0 : i32
    %dma_start3A_443 = tpu.memref_slice %arg6[%dma_start3A_438, %dma_start3A_439, %dma_start3A_441, %dma_start3A_442] : memref<4x16x8x128xf32, #tpu.memory_space<vmem>> -> memref<1x1x8x128xf32, #tpu.memory_space<vmem>>
    %dma_start3A_444 = tpu.memref_squeeze %dma_start3A_443 : memref<1x1x8x128xf32, #tpu.memory_space<vmem>> -> memref<8x128xf32, #tpu.memory_space<vmem>>
    %dma_start3A_445 = tpu.memref_slice %arg2[%add3A_437, %multiple_of3A_433] : memref<16384x1664xf32, #tpu.memory_space<hbm>> -> memref<8x128xf32, #tpu.memory_space<hbm>>
    %dma_start3A_446 = tpu.memref_slice %arg8[%dma_start3A_440] : memref<4x!tpu.dma_semaphore, #tpu.memory_space<semaphore_mem>> -> memref<1x!tpu.dma_semaphore, #tpu.memory_space<semaphore_mem>>
    %dma_start3A_447 = tpu.memref_squeeze %dma_start3A_446 : memref<1x!tpu.dma_semaphore, #tpu.memory_space<semaphore_mem>> -> memref<!tpu.dma_semaphore, #tpu.memory_space<semaphore_mem>>
    %dma_start3A_448 = arith.constant 0 : i32
    %dma_start3A_449 = arith.constant 0 : i32
    %dma_start3A_450 = tpu.memref_slice %arg6[%dma_start3A_438, %dma_start3A_439, %dma_start3A_448, %dma_start3A_449] : memref<4x16x8x128xf32, #tpu.memory_space<vmem>> -> memref<1x1x8x128xf32, #tpu.memory_space<vmem>>
    %dma_start3A_451 = tpu.memref_squeeze %dma_start3A_450 : memref<1x1x8x128xf32, #tpu.memory_space<vmem>> -> memref<8x128xf32, #tpu.memory_space<vmem>>
    %dma_start3A_452 = tpu.memref_slice %arg2[%add3A_437, %multiple_of3A_433] : memref<16384x1664xf32, #tpu.memory_space<hbm>> -> memref<8x128xf32, #tpu.memory_space<hbm>>
    tpu.enqueue_dma source(%dma_start3A_452 : memref<8x128xf32, #tpu.memory_space<hbm>>) target(%dma_start3A_451 : memref<8x128xf32, #tpu.memory_space<vmem>>) target_semaphore(%dma_start3A_447 : memref<!tpu.dma_semaphore, #tpu.memory_space<semaphore_mem>>)
    %slice3A_453 = vector.extract_strided_slice %mul3A_364 {offsets = [4], sizes = [1], strides = [1]} : vector<16xi32> to vector<1xi32>
    %squeeze3A_454 = vector.extract %slice3A_453[0] : i32 from vector<1xi32>
    %multiple_of3A_455 = tpu.assume_multiple %squeeze3A_454, 128 : i32
    %add3A_456 = arith.constant 16 : i32
    %add3A_457 = arith.addi %mul3A_2, %add3A_456 : i32
    %add3A_458 = arith.constant 0 : i32
    %add3A_459 = arith.addi %add3A_457, %add3A_458 : i32
    %dma_start3A_460 = arith.constant 1 : i32
    %dma_start3A_461 = arith.constant 4 : i32
    %dma_start3A_462 = arith.constant 1 : i32
    %dma_start3A_463 = arith.constant 0 : i32
    %dma_start3A_464 = arith.constant 0 : i32
    %dma_start3A_465 = tpu.memref_slice %arg6[%dma_start3A_460, %dma_start3A_461, %dma_start3A_463, %dma_start3A_464] : memref<4x16x8x128xf32, #tpu.memory_space<vmem>> -> memref<1x1x8x128xf32, #tpu.memory_space<vmem>>
    %dma_start3A_466 = tpu.memref_squeeze %dma_start3A_465 : memref<1x1x8x128xf32, #tpu.memory_space<vmem>> -> memref<8x128xf32, #tpu.memory_space<vmem>>
    %dma_start3A_467 = tpu.memref_slice %arg2[%add3A_459, %multiple_of3A_455] : memref<16384x1664xf32, #tpu.memory_space<hbm>> -> memref<8x128xf32, #tpu.memory_space<hbm>>
    %dma_start3A_468 = tpu.memref_slice %arg8[%dma_start3A_462] : memref<4x!tpu.dma_semaphore, #tpu.memory_space<semaphore_mem>> -> memref<1x!tpu.dma_semaphore, #tpu.memory_space<semaphore_mem>>
    %dma_start3A_469 = tpu.memref_squeeze %dma_start3A_468 : memref<1x!tpu.dma_semaphore, #tpu.memory_space<semaphore_mem>> -> memref<!tpu.dma_semaphore, #tpu.memory_space<semaphore_mem>>
    %dma_start3A_470 = arith.constant 0 : i32
    %dma_start3A_471 = arith.constant 0 : i32
    %dma_start3A_472 = tpu.memref_slice %arg6[%dma_start3A_460, %dma_start3A_461, %dma_start3A_470, %dma_start3A_471] : memref<4x16x8x128xf32, #tpu.memory_space<vmem>> -> memref<1x1x8x128xf32, #tpu.memory_space<vmem>>
    %dma_start3A_473 = tpu.memref_squeeze %dma_start3A_472 : memref<1x1x8x128xf32, #tpu.memory_space<vmem>> -> memref<8x128xf32, #tpu.memory_space<vmem>>
    %dma_start3A_474 = tpu.memref_slice %arg2[%add3A_459, %multiple_of3A_455] : memref<16384x1664xf32, #tpu.memory_space<hbm>> -> memref<8x128xf32, #tpu.memory_space<hbm>>
    tpu.enqueue_dma source(%dma_start3A_474 : memref<8x128xf32, #tpu.memory_space<hbm>>) target(%dma_start3A_473 : memref<8x128xf32, #tpu.memory_space<vmem>>) target_semaphore(%dma_start3A_469 : memref<!tpu.dma_semaphore, #tpu.memory_space<semaphore_mem>>)
    %slice3A_475 = vector.extract_strided_slice %mul3A_364 {offsets = [5], sizes = [1], strides = [1]} : vector<16xi32> to vector<1xi32>
    %squeeze3A_476 = vector.extract %slice3A_475[0] : i32 from vector<1xi32>
    %multiple_of3A_477 = tpu.assume_multiple %squeeze3A_476, 128 : i32
    %add3A_478 = arith.constant 16 : i32
    %add3A_479 = arith.addi %mul3A_2, %add3A_478 : i32
    %add3A_480 = arith.constant 0 : i32
    %add3A_481 = arith.addi %add3A_479, %add3A_480 : i32
    %dma_start3A_482 = arith.constant 1 : i32
    %dma_start3A_483 = arith.constant 5 : i32
    %dma_start3A_484 = arith.constant 1 : i32
    %dma_start3A_485 = arith.constant 0 : i32
    %dma_start3A_486 = arith.constant 0 : i32
    %dma_start3A_487 = tpu.memref_slice %arg6[%dma_start3A_482, %dma_start3A_483, %dma_start3A_485, %dma_start3A_486] : memref<4x16x8x128xf32, #tpu.memory_space<vmem>> -> memref<1x1x8x128xf32, #tpu.memory_space<vmem>>
    %dma_start3A_488 = tpu.memref_squeeze %dma_start3A_487 : memref<1x1x8x128xf32, #tpu.memory_space<vmem>> -> memref<8x128xf32, #tpu.memory_space<vmem>>
    %dma_start3A_489 = tpu.memref_slice %arg2[%add3A_481, %multiple_of3A_477] : memref<16384x1664xf32, #tpu.memory_space<hbm>> -> memref<8x128xf32, #tpu.memory_space<hbm>>
    %dma_start3A_490 = tpu.memref_slice %arg8[%dma_start3A_484] : memref<4x!tpu.dma_semaphore, #tpu.memory_space<semaphore_mem>> -> memref<1x!tpu.dma_semaphore, #tpu.memory_space<semaphore_mem>>
    %dma_start3A_491 = tpu.memref_squeeze %dma_start3A_490 : memref<1x!tpu.dma_semaphore, #tpu.memory_space<semaphore_mem>> -> memref<!tpu.dma_semaphore, #tpu.memory_space<semaphore_mem>>
    %dma_start3A_492 = arith.constant 0 : i32
    %dma_start3A_493 = arith.constant 0 : i32
    %dma_start3A_494 = tpu.memref_slice %arg6[%dma_start3A_482, %dma_start3A_483, %dma_start3A_492, %dma_start3A_493] : memref<4x16x8x128xf32, #tpu.memory_space<vmem>> -> memref<1x1x8x128xf32, #tpu.memory_space<vmem>>
    %dma_start3A_495 = tpu.memref_squeeze %dma_start3A_494 : memref<1x1x8x128xf32, #tpu.memory_space<vmem>> -> memref<8x128xf32, #tpu.memory_space<vmem>>
    %dma_start3A_496 = tpu.memref_slice %arg2[%add3A_481, %multiple_of3A_477] : memref<16384x1664xf32, #tpu.memory_space<hbm>> -> memref<8x128xf32, #tpu.memory_space<hbm>>
    tpu.enqueue_dma source(%dma_start3A_496 : memref<8x128xf32, #tpu.memory_space<hbm>>) target(%dma_start3A_495 : memref<8x128xf32, #tpu.memory_space<vmem>>) target_semaphore(%dma_start3A_491 : memref<!tpu.dma_semaphore, #tpu.memory_space<semaphore_mem>>)
    %slice3A_497 = vector.extract_strided_slice %mul3A_364 {offsets = [6], sizes = [1], strides = [1]} : vector<16xi32> to vector<1xi32>
    %squeeze3A_498 = vector.extract %slice3A_497[0] : i32 from vector<1xi32>
    %multiple_of3A_499 = tpu.assume_multiple %squeeze3A_498, 128 : i32
    %add3A_500 = arith.constant 16 : i32
    %add3A_501 = arith.addi %mul3A_2, %add3A_500 : i32
    %add3A_502 = arith.constant 0 : i32
    %add3A_503 = arith.addi %add3A_501, %add3A_502 : i32
    %dma_start3A_504 = arith.constant 1 : i32
    %dma_start3A_505 = arith.constant 6 : i32
    %dma_start3A_506 = arith.constant 1 : i32
    %dma_start3A_507 = arith.constant 0 : i32
    %dma_start3A_508 = arith.constant 0 : i32
    %dma_start3A_509 = tpu.memref_slice %arg6[%dma_start3A_504, %dma_start3A_505, %dma_start3A_507, %dma_start3A_508] : memref<4x16x8x128xf32, #tpu.memory_space<vmem>> -> memref<1x1x8x128xf32, #tpu.memory_space<vmem>>
    %dma_start3A_510 = tpu.memref_squeeze %dma_start3A_509 : memref<1x1x8x128xf32, #tpu.memory_space<vmem>> -> memref<8x128xf32, #tpu.memory_space<vmem>>
    %dma_start3A_511 = tpu.memref_slice %arg2[%add3A_503, %multiple_of3A_499] : memref<16384x1664xf32, #tpu.memory_space<hbm>> -> memref<8x128xf32, #tpu.memory_space<hbm>>
    %dma_start3A_512 = tpu.memref_slice %arg8[%dma_start3A_506] : memref<4x!tpu.dma_semaphore, #tpu.memory_space<semaphore_mem>> -> memref<1x!tpu.dma_semaphore, #tpu.memory_space<semaphore_mem>>
    %dma_start3A_513 = tpu.memref_squeeze %dma_start3A_512 : memref<1x!tpu.dma_semaphore, #tpu.memory_space<semaphore_mem>> -> memref<!tpu.dma_semaphore, #tpu.memory_space<semaphore_mem>>
    %dma_start3A_514 = arith.constant 0 : i32
    %dma_start3A_515 = arith.constant 0 : i32
    %dma_start3A_516 = tpu.memref_slice %arg6[%dma_start3A_504, %dma_start3A_505, %dma_start3A_514, %dma_start3A_515] : memref<4x16x8x128xf32, #tpu.memory_space<vmem>> -> memref<1x1x8x128xf32, #tpu.memory_space<vmem>>
    %dma_start3A_517 = tpu.memref_squeeze %dma_start3A_516 : memref<1x1x8x128xf32, #tpu.memory_space<vmem>> -> memref<8x128xf32, #tpu.memory_space<vmem>>
    %dma_start3A_518 = tpu.memref_slice %arg2[%add3A_503, %multiple_of3A_499] : memref<16384x1664xf32, #tpu.memory_space<hbm>> -> memref<8x128xf32, #tpu.memory_space<hbm>>
    tpu.enqueue_dma source(%dma_start3A_518 : memref<8x128xf32, #tpu.memory_space<hbm>>) target(%dma_start3A_517 : memref<8x128xf32, #tpu.memory_space<vmem>>) target_semaphore(%dma_start3A_513 : memref<!tpu.dma_semaphore, #tpu.memory_space<semaphore_mem>>)
    %slice3A_519 = vector.extract_strided_slice %mul3A_364 {offsets = [7], sizes = [1], strides = [1]} : vector<16xi32> to vector<1xi32>
    %squeeze3A_520 = vector.extract %slice3A_519[0] : i32 from vector<1xi32>
    %multiple_of3A_521 = tpu.assume_multiple %squeeze3A_520, 128 : i32
    %add3A_522 = arith.constant 16 : i32
    %add3A_523 = arith.addi %mul3A_2, %add3A_522 : i32
    %add3A_524 = arith.constant 0 : i32
    %add3A_525 = arith.addi %add3A_523, %add3A_524 : i32
    %dma_start3A_526 = arith.constant 1 : i32
    %dma_start3A_527 = arith.constant 7 : i32
    %dma_start3A_528 = arith.constant 1 : i32
    %dma_start3A_529 = arith.constant 0 : i32
    %dma_start3A_530 = arith.constant 0 : i32
    %dma_start3A_531 = tpu.memref_slice %arg6[%dma_start3A_526, %dma_start3A_527, %dma_start3A_529, %dma_start3A_530] : memref<4x16x8x128xf32, #tpu.memory_space<vmem>> -> memref<1x1x8x128xf32, #tpu.memory_space<vmem>>
    %dma_start3A_532 = tpu.memref_squeeze %dma_start3A_531 : memref<1x1x8x128xf32, #tpu.memory_space<vmem>> -> memref<8x128xf32, #tpu.memory_space<vmem>>
    %dma_start3A_533 = tpu.memref_slice %arg2[%add3A_525, %multiple_of3A_521] : memref<16384x1664xf32, #tpu.memory_space<hbm>> -> memref<8x128xf32, #tpu.memory_space<hbm>>
    %dma_start3A_534 = tpu.memref_slice %arg8[%dma_start3A_528] : memref<4x!tpu.dma_semaphore, #tpu.memory_space<semaphore_mem>> -> memref<1x!tpu.dma_semaphore, #tpu.memory_space<semaphore_mem>>
    %dma_start3A_535 = tpu.memref_squeeze %dma_start3A_534 : memref<1x!tpu.dma_semaphore, #tpu.memory_space<semaphore_mem>> -> memref<!tpu.dma_semaphore, #tpu.memory_space<semaphore_mem>>
    %dma_start3A_536 = arith.constant 0 : i32
    %dma_start3A_537 = arith.constant 0 : i32
    %dma_start3A_538 = tpu.memref_slice %arg6[%dma_start3A_526, %dma_start3A_527, %dma_start3A_536, %dma_start3A_537] : memref<4x16x8x128xf32, #tpu.memory_space<vmem>> -> memref<1x1x8x128xf32, #tpu.memory_space<vmem>>
    %dma_start3A_539 = tpu.memref_squeeze %dma_start3A_538 : memref<1x1x8x128xf32, #tpu.memory_space<vmem>> -> memref<8x128xf32, #tpu.memory_space<vmem>>
    %dma_start3A_540 = tpu.memref_slice %arg2[%add3A_525, %multiple_of3A_521] : memref<16384x1664xf32, #tpu.memory_space<hbm>> -> memref<8x128xf32, #tpu.memory_space<hbm>>
    tpu.enqueue_dma source(%dma_start3A_540 : memref<8x128xf32, #tpu.memory_space<hbm>>) target(%dma_start3A_539 : memref<8x128xf32, #tpu.memory_space<vmem>>) target_semaphore(%dma_start3A_535 : memref<!tpu.dma_semaphore, #tpu.memory_space<semaphore_mem>>)
    %slice3A_541 = vector.extract_strided_slice %mul3A_364 {offsets = [8], sizes = [1], strides = [1]} : vector<16xi32> to vector<1xi32>
    %squeeze3A_542 = vector.extract %slice3A_541[0] : i32 from vector<1xi32>
    %multiple_of3A_543 = tpu.assume_multiple %squeeze3A_542, 128 : i32
    %add3A_544 = arith.constant 16 : i32
    %add3A_545 = arith.addi %mul3A_2, %add3A_544 : i32
    %add3A_546 = arith.constant 8 : i32
    %add3A_547 = arith.addi %add3A_545, %add3A_546 : i32
    %dma_start3A_548 = arith.constant 1 : i32
    %dma_start3A_549 = arith.constant 8 : i32
    %dma_start3A_550 = arith.constant 1 : i32
    %dma_start3A_551 = arith.constant 0 : i32
    %dma_start3A_552 = arith.constant 0 : i32
    %dma_start3A_553 = tpu.memref_slice %arg6[%dma_start3A_548, %dma_start3A_549, %dma_start3A_551, %dma_start3A_552] : memref<4x16x8x128xf32, #tpu.memory_space<vmem>> -> memref<1x1x8x128xf32, #tpu.memory_space<vmem>>
    %dma_start3A_554 = tpu.memref_squeeze %dma_start3A_553 : memref<1x1x8x128xf32, #tpu.memory_space<vmem>> -> memref<8x128xf32, #tpu.memory_space<vmem>>
    %dma_start3A_555 = tpu.memref_slice %arg2[%add3A_547, %multiple_of3A_543] : memref<16384x1664xf32, #tpu.memory_space<hbm>> -> memref<8x128xf32, #tpu.memory_space<hbm>>
    %dma_start3A_556 = tpu.memref_slice %arg8[%dma_start3A_550] : memref<4x!tpu.dma_semaphore, #tpu.memory_space<semaphore_mem>> -> memref<1x!tpu.dma_semaphore, #tpu.memory_space<semaphore_mem>>
    %dma_start3A_557 = tpu.memref_squeeze %dma_start3A_556 : memref<1x!tpu.dma_semaphore, #tpu.memory_space<semaphore_mem>> -> memref<!tpu.dma_semaphore, #tpu.memory_space<semaphore_mem>>
    %dma_start3A_558 = arith.constant 0 : i32
    %dma_start3A_559 = arith.constant 0 : i32
    %dma_start3A_560 = tpu.memref_slice %arg6[%dma_start3A_548, %dma_start3A_549, %dma_start3A_558, %dma_start3A_559] : memref<4x16x8x128xf32, #tpu.memory_space<vmem>> -> memref<1x1x8x128xf32, #tpu.memory_space<vmem>>
    %dma_start3A_561 = tpu.memref_squeeze %dma_start3A_560 : memref<1x1x8x128xf32, #tpu.memory_space<vmem>> -> memref<8x128xf32, #tpu.memory_space<vmem>>
    %dma_start3A_562 = tpu.memref_slice %arg2[%add3A_547, %multiple_of3A_543] : memref<16384x1664xf32, #tpu.memory_space<hbm>> -> memref<8x128xf32, #tpu.memory_space<hbm>>
    tpu.enqueue_dma source(%dma_start3A_562 : memref<8x128xf32, #tpu.memory_space<hbm>>) target(%dma_start3A_561 : memref<8x128xf32, #tpu.memory_space<vmem>>) target_semaphore(%dma_start3A_557 : memref<!tpu.dma_semaphore, #tpu.memory_space<semaphore_mem>>)
    %slice3A_563 = vector.extract_strided_slice %mul3A_364 {offsets = [9], sizes = [1], strides = [1]} : vector<16xi32> to vector<1xi32>
    %squeeze3A_564 = vector.extract %slice3A_563[0] : i32 from vector<1xi32>
    %multiple_of3A_565 = tpu.assume_multiple %squeeze3A_564, 128 : i32
    %add3A_566 = arith.constant 16 : i32
    %add3A_567 = arith.addi %mul3A_2, %add3A_566 : i32
    %add3A_568 = arith.constant 8 : i32
    %add3A_569 = arith.addi %add3A_567, %add3A_568 : i32
    %dma_start3A_570 = arith.constant 1 : i32
    %dma_start3A_571 = arith.constant 9 : i32
    %dma_start3A_572 = arith.constant 1 : i32
    %dma_start3A_573 = arith.constant 0 : i32
    %dma_start3A_574 = arith.constant 0 : i32
    %dma_start3A_575 = tpu.memref_slice %arg6[%dma_start3A_570, %dma_start3A_571, %dma_start3A_573, %dma_start3A_574] : memref<4x16x8x128xf32, #tpu.memory_space<vmem>> -> memref<1x1x8x128xf32, #tpu.memory_space<vmem>>
    %dma_start3A_576 = tpu.memref_squeeze %dma_start3A_575 : memref<1x1x8x128xf32, #tpu.memory_space<vmem>> -> memref<8x128xf32, #tpu.memory_space<vmem>>
    %dma_start3A_577 = tpu.memref_slice %arg2[%add3A_569, %multiple_of3A_565] : memref<16384x1664xf32, #tpu.memory_space<hbm>> -> memref<8x128xf32, #tpu.memory_space<hbm>>
    %dma_start3A_578 = tpu.memref_slice %arg8[%dma_start3A_572] : memref<4x!tpu.dma_semaphore, #tpu.memory_space<semaphore_mem>> -> memref<1x!tpu.dma_semaphore, #tpu.memory_space<semaphore_mem>>
    %dma_start3A_579 = tpu.memref_squeeze %dma_start3A_578 : memref<1x!tpu.dma_semaphore, #tpu.memory_space<semaphore_mem>> -> memref<!tpu.dma_semaphore, #tpu.memory_space<semaphore_mem>>
    %dma_start3A_580 = arith.constant 0 : i32
    %dma_start3A_581 = arith.constant 0 : i32
    %dma_start3A_582 = tpu.memref_slice %arg6[%dma_start3A_570, %dma_start3A_571, %dma_start3A_580, %dma_start3A_581] : memref<4x16x8x128xf32, #tpu.memory_space<vmem>> -> memref<1x1x8x128xf32, #tpu.memory_space<vmem>>
    %dma_start3A_583 = tpu.memref_squeeze %dma_start3A_582 : memref<1x1x8x128xf32, #tpu.memory_space<vmem>> -> memref<8x128xf32, #tpu.memory_space<vmem>>
    %dma_start3A_584 = tpu.memref_slice %arg2[%add3A_569, %multiple_of3A_565] : memref<16384x1664xf32, #tpu.memory_space<hbm>> -> memref<8x128xf32, #tpu.memory_space<hbm>>
    tpu.enqueue_dma source(%dma_start3A_584 : memref<8x128xf32, #tpu.memory_space<hbm>>) target(%dma_start3A_583 : memref<8x128xf32, #tpu.memory_space<vmem>>) target_semaphore(%dma_start3A_579 : memref<!tpu.dma_semaphore, #tpu.memory_space<semaphore_mem>>)
    %slice3A_585 = vector.extract_strided_slice %mul3A_364 {offsets = [10], sizes = [1], strides = [1]} : vector<16xi32> to vector<1xi32>
    %squeeze3A_586 = vector.extract %slice3A_585[0] : i32 from vector<1xi32>
    %multiple_of3A_587 = tpu.assume_multiple %squeeze3A_586, 128 : i32
    %add3A_588 = arith.constant 16 : i32
    %add3A_589 = arith.addi %mul3A_2, %add3A_588 : i32
    %add3A_590 = arith.constant 8 : i32
    %add3A_591 = arith.addi %add3A_589, %add3A_590 : i32
    %dma_start3A_592 = arith.constant 1 : i32
    %dma_start3A_593 = arith.constant 10 : i32
    %dma_start3A_594 = arith.constant 1 : i32
    %dma_start3A_595 = arith.constant 0 : i32
    %dma_start3A_596 = arith.constant 0 : i32
    %dma_start3A_597 = tpu.memref_slice %arg6[%dma_start3A_592, %dma_start3A_593, %dma_start3A_595, %dma_start3A_596] : memref<4x16x8x128xf32, #tpu.memory_space<vmem>> -> memref<1x1x8x128xf32, #tpu.memory_space<vmem>>
    %dma_start3A_598 = tpu.memref_squeeze %dma_start3A_597 : memref<1x1x8x128xf32, #tpu.memory_space<vmem>> -> memref<8x128xf32, #tpu.memory_space<vmem>>
    %dma_start3A_599 = tpu.memref_slice %arg2[%add3A_591, %multiple_of3A_587] : memref<16384x1664xf32, #tpu.memory_space<hbm>> -> memref<8x128xf32, #tpu.memory_space<hbm>>
    %dma_start3A_600 = tpu.memref_slice %arg8[%dma_start3A_594] : memref<4x!tpu.dma_semaphore, #tpu.memory_space<semaphore_mem>> -> memref<1x!tpu.dma_semaphore, #tpu.memory_space<semaphore_mem>>
    %dma_start3A_601 = tpu.memref_squeeze %dma_start3A_600 : memref<1x!tpu.dma_semaphore, #tpu.memory_space<semaphore_mem>> -> memref<!tpu.dma_semaphore, #tpu.memory_space<semaphore_mem>>
    %dma_start3A_602 = arith.constant 0 : i32
    %dma_start3A_603 = arith.constant 0 : i32
    %dma_start3A_604 = tpu.memref_slice %arg6[%dma_start3A_592, %dma_start3A_593, %dma_start3A_602, %dma_start3A_603] : memref<4x16x8x128xf32, #tpu.memory_space<vmem>> -> memref<1x1x8x128xf32, #tpu.memory_space<vmem>>
    %dma_start3A_605 = tpu.memref_squeeze %dma_start3A_604 : memref<1x1x8x128xf32, #tpu.memory_space<vmem>> -> memref<8x128xf32, #tpu.memory_space<vmem>>
    %dma_start3A_606 = tpu.memref_slice %arg2[%add3A_591, %multiple_of3A_587] : memref<16384x1664xf32, #tpu.memory_space<hbm>> -> memref<8x128xf32, #tpu.memory_space<hbm>>
    tpu.enqueue_dma source(%dma_start3A_606 : memref<8x128xf32, #tpu.memory_space<hbm>>) target(%dma_start3A_605 : memref<8x128xf32, #tpu.memory_space<vmem>>) target_semaphore(%dma_start3A_601 : memref<!tpu.dma_semaphore, #tpu.memory_space<semaphore_mem>>)
    %slice3A_607 = vector.extract_strided_slice %mul3A_364 {offsets = [11], sizes = [1], strides = [1]} : vector<16xi32> to vector<1xi32>
    %squeeze3A_608 = vector.extract %slice3A_607[0] : i32 from vector<1xi32>
    %multiple_of3A_609 = tpu.assume_multiple %squeeze3A_608, 128 : i32
    %add3A_610 = arith.constant 16 : i32
    %add3A_611 = arith.addi %mul3A_2, %add3A_610 : i32
    %add3A_612 = arith.constant 8 : i32
    %add3A_613 = arith.addi %add3A_611, %add3A_612 : i32
    %dma_start3A_614 = arith.constant 1 : i32
    %dma_start3A_615 = arith.constant 11 : i32
    %dma_start3A_616 = arith.constant 1 : i32
    %dma_start3A_617 = arith.constant 0 : i32
    %dma_start3A_618 = arith.constant 0 : i32
    %dma_start3A_619 = tpu.memref_slice %arg6[%dma_start3A_614, %dma_start3A_615, %dma_start3A_617, %dma_start3A_618] : memref<4x16x8x128xf32, #tpu.memory_space<vmem>> -> memref<1x1x8x128xf32, #tpu.memory_space<vmem>>
    %dma_start3A_620 = tpu.memref_squeeze %dma_start3A_619 : memref<1x1x8x128xf32, #tpu.memory_space<vmem>> -> memref<8x128xf32, #tpu.memory_space<vmem>>
    %dma_start3A_621 = tpu.memref_slice %arg2[%add3A_613, %multiple_of3A_609] : memref<16384x1664xf32, #tpu.memory_space<hbm>> -> memref<8x128xf32, #tpu.memory_space<hbm>>
    %dma_start3A_622 = tpu.memref_slice %arg8[%dma_start3A_616] : memref<4x!tpu.dma_semaphore, #tpu.memory_space<semaphore_mem>> -> memref<1x!tpu.dma_semaphore, #tpu.memory_space<semaphore_mem>>
    %dma_start3A_623 = tpu.memref_squeeze %dma_start3A_622 : memref<1x!tpu.dma_semaphore, #tpu.memory_space<semaphore_mem>> -> memref<!tpu.dma_semaphore, #tpu.memory_space<semaphore_mem>>
    %dma_start3A_624 = arith.constant 0 : i32
    %dma_start3A_625 = arith.constant 0 : i32
    %dma_start3A_626 = tpu.memref_slice %arg6[%dma_start3A_614, %dma_start3A_615, %dma_start3A_624, %dma_start3A_625] : memref<4x16x8x128xf32, #tpu.memory_space<vmem>> -> memref<1x1x8x128xf32, #tpu.memory_space<vmem>>
    %dma_start3A_627 = tpu.memref_squeeze %dma_start3A_626 : memref<1x1x8x128xf32, #tpu.memory_space<vmem>> -> memref<8x128xf32, #tpu.memory_space<vmem>>
    %dma_start3A_628 = tpu.memref_slice %arg2[%add3A_613, %multiple_of3A_609] : memref<16384x1664xf32, #tpu.memory_space<hbm>> -> memref<8x128xf32, #tpu.memory_space<hbm>>
    tpu.enqueue_dma source(%dma_start3A_628 : memref<8x128xf32, #tpu.memory_space<hbm>>) target(%dma_start3A_627 : memref<8x128xf32, #tpu.memory_space<vmem>>) target_semaphore(%dma_start3A_623 : memref<!tpu.dma_semaphore, #tpu.memory_space<semaphore_mem>>)
    %slice3A_629 = vector.extract_strided_slice %mul3A_364 {offsets = [12], sizes = [1], strides = [1]} : vector<16xi32> to vector<1xi32>
    %squeeze3A_630 = vector.extract %slice3A_629[0] : i32 from vector<1xi32>
    %multiple_of3A_631 = tpu.assume_multiple %squeeze3A_630, 128 : i32
    %add3A_632 = arith.constant 16 : i32
    %add3A_633 = arith.addi %mul3A_2, %add3A_632 : i32
    %add3A_634 = arith.constant 8 : i32
    %add3A_635 = arith.addi %add3A_633, %add3A_634 : i32
    %dma_start3A_636 = arith.constant 1 : i32
    %dma_start3A_637 = arith.constant 12 : i32
    %dma_start3A_638 = arith.constant 1 : i32
    %dma_start3A_639 = arith.constant 0 : i32
    %dma_start3A_640 = arith.constant 0 : i32
    %dma_start3A_641 = tpu.memref_slice %arg6[%dma_start3A_636, %dma_start3A_637, %dma_start3A_639, %dma_start3A_640] : memref<4x16x8x128xf32, #tpu.memory_space<vmem>> -> memref<1x1x8x128xf32, #tpu.memory_space<vmem>>
    %dma_start3A_642 = tpu.memref_squeeze %dma_start3A_641 : memref<1x1x8x128xf32, #tpu.memory_space<vmem>> -> memref<8x128xf32, #tpu.memory_space<vmem>>
    %dma_start3A_643 = tpu.memref_slice %arg2[%add3A_635, %multiple_of3A_631] : memref<16384x1664xf32, #tpu.memory_space<hbm>> -> memref<8x128xf32, #tpu.memory_space<hbm>>
    %dma_start3A_644 = tpu.memref_slice %arg8[%dma_start3A_638] : memref<4x!tpu.dma_semaphore, #tpu.memory_space<semaphore_mem>> -> memref<1x!tpu.dma_semaphore, #tpu.memory_space<semaphore_mem>>
    %dma_start3A_645 = tpu.memref_squeeze %dma_start3A_644 : memref<1x!tpu.dma_semaphore, #tpu.memory_space<semaphore_mem>> -> memref<!tpu.dma_semaphore, #tpu.memory_space<semaphore_mem>>
    %dma_start3A_646 = arith.constant 0 : i32
    %dma_start3A_647 = arith.constant 0 : i32
    %dma_start3A_648 = tpu.memref_slice %arg6[%dma_start3A_636, %dma_start3A_637, %dma_start3A_646, %dma_start3A_647] : memref<4x16x8x128xf32, #tpu.memory_space<vmem>> -> memref<1x1x8x128xf32, #tpu.memory_space<vmem>>
    %dma_start3A_649 = tpu.memref_squeeze %dma_start3A_648 : memref<1x1x8x128xf32, #tpu.memory_space<vmem>> -> memref<8x128xf32, #tpu.memory_space<vmem>>
    %dma_start3A_650 = tpu.memref_slice %arg2[%add3A_635, %multiple_of3A_631] : memref<16384x1664xf32, #tpu.memory_space<hbm>> -> memref<8x128xf32, #tpu.memory_space<hbm>>
    tpu.enqueue_dma source(%dma_start3A_650 : memref<8x128xf32, #tpu.memory_space<hbm>>) target(%dma_start3A_649 : memref<8x128xf32, #tpu.memory_space<vmem>>) target_semaphore(%dma_start3A_645 : memref<!tpu.dma_semaphore, #tpu.memory_space<semaphore_mem>>)
    %slice3A_651 = vector.extract_strided_slice %mul3A_364 {offsets = [13], sizes = [1], strides = [1]} : vector<16xi32> to vector<1xi32>
    %squeeze3A_652 = vector.extract %slice3A_651[0] : i32 from vector<1xi32>
    %multiple_of3A_653 = tpu.assume_multiple %squeeze3A_652, 128 : i32
    %add3A_654 = arith.constant 16 : i32
    %add3A_655 = arith.addi %mul3A_2, %add3A_654 : i32
    %add3A_656 = arith.constant 8 : i32
    %add3A_657 = arith.addi %add3A_655, %add3A_656 : i32
    %dma_start3A_658 = arith.constant 1 : i32
    %dma_start3A_659 = arith.constant 13 : i32
    %dma_start3A_660 = arith.constant 1 : i32
    %dma_start3A_661 = arith.constant 0 : i32
    %dma_start3A_662 = arith.constant 0 : i32
    %dma_start3A_663 = tpu.memref_slice %arg6[%dma_start3A_658, %dma_start3A_659, %dma_start3A_661, %dma_start3A_662] : memref<4x16x8x128xf32, #tpu.memory_space<vmem>> -> memref<1x1x8x128xf32, #tpu.memory_space<vmem>>
    %dma_start3A_664 = tpu.memref_squeeze %dma_start3A_663 : memref<1x1x8x128xf32, #tpu.memory_space<vmem>> -> memref<8x128xf32, #tpu.memory_space<vmem>>
    %dma_start3A_665 = tpu.memref_slice %arg2[%add3A_657, %multiple_of3A_653] : memref<16384x1664xf32, #tpu.memory_space<hbm>> -> memref<8x128xf32, #tpu.memory_space<hbm>>
    %dma_start3A_666 = tpu.memref_slice %arg8[%dma_start3A_660] : memref<4x!tpu.dma_semaphore, #tpu.memory_space<semaphore_mem>> -> memref<1x!tpu.dma_semaphore, #tpu.memory_space<semaphore_mem>>
    %dma_start3A_667 = tpu.memref_squeeze %dma_start3A_666 : memref<1x!tpu.dma_semaphore, #tpu.memory_space<semaphore_mem>> -> memref<!tpu.dma_semaphore, #tpu.memory_space<semaphore_mem>>
    %dma_start3A_668 = arith.constant 0 : i32
    %dma_start3A_669 = arith.constant 0 : i32
    %dma_start3A_670 = tpu.memref_slice %arg6[%dma_start3A_658, %dma_start3A_659, %dma_start3A_668, %dma_start3A_669] : memref<4x16x8x128xf32, #tpu.memory_space<vmem>> -> memref<1x1x8x128xf32, #tpu.memory_space<vmem>>
    %dma_start3A_671 = tpu.memref_squeeze %dma_start3A_670 : memref<1x1x8x128xf32, #tpu.memory_space<vmem>> -> memref<8x128xf32, #tpu.memory_space<vmem>>
    %dma_start3A_672 = tpu.memref_slice %arg2[%add3A_657, %multiple_of3A_653] : memref<16384x1664xf32, #tpu.memory_space<hbm>> -> memref<8x128xf32, #tpu.memory_space<hbm>>
    tpu.enqueue_dma source(%dma_start3A_672 : memref<8x128xf32, #tpu.memory_space<hbm>>) target(%dma_start3A_671 : memref<8x128xf32, #tpu.memory_space<vmem>>) target_semaphore(%dma_start3A_667 : memref<!tpu.dma_semaphore, #tpu.memory_space<semaphore_mem>>)
    %slice3A_673 = vector.extract_strided_slice %mul3A_364 {offsets = [14], sizes = [1], strides = [1]} : vector<16xi32> to vector<1xi32>
    %squeeze3A_674 = vector.extract %slice3A_673[0] : i32 from vector<1xi32>
    %multiple_of3A_675 = tpu.assume_multiple %squeeze3A_674, 128 : i32
    %add3A_676 = arith.constant 16 : i32
    %add3A_677 = arith.addi %mul3A_2, %add3A_676 : i32
    %add3A_678 = arith.constant 8 : i32
    %add3A_679 = arith.addi %add3A_677, %add3A_678 : i32
    %dma_start3A_680 = arith.constant 1 : i32
    %dma_start3A_681 = arith.constant 14 : i32
    %dma_start3A_682 = arith.constant 1 : i32
    %dma_start3A_683 = arith.constant 0 : i32
    %dma_start3A_684 = arith.constant 0 : i32
    %dma_start3A_685 = tpu.memref_slice %arg6[%dma_start3A_680, %dma_start3A_681, %dma_start3A_683, %dma_start3A_684] : memref<4x16x8x128xf32, #tpu.memory_space<vmem>> -> memref<1x1x8x128xf32, #tpu.memory_space<vmem>>
    %dma_start3A_686 = tpu.memref_squeeze %dma_start3A_685 : memref<1x1x8x128xf32, #tpu.memory_space<vmem>> -> memref<8x128xf32, #tpu.memory_space<vmem>>
    %dma_start3A_687 = tpu.memref_slice %arg2[%add3A_679, %multiple_of3A_675] : memref<16384x1664xf32, #tpu.memory_space<hbm>> -> memref<8x128xf32, #tpu.memory_space<hbm>>
    %dma_start3A_688 = tpu.memref_slice %arg8[%dma_start3A_682] : memref<4x!tpu.dma_semaphore, #tpu.memory_space<semaphore_mem>> -> memref<1x!tpu.dma_semaphore, #tpu.memory_space<semaphore_mem>>
    %dma_start3A_689 = tpu.memref_squeeze %dma_start3A_688 : memref<1x!tpu.dma_semaphore, #tpu.memory_space<semaphore_mem>> -> memref<!tpu.dma_semaphore, #tpu.memory_space<semaphore_mem>>
    %dma_start3A_690 = arith.constant 0 : i32
    %dma_start3A_691 = arith.constant 0 : i32
    %dma_start3A_692 = tpu.memref_slice %arg6[%dma_start3A_680, %dma_start3A_681, %dma_start3A_690, %dma_start3A_691] : memref<4x16x8x128xf32, #tpu.memory_space<vmem>> -> memref<1x1x8x128xf32, #tpu.memory_space<vmem>>
    %dma_start3A_693 = tpu.memref_squeeze %dma_start3A_692 : memref<1x1x8x128xf32, #tpu.memory_space<vmem>> -> memref<8x128xf32, #tpu.memory_space<vmem>>
    %dma_start3A_694 = tpu.memref_slice %arg2[%add3A_679, %multiple_of3A_675] : memref<16384x1664xf32, #tpu.memory_space<hbm>> -> memref<8x128xf32, #tpu.memory_space<hbm>>
    tpu.enqueue_dma source(%dma_start3A_694 : memref<8x128xf32, #tpu.memory_space<hbm>>) target(%dma_start3A_693 : memref<8x128xf32, #tpu.memory_space<vmem>>) target_semaphore(%dma_start3A_689 : memref<!tpu.dma_semaphore, #tpu.memory_space<semaphore_mem>>)
    %slice3A_695 = vector.extract_strided_slice %mul3A_364 {offsets = [15], sizes = [1], strides = [1]} : vector<16xi32> to vector<1xi32>
    %squeeze3A_696 = vector.extract %slice3A_695[0] : i32 from vector<1xi32>
    %multiple_of3A_697 = tpu.assume_multiple %squeeze3A_696, 128 : i32
    %add3A_698 = arith.constant 16 : i32
    %add3A_699 = arith.addi %mul3A_2, %add3A_698 : i32
    %add3A_700 = arith.constant 8 : i32
    %add3A_701 = arith.addi %add3A_699, %add3A_700 : i32
    %dma_start3A_702 = arith.constant 1 : i32
    %dma_start3A_703 = arith.constant 15 : i32
    %dma_start3A_704 = arith.constant 1 : i32
    %dma_start3A_705 = arith.constant 0 : i32
    %dma_start3A_706 = arith.constant 0 : i32
    %dma_start3A_707 = tpu.memref_slice %arg6[%dma_start3A_702, %dma_start3A_703, %dma_start3A_705, %dma_start3A_706] : memref<4x16x8x128xf32, #tpu.memory_space<vmem>> -> memref<1x1x8x128xf32, #tpu.memory_space<vmem>>
    %dma_start3A_708 = tpu.memref_squeeze %dma_start3A_707 : memref<1x1x8x128xf32, #tpu.memory_space<vmem>> -> memref<8x128xf32, #tpu.memory_space<vmem>>
    %dma_start3A_709 = tpu.memref_slice %arg2[%add3A_701, %multiple_of3A_697] : memref<16384x1664xf32, #tpu.memory_space<hbm>> -> memref<8x128xf32, #tpu.memory_space<hbm>>
    %dma_start3A_710 = tpu.memref_slice %arg8[%dma_start3A_704] : memref<4x!tpu.dma_semaphore, #tpu.memory_space<semaphore_mem>> -> memref<1x!tpu.dma_semaphore, #tpu.memory_space<semaphore_mem>>
    %dma_start3A_711 = tpu.memref_squeeze %dma_start3A_710 : memref<1x!tpu.dma_semaphore, #tpu.memory_space<semaphore_mem>> -> memref<!tpu.dma_semaphore, #tpu.memory_space<semaphore_mem>>
    %dma_start3A_712 = arith.constant 0 : i32
    %dma_start3A_713 = arith.constant 0 : i32
    %dma_start3A_714 = tpu.memref_slice %arg6[%dma_start3A_702, %dma_start3A_703, %dma_start3A_712, %dma_start3A_713] : memref<4x16x8x128xf32, #tpu.memory_space<vmem>> -> memref<1x1x8x128xf32, #tpu.memory_space<vmem>>
    %dma_start3A_715 = tpu.memref_squeeze %dma_start3A_714 : memref<1x1x8x128xf32, #tpu.memory_space<vmem>> -> memref<8x128xf32, #tpu.memory_space<vmem>>
    %dma_start3A_716 = tpu.memref_slice %arg2[%add3A_701, %multiple_of3A_697] : memref<16384x1664xf32, #tpu.memory_space<hbm>> -> memref<8x128xf32, #tpu.memory_space<hbm>>
    tpu.enqueue_dma source(%dma_start3A_716 : memref<8x128xf32, #tpu.memory_space<hbm>>) target(%dma_start3A_715 : memref<8x128xf32, #tpu.memory_space<vmem>>) target_semaphore(%dma_start3A_711 : memref<!tpu.dma_semaphore, #tpu.memory_space<semaphore_mem>>)
    %get3A_717 = arith.constant 32 : index
    %get3A_718 = tpu.vector_load %arg5[%get3A_717] {strides = array<i32>} : memref<288xi32, #tpu.memory_space<vmem>>, vector<16xi32>,
    %div3A_719 = arith.constant 2 : i32
    %div3A_720 = vector.broadcast %div3A_719 : i32 to vector<16xi32>
    %div3A_721 = arith.divsi %get3A_718, %div3A_720 : vector<16xi32>
    %mul3A_722 = arith.constant 128 : i32
    %mul3A_723 = vector.broadcast %mul3A_722 : i32 to vector<16xi32>
    %mul3A_724 = arith.muli %div3A_721, %mul3A_723 : vector<16xi32>
    %slice3A_725 = vector.extract_strided_slice %mul3A_724 {offsets = [0], sizes = [1], strides = [1]} : vector<16xi32> to vector<1xi32>
    %squeeze3A_726 = vector.extract %slice3A_725[0] : i32 from vector<1xi32>
    %multiple_of3A_727 = tpu.assume_multiple %squeeze3A_726, 128 : i32
    %add3A_728 = arith.constant 32 : i32
    %add3A_729 = arith.addi %mul3A_2, %add3A_728 : i32
    %add3A_730 = arith.constant 0 : i32
    %add3A_731 = arith.addi %add3A_729, %add3A_730 : i32
    %dma_start3A_732 = arith.constant 2 : i32
    %dma_start3A_733 = arith.constant 0 : i32
    %dma_start3A_734 = arith.constant 2 : i32
    %dma_start3A_735 = arith.constant 0 : i32
    %dma_start3A_736 = arith.constant 0 : i32
    %dma_start3A_737 = tpu.memref_slice %arg6[%dma_start3A_732, %dma_start3A_733, %dma_start3A_735, %dma_start3A_736] : memref<4x16x8x128xf32, #tpu.memory_space<vmem>> -> memref<1x1x8x128xf32, #tpu.memory_space<vmem>>
    %dma_start3A_738 = tpu.memref_squeeze %dma_start3A_737 : memref<1x1x8x128xf32, #tpu.memory_space<vmem>> -> memref<8x128xf32, #tpu.memory_space<vmem>>
    %dma_start3A_739 = tpu.memref_slice %arg2[%add3A_731, %multiple_of3A_727] : memref<16384x1664xf32, #tpu.memory_space<hbm>> -> memref<8x128xf32, #tpu.memory_space<hbm>>
    %dma_start3A_740 = tpu.memref_slice %arg8[%dma_start3A_734] : memref<4x!tpu.dma_semaphore, #tpu.memory_space<semaphore_mem>> -> memref<1x!tpu.dma_semaphore, #tpu.memory_space<semaphore_mem>>
    %dma_start3A_741 = tpu.memref_squeeze %dma_start3A_740 : memref<1x!tpu.dma_semaphore, #tpu.memory_space<semaphore_mem>> -> memref<!tpu.dma_semaphore, #tpu.memory_space<semaphore_mem>>
    %dma_start3A_742 = arith.constant 0 : i32
    %dma_start3A_743 = arith.constant 0 : i32
    %dma_start3A_744 = tpu.memref_slice %arg6[%dma_start3A_732, %dma_start3A_733, %dma_start3A_742, %dma_start3A_743] : memref<4x16x8x128xf32, #tpu.memory_space<vmem>> -> memref<1x1x8x128xf32, #tpu.memory_space<vmem>>
    %dma_start3A_745 = tpu.memref_squeeze %dma_start3A_744 : memref<1x1x8x128xf32, #tpu.memory_space<vmem>> -> memref<8x128xf32, #tpu.memory_space<vmem>>
    %dma_start3A_746 = tpu.memref_slice %arg2[%add3A_731, %multiple_of3A_727] : memref<16384x1664xf32, #tpu.memory_space<hbm>> -> memref<8x128xf32, #tpu.memory_space<hbm>>
    tpu.enqueue_dma source(%dma_start3A_746 : memref<8x128xf32, #tpu.memory_space<hbm>>) target(%dma_start3A_745 : memref<8x128xf32, #tpu.memory_space<vmem>>) target_semaphore(%dma_start3A_741 : memref<!tpu.dma_semaphore, #tpu.memory_space<semaphore_mem>>)
    %slice3A_747 = vector.extract_strided_slice %mul3A_724 {offsets = [1], sizes = [1], strides = [1]} : vector<16xi32> to vector<1xi32>
    %squeeze3A_748 = vector.extract %slice3A_747[0] : i32 from vector<1xi32>
    %multiple_of3A_749 = tpu.assume_multiple %squeeze3A_748, 128 : i32
    %add3A_750 = arith.constant 32 : i32
    %add3A_751 = arith.addi %mul3A_2, %add3A_750 : i32
    %add3A_752 = arith.constant 0 : i32
    %add3A_753 = arith.addi %add3A_751, %add3A_752 : i32
    %dma_start3A_754 = arith.constant 2 : i32
    %dma_start3A_755 = arith.constant 1 : i32
    %dma_start3A_756 = arith.constant 2 : i32
    %dma_start3A_757 = arith.constant 0 : i32
    %dma_start3A_758 = arith.constant 0 : i32
    %dma_start3A_759 = tpu.memref_slice %arg6[%dma_start3A_754, %dma_start3A_755, %dma_start3A_757, %dma_start3A_758] : memref<4x16x8x128xf32, #tpu.memory_space<vmem>> -> memref<1x1x8x128xf32, #tpu.memory_space<vmem>>
    %dma_start3A_760 = tpu.memref_squeeze %dma_start3A_759 : memref<1x1x8x128xf32, #tpu.memory_space<vmem>> -> memref<8x128xf32, #tpu.memory_space<vmem>>
    %dma_start3A_761 = tpu.memref_slice %arg2[%add3A_753, %multiple_of3A_749] : memref<16384x1664xf32, #tpu.memory_space<hbm>> -> memref<8x128xf32, #tpu.memory_space<hbm>>
    %dma_start3A_762 = tpu.memref_slice %arg8[%dma_start3A_756] : memref<4x!tpu.dma_semaphore, #tpu.memory_space<semaphore_mem>> -> memref<1x!tpu.dma_semaphore, #tpu.memory_space<semaphore_mem>>
    %dma_start3A_763 = tpu.memref_squeeze %dma_start3A_762 : memref<1x!tpu.dma_semaphore, #tpu.memory_space<semaphore_mem>> -> memref<!tpu.dma_semaphore, #tpu.memory_space<semaphore_mem>>
    %dma_start3A_764 = arith.constant 0 : i32
    %dma_start3A_765 = arith.constant 0 : i32
    %dma_start3A_766 = tpu.memref_slice %arg6[%dma_start3A_754, %dma_start3A_755, %dma_start3A_764, %dma_start3A_765] : memref<4x16x8x128xf32, #tpu.memory_space<vmem>> -> memref<1x1x8x128xf32, #tpu.memory_space<vmem>>
    %dma_start3A_767 = tpu.memref_squeeze %dma_start3A_766 : memref<1x1x8x128xf32, #tpu.memory_space<vmem>> -> memref<8x128xf32, #tpu.memory_space<vmem>>
    %dma_start3A_768 = tpu.memref_slice %arg2[%add3A_753, %multiple_of3A_749] : memref<16384x1664xf32, #tpu.memory_space<hbm>> -> memref<8x128xf32, #tpu.memory_space<hbm>>
    tpu.enqueue_dma source(%dma_start3A_768 : memref<8x128xf32, #tpu.memory_space<hbm>>) target(%dma_start3A_767 : memref<8x128xf32, #tpu.memory_space<vmem>>) target_semaphore(%dma_start3A_763 : memref<!tpu.dma_semaphore, #tpu.memory_space<semaphore_mem>>)
    %slice3A_769 = vector.extract_strided_slice %mul3A_724 {offsets = [2], sizes = [1], strides = [1]} : vector<16xi32> to vector<1xi32>
    %squeeze3A_770 = vector.extract %slice3A_769[0] : i32 from vector<1xi32>
    %multiple_of3A_771 = tpu.assume_multiple %squeeze3A_770, 128 : i32
    %add3A_772 = arith.constant 32 : i32
    %add3A_773 = arith.addi %mul3A_2, %add3A_772 : i32
    %add3A_774 = arith.constant 0 : i32
    %add3A_775 = arith.addi %add3A_773, %add3A_774 : i32
    %dma_start3A_776 = arith.constant 2 : i32
    %dma_start3A_777 = arith.constant 2 : i32
    %dma_start3A_778 = arith.constant 2 : i32
    %dma_start3A_779 = arith.constant 0 : i32
    %dma_start3A_780 = arith.constant 0 : i32
    %dma_start3A_781 = tpu.memref_slice %arg6[%dma_start3A_776, %dma_start3A_777, %dma_start3A_779, %dma_start3A_780] : memref<4x16x8x128xf32, #tpu.memory_space<vmem>> -> memref<1x1x8x128xf32, #tpu.memory_space<vmem>>
    %dma_start3A_782 = tpu.memref_squeeze %dma_start3A_781 : memref<1x1x8x128xf32, #tpu.memory_space<vmem>> -> memref<8x128xf32, #tpu.memory_space<vmem>>
    %dma_start3A_783 = tpu.memref_slice %arg2[%add3A_775, %multiple_of3A_771] : memref<16384x1664xf32, #tpu.memory_space<hbm>> -> memref<8x128xf32, #tpu.memory_space<hbm>>
    %dma_start3A_784 = tpu.memref_slice %arg8[%dma_start3A_778] : memref<4x!tpu.dma_semaphore, #tpu.memory_space<semaphore_mem>> -> memref<1x!tpu.dma_semaphore, #tpu.memory_space<semaphore_mem>>
    %dma_start3A_785 = tpu.memref_squeeze %dma_start3A_784 : memref<1x!tpu.dma_semaphore, #tpu.memory_space<semaphore_mem>> -> memref<!tpu.dma_semaphore, #tpu.memory_space<semaphore_mem>>
    %dma_start3A_786 = arith.constant 0 : i32
    %dma_start3A_787 = arith.constant 0 : i32
    %dma_start3A_788 = tpu.memref_slice %arg6[%dma_start3A_776, %dma_start3A_777, %dma_start3A_786, %dma_start3A_787] : memref<4x16x8x128xf32, #tpu.memory_space<vmem>> -> memref<1x1x8x128xf32, #tpu.memory_space<vmem>>
    %dma_start3A_789 = tpu.memref_squeeze %dma_start3A_788 : memref<1x1x8x128xf32, #tpu.memory_space<vmem>> -> memref<8x128xf32, #tpu.memory_space<vmem>>
    %dma_start3A_790 = tpu.memref_slice %arg2[%add3A_775, %multiple_of3A_771] : memref<16384x1664xf32, #tpu.memory_space<hbm>> -> memref<8x128xf32, #tpu.memory_space<hbm>>
    tpu.enqueue_dma source(%dma_start3A_790 : memref<8x128xf32, #tpu.memory_space<hbm>>) target(%dma_start3A_789 : memref<8x128xf32, #tpu.memory_space<vmem>>) target_semaphore(%dma_start3A_785 : memref<!tpu.dma_semaphore, #tpu.memory_space<semaphore_mem>>)
    %slice3A_791 = vector.extract_strided_slice %mul3A_724 {offsets = [3], sizes = [1], strides = [1]} : vector<16xi32> to vector<1xi32>
    %squeeze3A_792 = vector.extract %slice3A_791[0] : i32 from vector<1xi32>
    %multiple_of3A_793 = tpu.assume_multiple %squeeze3A_792, 128 : i32
    %add3A_794 = arith.constant 32 : i32
    %add3A_795 = arith.addi %mul3A_2, %add3A_794 : i32
    %add3A_796 = arith.constant 0 : i32
    %add3A_797 = arith.addi %add3A_795, %add3A_796 : i32
    %dma_start3A_798 = arith.constant 2 : i32
    %dma_start3A_799 = arith.constant 3 : i32
    %dma_start3A_800 = arith.constant 2 : i32
    %dma_start3A_801 = arith.constant 0 : i32
    %dma_start3A_802 = arith.constant 0 : i32
    %dma_start3A_803 = tpu.memref_slice %arg6[%dma_start3A_798, %dma_start3A_799, %dma_start3A_801, %dma_start3A_802] : memref<4x16x8x128xf32, #tpu.memory_space<vmem>> -> memref<1x1x8x128xf32, #tpu.memory_space<vmem>>
    %dma_start3A_804 = tpu.memref_squeeze %dma_start3A_803 : memref<1x1x8x128xf32, #tpu.memory_space<vmem>> -> memref<8x128xf32, #tpu.memory_space<vmem>>
    %dma_start3A_805 = tpu.memref_slice %arg2[%add3A_797, %multiple_of3A_793] : memref<16384x1664xf32, #tpu.memory_space<hbm>> -> memref<8x128xf32, #tpu.memory_space<hbm>>
    %dma_start3A_806 = tpu.memref_slice %arg8[%dma_start3A_800] : memref<4x!tpu.dma_semaphore, #tpu.memory_space<semaphore_mem>> -> memref<1x!tpu.dma_semaphore, #tpu.memory_space<semaphore_mem>>
    %dma_start3A_807 = tpu.memref_squeeze %dma_start3A_806 : memref<1x!tpu.dma_semaphore, #tpu.memory_space<semaphore_mem>> -> memref<!tpu.dma_semaphore, #tpu.memory_space<semaphore_mem>>
    %dma_start3A_808 = arith.constant 0 : i32
    %dma_start3A_809 = arith.constant 0 : i32
    %dma_start3A_810 = tpu.memref_slice %arg6[%dma_start3A_798, %dma_start3A_799, %dma_start3A_808, %dma_start3A_809] : memref<4x16x8x128xf32, #tpu.memory_space<vmem>> -> memref<1x1x8x128xf32, #tpu.memory_space<vmem>>
    %dma_start3A_811 = tpu.memref_squeeze %dma_start3A_810 : memref<1x1x8x128xf32, #tpu.memory_space<vmem>> -> memref<8x128xf32, #tpu.memory_space<vmem>>
    %dma_start3A_812 = tpu.memref_slice %arg2[%add3A_797, %multiple_of3A_793] : memref<16384x1664xf32, #tpu.memory_space<hbm>> -> memref<8x128xf32, #tpu.memory_space<hbm>>
    tpu.enqueue_dma source(%dma_start3A_812 : memref<8x128xf32, #tpu.memory_space<hbm>>) target(%dma_start3A_811 : memref<8x128xf32, #tpu.memory_space<vmem>>) target_semaphore(%dma_start3A_807 : memref<!tpu.dma_semaphore, #tpu.memory_space<semaphore_mem>>)
    %slice3A_813 = vector.extract_strided_slice %mul3A_724 {offsets = [4], sizes = [1], strides = [1]} : vector<16xi32> to vector<1xi32>
    %squeeze3A_814 = vector.extract %slice3A_813[0] : i32 from vector<1xi32>
    %multiple_of3A_815 = tpu.assume_multiple %squeeze3A_814, 128 : i32
    %add3A_816 = arith.constant 32 : i32
    %add3A_817 = arith.addi %mul3A_2, %add3A_816 : i32
    %add3A_818 = arith.constant 0 : i32
    %add3A_819 = arith.addi %add3A_817, %add3A_818 : i32
    %dma_start3A_820 = arith.constant 2 : i32
    %dma_start3A_821 = arith.constant 4 : i32
    %dma_start3A_822 = arith.constant 2 : i32
    %dma_start3A_823 = arith.constant 0 : i32
    %dma_start3A_824 = arith.constant 0 : i32
    %dma_start3A_825 = tpu.memref_slice %arg6[%dma_start3A_820, %dma_start3A_821, %dma_start3A_823, %dma_start3A_824] : memref<4x16x8x128xf32, #tpu.memory_space<vmem>> -> memref<1x1x8x128xf32, #tpu.memory_space<vmem>>
    %dma_start3A_826 = tpu.memref_squeeze %dma_start3A_825 : memref<1x1x8x128xf32, #tpu.memory_space<vmem>> -> memref<8x128xf32, #tpu.memory_space<vmem>>
    %dma_start3A_827 = tpu.memref_slice %arg2[%add3A_819, %multiple_of3A_815] : memref<16384x1664xf32, #tpu.memory_space<hbm>> -> memref<8x128xf32, #tpu.memory_space<hbm>>
    %dma_start3A_828 = tpu.memref_slice %arg8[%dma_start3A_822] : memref<4x!tpu.dma_semaphore, #tpu.memory_space<semaphore_mem>> -> memref<1x!tpu.dma_semaphore, #tpu.memory_space<semaphore_mem>>
    %dma_start3A_829 = tpu.memref_squeeze %dma_start3A_828 : memref<1x!tpu.dma_semaphore, #tpu.memory_space<semaphore_mem>> -> memref<!tpu.dma_semaphore, #tpu.memory_space<semaphore_mem>>
    %dma_start3A_830 = arith.constant 0 : i32
    %dma_start3A_831 = arith.constant 0 : i32
    %dma_start3A_832 = tpu.memref_slice %arg6[%dma_start3A_820, %dma_start3A_821, %dma_start3A_830, %dma_start3A_831] : memref<4x16x8x128xf32, #tpu.memory_space<vmem>> -> memref<1x1x8x128xf32, #tpu.memory_space<vmem>>
    %dma_start3A_833 = tpu.memref_squeeze %dma_start3A_832 : memref<1x1x8x128xf32, #tpu.memory_space<vmem>> -> memref<8x128xf32, #tpu.memory_space<vmem>>
    %dma_start3A_834 = tpu.memref_slice %arg2[%add3A_819, %multiple_of3A_815] : memref<16384x1664xf32, #tpu.memory_space<hbm>> -> memref<8x128xf32, #tpu.memory_space<hbm>>
    tpu.enqueue_dma source(%dma_start3A_834 : memref<8x128xf32, #tpu.memory_space<hbm>>) target(%dma_start3A_833 : memref<8x128xf32, #tpu.memory_space<vmem>>) target_semaphore(%dma_start3A_829 : memref<!tpu.dma_semaphore, #tpu.memory_space<semaphore_mem>>)
    %slice3A_835 = vector.extract_strided_slice %mul3A_724 {offsets = [5], sizes = [1], strides = [1]} : vector<16xi32> to vector<1xi32>
    %squeeze3A_836 = vector.extract %slice3A_835[0] : i32 from vector<1xi32>
    %multiple_of3A_837 = tpu.assume_multiple %squeeze3A_836, 128 : i32
    %add3A_838 = arith.constant 32 : i32
    %add3A_839 = arith.addi %mul3A_2, %add3A_838 : i32
    %add3A_840 = arith.constant 0 : i32
    %add3A_841 = arith.addi %add3A_839, %add3A_840 : i32
    %dma_start3A_842 = arith.constant 2 : i32
    %dma_start3A_843 = arith.constant 5 : i32
    %dma_start3A_844 = arith.constant 2 : i32
    %dma_start3A_845 = arith.constant 0 : i32
    %dma_start3A_846 = arith.constant 0 : i32
    %dma_start3A_847 = tpu.memref_slice %arg6[%dma_start3A_842, %dma_start3A_843, %dma_start3A_845, %dma_start3A_846] : memref<4x16x8x128xf32, #tpu.memory_space<vmem>> -> memref<1x1x8x128xf32, #tpu.memory_space<vmem>>
    %dma_start3A_848 = tpu.memref_squeeze %dma_start3A_847 : memref<1x1x8x128xf32, #tpu.memory_space<vmem>> -> memref<8x128xf32, #tpu.memory_space<vmem>>
    %dma_start3A_849 = tpu.memref_slice %arg2[%add3A_841, %multiple_of3A_837] : memref<16384x1664xf32, #tpu.memory_space<hbm>> -> memref<8x128xf32, #tpu.memory_space<hbm>>
    %dma_start3A_850 = tpu.memref_slice %arg8[%dma_start3A_844] : memref<4x!tpu.dma_semaphore, #tpu.memory_space<semaphore_mem>> -> memref<1x!tpu.dma_semaphore, #tpu.memory_space<semaphore_mem>>
    %dma_start3A_851 = tpu.memref_squeeze %dma_start3A_850 : memref<1x!tpu.dma_semaphore, #tpu.memory_space<semaphore_mem>> -> memref<!tpu.dma_semaphore, #tpu.memory_space<semaphore_mem>>
    %dma_start3A_852 = arith.constant 0 : i32
    %dma_start3A_853 = arith.constant 0 : i32
    %dma_start3A_854 = tpu.memref_slice %arg6[%dma_start3A_842, %dma_start3A_843, %dma_start3A_852, %dma_start3A_853] : memref<4x16x8x128xf32, #tpu.memory_space<vmem>> -> memref<1x1x8x128xf32, #tpu.memory_space<vmem>>
    %dma_start3A_855 = tpu.memref_squeeze %dma_start3A_854 : memref<1x1x8x128xf32, #tpu.memory_space<vmem>> -> memref<8x128xf32, #tpu.memory_space<vmem>>
    %dma_start3A_856 = tpu.memref_slice %arg2[%add3A_841, %multiple_of3A_837] : memref<16384x1664xf32, #tpu.memory_space<hbm>> -> memref<8x128xf32, #tpu.memory_space<hbm>>
    tpu.enqueue_dma source(%dma_start3A_856 : memref<8x128xf32, #tpu.memory_space<hbm>>) target(%dma_start3A_855 : memref<8x128xf32, #tpu.memory_space<vmem>>) target_semaphore(%dma_start3A_851 : memref<!tpu.dma_semaphore, #tpu.memory_space<semaphore_mem>>)
    %slice3A_857 = vector.extract_strided_slice %mul3A_724 {offsets = [6], sizes = [1], strides = [1]} : vector<16xi32> to vector<1xi32>
    %squeeze3A_858 = vector.extract %slice3A_857[0] : i32 from vector<1xi32>
    %multiple_of3A_859 = tpu.assume_multiple %squeeze3A_858, 128 : i32
    %add3A_860 = arith.constant 32 : i32
    %add3A_861 = arith.addi %mul3A_2, %add3A_860 : i32
    %add3A_862 = arith.constant 0 : i32
    %add3A_863 = arith.addi %add3A_861, %add3A_862 : i32
    %dma_start3A_864 = arith.constant 2 : i32
    %dma_start3A_865 = arith.constant 6 : i32
    %dma_start3A_866 = arith.constant 2 : i32
    %dma_start3A_867 = arith.constant 0 : i32
    %dma_start3A_868 = arith.constant 0 : i32
    %dma_start3A_869 = tpu.memref_slice %arg6[%dma_start3A_864, %dma_start3A_865, %dma_start3A_867, %dma_start3A_868] : memref<4x16x8x128xf32, #tpu.memory_space<vmem>> -> memref<1x1x8x128xf32, #tpu.memory_space<vmem>>
    %dma_start3A_870 = tpu.memref_squeeze %dma_start3A_869 : memref<1x1x8x128xf32, #tpu.memory_space<vmem>> -> memref<8x128xf32, #tpu.memory_space<vmem>>
    %dma_start3A_871 = tpu.memref_slice %arg2[%add3A_863, %multiple_of3A_859] : memref<16384x1664xf32, #tpu.memory_space<hbm>> -> memref<8x128xf32, #tpu.memory_space<hbm>>
    %dma_start3A_872 = tpu.memref_slice %arg8[%dma_start3A_866] : memref<4x!tpu.dma_semaphore, #tpu.memory_space<semaphore_mem>> -> memref<1x!tpu.dma_semaphore, #tpu.memory_space<semaphore_mem>>
    %dma_start3A_873 = tpu.memref_squeeze %dma_start3A_872 : memref<1x!tpu.dma_semaphore, #tpu.memory_space<semaphore_mem>> -> memref<!tpu.dma_semaphore, #tpu.memory_space<semaphore_mem>>
    %dma_start3A_874 = arith.constant 0 : i32
    %dma_start3A_875 = arith.constant 0 : i32
    %dma_start3A_876 = tpu.memref_slice %arg6[%dma_start3A_864, %dma_start3A_865, %dma_start3A_874, %dma_start3A_875] : memref<4x16x8x128xf32, #tpu.memory_space<vmem>> -> memref<1x1x8x128xf32, #tpu.memory_space<vmem>>
    %dma_start3A_877 = tpu.memref_squeeze %dma_start3A_876 : memref<1x1x8x128xf32, #tpu.memory_space<vmem>> -> memref<8x128xf32, #tpu.memory_space<vmem>>
    %dma_start3A_878 = tpu.memref_slice %arg2[%add3A_863, %multiple_of3A_859] : memref<16384x1664xf32, #tpu.memory_space<hbm>> -> memref<8x128xf32, #tpu.memory_space<hbm>>
    tpu.enqueue_dma source(%dma_start3A_878 : memref<8x128xf32, #tpu.memory_space<hbm>>) target(%dma_start3A_877 : memref<8x128xf32, #tpu.memory_space<vmem>>) target_semaphore(%dma_start3A_873 : memref<!tpu.dma_semaphore, #tpu.memory_space<semaphore_mem>>)
    %slice3A_879 = vector.extract_strided_slice %mul3A_724 {offsets = [7], sizes = [1], strides = [1]} : vector<16xi32> to vector<1xi32>
    %squeeze3A_880 = vector.extract %slice3A_879[0] : i32 from vector<1xi32>
    %multiple_of3A_881 = tpu.assume_multiple %squeeze3A_880, 128 : i32
    %add3A_882 = arith.constant 32 : i32
    %add3A_883 = arith.addi %mul3A_2, %add3A_882 : i32
    %add3A_884 = arith.constant 0 : i32
    %add3A_885 = arith.addi %add3A_883, %add3A_884 : i32
    %dma_start3A_886 = arith.constant 2 : i32
    %dma_start3A_887 = arith.constant 7 : i32
    %dma_start3A_888 = arith.constant 2 : i32
    %dma_start3A_889 = arith.constant 0 : i32
    %dma_start3A_890 = arith.constant 0 : i32
    %dma_start3A_891 = tpu.memref_slice %arg6[%dma_start3A_886, %dma_start3A_887, %dma_start3A_889, %dma_start3A_890] : memref<4x16x8x128xf32, #tpu.memory_space<vmem>> -> memref<1x1x8x128xf32, #tpu.memory_space<vmem>>
    %dma_start3A_892 = tpu.memref_squeeze %dma_start3A_891 : memref<1x1x8x128xf32, #tpu.memory_space<vmem>> -> memref<8x128xf32, #tpu.memory_space<vmem>>
    %dma_start3A_893 = tpu.memref_slice %arg2[%add3A_885, %multiple_of3A_881] : memref<16384x1664xf32, #tpu.memory_space<hbm>> -> memref<8x128xf32, #tpu.memory_space<hbm>>
    %dma_start3A_894 = tpu.memref_slice %arg8[%dma_start3A_888] : memref<4x!tpu.dma_semaphore, #tpu.memory_space<semaphore_mem>> -> memref<1x!tpu.dma_semaphore, #tpu.memory_space<semaphore_mem>>
    %dma_start3A_895 = tpu.memref_squeeze %dma_start3A_894 : memref<1x!tpu.dma_semaphore, #tpu.memory_space<semaphore_mem>> -> memref<!tpu.dma_semaphore, #tpu.memory_space<semaphore_mem>>
    %dma_start3A_896 = arith.constant 0 : i32
    %dma_start3A_897 = arith.constant 0 : i32
    %dma_start3A_898 = tpu.memref_slice %arg6[%dma_start3A_886, %dma_start3A_887, %dma_start3A_896, %dma_start3A_897] : memref<4x16x8x128xf32, #tpu.memory_space<vmem>> -> memref<1x1x8x128xf32, #tpu.memory_space<vmem>>
    %dma_start3A_899 = tpu.memref_squeeze %dma_start3A_898 : memref<1x1x8x128xf32, #tpu.memory_space<vmem>> -> memref<8x128xf32, #tpu.memory_space<vmem>>
    %dma_start3A_900 = tpu.memref_slice %arg2[%add3A_885, %multiple_of3A_881] : memref<16384x1664xf32, #tpu.memory_space<hbm>> -> memref<8x128xf32, #tpu.memory_space<hbm>>
    tpu.enqueue_dma source(%dma_start3A_900 : memref<8x128xf32, #tpu.memory_space<hbm>>) target(%dma_start3A_899 : memref<8x128xf32, #tpu.memory_space<vmem>>) target_semaphore(%dma_start3A_895 : memref<!tpu.dma_semaphore, #tpu.memory_space<semaphore_mem>>)
    %slice3A_901 = vector.extract_strided_slice %mul3A_724 {offsets = [8], sizes = [1], strides = [1]} : vector<16xi32> to vector<1xi32>
    %squeeze3A_902 = vector.extract %slice3A_901[0] : i32 from vector<1xi32>
    %multiple_of3A_903 = tpu.assume_multiple %squeeze3A_902, 128 : i32
    %add3A_904 = arith.constant 32 : i32
    %add3A_905 = arith.addi %mul3A_2, %add3A_904 : i32
    %add3A_906 = arith.constant 8 : i32
    %add3A_907 = arith.addi %add3A_905, %add3A_906 : i32
    %dma_start3A_908 = arith.constant 2 : i32
    %dma_start3A_909 = arith.constant 8 : i32
    %dma_start3A_910 = arith.constant 2 : i32
    %dma_start3A_911 = arith.constant 0 : i32
    %dma_start3A_912 = arith.constant 0 : i32
    %dma_start3A_913 = tpu.memref_slice %arg6[%dma_start3A_908, %dma_start3A_909, %dma_start3A_911, %dma_start3A_912] : memref<4x16x8x128xf32, #tpu.memory_space<vmem>> -> memref<1x1x8x128xf32, #tpu.memory_space<vmem>>
    %dma_start3A_914 = tpu.memref_squeeze %dma_start3A_913 : memref<1x1x8x128xf32, #tpu.memory_space<vmem>> -> memref<8x128xf32, #tpu.memory_space<vmem>>
    %dma_start3A_915 = tpu.memref_slice %arg2[%add3A_907, %multiple_of3A_903] : memref<16384x1664xf32, #tpu.memory_space<hbm>> -> memref<8x128xf32, #tpu.memory_space<hbm>>
    %dma_start3A_916 = tpu.memref_slice %arg8[%dma_start3A_910] : memref<4x!tpu.dma_semaphore, #tpu.memory_space<semaphore_mem>> -> memref<1x!tpu.dma_semaphore, #tpu.memory_space<semaphore_mem>>
    %dma_start3A_917 = tpu.memref_squeeze %dma_start3A_916 : memref<1x!tpu.dma_semaphore, #tpu.memory_space<semaphore_mem>> -> memref<!tpu.dma_semaphore, #tpu.memory_space<semaphore_mem>>
    %dma_start3A_918 = arith.constant 0 : i32
    %dma_start3A_919 = arith.constant 0 : i32
    %dma_start3A_920 = tpu.memref_slice %arg6[%dma_start3A_908, %dma_start3A_909, %dma_start3A_918, %dma_start3A_919] : memref<4x16x8x128xf32, #tpu.memory_space<vmem>> -> memref<1x1x8x128xf32, #tpu.memory_space<vmem>>
    %dma_start3A_921 = tpu.memref_squeeze %dma_start3A_920 : memref<1x1x8x128xf32, #tpu.memory_space<vmem>> -> memref<8x128xf32, #tpu.memory_space<vmem>>
    %dma_start3A_922 = tpu.memref_slice %arg2[%add3A_907, %multiple_of3A_903] : memref<16384x1664xf32, #tpu.memory_space<hbm>> -> memref<8x128xf32, #tpu.memory_space<hbm>>
    tpu.enqueue_dma source(%dma_start3A_922 : memref<8x128xf32, #tpu.memory_space<hbm>>) target(%dma_start3A_921 : memref<8x128xf32, #tpu.memory_space<vmem>>) target_semaphore(%dma_start3A_917 : memref<!tpu.dma_semaphore, #tpu.memory_space<semaphore_mem>>)
    %slice3A_923 = vector.extract_strided_slice %mul3A_724 {offsets = [9], sizes = [1], strides = [1]} : vector<16xi32> to vector<1xi32>
    %squeeze3A_924 = vector.extract %slice3A_923[0] : i32 from vector<1xi32>
    %multiple_of3A_925 = tpu.assume_multiple %squeeze3A_924, 128 : i32
    %add3A_926 = arith.constant 32 : i32
    %add3A_927 = arith.addi %mul3A_2, %add3A_926 : i32
    %add3A_928 = arith.constant 8 : i32
    %add3A_929 = arith.addi %add3A_927, %add3A_928 : i32
    %dma_start3A_930 = arith.constant 2 : i32
    %dma_start3A_931 = arith.constant 9 : i32
    %dma_start3A_932 = arith.constant 2 : i32
    %dma_start3A_933 = arith.constant 0 : i32
    %dma_start3A_934 = arith.constant 0 : i32
    %dma_start3A_935 = tpu.memref_slice %arg6[%dma_start3A_930, %dma_start3A_931, %dma_start3A_933, %dma_start3A_934] : memref<4x16x8x128xf32, #tpu.memory_space<vmem>> -> memref<1x1x8x128xf32, #tpu.memory_space<vmem>>
    %dma_start3A_936 = tpu.memref_squeeze %dma_start3A_935 : memref<1x1x8x128xf32, #tpu.memory_space<vmem>> -> memref<8x128xf32, #tpu.memory_space<vmem>>
    %dma_start3A_937 = tpu.memref_slice %arg2[%add3A_929, %multiple_of3A_925] : memref<16384x1664xf32, #tpu.memory_space<hbm>> -> memref<8x128xf32, #tpu.memory_space<hbm>>
    %dma_start3A_938 = tpu.memref_slice %arg8[%dma_start3A_932] : memref<4x!tpu.dma_semaphore, #tpu.memory_space<semaphore_mem>> -> memref<1x!tpu.dma_semaphore, #tpu.memory_space<semaphore_mem>>
    %dma_start3A_939 = tpu.memref_squeeze %dma_start3A_938 : memref<1x!tpu.dma_semaphore, #tpu.memory_space<semaphore_mem>> -> memref<!tpu.dma_semaphore, #tpu.memory_space<semaphore_mem>>
    %dma_start3A_940 = arith.constant 0 : i32
    %dma_start3A_941 = arith.constant 0 : i32
    %dma_start3A_942 = tpu.memref_slice %arg6[%dma_start3A_930, %dma_start3A_931, %dma_start3A_940, %dma_start3A_941] : memref<4x16x8x128xf32, #tpu.memory_space<vmem>> -> memref<1x1x8x128xf32, #tpu.memory_space<vmem>>
    %dma_start3A_943 = tpu.memref_squeeze %dma_start3A_942 : memref<1x1x8x128xf32, #tpu.memory_space<vmem>> -> memref<8x128xf32, #tpu.memory_space<vmem>>
    %dma_start3A_944 = tpu.memref_slice %arg2[%add3A_929, %multiple_of3A_925] : memref<16384x1664xf32, #tpu.memory_space<hbm>> -> memref<8x128xf32, #tpu.memory_space<hbm>>
    tpu.enqueue_dma source(%dma_start3A_944 : memref<8x128xf32, #tpu.memory_space<hbm>>) target(%dma_start3A_943 : memref<8x128xf32, #tpu.memory_space<vmem>>) target_semaphore(%dma_start3A_939 : memref<!tpu.dma_semaphore, #tpu.memory_space<semaphore_mem>>)
    %slice3A_945 = vector.extract_strided_slice %mul3A_724 {offsets = [10], sizes = [1], strides = [1]} : vector<16xi32> to vector<1xi32>
    %squeeze3A_946 = vector.extract %slice3A_945[0] : i32 from vector<1xi32>
    %multiple_of3A_947 = tpu.assume_multiple %squeeze3A_946, 128 : i32
    %add3A_948 = arith.constant 32 : i32
    %add3A_949 = arith.addi %mul3A_2, %add3A_948 : i32
    %add3A_950 = arith.constant 8 : i32
    %add3A_951 = arith.addi %add3A_949, %add3A_950 : i32
    %dma_start3A_952 = arith.constant 2 : i32
    %dma_start3A_953 = arith.constant 10 : i32
    %dma_start3A_954 = arith.constant 2 : i32
    %dma_start3A_955 = arith.constant 0 : i32
    %dma_start3A_956 = arith.constant 0 : i32
    %dma_start3A_957 = tpu.memref_slice %arg6[%dma_start3A_952, %dma_start3A_953, %dma_start3A_955, %dma_start3A_956] : memref<4x16x8x128xf32, #tpu.memory_space<vmem>> -> memref<1x1x8x128xf32, #tpu.memory_space<vmem>>
    %dma_start3A_958 = tpu.memref_squeeze %dma_start3A_957 : memref<1x1x8x128xf32, #tpu.memory_space<vmem>> -> memref<8x128xf32, #tpu.memory_space<vmem>>
    %dma_start3A_959 = tpu.memref_slice %arg2[%add3A_951, %multiple_of3A_947] : memref<16384x1664xf32, #tpu.memory_space<hbm>> -> memref<8x128xf32, #tpu.memory_space<hbm>>
    %dma_start3A_960 = tpu.memref_slice %arg8[%dma_start3A_954] : memref<4x!tpu.dma_semaphore, #tpu.memory_space<semaphore_mem>> -> memref<1x!tpu.dma_semaphore, #tpu.memory_space<semaphore_mem>>
    %dma_start3A_961 = tpu.memref_squeeze %dma_start3A_960 : memref<1x!tpu.dma_semaphore, #tpu.memory_space<semaphore_mem>> -> memref<!tpu.dma_semaphore, #tpu.memory_space<semaphore_mem>>
    %dma_start3A_962 = arith.constant 0 : i32
    %dma_start3A_963 = arith.constant 0 : i32
    %dma_start3A_964 = tpu.memref_slice %arg6[%dma_start3A_952, %dma_start3A_953, %dma_start3A_962, %dma_start3A_963] : memref<4x16x8x128xf32, #tpu.memory_space<vmem>> -> memref<1x1x8x128xf32, #tpu.memory_space<vmem>>
    %dma_start3A_965 = tpu.memref_squeeze %dma_start3A_964 : memref<1x1x8x128xf32, #tpu.memory_space<vmem>> -> memref<8x128xf32, #tpu.memory_space<vmem>>
    %dma_start3A_966 = tpu.memref_slice %arg2[%add3A_951, %multiple_of3A_947] : memref<16384x1664xf32, #tpu.memory_space<hbm>> -> memref<8x128xf32, #tpu.memory_space<hbm>>
    tpu.enqueue_dma source(%dma_start3A_966 : memref<8x128xf32, #tpu.memory_space<hbm>>) target(%dma_start3A_965 : memref<8x128xf32, #tpu.memory_space<vmem>>) target_semaphore(%dma_start3A_961 : memref<!tpu.dma_semaphore, #tpu.memory_space<semaphore_mem>>)
    %slice3A_967 = vector.extract_strided_slice %mul3A_724 {offsets = [11], sizes = [1], strides = [1]} : vector<16xi32> to vector<1xi32>
    %squeeze3A_968 = vector.extract %slice3A_967[0] : i32 from vector<1xi32>
    %multiple_of3A_969 = tpu.assume_multiple %squeeze3A_968, 128 : i32
    %add3A_970 = arith.constant 32 : i32
    %add3A_971 = arith.addi %mul3A_2, %add3A_970 : i32
    %add3A_972 = arith.constant 8 : i32
    %add3A_973 = arith.addi %add3A_971, %add3A_972 : i32
    %dma_start3A_974 = arith.constant 2 : i32
    %dma_start3A_975 = arith.constant 11 : i32
    %dma_start3A_976 = arith.constant 2 : i32
    %dma_start3A_977 = arith.constant 0 : i32
    %dma_start3A_978 = arith.constant 0 : i32
    %dma_start3A_979 = tpu.memref_slice %arg6[%dma_start3A_974, %dma_start3A_975, %dma_start3A_977, %dma_start3A_978] : memref<4x16x8x128xf32, #tpu.memory_space<vmem>> -> memref<1x1x8x128xf32, #tpu.memory_space<vmem>>
    %dma_start3A_980 = tpu.memref_squeeze %dma_start3A_979 : memref<1x1x8x128xf32, #tpu.memory_space<vmem>> -> memref<8x128xf32, #tpu.memory_space<vmem>>
    %dma_start3A_981 = tpu.memref_slice %arg2[%add3A_973, %multiple_of3A_969] : memref<16384x1664xf32, #tpu.memory_space<hbm>> -> memref<8x128xf32, #tpu.memory_space<hbm>>
    %dma_start3A_982 = tpu.memref_slice %arg8[%dma_start3A_976] : memref<4x!tpu.dma_semaphore, #tpu.memory_space<semaphore_mem>> -> memref<1x!tpu.dma_semaphore, #tpu.memory_space<semaphore_mem>>
    %dma_start3A_983 = tpu.memref_squeeze %dma_start3A_982 : memref<1x!tpu.dma_semaphore, #tpu.memory_space<semaphore_mem>> -> memref<!tpu.dma_semaphore, #tpu.memory_space<semaphore_mem>>
    %dma_start3A_984 = arith.constant 0 : i32
    %dma_start3A_985 = arith.constant 0 : i32
    %dma_start3A_986 = tpu.memref_slice %arg6[%dma_start3A_974, %dma_start3A_975, %dma_start3A_984, %dma_start3A_985] : memref<4x16x8x128xf32, #tpu.memory_space<vmem>> -> memref<1x1x8x128xf32, #tpu.memory_space<vmem>>
    %dma_start3A_987 = tpu.memref_squeeze %dma_start3A_986 : memref<1x1x8x128xf32, #tpu.memory_space<vmem>> -> memref<8x128xf32, #tpu.memory_space<vmem>>
    %dma_start3A_988 = tpu.memref_slice %arg2[%add3A_973, %multiple_of3A_969] : memref<16384x1664xf32, #tpu.memory_space<hbm>> -> memref<8x128xf32, #tpu.memory_space<hbm>>
    tpu.enqueue_dma source(%dma_start3A_988 : memref<8x128xf32, #tpu.memory_space<hbm>>) target(%dma_start3A_987 : memref<8x128xf32, #tpu.memory_space<vmem>>) target_semaphore(%dma_start3A_983 : memref<!tpu.dma_semaphore, #tpu.memory_space<semaphore_mem>>)
    %slice3A_989 = vector.extract_strided_slice %mul3A_724 {offsets = [12], sizes = [1], strides = [1]} : vector<16xi32> to vector<1xi32>
    %squeeze3A_990 = vector.extract %slice3A_989[0] : i32 from vector<1xi32>
    %multiple_of3A_991 = tpu.assume_multiple %squeeze3A_990, 128 : i32
    %add3A_992 = arith.constant 32 : i32
    %add3A_993 = arith.addi %mul3A_2, %add3A_992 : i32
    %add3A_994 = arith.constant 8 : i32
    %add3A_995 = arith.addi %add3A_993, %add3A_994 : i32
    %dma_start3A_996 = arith.constant 2 : i32
    %dma_start3A_997 = arith.constant 12 : i32
    %dma_start3A_998 = arith.constant 2 : i32
    %dma_start3A_999 = arith.constant 0 : i32
    %dma_start3A_1000 = arith.constant 0 : i32
    %dma_start3A_1001 = tpu.memref_slice %arg6[%dma_start3A_996, %dma_start3A_997, %dma_start3A_999, %dma_start3A_1000] : memref<4x16x8x128xf32, #tpu.memory_space<vmem>> -> memref<1x1x8x128xf32, #tpu.memory_space<vmem>>
    %dma_start3A_1002 = tpu.memref_squeeze %dma_start3A_1001 : memref<1x1x8x128xf32, #tpu.memory_space<vmem>> -> memref<8x128xf32, #tpu.memory_space<vmem>>
    %dma_start3A_1003 = tpu.memref_slice %arg2[%add3A_995, %multiple_of3A_991] : memref<16384x1664xf32, #tpu.memory_space<hbm>> -> memref<8x128xf32, #tpu.memory_space<hbm>>
    %dma_start3A_1004 = tpu.memref_slice %arg8[%dma_start3A_998] : memref<4x!tpu.dma_semaphore, #tpu.memory_space<semaphore_mem>> -> memref<1x!tpu.dma_semaphore, #tpu.memory_space<semaphore_mem>>
    %dma_start3A_1005 = tpu.memref_squeeze %dma_start3A_1004 : memref<1x!tpu.dma_semaphore, #tpu.memory_space<semaphore_mem>> -> memref<!tpu.dma_semaphore, #tpu.memory_space<semaphore_mem>>
    %dma_start3A_1006 = arith.constant 0 : i32
    %dma_start3A_1007 = arith.constant 0 : i32
    %dma_start3A_1008 = tpu.memref_slice %arg6[%dma_start3A_996, %dma_start3A_997, %dma_start3A_1006, %dma_start3A_1007] : memref<4x16x8x128xf32, #tpu.memory_space<vmem>> -> memref<1x1x8x128xf32, #tpu.memory_space<vmem>>
    %dma_start3A_1009 = tpu.memref_squeeze %dma_start3A_1008 : memref<1x1x8x128xf32, #tpu.memory_space<vmem>> -> memref<8x128xf32, #tpu.memory_space<vmem>>
    %dma_start3A_1010 = tpu.memref_slice %arg2[%add3A_995, %multiple_of3A_991] : memref<16384x1664xf32, #tpu.memory_space<hbm>> -> memref<8x128xf32, #tpu.memory_space<hbm>>
    tpu.enqueue_dma source(%dma_start3A_1010 : memref<8x128xf32, #tpu.memory_space<hbm>>) target(%dma_start3A_1009 : memref<8x128xf32, #tpu.memory_space<vmem>>) target_semaphore(%dma_start3A_1005 : memref<!tpu.dma_semaphore, #tpu.memory_space<semaphore_mem>>)
    %slice3A_1011 = vector.extract_strided_slice %mul3A_724 {offsets = [13], sizes = [1], strides = [1]} : vector<16xi32> to vector<1xi32>
    %squeeze3A_1012 = vector.extract %slice3A_1011[0] : i32 from vector<1xi32>
    %multiple_of3A_1013 = tpu.assume_multiple %squeeze3A_1012, 128 : i32
    %add3A_1014 = arith.constant 32 : i32
    %add3A_1015 = arith.addi %mul3A_2, %add3A_1014 : i32
    %add3A_1016 = arith.constant 8 : i32
    %add3A_1017 = arith.addi %add3A_1015, %add3A_1016 : i32
    %dma_start3A_1018 = arith.constant 2 : i32
    %dma_start3A_1019 = arith.constant 13 : i32
    %dma_start3A_1020 = arith.constant 2 : i32
    %dma_start3A_1021 = arith.constant 0 : i32
    %dma_start3A_1022 = arith.constant 0 : i32
    %dma_start3A_1023 = tpu.memref_slice %arg6[%dma_start3A_1018, %dma_start3A_1019, %dma_start3A_1021, %dma_start3A_1022] : memref<4x16x8x128xf32, #tpu.memory_space<vmem>> -> memref<1x1x8x128xf32, #tpu.memory_space<vmem>>
    %dma_start3A_1024 = tpu.memref_squeeze %dma_start3A_1023 : memref<1x1x8x128xf32, #tpu.memory_space<vmem>> -> memref<8x128xf32, #tpu.memory_space<vmem>>
    %dma_start3A_1025 = tpu.memref_slice %arg2[%add3A_1017, %multiple_of3A_1013] : memref<16384x1664xf32, #tpu.memory_space<hbm>> -> memref<8x128xf32, #tpu.memory_space<hbm>>
    %dma_start3A_1026 = tpu.memref_slice %arg8[%dma_start3A_1020] : memref<4x!tpu.dma_semaphore, #tpu.memory_space<semaphore_mem>> -> memref<1x!tpu.dma_semaphore, #tpu.memory_space<semaphore_mem>>
    %dma_start3A_1027 = tpu.memref_squeeze %dma_start3A_1026 : memref<1x!tpu.dma_semaphore, #tpu.memory_space<semaphore_mem>> -> memref<!tpu.dma_semaphore, #tpu.memory_space<semaphore_mem>>
    %dma_start3A_1028 = arith.constant 0 : i32
    %dma_start3A_1029 = arith.constant 0 : i32
    %dma_start3A_1030 = tpu.memref_slice %arg6[%dma_start3A_1018, %dma_start3A_1019, %dma_start3A_1028, %dma_start3A_1029] : memref<4x16x8x128xf32, #tpu.memory_space<vmem>> -> memref<1x1x8x128xf32, #tpu.memory_space<vmem>>
    %dma_start3A_1031 = tpu.memref_squeeze %dma_start3A_1030 : memref<1x1x8x128xf32, #tpu.memory_space<vmem>> -> memref<8x128xf32, #tpu.memory_space<vmem>>
    %dma_start3A_1032 = tpu.memref_slice %arg2[%add3A_1017, %multiple_of3A_1013] : memref<16384x1664xf32, #tpu.memory_space<hbm>> -> memref<8x128xf32, #tpu.memory_space<hbm>>
    tpu.enqueue_dma source(%dma_start3A_1032 : memref<8x128xf32, #tpu.memory_space<hbm>>) target(%dma_start3A_1031 : memref<8x128xf32, #tpu.memory_space<vmem>>) target_semaphore(%dma_start3A_1027 : memref<!tpu.dma_semaphore, #tpu.memory_space<semaphore_mem>>)
    %slice3A_1033 = vector.extract_strided_slice %mul3A_724 {offsets = [14], sizes = [1], strides = [1]} : vector<16xi32> to vector<1xi32>
    %squeeze3A_1034 = vector.extract %slice3A_1033[0] : i32 from vector<1xi32>
    %multiple_of3A_1035 = tpu.assume_multiple %squeeze3A_1034, 128 : i32
    %add3A_1036 = arith.constant 32 : i32
    %add3A_1037 = arith.addi %mul3A_2, %add3A_1036 : i32
    %add3A_1038 = arith.constant 8 : i32
    %add3A_1039 = arith.addi %add3A_1037, %add3A_1038 : i32
    %dma_start3A_1040 = arith.constant 2 : i32
    %dma_start3A_1041 = arith.constant 14 : i32
    %dma_start3A_1042 = arith.constant 2 : i32
    %dma_start3A_1043 = arith.constant 0 : i32
    %dma_start3A_1044 = arith.constant 0 : i32
    %dma_start3A_1045 = tpu.memref_slice %arg6[%dma_start3A_1040, %dma_start3A_1041, %dma_start3A_1043, %dma_start3A_1044] : memref<4x16x8x128xf32, #tpu.memory_space<vmem>> -> memref<1x1x8x128xf32, #tpu.memory_space<vmem>>
    %dma_start3A_1046 = tpu.memref_squeeze %dma_start3A_1045 : memref<1x1x8x128xf32, #tpu.memory_space<vmem>> -> memref<8x128xf32, #tpu.memory_space<vmem>>
    %dma_start3A_1047 = tpu.memref_slice %arg2[%add3A_1039, %multiple_of3A_1035] : memref<16384x1664xf32, #tpu.memory_space<hbm>> -> memref<8x128xf32, #tpu.memory_space<hbm>>
    %dma_start3A_1048 = tpu.memref_slice %arg8[%dma_start3A_1042] : memref<4x!tpu.dma_semaphore, #tpu.memory_space<semaphore_mem>> -> memref<1x!tpu.dma_semaphore, #tpu.memory_space<semaphore_mem>>
    %dma_start3A_1049 = tpu.memref_squeeze %dma_start3A_1048 : memref<1x!tpu.dma_semaphore, #tpu.memory_space<semaphore_mem>> -> memref<!tpu.dma_semaphore, #tpu.memory_space<semaphore_mem>>
    %dma_start3A_1050 = arith.constant 0 : i32
    %dma_start3A_1051 = arith.constant 0 : i32
    %dma_start3A_1052 = tpu.memref_slice %arg6[%dma_start3A_1040, %dma_start3A_1041, %dma_start3A_1050, %dma_start3A_1051] : memref<4x16x8x128xf32, #tpu.memory_space<vmem>> -> memref<1x1x8x128xf32, #tpu.memory_space<vmem>>
    %dma_start3A_1053 = tpu.memref_squeeze %dma_start3A_1052 : memref<1x1x8x128xf32, #tpu.memory_space<vmem>> -> memref<8x128xf32, #tpu.memory_space<vmem>>
    %dma_start3A_1054 = tpu.memref_slice %arg2[%add3A_1039, %multiple_of3A_1035] : memref<16384x1664xf32, #tpu.memory_space<hbm>> -> memref<8x128xf32, #tpu.memory_space<hbm>>
    tpu.enqueue_dma source(%dma_start3A_1054 : memref<8x128xf32, #tpu.memory_space<hbm>>) target(%dma_start3A_1053 : memref<8x128xf32, #tpu.memory_space<vmem>>) target_semaphore(%dma_start3A_1049 : memref<!tpu.dma_semaphore, #tpu.memory_space<semaphore_mem>>)
    %slice3A_1055 = vector.extract_strided_slice %mul3A_724 {offsets = [15], sizes = [1], strides = [1]} : vector<16xi32> to vector<1xi32>
    %squeeze3A_1056 = vector.extract %slice3A_1055[0] : i32 from vector<1xi32>
    %multiple_of3A_1057 = tpu.assume_multiple %squeeze3A_1056, 128 : i32
    %add3A_1058 = arith.constant 32 : i32
    %add3A_1059 = arith.addi %mul3A_2, %add3A_1058 : i32
    %add3A_1060 = arith.constant 8 : i32
    %add3A_1061 = arith.addi %add3A_1059, %add3A_1060 : i32
    %dma_start3A_1062 = arith.constant 2 : i32
    %dma_start3A_1063 = arith.constant 15 : i32
    %dma_start3A_1064 = arith.constant 2 : i32
    %dma_start3A_1065 = arith.constant 0 : i32
    %dma_start3A_1066 = arith.constant 0 : i32
    %dma_start3A_1067 = tpu.memref_slice %arg6[%dma_start3A_1062, %dma_start3A_1063, %dma_start3A_1065, %dma_start3A_1066] : memref<4x16x8x128xf32, #tpu.memory_space<vmem>> -> memref<1x1x8x128xf32, #tpu.memory_space<vmem>>
    %dma_start3A_1068 = tpu.memref_squeeze %dma_start3A_1067 : memref<1x1x8x128xf32, #tpu.memory_space<vmem>> -> memref<8x128xf32, #tpu.memory_space<vmem>>
    %dma_start3A_1069 = tpu.memref_slice %arg2[%add3A_1061, %multiple_of3A_1057] : memref<16384x1664xf32, #tpu.memory_space<hbm>> -> memref<8x128xf32, #tpu.memory_space<hbm>>
    %dma_start3A_1070 = tpu.memref_slice %arg8[%dma_start3A_1064] : memref<4x!tpu.dma_semaphore, #tpu.memory_space<semaphore_mem>> -> memref<1x!tpu.dma_semaphore, #tpu.memory_space<semaphore_mem>>
    %dma_start3A_1071 = tpu.memref_squeeze %dma_start3A_1070 : memref<1x!tpu.dma_semaphore, #tpu.memory_space<semaphore_mem>> -> memref<!tpu.dma_semaphore, #tpu.memory_space<semaphore_mem>>
    %dma_start3A_1072 = arith.constant 0 : i32
    %dma_start3A_1073 = arith.constant 0 : i32
    %dma_start3A_1074 = tpu.memref_slice %arg6[%dma_start3A_1062, %dma_start3A_1063, %dma_start3A_1072, %dma_start3A_1073] : memref<4x16x8x128xf32, #tpu.memory_space<vmem>> -> memref<1x1x8x128xf32, #tpu.memory_space<vmem>>
    %dma_start3A_1075 = tpu.memref_squeeze %dma_start3A_1074 : memref<1x1x8x128xf32, #tpu.memory_space<vmem>> -> memref<8x128xf32, #tpu.memory_space<vmem>>
    %dma_start3A_1076 = tpu.memref_slice %arg2[%add3A_1061, %multiple_of3A_1057] : memref<16384x1664xf32, #tpu.memory_space<hbm>> -> memref<8x128xf32, #tpu.memory_space<hbm>>
    tpu.enqueue_dma source(%dma_start3A_1076 : memref<8x128xf32, #tpu.memory_space<hbm>>) target(%dma_start3A_1075 : memref<8x128xf32, #tpu.memory_space<vmem>>) target_semaphore(%dma_start3A_1071 : memref<!tpu.dma_semaphore, #tpu.memory_space<semaphore_mem>>)
    %get3A_1077 = arith.constant 48 : index
    %get3A_1078 = tpu.vector_load %arg5[%get3A_1077] {strides = array<i32>} : memref<288xi32, #tpu.memory_space<vmem>>, vector<16xi32>,
    %div3A_1079 = arith.constant 2 : i32
    %div3A_1080 = vector.broadcast %div3A_1079 : i32 to vector<16xi32>
    %div3A_1081 = arith.divsi %get3A_1078, %div3A_1080 : vector<16xi32>
    %mul3A_1082 = arith.constant 128 : i32
    %mul3A_1083 = vector.broadcast %mul3A_1082 : i32 to vector<16xi32>
    %mul3A_1084 = arith.muli %div3A_1081, %mul3A_1083 : vector<16xi32>
    %slice3A_1085 = vector.extract_strided_slice %mul3A_1084 {offsets = [0], sizes = [1], strides = [1]} : vector<16xi32> to vector<1xi32>
    %squeeze3A_1086 = vector.extract %slice3A_1085[0] : i32 from vector<1xi32>
    %multiple_of3A_1087 = tpu.assume_multiple %squeeze3A_1086, 128 : i32
    %add3A_1088 = arith.constant 48 : i32
    %add3A_1089 = arith.addi %mul3A_2, %add3A_1088 : i32
    %add3A_1090 = arith.constant 0 : i32
    %add3A_1091 = arith.addi %add3A_1089, %add3A_1090 : i32
    %dma_start3A_1092 = arith.constant 3 : i32
    %dma_start3A_1093 = arith.constant 0 : i32
    %dma_start3A_1094 = arith.constant 3 : i32
    %dma_start3A_1095 = arith.constant 0 : i32
    %dma_start3A_1096 = arith.constant 0 : i32
    %dma_start3A_1097 = tpu.memref_slice %arg6[%dma_start3A_1092, %dma_start3A_1093, %dma_start3A_1095, %dma_start3A_1096] : memref<4x16x8x128xf32, #tpu.memory_space<vmem>> -> memref<1x1x8x128xf32, #tpu.memory_space<vmem>>
    %dma_start3A_1098 = tpu.memref_squeeze %dma_start3A_1097 : memref<1x1x8x128xf32, #tpu.memory_space<vmem>> -> memref<8x128xf32, #tpu.memory_space<vmem>>
    %dma_start3A_1099 = tpu.memref_slice %arg2[%add3A_1091, %multiple_of3A_1087] : memref<16384x1664xf32, #tpu.memory_space<hbm>> -> memref<8x128xf32, #tpu.memory_space<hbm>>
    %dma_start3A_1100 = tpu.memref_slice %arg8[%dma_start3A_1094] : memref<4x!tpu.dma_semaphore, #tpu.memory_space<semaphore_mem>> -> memref<1x!tpu.dma_semaphore, #tpu.memory_space<semaphore_mem>>
    %dma_start3A_1101 = tpu.memref_squeeze %dma_start3A_1100 : memref<1x!tpu.dma_semaphore, #tpu.memory_space<semaphore_mem>> -> memref<!tpu.dma_semaphore, #tpu.memory_space<semaphore_mem>>
    %dma_start3A_1102 = arith.constant 0 : i32
    %dma_start3A_1103 = arith.constant 0 : i32
    %dma_start3A_1104 = tpu.memref_slice %arg6[%dma_start3A_1092, %dma_start3A_1093, %dma_start3A_1102, %dma_start3A_1103] : memref<4x16x8x128xf32, #tpu.memory_space<vmem>> -> memref<1x1x8x128xf32, #tpu.memory_space<vmem>>
    %dma_start3A_1105 = tpu.memref_squeeze %dma_start3A_1104 : memref<1x1x8x128xf32, #tpu.memory_space<vmem>> -> memref<8x128xf32, #tpu.memory_space<vmem>>
    %dma_start3A_1106 = tpu.memref_slice %arg2[%add3A_1091, %multiple_of3A_1087] : memref<16384x1664xf32, #tpu.memory_space<hbm>> -> memref<8x128xf32, #tpu.memory_space<hbm>>
    tpu.enqueue_dma source(%dma_start3A_1106 : memref<8x128xf32, #tpu.memory_space<hbm>>) target(%dma_start3A_1105 : memref<8x128xf32, #tpu.memory_space<vmem>>) target_semaphore(%dma_start3A_1101 : memref<!tpu.dma_semaphore, #tpu.memory_space<semaphore_mem>>)
    %slice3A_1107 = vector.extract_strided_slice %mul3A_1084 {offsets = [1], sizes = [1], strides = [1]} : vector<16xi32> to vector<1xi32>
    %squeeze3A_1108 = vector.extract %slice3A_1107[0] : i32 from vector<1xi32>
    %multiple_of3A_1109 = tpu.assume_multiple %squeeze3A_1108, 128 : i32
    %add3A_1110 = arith.constant 48 : i32
    %add3A_1111 = arith.addi %mul3A_2, %add3A_1110 : i32
    %add3A_1112 = arith.constant 0 : i32
    %add3A_1113 = arith.addi %add3A_1111, %add3A_1112 : i32
    %dma_start3A_1114 = arith.constant 3 : i32
    %dma_start3A_1115 = arith.constant 1 : i32
    %dma_start3A_1116 = arith.constant 3 : i32
    %dma_start3A_1117 = arith.constant 0 : i32
    %dma_start3A_1118 = arith.constant 0 : i32
    %dma_start3A_1119 = tpu.memref_slice %arg6[%dma_start3A_1114, %dma_start3A_1115, %dma_start3A_1117, %dma_start3A_1118] : memref<4x16x8x128xf32, #tpu.memory_space<vmem>> -> memref<1x1x8x128xf32, #tpu.memory_space<vmem>>
    %dma_start3A_1120 = tpu.memref_squeeze %dma_start3A_1119 : memref<1x1x8x128xf32, #tpu.memory_space<vmem>> -> memref<8x128xf32, #tpu.memory_space<vmem>>
    %dma_start3A_1121 = tpu.memref_slice %arg2[%add3A_1113, %multiple_of3A_1109] : memref<16384x1664xf32, #tpu.memory_space<hbm>> -> memref<8x128xf32, #tpu.memory_space<hbm>>
    %dma_start3A_1122 = tpu.memref_slice %arg8[%dma_start3A_1116] : memref<4x!tpu.dma_semaphore, #tpu.memory_space<semaphore_mem>> -> memref<1x!tpu.dma_semaphore, #tpu.memory_space<semaphore_mem>>
    %dma_start3A_1123 = tpu.memref_squeeze %dma_start3A_1122 : memref<1x!tpu.dma_semaphore, #tpu.memory_space<semaphore_mem>> -> memref<!tpu.dma_semaphore, #tpu.memory_space<semaphore_mem>>
    %dma_start3A_1124 = arith.constant 0 : i32
    %dma_start3A_1125 = arith.constant 0 : i32
    %dma_start3A_1126 = tpu.memref_slice %arg6[%dma_start3A_1114, %dma_start3A_1115, %dma_start3A_1124, %dma_start3A_1125] : memref<4x16x8x128xf32, #tpu.memory_space<vmem>> -> memref<1x1x8x128xf32, #tpu.memory_space<vmem>>
    %dma_start3A_1127 = tpu.memref_squeeze %dma_start3A_1126 : memref<1x1x8x128xf32, #tpu.memory_space<vmem>> -> memref<8x128xf32, #tpu.memory_space<vmem>>
    %dma_start3A_1128 = tpu.memref_slice %arg2[%add3A_1113, %multiple_of3A_1109] : memref<16384x1664xf32, #tpu.memory_space<hbm>> -> memref<8x128xf32, #tpu.memory_space<hbm>>
    tpu.enqueue_dma source(%dma_start3A_1128 : memref<8x128xf32, #tpu.memory_space<hbm>>) target(%dma_start3A_1127 : memref<8x128xf32, #tpu.memory_space<vmem>>) target_semaphore(%dma_start3A_1123 : memref<!tpu.dma_semaphore, #tpu.memory_space<semaphore_mem>>)
    %slice3A_1129 = vector.extract_strided_slice %mul3A_1084 {offsets = [2], sizes = [1], strides = [1]} : vector<16xi32> to vector<1xi32>
    %squeeze3A_1130 = vector.extract %slice3A_1129[0] : i32 from vector<1xi32>
    %multiple_of3A_1131 = tpu.assume_multiple %squeeze3A_1130, 128 : i32
    %add3A_1132 = arith.constant 48 : i32
    %add3A_1133 = arith.addi %mul3A_2, %add3A_1132 : i32
    %add3A_1134 = arith.constant 0 : i32
    %add3A_1135 = arith.addi %add3A_1133, %add3A_1134 : i32
    %dma_start3A_1136 = arith.constant 3 : i32
    %dma_start3A_1137 = arith.constant 2 : i32
    %dma_start3A_1138 = arith.constant 3 : i32
    %dma_start3A_1139 = arith.constant 0 : i32
    %dma_start3A_1140 = arith.constant 0 : i32
    %dma_start3A_1141 = tpu.memref_slice %arg6[%dma_start3A_1136, %dma_start3A_1137, %dma_start3A_1139, %dma_start3A_1140] : memref<4x16x8x128xf32, #tpu.memory_space<vmem>> -> memref<1x1x8x128xf32, #tpu.memory_space<vmem>>
    %dma_start3A_1142 = tpu.memref_squeeze %dma_start3A_1141 : memref<1x1x8x128xf32, #tpu.memory_space<vmem>> -> memref<8x128xf32, #tpu.memory_space<vmem>>
    %dma_start3A_1143 = tpu.memref_slice %arg2[%add3A_1135, %multiple_of3A_1131] : memref<16384x1664xf32, #tpu.memory_space<hbm>> -> memref<8x128xf32, #tpu.memory_space<hbm>>
    %dma_start3A_1144 = tpu.memref_slice %arg8[%dma_start3A_1138] : memref<4x!tpu.dma_semaphore, #tpu.memory_space<semaphore_mem>> -> memref<1x!tpu.dma_semaphore, #tpu.memory_space<semaphore_mem>>
    %dma_start3A_1145 = tpu.memref_squeeze %dma_start3A_1144 : memref<1x!tpu.dma_semaphore, #tpu.memory_space<semaphore_mem>> -> memref<!tpu.dma_semaphore, #tpu.memory_space<semaphore_mem>>
    %dma_start3A_1146 = arith.constant 0 : i32
    %dma_start3A_1147 = arith.constant 0 : i32
    %dma_start3A_1148 = tpu.memref_slice %arg6[%dma_start3A_1136, %dma_start3A_1137, %dma_start3A_1146, %dma_start3A_1147] : memref<4x16x8x128xf32, #tpu.memory_space<vmem>> -> memref<1x1x8x128xf32, #tpu.memory_space<vmem>>
    %dma_start3A_1149 = tpu.memref_squeeze %dma_start3A_1148 : memref<1x1x8x128xf32, #tpu.memory_space<vmem>> -> memref<8x128xf32, #tpu.memory_space<vmem>>
    %dma_start3A_1150 = tpu.memref_slice %arg2[%add3A_1135, %multiple_of3A_1131] : memref<16384x1664xf32, #tpu.memory_space<hbm>> -> memref<8x128xf32, #tpu.memory_space<hbm>>
    tpu.enqueue_dma source(%dma_start3A_1150 : memref<8x128xf32, #tpu.memory_space<hbm>>) target(%dma_start3A_1149 : memref<8x128xf32, #tpu.memory_space<vmem>>) target_semaphore(%dma_start3A_1145 : memref<!tpu.dma_semaphore, #tpu.memory_space<semaphore_mem>>)
    %slice3A_1151 = vector.extract_strided_slice %mul3A_1084 {offsets = [3], sizes = [1], strides = [1]} : vector<16xi32> to vector<1xi32>
    %squeeze3A_1152 = vector.extract %slice3A_1151[0] : i32 from vector<1xi32>
    %multiple_of3A_1153 = tpu.assume_multiple %squeeze3A_1152, 128 : i32
    %add3A_1154 = arith.constant 48 : i32
    %add3A_1155 = arith.addi %mul3A_2, %add3A_1154 : i32
    %add3A_1156 = arith.constant 0 : i32
    %add3A_1157 = arith.addi %add3A_1155, %add3A_1156 : i32
    %dma_start3A_1158 = arith.constant 3 : i32
    %dma_start3A_1159 = arith.constant 3 : i32
    %dma_start3A_1160 = arith.constant 3 : i32
    %dma_start3A_1161 = arith.constant 0 : i32
    %dma_start3A_1162 = arith.constant 0 : i32
    %dma_start3A_1163 = tpu.memref_slice %arg6[%dma_start3A_1158, %dma_start3A_1159, %dma_start3A_1161, %dma_start3A_1162] : memref<4x16x8x128xf32, #tpu.memory_space<vmem>> -> memref<1x1x8x128xf32, #tpu.memory_space<vmem>>
    %dma_start3A_1164 = tpu.memref_squeeze %dma_start3A_1163 : memref<1x1x8x128xf32, #tpu.memory_space<vmem>> -> memref<8x128xf32, #tpu.memory_space<vmem>>
    %dma_start3A_1165 = tpu.memref_slice %arg2[%add3A_1157, %multiple_of3A_1153] : memref<16384x1664xf32, #tpu.memory_space<hbm>> -> memref<8x128xf32, #tpu.memory_space<hbm>>
    %dma_start3A_1166 = tpu.memref_slice %arg8[%dma_start3A_1160] : memref<4x!tpu.dma_semaphore, #tpu.memory_space<semaphore_mem>> -> memref<1x!tpu.dma_semaphore, #tpu.memory_space<semaphore_mem>>
    %dma_start3A_1167 = tpu.memref_squeeze %dma_start3A_1166 : memref<1x!tpu.dma_semaphore, #tpu.memory_space<semaphore_mem>> -> memref<!tpu.dma_semaphore, #tpu.memory_space<semaphore_mem>>
    %dma_start3A_1168 = arith.constant 0 : i32
    %dma_start3A_1169 = arith.constant 0 : i32
    %dma_start3A_1170 = tpu.memref_slice %arg6[%dma_start3A_1158, %dma_start3A_1159, %dma_start3A_1168, %dma_start3A_1169] : memref<4x16x8x128xf32, #tpu.memory_space<vmem>> -> memref<1x1x8x128xf32, #tpu.memory_space<vmem>>
    %dma_start3A_1171 = tpu.memref_squeeze %dma_start3A_1170 : memref<1x1x8x128xf32, #tpu.memory_space<vmem>> -> memref<8x128xf32, #tpu.memory_space<vmem>>
    %dma_start3A_1172 = tpu.memref_slice %arg2[%add3A_1157, %multiple_of3A_1153] : memref<16384x1664xf32, #tpu.memory_space<hbm>> -> memref<8x128xf32, #tpu.memory_space<hbm>>
    tpu.enqueue_dma source(%dma_start3A_1172 : memref<8x128xf32, #tpu.memory_space<hbm>>) target(%dma_start3A_1171 : memref<8x128xf32, #tpu.memory_space<vmem>>) target_semaphore(%dma_start3A_1167 : memref<!tpu.dma_semaphore, #tpu.memory_space<semaphore_mem>>)
    %slice3A_1173 = vector.extract_strided_slice %mul3A_1084 {offsets = [4], sizes = [1], strides = [1]} : vector<16xi32> to vector<1xi32>
    %squeeze3A_1174 = vector.extract %slice3A_1173[0] : i32 from vector<1xi32>
    %multiple_of3A_1175 = tpu.assume_multiple %squeeze3A_1174, 128 : i32
    %add3A_1176 = arith.constant 48 : i32
    %add3A_1177 = arith.addi %mul3A_2, %add3A_1176 : i32
    %add3A_1178 = arith.constant 0 : i32
    %add3A_1179 = arith.addi %add3A_1177, %add3A_1178 : i32
    %dma_start3A_1180 = arith.constant 3 : i32
    %dma_start3A_1181 = arith.constant 4 : i32
    %dma_start3A_1182 = arith.constant 3 : i32
    %dma_start3A_1183 = arith.constant 0 : i32
    %dma_start3A_1184 = arith.constant 0 : i32
    %dma_start3A_1185 = tpu.memref_slice %arg6[%dma_start3A_1180, %dma_start3A_1181, %dma_start3A_1183, %dma_start3A_1184] : memref<4x16x8x128xf32, #tpu.memory_space<vmem>> -> memref<1x1x8x128xf32, #tpu.memory_space<vmem>>
    %dma_start3A_1186 = tpu.memref_squeeze %dma_start3A_1185 : memref<1x1x8x128xf32, #tpu.memory_space<vmem>> -> memref<8x128xf32, #tpu.memory_space<vmem>>
    %dma_start3A_1187 = tpu.memref_slice %arg2[%add3A_1179, %multiple_of3A_1175] : memref<16384x1664xf32, #tpu.memory_space<hbm>> -> memref<8x128xf32, #tpu.memory_space<hbm>>
    %dma_start3A_1188 = tpu.memref_slice %arg8[%dma_start3A_1182] : memref<4x!tpu.dma_semaphore, #tpu.memory_space<semaphore_mem>> -> memref<1x!tpu.dma_semaphore, #tpu.memory_space<semaphore_mem>>
    %dma_start3A_1189 = tpu.memref_squeeze %dma_start3A_1188 : memref<1x!tpu.dma_semaphore, #tpu.memory_space<semaphore_mem>> -> memref<!tpu.dma_semaphore, #tpu.memory_space<semaphore_mem>>
    %dma_start3A_1190 = arith.constant 0 : i32
    %dma_start3A_1191 = arith.constant 0 : i32
    %dma_start3A_1192 = tpu.memref_slice %arg6[%dma_start3A_1180, %dma_start3A_1181, %dma_start3A_1190, %dma_start3A_1191] : memref<4x16x8x128xf32, #tpu.memory_space<vmem>> -> memref<1x1x8x128xf32, #tpu.memory_space<vmem>>
    %dma_start3A_1193 = tpu.memref_squeeze %dma_start3A_1192 : memref<1x1x8x128xf32, #tpu.memory_space<vmem>> -> memref<8x128xf32, #tpu.memory_space<vmem>>
    %dma_start3A_1194 = tpu.memref_slice %arg2[%add3A_1179, %multiple_of3A_1175] : memref<16384x1664xf32, #tpu.memory_space<hbm>> -> memref<8x128xf32, #tpu.memory_space<hbm>>
    tpu.enqueue_dma source(%dma_start3A_1194 : memref<8x128xf32, #tpu.memory_space<hbm>>) target(%dma_start3A_1193 : memref<8x128xf32, #tpu.memory_space<vmem>>) target_semaphore(%dma_start3A_1189 : memref<!tpu.dma_semaphore, #tpu.memory_space<semaphore_mem>>)
    %slice3A_1195 = vector.extract_strided_slice %mul3A_1084 {offsets = [5], sizes = [1], strides = [1]} : vector<16xi32> to vector<1xi32>
    %squeeze3A_1196 = vector.extract %slice3A_1195[0] : i32 from vector<1xi32>
    %multiple_of3A_1197 = tpu.assume_multiple %squeeze3A_1196, 128 : i32
    %add3A_1198 = arith.constant 48 : i32
    %add3A_1199 = arith.addi %mul3A_2, %add3A_1198 : i32
    %add3A_1200 = arith.constant 0 : i32
    %add3A_1201 = arith.addi %add3A_1199, %add3A_1200 : i32
    %dma_start3A_1202 = arith.constant 3 : i32
    %dma_start3A_1203 = arith.constant 5 : i32
    %dma_start3A_1204 = arith.constant 3 : i32
    %dma_start3A_1205 = arith.constant 0 : i32
    %dma_start3A_1206 = arith.constant 0 : i32
    %dma_start3A_1207 = tpu.memref_slice %arg6[%dma_start3A_1202, %dma_start3A_1203, %dma_start3A_1205, %dma_start3A_1206] : memref<4x16x8x128xf32, #tpu.memory_space<vmem>> -> memref<1x1x8x128xf32, #tpu.memory_space<vmem>>
    %dma_start3A_1208 = tpu.memref_squeeze %dma_start3A_1207 : memref<1x1x8x128xf32, #tpu.memory_space<vmem>> -> memref<8x128xf32, #tpu.memory_space<vmem>>
    %dma_start3A_1209 = tpu.memref_slice %arg2[%add3A_1201, %multiple_of3A_1197] : memref<16384x1664xf32, #tpu.memory_space<hbm>> -> memref<8x128xf32, #tpu.memory_space<hbm>>
    %dma_start3A_1210 = tpu.memref_slice %arg8[%dma_start3A_1204] : memref<4x!tpu.dma_semaphore, #tpu.memory_space<semaphore_mem>> -> memref<1x!tpu.dma_semaphore, #tpu.memory_space<semaphore_mem>>
    %dma_start3A_1211 = tpu.memref_squeeze %dma_start3A_1210 : memref<1x!tpu.dma_semaphore, #tpu.memory_space<semaphore_mem>> -> memref<!tpu.dma_semaphore, #tpu.memory_space<semaphore_mem>>
    %dma_start3A_1212 = arith.constant 0 : i32
    %dma_start3A_1213 = arith.constant 0 : i32
    %dma_start3A_1214 = tpu.memref_slice %arg6[%dma_start3A_1202, %dma_start3A_1203, %dma_start3A_1212, %dma_start3A_1213] : memref<4x16x8x128xf32, #tpu.memory_space<vmem>> -> memref<1x1x8x128xf32, #tpu.memory_space<vmem>>
    %dma_start3A_1215 = tpu.memref_squeeze %dma_start3A_1214 : memref<1x1x8x128xf32, #tpu.memory_space<vmem>> -> memref<8x128xf32, #tpu.memory_space<vmem>>
    %dma_start3A_1216 = tpu.memref_slice %arg2[%add3A_1201, %multiple_of3A_1197] : memref<16384x1664xf32, #tpu.memory_space<hbm>> -> memref<8x128xf32, #tpu.memory_space<hbm>>
    tpu.enqueue_dma source(%dma_start3A_1216 : memref<8x128xf32, #tpu.memory_space<hbm>>) target(%dma_start3A_1215 : memref<8x128xf32, #tpu.memory_space<vmem>>) target_semaphore(%dma_start3A_1211 : memref<!tpu.dma_semaphore, #tpu.memory_space<semaphore_mem>>)
    %slice3A_1217 = vector.extract_strided_slice %mul3A_1084 {offsets = [6], sizes = [1], strides = [1]} : vector<16xi32> to vector<1xi32>
    %squeeze3A_1218 = vector.extract %slice3A_1217[0] : i32 from vector<1xi32>
    %multiple_of3A_1219 = tpu.assume_multiple %squeeze3A_1218, 128 : i32
    %add3A_1220 = arith.constant 48 : i32
    %add3A_1221 = arith.addi %mul3A_2, %add3A_1220 : i32
    %add3A_1222 = arith.constant 0 : i32
    %add3A_1223 = arith.addi %add3A_1221, %add3A_1222 : i32
    %dma_start3A_1224 = arith.constant 3 : i32
    %dma_start3A_1225 = arith.constant 6 : i32
    %dma_start3A_1226 = arith.constant 3 : i32
    %dma_start3A_1227 = arith.constant 0 : i32
    %dma_start3A_1228 = arith.constant 0 : i32
    %dma_start3A_1229 = tpu.memref_slice %arg6[%dma_start3A_1224, %dma_start3A_1225, %dma_start3A_1227, %dma_start3A_1228] : memref<4x16x8x128xf32, #tpu.memory_space<vmem>> -> memref<1x1x8x128xf32, #tpu.memory_space<vmem>>
    %dma_start3A_1230 = tpu.memref_squeeze %dma_start3A_1229 : memref<1x1x8x128xf32, #tpu.memory_space<vmem>> -> memref<8x128xf32, #tpu.memory_space<vmem>>
    %dma_start3A_1231 = tpu.memref_slice %arg2[%add3A_1223, %multiple_of3A_1219] : memref<16384x1664xf32, #tpu.memory_space<hbm>> -> memref<8x128xf32, #tpu.memory_space<hbm>>
    %dma_start3A_1232 = tpu.memref_slice %arg8[%dma_start3A_1226] : memref<4x!tpu.dma_semaphore, #tpu.memory_space<semaphore_mem>> -> memref<1x!tpu.dma_semaphore, #tpu.memory_space<semaphore_mem>>
    %dma_start3A_1233 = tpu.memref_squeeze %dma_start3A_1232 : memref<1x!tpu.dma_semaphore, #tpu.memory_space<semaphore_mem>> -> memref<!tpu.dma_semaphore, #tpu.memory_space<semaphore_mem>>
    %dma_start3A_1234 = arith.constant 0 : i32
    %dma_start3A_1235 = arith.constant 0 : i32
    %dma_start3A_1236 = tpu.memref_slice %arg6[%dma_start3A_1224, %dma_start3A_1225, %dma_start3A_1234, %dma_start3A_1235] : memref<4x16x8x128xf32, #tpu.memory_space<vmem>> -> memref<1x1x8x128xf32, #tpu.memory_space<vmem>>
    %dma_start3A_1237 = tpu.memref_squeeze %dma_start3A_1236 : memref<1x1x8x128xf32, #tpu.memory_space<vmem>> -> memref<8x128xf32, #tpu.memory_space<vmem>>
    %dma_start3A_1238 = tpu.memref_slice %arg2[%add3A_1223, %multiple_of3A_1219] : memref<16384x1664xf32, #tpu.memory_space<hbm>> -> memref<8x128xf32, #tpu.memory_space<hbm>>
    tpu.enqueue_dma source(%dma_start3A_1238 : memref<8x128xf32, #tpu.memory_space<hbm>>) target(%dma_start3A_1237 : memref<8x128xf32, #tpu.memory_space<vmem>>) target_semaphore(%dma_start3A_1233 : memref<!tpu.dma_semaphore, #tpu.memory_space<semaphore_mem>>)
    %slice3A_1239 = vector.extract_strided_slice %mul3A_1084 {offsets = [7], sizes = [1], strides = [1]} : vector<16xi32> to vector<1xi32>
    %squeeze3A_1240 = vector.extract %slice3A_1239[0] : i32 from vector<1xi32>
    %multiple_of3A_1241 = tpu.assume_multiple %squeeze3A_1240, 128 : i32
    %add3A_1242 = arith.constant 48 : i32
    %add3A_1243 = arith.addi %mul3A_2, %add3A_1242 : i32
    %add3A_1244 = arith.constant 0 : i32
    %add3A_1245 = arith.addi %add3A_1243, %add3A_1244 : i32
    %dma_start3A_1246 = arith.constant 3 : i32
    %dma_start3A_1247 = arith.constant 7 : i32
    %dma_start3A_1248 = arith.constant 3 : i32
    %dma_start3A_1249 = arith.constant 0 : i32
    %dma_start3A_1250 = arith.constant 0 : i32
    %dma_start3A_1251 = tpu.memref_slice %arg6[%dma_start3A_1246, %dma_start3A_1247, %dma_start3A_1249, %dma_start3A_1250] : memref<4x16x8x128xf32, #tpu.memory_space<vmem>> -> memref<1x1x8x128xf32, #tpu.memory_space<vmem>>
    %dma_start3A_1252 = tpu.memref_squeeze %dma_start3A_1251 : memref<1x1x8x128xf32, #tpu.memory_space<vmem>> -> memref<8x128xf32, #tpu.memory_space<vmem>>
    %dma_start3A_1253 = tpu.memref_slice %arg2[%add3A_1245, %multiple_of3A_1241] : memref<16384x1664xf32, #tpu.memory_space<hbm>> -> memref<8x128xf32, #tpu.memory_space<hbm>>
    %dma_start3A_1254 = tpu.memref_slice %arg8[%dma_start3A_1248] : memref<4x!tpu.dma_semaphore, #tpu.memory_space<semaphore_mem>> -> memref<1x!tpu.dma_semaphore, #tpu.memory_space<semaphore_mem>>
    %dma_start3A_1255 = tpu.memref_squeeze %dma_start3A_1254 : memref<1x!tpu.dma_semaphore, #tpu.memory_space<semaphore_mem>> -> memref<!tpu.dma_semaphore, #tpu.memory_space<semaphore_mem>>
    %dma_start3A_1256 = arith.constant 0 : i32
    %dma_start3A_1257 = arith.constant 0 : i32
    %dma_start3A_1258 = tpu.memref_slice %arg6[%dma_start3A_1246, %dma_start3A_1247, %dma_start3A_1256, %dma_start3A_1257] : memref<4x16x8x128xf32, #tpu.memory_space<vmem>> -> memref<1x1x8x128xf32, #tpu.memory_space<vmem>>
    %dma_start3A_1259 = tpu.memref_squeeze %dma_start3A_1258 : memref<1x1x8x128xf32, #tpu.memory_space<vmem>> -> memref<8x128xf32, #tpu.memory_space<vmem>>
    %dma_start3A_1260 = tpu.memref_slice %arg2[%add3A_1245, %multiple_of3A_1241] : memref<16384x1664xf32, #tpu.memory_space<hbm>> -> memref<8x128xf32, #tpu.memory_space<hbm>>
    tpu.enqueue_dma source(%dma_start3A_1260 : memref<8x128xf32, #tpu.memory_space<hbm>>) target(%dma_start3A_1259 : memref<8x128xf32, #tpu.memory_space<vmem>>) target_semaphore(%dma_start3A_1255 : memref<!tpu.dma_semaphore, #tpu.memory_space<semaphore_mem>>)
    %slice3A_1261 = vector.extract_strided_slice %mul3A_1084 {offsets = [8], sizes = [1], strides = [1]} : vector<16xi32> to vector<1xi32>
    %squeeze3A_1262 = vector.extract %slice3A_1261[0] : i32 from vector<1xi32>
    %multiple_of3A_1263 = tpu.assume_multiple %squeeze3A_1262, 128 : i32
    %add3A_1264 = arith.constant 48 : i32
    %add3A_1265 = arith.addi %mul3A_2, %add3A_1264 : i32
    %add3A_1266 = arith.constant 8 : i32
    %add3A_1267 = arith.addi %add3A_1265, %add3A_1266 : i32
    %dma_start3A_1268 = arith.constant 3 : i32
    %dma_start3A_1269 = arith.constant 8 : i32
    %dma_start3A_1270 = arith.constant 3 : i32
    %dma_start3A_1271 = arith.constant 0 : i32
    %dma_start3A_1272 = arith.constant 0 : i32
    %dma_start3A_1273 = tpu.memref_slice %arg6[%dma_start3A_1268, %dma_start3A_1269, %dma_start3A_1271, %dma_start3A_1272] : memref<4x16x8x128xf32, #tpu.memory_space<vmem>> -> memref<1x1x8x128xf32, #tpu.memory_space<vmem>>
    %dma_start3A_1274 = tpu.memref_squeeze %dma_start3A_1273 : memref<1x1x8x128xf32, #tpu.memory_space<vmem>> -> memref<8x128xf32, #tpu.memory_space<vmem>>
    %dma_start3A_1275 = tpu.memref_slice %arg2[%add3A_1267, %multiple_of3A_1263] : memref<16384x1664xf32, #tpu.memory_space<hbm>> -> memref<8x128xf32, #tpu.memory_space<hbm>>
    %dma_start3A_1276 = tpu.memref_slice %arg8[%dma_start3A_1270] : memref<4x!tpu.dma_semaphore, #tpu.memory_space<semaphore_mem>> -> memref<1x!tpu.dma_semaphore, #tpu.memory_space<semaphore_mem>>
    %dma_start3A_1277 = tpu.memref_squeeze %dma_start3A_1276 : memref<1x!tpu.dma_semaphore, #tpu.memory_space<semaphore_mem>> -> memref<!tpu.dma_semaphore, #tpu.memory_space<semaphore_mem>>
    %dma_start3A_1278 = arith.constant 0 : i32
    %dma_start3A_1279 = arith.constant 0 : i32
    %dma_start3A_1280 = tpu.memref_slice %arg6[%dma_start3A_1268, %dma_start3A_1269, %dma_start3A_1278, %dma_start3A_1279] : memref<4x16x8x128xf32, #tpu.memory_space<vmem>> -> memref<1x1x8x128xf32, #tpu.memory_space<vmem>>
    %dma_start3A_1281 = tpu.memref_squeeze %dma_start3A_1280 : memref<1x1x8x128xf32, #tpu.memory_space<vmem>> -> memref<8x128xf32, #tpu.memory_space<vmem>>
    %dma_start3A_1282 = tpu.memref_slice %arg2[%add3A_1267, %multiple_of3A_1263] : memref<16384x1664xf32, #tpu.memory_space<hbm>> -> memref<8x128xf32, #tpu.memory_space<hbm>>
    tpu.enqueue_dma source(%dma_start3A_1282 : memref<8x128xf32, #tpu.memory_space<hbm>>) target(%dma_start3A_1281 : memref<8x128xf32, #tpu.memory_space<vmem>>) target_semaphore(%dma_start3A_1277 : memref<!tpu.dma_semaphore, #tpu.memory_space<semaphore_mem>>)
    %slice3A_1283 = vector.extract_strided_slice %mul3A_1084 {offsets = [9], sizes = [1], strides = [1]} : vector<16xi32> to vector<1xi32>
    %squeeze3A_1284 = vector.extract %slice3A_1283[0] : i32 from vector<1xi32>
    %multiple_of3A_1285 = tpu.assume_multiple %squeeze3A_1284, 128 : i32
    %add3A_1286 = arith.constant 48 : i32
    %add3A_1287 = arith.addi %mul3A_2, %add3A_1286 : i32
    %add3A_1288 = arith.constant 8 : i32
    %add3A_1289 = arith.addi %add3A_1287, %add3A_1288 : i32
    %dma_start3A_1290 = arith.constant 3 : i32
    %dma_start3A_1291 = arith.constant 9 : i32
    %dma_start3A_1292 = arith.constant 3 : i32
    %dma_start3A_1293 = arith.constant 0 : i32
    %dma_start3A_1294 = arith.constant 0 : i32
    %dma_start3A_1295 = tpu.memref_slice %arg6[%dma_start3A_1290, %dma_start3A_1291, %dma_start3A_1293, %dma_start3A_1294] : memref<4x16x8x128xf32, #tpu.memory_space<vmem>> -> memref<1x1x8x128xf32, #tpu.memory_space<vmem>>
    %dma_start3A_1296 = tpu.memref_squeeze %dma_start3A_1295 : memref<1x1x8x128xf32, #tpu.memory_space<vmem>> -> memref<8x128xf32, #tpu.memory_space<vmem>>
    %dma_start3A_1297 = tpu.memref_slice %arg2[%add3A_1289, %multiple_of3A_1285] : memref<16384x1664xf32, #tpu.memory_space<hbm>> -> memref<8x128xf32, #tpu.memory_space<hbm>>
    %dma_start3A_1298 = tpu.memref_slice %arg8[%dma_start3A_1292] : memref<4x!tpu.dma_semaphore, #tpu.memory_space<semaphore_mem>> -> memref<1x!tpu.dma_semaphore, #tpu.memory_space<semaphore_mem>>
    %dma_start3A_1299 = tpu.memref_squeeze %dma_start3A_1298 : memref<1x!tpu.dma_semaphore, #tpu.memory_space<semaphore_mem>> -> memref<!tpu.dma_semaphore, #tpu.memory_space<semaphore_mem>>
    %dma_start3A_1300 = arith.constant 0 : i32
    %dma_start3A_1301 = arith.constant 0 : i32
    %dma_start3A_1302 = tpu.memref_slice %arg6[%dma_start3A_1290, %dma_start3A_1291, %dma_start3A_1300, %dma_start3A_1301] : memref<4x16x8x128xf32, #tpu.memory_space<vmem>> -> memref<1x1x8x128xf32, #tpu.memory_space<vmem>>
    %dma_start3A_1303 = tpu.memref_squeeze %dma_start3A_1302 : memref<1x1x8x128xf32, #tpu.memory_space<vmem>> -> memref<8x128xf32, #tpu.memory_space<vmem>>
    %dma_start3A_1304 = tpu.memref_slice %arg2[%add3A_1289, %multiple_of3A_1285] : memref<16384x1664xf32, #tpu.memory_space<hbm>> -> memref<8x128xf32, #tpu.memory_space<hbm>>
    tpu.enqueue_dma source(%dma_start3A_1304 : memref<8x128xf32, #tpu.memory_space<hbm>>) target(%dma_start3A_1303 : memref<8x128xf32, #tpu.memory_space<vmem>>) target_semaphore(%dma_start3A_1299 : memref<!tpu.dma_semaphore, #tpu.memory_space<semaphore_mem>>)
    %slice3A_1305 = vector.extract_strided_slice %mul3A_1084 {offsets = [10], sizes = [1], strides = [1]} : vector<16xi32> to vector<1xi32>
    %squeeze3A_1306 = vector.extract %slice3A_1305[0] : i32 from vector<1xi32>
    %multiple_of3A_1307 = tpu.assume_multiple %squeeze3A_1306, 128 : i32
    %add3A_1308 = arith.constant 48 : i32
    %add3A_1309 = arith.addi %mul3A_2, %add3A_1308 : i32
    %add3A_1310 = arith.constant 8 : i32
    %add3A_1311 = arith.addi %add3A_1309, %add3A_1310 : i32
    %dma_start3A_1312 = arith.constant 3 : i32
    %dma_start3A_1313 = arith.constant 10 : i32
    %dma_start3A_1314 = arith.constant 3 : i32
    %dma_start3A_1315 = arith.constant 0 : i32
    %dma_start3A_1316 = arith.constant 0 : i32
    %dma_start3A_1317 = tpu.memref_slice %arg6[%dma_start3A_1312, %dma_start3A_1313, %dma_start3A_1315, %dma_start3A_1316] : memref<4x16x8x128xf32, #tpu.memory_space<vmem>> -> memref<1x1x8x128xf32, #tpu.memory_space<vmem>>
    %dma_start3A_1318 = tpu.memref_squeeze %dma_start3A_1317 : memref<1x1x8x128xf32, #tpu.memory_space<vmem>> -> memref<8x128xf32, #tpu.memory_space<vmem>>
    %dma_start3A_1319 = tpu.memref_slice %arg2[%add3A_1311, %multiple_of3A_1307] : memref<16384x1664xf32, #tpu.memory_space<hbm>> -> memref<8x128xf32, #tpu.memory_space<hbm>>
    %dma_start3A_1320 = tpu.memref_slice %arg8[%dma_start3A_1314] : memref<4x!tpu.dma_semaphore, #tpu.memory_space<semaphore_mem>> -> memref<1x!tpu.dma_semaphore, #tpu.memory_space<semaphore_mem>>
    %dma_start3A_1321 = tpu.memref_squeeze %dma_start3A_1320 : memref<1x!tpu.dma_semaphore, #tpu.memory_space<semaphore_mem>> -> memref<!tpu.dma_semaphore, #tpu.memory_space<semaphore_mem>>
    %dma_start3A_1322 = arith.constant 0 : i32
    %dma_start3A_1323 = arith.constant 0 : i32
    %dma_start3A_1324 = tpu.memref_slice %arg6[%dma_start3A_1312, %dma_start3A_1313, %dma_start3A_1322, %dma_start3A_1323] : memref<4x16x8x128xf32, #tpu.memory_space<vmem>> -> memref<1x1x8x128xf32, #tpu.memory_space<vmem>>
    %dma_start3A_1325 = tpu.memref_squeeze %dma_start3A_1324 : memref<1x1x8x128xf32, #tpu.memory_space<vmem>> -> memref<8x128xf32, #tpu.memory_space<vmem>>
    %dma_start3A_1326 = tpu.memref_slice %arg2[%add3A_1311, %multiple_of3A_1307] : memref<16384x1664xf32, #tpu.memory_space<hbm>> -> memref<8x128xf32, #tpu.memory_space<hbm>>
    tpu.enqueue_dma source(%dma_start3A_1326 : memref<8x128xf32, #tpu.memory_space<hbm>>) target(%dma_start3A_1325 : memref<8x128xf32, #tpu.memory_space<vmem>>) target_semaphore(%dma_start3A_1321 : memref<!tpu.dma_semaphore, #tpu.memory_space<semaphore_mem>>)
    %slice3A_1327 = vector.extract_strided_slice %mul3A_1084 {offsets = [11], sizes = [1], strides = [1]} : vector<16xi32> to vector<1xi32>
    %squeeze3A_1328 = vector.extract %slice3A_1327[0] : i32 from vector<1xi32>
    %multiple_of3A_1329 = tpu.assume_multiple %squeeze3A_1328, 128 : i32
    %add3A_1330 = arith.constant 48 : i32
    %add3A_1331 = arith.addi %mul3A_2, %add3A_1330 : i32
    %add3A_1332 = arith.constant 8 : i32
    %add3A_1333 = arith.addi %add3A_1331, %add3A_1332 : i32
    %dma_start3A_1334 = arith.constant 3 : i32
    %dma_start3A_1335 = arith.constant 11 : i32
    %dma_start3A_1336 = arith.constant 3 : i32
    %dma_start3A_1337 = arith.constant 0 : i32
    %dma_start3A_1338 = arith.constant 0 : i32
    %dma_start3A_1339 = tpu.memref_slice %arg6[%dma_start3A_1334, %dma_start3A_1335, %dma_start3A_1337, %dma_start3A_1338] : memref<4x16x8x128xf32, #tpu.memory_space<vmem>> -> memref<1x1x8x128xf32, #tpu.memory_space<vmem>>
    %dma_start3A_1340 = tpu.memref_squeeze %dma_start3A_1339 : memref<1x1x8x128xf32, #tpu.memory_space<vmem>> -> memref<8x128xf32, #tpu.memory_space<vmem>>
    %dma_start3A_1341 = tpu.memref_slice %arg2[%add3A_1333, %multiple_of3A_1329] : memref<16384x1664xf32, #tpu.memory_space<hbm>> -> memref<8x128xf32, #tpu.memory_space<hbm>>
    %dma_start3A_1342 = tpu.memref_slice %arg8[%dma_start3A_1336] : memref<4x!tpu.dma_semaphore, #tpu.memory_space<semaphore_mem>> -> memref<1x!tpu.dma_semaphore, #tpu.memory_space<semaphore_mem>>
    %dma_start3A_1343 = tpu.memref_squeeze %dma_start3A_1342 : memref<1x!tpu.dma_semaphore, #tpu.memory_space<semaphore_mem>> -> memref<!tpu.dma_semaphore, #tpu.memory_space<semaphore_mem>>
    %dma_start3A_1344 = arith.constant 0 : i32
    %dma_start3A_1345 = arith.constant 0 : i32
    %dma_start3A_1346 = tpu.memref_slice %arg6[%dma_start3A_1334, %dma_start3A_1335, %dma_start3A_1344, %dma_start3A_1345] : memref<4x16x8x128xf32, #tpu.memory_space<vmem>> -> memref<1x1x8x128xf32, #tpu.memory_space<vmem>>
    %dma_start3A_1347 = tpu.memref_squeeze %dma_start3A_1346 : memref<1x1x8x128xf32, #tpu.memory_space<vmem>> -> memref<8x128xf32, #tpu.memory_space<vmem>>
    %dma_start3A_1348 = tpu.memref_slice %arg2[%add3A_1333, %multiple_of3A_1329] : memref<16384x1664xf32, #tpu.memory_space<hbm>> -> memref<8x128xf32, #tpu.memory_space<hbm>>
    tpu.enqueue_dma source(%dma_start3A_1348 : memref<8x128xf32, #tpu.memory_space<hbm>>) target(%dma_start3A_1347 : memref<8x128xf32, #tpu.memory_space<vmem>>) target_semaphore(%dma_start3A_1343 : memref<!tpu.dma_semaphore, #tpu.memory_space<semaphore_mem>>)
    %slice3A_1349 = vector.extract_strided_slice %mul3A_1084 {offsets = [12], sizes = [1], strides = [1]} : vector<16xi32> to vector<1xi32>
    %squeeze3A_1350 = vector.extract %slice3A_1349[0] : i32 from vector<1xi32>
    %multiple_of3A_1351 = tpu.assume_multiple %squeeze3A_1350, 128 : i32
    %add3A_1352 = arith.constant 48 : i32
    %add3A_1353 = arith.addi %mul3A_2, %add3A_1352 : i32
    %add3A_1354 = arith.constant 8 : i32
    %add3A_1355 = arith.addi %add3A_1353, %add3A_1354 : i32
    %dma_start3A_1356 = arith.constant 3 : i32
    %dma_start3A_1357 = arith.constant 12 : i32
    %dma_start3A_1358 = arith.constant 3 : i32
    %dma_start3A_1359 = arith.constant 0 : i32
    %dma_start3A_1360 = arith.constant 0 : i32
    %dma_start3A_1361 = tpu.memref_slice %arg6[%dma_start3A_1356, %dma_start3A_1357, %dma_start3A_1359, %dma_start3A_1360] : memref<4x16x8x128xf32, #tpu.memory_space<vmem>> -> memref<1x1x8x128xf32, #tpu.memory_space<vmem>>
    %dma_start3A_1362 = tpu.memref_squeeze %dma_start3A_1361 : memref<1x1x8x128xf32, #tpu.memory_space<vmem>> -> memref<8x128xf32, #tpu.memory_space<vmem>>
    %dma_start3A_1363 = tpu.memref_slice %arg2[%add3A_1355, %multiple_of3A_1351] : memref<16384x1664xf32, #tpu.memory_space<hbm>> -> memref<8x128xf32, #tpu.memory_space<hbm>>
    %dma_start3A_1364 = tpu.memref_slice %arg8[%dma_start3A_1358] : memref<4x!tpu.dma_semaphore, #tpu.memory_space<semaphore_mem>> -> memref<1x!tpu.dma_semaphore, #tpu.memory_space<semaphore_mem>>
    %dma_start3A_1365 = tpu.memref_squeeze %dma_start3A_1364 : memref<1x!tpu.dma_semaphore, #tpu.memory_space<semaphore_mem>> -> memref<!tpu.dma_semaphore, #tpu.memory_space<semaphore_mem>>
    %dma_start3A_1366 = arith.constant 0 : i32
    %dma_start3A_1367 = arith.constant 0 : i32
    %dma_start3A_1368 = tpu.memref_slice %arg6[%dma_start3A_1356, %dma_start3A_1357, %dma_start3A_1366, %dma_start3A_1367] : memref<4x16x8x128xf32, #tpu.memory_space<vmem>> -> memref<1x1x8x128xf32, #tpu.memory_space<vmem>>
    %dma_start3A_1369 = tpu.memref_squeeze %dma_start3A_1368 : memref<1x1x8x128xf32, #tpu.memory_space<vmem>> -> memref<8x128xf32, #tpu.memory_space<vmem>>
    %dma_start3A_1370 = tpu.memref_slice %arg2[%add3A_1355, %multiple_of3A_1351] : memref<16384x1664xf32, #tpu.memory_space<hbm>> -> memref<8x128xf32, #tpu.memory_space<hbm>>
    tpu.enqueue_dma source(%dma_start3A_1370 : memref<8x128xf32, #tpu.memory_space<hbm>>) target(%dma_start3A_1369 : memref<8x128xf32, #tpu.memory_space<vmem>>) target_semaphore(%dma_start3A_1365 : memref<!tpu.dma_semaphore, #tpu.memory_space<semaphore_mem>>)
    %slice3A_1371 = vector.extract_strided_slice %mul3A_1084 {offsets = [13], sizes = [1], strides = [1]} : vector<16xi32> to vector<1xi32>
    %squeeze3A_1372 = vector.extract %slice3A_1371[0] : i32 from vector<1xi32>
    %multiple_of3A_1373 = tpu.assume_multiple %squeeze3A_1372, 128 : i32
    %add3A_1374 = arith.constant 48 : i32
    %add3A_1375 = arith.addi %mul3A_2, %add3A_1374 : i32
    %add3A_1376 = arith.constant 8 : i32
    %add3A_1377 = arith.addi %add3A_1375, %add3A_1376 : i32
    %dma_start3A_1378 = arith.constant 3 : i32
    %dma_start3A_1379 = arith.constant 13 : i32
    %dma_start3A_1380 = arith.constant 3 : i32
    %dma_start3A_1381 = arith.constant 0 : i32
    %dma_start3A_1382 = arith.constant 0 : i32
    %dma_start3A_1383 = tpu.memref_slice %arg6[%dma_start3A_1378, %dma_start3A_1379, %dma_start3A_1381, %dma_start3A_1382] : memref<4x16x8x128xf32, #tpu.memory_space<vmem>> -> memref<1x1x8x128xf32, #tpu.memory_space<vmem>>
    %dma_start3A_1384 = tpu.memref_squeeze %dma_start3A_1383 : memref<1x1x8x128xf32, #tpu.memory_space<vmem>> -> memref<8x128xf32, #tpu.memory_space<vmem>>
    %dma_start3A_1385 = tpu.memref_slice %arg2[%add3A_1377, %multiple_of3A_1373] : memref<16384x1664xf32, #tpu.memory_space<hbm>> -> memref<8x128xf32, #tpu.memory_space<hbm>>
    %dma_start3A_1386 = tpu.memref_slice %arg8[%dma_start3A_1380] : memref<4x!tpu.dma_semaphore, #tpu.memory_space<semaphore_mem>> -> memref<1x!tpu.dma_semaphore, #tpu.memory_space<semaphore_mem>>
    %dma_start3A_1387 = tpu.memref_squeeze %dma_start3A_1386 : memref<1x!tpu.dma_semaphore, #tpu.memory_space<semaphore_mem>> -> memref<!tpu.dma_semaphore, #tpu.memory_space<semaphore_mem>>
    %dma_start3A_1388 = arith.constant 0 : i32
    %dma_start3A_1389 = arith.constant 0 : i32
    %dma_start3A_1390 = tpu.memref_slice %arg6[%dma_start3A_1378, %dma_start3A_1379, %dma_start3A_1388, %dma_start3A_1389] : memref<4x16x8x128xf32, #tpu.memory_space<vmem>> -> memref<1x1x8x128xf32, #tpu.memory_space<vmem>>
    %dma_start3A_1391 = tpu.memref_squeeze %dma_start3A_1390 : memref<1x1x8x128xf32, #tpu.memory_space<vmem>> -> memref<8x128xf32, #tpu.memory_space<vmem>>
    %dma_start3A_1392 = tpu.memref_slice %arg2[%add3A_1377, %multiple_of3A_1373] : memref<16384x1664xf32, #tpu.memory_space<hbm>> -> memref<8x128xf32, #tpu.memory_space<hbm>>
    tpu.enqueue_dma source(%dma_start3A_1392 : memref<8x128xf32, #tpu.memory_space<hbm>>) target(%dma_start3A_1391 : memref<8x128xf32, #tpu.memory_space<vmem>>) target_semaphore(%dma_start3A_1387 : memref<!tpu.dma_semaphore, #tpu.memory_space<semaphore_mem>>)
    %slice3A_1393 = vector.extract_strided_slice %mul3A_1084 {offsets = [14], sizes = [1], strides = [1]} : vector<16xi32> to vector<1xi32>
    %squeeze3A_1394 = vector.extract %slice3A_1393[0] : i32 from vector<1xi32>
    %multiple_of3A_1395 = tpu.assume_multiple %squeeze3A_1394, 128 : i32
    %add3A_1396 = arith.constant 48 : i32
    %add3A_1397 = arith.addi %mul3A_2, %add3A_1396 : i32
    %add3A_1398 = arith.constant 8 : i32
    %add3A_1399 = arith.addi %add3A_1397, %add3A_1398 : i32
    %dma_start3A_1400 = arith.constant 3 : i32
    %dma_start3A_1401 = arith.constant 14 : i32
    %dma_start3A_1402 = arith.constant 3 : i32
    %dma_start3A_1403 = arith.constant 0 : i32
    %dma_start3A_1404 = arith.constant 0 : i32
    %dma_start3A_1405 = tpu.memref_slice %arg6[%dma_start3A_1400, %dma_start3A_1401, %dma_start3A_1403, %dma_start3A_1404] : memref<4x16x8x128xf32, #tpu.memory_space<vmem>> -> memref<1x1x8x128xf32, #tpu.memory_space<vmem>>
    %dma_start3A_1406 = tpu.memref_squeeze %dma_start3A_1405 : memref<1x1x8x128xf32, #tpu.memory_space<vmem>> -> memref<8x128xf32, #tpu.memory_space<vmem>>
    %dma_start3A_1407 = tpu.memref_slice %arg2[%add3A_1399, %multiple_of3A_1395] : memref<16384x1664xf32, #tpu.memory_space<hbm>> -> memref<8x128xf32, #tpu.memory_space<hbm>>
    %dma_start3A_1408 = tpu.memref_slice %arg8[%dma_start3A_1402] : memref<4x!tpu.dma_semaphore, #tpu.memory_space<semaphore_mem>> -> memref<1x!tpu.dma_semaphore, #tpu.memory_space<semaphore_mem>>
    %dma_start3A_1409 = tpu.memref_squeeze %dma_start3A_1408 : memref<1x!tpu.dma_semaphore, #tpu.memory_space<semaphore_mem>> -> memref<!tpu.dma_semaphore, #tpu.memory_space<semaphore_mem>>
    %dma_start3A_1410 = arith.constant 0 : i32
    %dma_start3A_1411 = arith.constant 0 : i32
    %dma_start3A_1412 = tpu.memref_slice %arg6[%dma_start3A_1400, %dma_start3A_1401, %dma_start3A_1410, %dma_start3A_1411] : memref<4x16x8x128xf32, #tpu.memory_space<vmem>> -> memref<1x1x8x128xf32, #tpu.memory_space<vmem>>
    %dma_start3A_1413 = tpu.memref_squeeze %dma_start3A_1412 : memref<1x1x8x128xf32, #tpu.memory_space<vmem>> -> memref<8x128xf32, #tpu.memory_space<vmem>>
    %dma_start3A_1414 = tpu.memref_slice %arg2[%add3A_1399, %multiple_of3A_1395] : memref<16384x1664xf32, #tpu.memory_space<hbm>> -> memref<8x128xf32, #tpu.memory_space<hbm>>
    tpu.enqueue_dma source(%dma_start3A_1414 : memref<8x128xf32, #tpu.memory_space<hbm>>) target(%dma_start3A_1413 : memref<8x128xf32, #tpu.memory_space<vmem>>) target_semaphore(%dma_start3A_1409 : memref<!tpu.dma_semaphore, #tpu.memory_space<semaphore_mem>>)
    %slice3A_1415 = vector.extract_strided_slice %mul3A_1084 {offsets = [15], sizes = [1], strides = [1]} : vector<16xi32> to vector<1xi32>
    %squeeze3A_1416 = vector.extract %slice3A_1415[0] : i32 from vector<1xi32>
    %multiple_of3A_1417 = tpu.assume_multiple %squeeze3A_1416, 128 : i32
    %add3A_1418 = arith.constant 48 : i32
    %add3A_1419 = arith.addi %mul3A_2, %add3A_1418 : i32
    %add3A_1420 = arith.constant 8 : i32
    %add3A_1421 = arith.addi %add3A_1419, %add3A_1420 : i32
    %dma_start3A_1422 = arith.constant 3 : i32
    %dma_start3A_1423 = arith.constant 15 : i32
    %dma_start3A_1424 = arith.constant 3 : i32
    %dma_start3A_1425 = arith.constant 0 : i32
    %dma_start3A_1426 = arith.constant 0 : i32
    %dma_start3A_1427 = tpu.memref_slice %arg6[%dma_start3A_1422, %dma_start3A_1423, %dma_start3A_1425, %dma_start3A_1426] : memref<4x16x8x128xf32, #tpu.memory_space<vmem>> -> memref<1x1x8x128xf32, #tpu.memory_space<vmem>>
    %dma_start3A_1428 = tpu.memref_squeeze %dma_start3A_1427 : memref<1x1x8x128xf32, #tpu.memory_space<vmem>> -> memref<8x128xf32, #tpu.memory_space<vmem>>
    %dma_start3A_1429 = tpu.memref_slice %arg2[%add3A_1421, %multiple_of3A_1417] : memref<16384x1664xf32, #tpu.memory_space<hbm>> -> memref<8x128xf32, #tpu.memory_space<hbm>>
    %dma_start3A_1430 = tpu.memref_slice %arg8[%dma_start3A_1424] : memref<4x!tpu.dma_semaphore, #tpu.memory_space<semaphore_mem>> -> memref<1x!tpu.dma_semaphore, #tpu.memory_space<semaphore_mem>>
    %dma_start3A_1431 = tpu.memref_squeeze %dma_start3A_1430 : memref<1x!tpu.dma_semaphore, #tpu.memory_space<semaphore_mem>> -> memref<!tpu.dma_semaphore, #tpu.memory_space<semaphore_mem>>
    %dma_start3A_1432 = arith.constant 0 : i32
    %dma_start3A_1433 = arith.constant 0 : i32
    %dma_start3A_1434 = tpu.memref_slice %arg6[%dma_start3A_1422, %dma_start3A_1423, %dma_start3A_1432, %dma_start3A_1433] : memref<4x16x8x128xf32, #tpu.memory_space<vmem>> -> memref<1x1x8x128xf32, #tpu.memory_space<vmem>>
    %dma_start3A_1435 = tpu.memref_squeeze %dma_start3A_1434 : memref<1x1x8x128xf32, #tpu.memory_space<vmem>> -> memref<8x128xf32, #tpu.memory_space<vmem>>
    %dma_start3A_1436 = tpu.memref_slice %arg2[%add3A_1421, %multiple_of3A_1417] : memref<16384x1664xf32, #tpu.memory_space<hbm>> -> memref<8x128xf32, #tpu.memory_space<hbm>>
    tpu.enqueue_dma source(%dma_start3A_1436 : memref<8x128xf32, #tpu.memory_space<hbm>>) target(%dma_start3A_1435 : memref<8x128xf32, #tpu.memory_space<vmem>>) target_semaphore(%dma_start3A_1431 : memref<!tpu.dma_semaphore, #tpu.memory_space<semaphore_mem>>)
    %rem3A = arith.constant 8 : i32
    %rem3A_1437 = vector.broadcast %rem3A : i32 to vector<16xi32>
    %rem3A_1438 = arith.remsi %iota3A, %rem3A_1437 : vector<16xi32>
    %scan3A = arith.constant 0 : i32
    %scan3A_1439 = arith.constant 0 : i32
    %scan3A_1440 = arith.constant 18 : i32
    %scan3A_1441 = arith.addi %scan3A_1439, %scan3A_1440 : i32
    %scan3A_1442 = arith.constant 1 : i32
    %scan3A_1443 = scf.for %scan3A_1520 = %scan3A_1439 to %scan3A_1441 step %scan3A_1442 iter_args(%scan3A_1521 = %scan3A) -> (i32)  : i32 {
      %rem3A_1522 = arith.constant 4 : i32
      %rem3A_1523 = arith.remsi %scan3A_1520, %rem3A_1522 : i32
      %dma_wait3A_1524 = arith.constant 0 : i32
      %dma_wait3A_1525 = arith.constant 0 : i32
      %dma_wait3A_1526 = arith.constant 0 : i32
      %dma_wait3A_1527 = tpu.memref_slice %arg6[%rem3A_1523, %dma_wait3A_1524, %dma_wait3A_1525, %dma_wait3A_1526] : memref<4x16x8x128xf32, #tpu.memory_space<vmem>> -> memref<1x1x8x128xf32, #tpu.memory_space<vmem>>
      %dma_wait3A_1528 = tpu.memref_squeeze %dma_wait3A_1527 : memref<1x1x8x128xf32, #tpu.memory_space<vmem>> -> memref<8x128xf32, #tpu.memory_space<vmem>>
      %dma_wait3A_1529 = arith.constant 0 : i32
      %dma_wait3A_1530 = arith.constant 0 : i32
      %dma_wait3A_1531 = tpu.memref_slice %arg2[%dma_wait3A_1529, %dma_wait3A_1530] : memref<16384x1664xf32, #tpu.memory_space<hbm>> -> memref<8x128xf32, #tpu.memory_space<hbm>>
      %dma_wait3A_1532 = tpu.memref_slice %arg8[%rem3A_1523] : memref<4x!tpu.dma_semaphore, #tpu.memory_space<semaphore_mem>> -> memref<1x!tpu.dma_semaphore, #tpu.memory_space<semaphore_mem>>
      %dma_wait3A_1533 = tpu.memref_squeeze %dma_wait3A_1532 : memref<1x!tpu.dma_semaphore, #tpu.memory_space<semaphore_mem>> -> memref<!tpu.dma_semaphore, #tpu.memory_space<semaphore_mem>>
      %dma_wait3A_1534 = arith.constant 0 : i32
      %dma_wait3A_1535 = arith.constant 0 : i32
      %dma_wait3A_1536 = tpu.memref_slice %arg6[%rem3A_1523, %dma_wait3A_1524, %dma_wait3A_1534, %dma_wait3A_1535] : memref<4x16x8x128xf32, #tpu.memory_space<vmem>> -> memref<1x1x8x128xf32, #tpu.memory_space<vmem>>
      %dma_wait3A_1537 = tpu.memref_squeeze %dma_wait3A_1536 : memref<1x1x8x128xf32, #tpu.memory_space<vmem>> -> memref<8x128xf32, #tpu.memory_space<vmem>>
      %dma_wait3A_1538 = arith.constant 0 : i32
      %dma_wait3A_1539 = arith.constant 0 : i32
      %dma_wait3A_1540 = tpu.memref_slice %arg2[%dma_wait3A_1538, %dma_wait3A_1539] : memref<16384x1664xf32, #tpu.memory_space<hbm>> -> memref<8x128xf32, #tpu.memory_space<hbm>>
      tpu.wait_dma2 semaphore(%dma_wait3A_1533 : memref<!tpu.dma_semaphore, #tpu.memory_space<semaphore_mem>>) src(%dma_wait3A_1540 : memref<8x128xf32, #tpu.memory_space<hbm>>) dst(%dma_wait3A_1537 : memref<8x128xf32, #tpu.memory_space<vmem>>)
      %dma_wait3A_1541 = arith.constant 1 : i32
      %dma_wait3A_1542 = arith.constant 0 : i32
      %dma_wait3A_1543 = arith.constant 0 : i32
      %dma_wait3A_1544 = tpu.memref_slice %arg6[%rem3A_1523, %dma_wait3A_1541, %dma_wait3A_1542, %dma_wait3A_1543] : memref<4x16x8x128xf32, #tpu.memory_space<vmem>> -> memref<1x1x8x128xf32, #tpu.memory_space<vmem>>
      %dma_wait3A_1545 = tpu.memref_squeeze %dma_wait3A_1544 : memref<1x1x8x128xf32, #tpu.memory_space<vmem>> -> memref<8x128xf32, #tpu.memory_space<vmem>>
      %dma_wait3A_1546 = arith.constant 0 : i32
      %dma_wait3A_1547 = arith.constant 0 : i32
      %dma_wait3A_1548 = tpu.memref_slice %arg2[%dma_wait3A_1546, %dma_wait3A_1547] : memref<16384x1664xf32, #tpu.memory_space<hbm>> -> memref<8x128xf32, #tpu.memory_space<hbm>>
      %dma_wait3A_1549 = tpu.memref_slice %arg8[%rem3A_1523] : memref<4x!tpu.dma_semaphore, #tpu.memory_space<semaphore_mem>> -> memref<1x!tpu.dma_semaphore, #tpu.memory_space<semaphore_mem>>
      %dma_wait3A_1550 = tpu.memref_squeeze %dma_wait3A_1549 : memref<1x!tpu.dma_semaphore, #tpu.memory_space<semaphore_mem>> -> memref<!tpu.dma_semaphore, #tpu.memory_space<semaphore_mem>>
      %dma_wait3A_1551 = arith.constant 0 : i32
      %dma_wait3A_1552 = arith.constant 0 : i32
      %dma_wait3A_1553 = tpu.memref_slice %arg6[%rem3A_1523, %dma_wait3A_1541, %dma_wait3A_1551, %dma_wait3A_1552] : memref<4x16x8x128xf32, #tpu.memory_space<vmem>> -> memref<1x1x8x128xf32, #tpu.memory_space<vmem>>
      %dma_wait3A_1554 = tpu.memref_squeeze %dma_wait3A_1553 : memref<1x1x8x128xf32, #tpu.memory_space<vmem>> -> memref<8x128xf32, #tpu.memory_space<vmem>>
      %dma_wait3A_1555 = arith.constant 0 : i32
      %dma_wait3A_1556 = arith.constant 0 : i32
      %dma_wait3A_1557 = tpu.memref_slice %arg2[%dma_wait3A_1555, %dma_wait3A_1556] : memref<16384x1664xf32, #tpu.memory_space<hbm>> -> memref<8x128xf32, #tpu.memory_space<hbm>>
      tpu.wait_dma2 semaphore(%dma_wait3A_1550 : memref<!tpu.dma_semaphore, #tpu.memory_space<semaphore_mem>>) src(%dma_wait3A_1557 : memref<8x128xf32, #tpu.memory_space<hbm>>) dst(%dma_wait3A_1554 : memref<8x128xf32, #tpu.memory_space<vmem>>)
      %dma_wait3A_1558 = arith.constant 2 : i32
      %dma_wait3A_1559 = arith.constant 0 : i32
      %dma_wait3A_1560 = arith.constant 0 : i32
      %dma_wait3A_1561 = tpu.memref_slice %arg6[%rem3A_1523, %dma_wait3A_1558, %dma_wait3A_1559, %dma_wait3A_1560] : memref<4x16x8x128xf32, #tpu.memory_space<vmem>> -> memref<1x1x8x128xf32, #tpu.memory_space<vmem>>
      %dma_wait3A_1562 = tpu.memref_squeeze %dma_wait3A_1561 : memref<1x1x8x128xf32, #tpu.memory_space<vmem>> -> memref<8x128xf32, #tpu.memory_space<vmem>>
      %dma_wait3A_1563 = arith.constant 0 : i32
      %dma_wait3A_1564 = arith.constant 0 : i32
      %dma_wait3A_1565 = tpu.memref_slice %arg2[%dma_wait3A_1563, %dma_wait3A_1564] : memref<16384x1664xf32, #tpu.memory_space<hbm>> -> memref<8x128xf32, #tpu.memory_space<hbm>>
      %dma_wait3A_1566 = tpu.memref_slice %arg8[%rem3A_1523] : memref<4x!tpu.dma_semaphore, #tpu.memory_space<semaphore_mem>> -> memref<1x!tpu.dma_semaphore, #tpu.memory_space<semaphore_mem>>
      %dma_wait3A_1567 = tpu.memref_squeeze %dma_wait3A_1566 : memref<1x!tpu.dma_semaphore, #tpu.memory_space<semaphore_mem>> -> memref<!tpu.dma_semaphore, #tpu.memory_space<semaphore_mem>>
      %dma_wait3A_1568 = arith.constant 0 : i32
      %dma_wait3A_1569 = arith.constant 0 : i32
      %dma_wait3A_1570 = tpu.memref_slice %arg6[%rem3A_1523, %dma_wait3A_1558, %dma_wait3A_1568, %dma_wait3A_1569] : memref<4x16x8x128xf32, #tpu.memory_space<vmem>> -> memref<1x1x8x128xf32, #tpu.memory_space<vmem>>
      %dma_wait3A_1571 = tpu.memref_squeeze %dma_wait3A_1570 : memref<1x1x8x128xf32, #tpu.memory_space<vmem>> -> memref<8x128xf32, #tpu.memory_space<vmem>>
      %dma_wait3A_1572 = arith.constant 0 : i32
      %dma_wait3A_1573 = arith.constant 0 : i32
      %dma_wait3A_1574 = tpu.memref_slice %arg2[%dma_wait3A_1572, %dma_wait3A_1573] : memref<16384x1664xf32, #tpu.memory_space<hbm>> -> memref<8x128xf32, #tpu.memory_space<hbm>>
      tpu.wait_dma2 semaphore(%dma_wait3A_1567 : memref<!tpu.dma_semaphore, #tpu.memory_space<semaphore_mem>>) src(%dma_wait3A_1574 : memref<8x128xf32, #tpu.memory_space<hbm>>) dst(%dma_wait3A_1571 : memref<8x128xf32, #tpu.memory_space<vmem>>)
      %dma_wait3A_1575 = arith.constant 3 : i32
      %dma_wait3A_1576 = arith.constant 0 : i32
      %dma_wait3A_1577 = arith.constant 0 : i32
      %dma_wait3A_1578 = tpu.memref_slice %arg6[%rem3A_1523, %dma_wait3A_1575, %dma_wait3A_1576, %dma_wait3A_1577] : memref<4x16x8x128xf32, #tpu.memory_space<vmem>> -> memref<1x1x8x128xf32, #tpu.memory_space<vmem>>
      %dma_wait3A_1579 = tpu.memref_squeeze %dma_wait3A_1578 : memref<1x1x8x128xf32, #tpu.memory_space<vmem>> -> memref<8x128xf32, #tpu.memory_space<vmem>>
      %dma_wait3A_1580 = arith.constant 0 : i32
      %dma_wait3A_1581 = arith.constant 0 : i32
      %dma_wait3A_1582 = tpu.memref_slice %arg2[%dma_wait3A_1580, %dma_wait3A_1581] : memref<16384x1664xf32, #tpu.memory_space<hbm>> -> memref<8x128xf32, #tpu.memory_space<hbm>>
      %dma_wait3A_1583 = tpu.memref_slice %arg8[%rem3A_1523] : memref<4x!tpu.dma_semaphore, #tpu.memory_space<semaphore_mem>> -> memref<1x!tpu.dma_semaphore, #tpu.memory_space<semaphore_mem>>
      %dma_wait3A_1584 = tpu.memref_squeeze %dma_wait3A_1583 : memref<1x!tpu.dma_semaphore, #tpu.memory_space<semaphore_mem>> -> memref<!tpu.dma_semaphore, #tpu.memory_space<semaphore_mem>>
      %dma_wait3A_1585 = arith.constant 0 : i32
      %dma_wait3A_1586 = arith.constant 0 : i32
      %dma_wait3A_1587 = tpu.memref_slice %arg6[%rem3A_1523, %dma_wait3A_1575, %dma_wait3A_1585, %dma_wait3A_1586] : memref<4x16x8x128xf32, #tpu.memory_space<vmem>> -> memref<1x1x8x128xf32, #tpu.memory_space<vmem>>
      %dma_wait3A_1588 = tpu.memref_squeeze %dma_wait3A_1587 : memref<1x1x8x128xf32, #tpu.memory_space<vmem>> -> memref<8x128xf32, #tpu.memory_space<vmem>>
      %dma_wait3A_1589 = arith.constant 0 : i32
      %dma_wait3A_1590 = arith.constant 0 : i32
      %dma_wait3A_1591 = tpu.memref_slice %arg2[%dma_wait3A_1589, %dma_wait3A_1590] : memref<16384x1664xf32, #tpu.memory_space<hbm>> -> memref<8x128xf32, #tpu.memory_space<hbm>>
      tpu.wait_dma2 semaphore(%dma_wait3A_1584 : memref<!tpu.dma_semaphore, #tpu.memory_space<semaphore_mem>>) src(%dma_wait3A_1591 : memref<8x128xf32, #tpu.memory_space<hbm>>) dst(%dma_wait3A_1588 : memref<8x128xf32, #tpu.memory_space<vmem>>)
      %dma_wait3A_1592 = arith.constant 4 : i32
      %dma_wait3A_1593 = arith.constant 0 : i32
      %dma_wait3A_1594 = arith.constant 0 : i32
      %dma_wait3A_1595 = tpu.memref_slice %arg6[%rem3A_1523, %dma_wait3A_1592, %dma_wait3A_1593, %dma_wait3A_1594] : memref<4x16x8x128xf32, #tpu.memory_space<vmem>> -> memref<1x1x8x128xf32, #tpu.memory_space<vmem>>
      %dma_wait3A_1596 = tpu.memref_squeeze %dma_wait3A_1595 : memref<1x1x8x128xf32, #tpu.memory_space<vmem>> -> memref<8x128xf32, #tpu.memory_space<vmem>>
      %dma_wait3A_1597 = arith.constant 0 : i32
      %dma_wait3A_1598 = arith.constant 0 : i32
      %dma_wait3A_1599 = tpu.memref_slice %arg2[%dma_wait3A_1597, %dma_wait3A_1598] : memref<16384x1664xf32, #tpu.memory_space<hbm>> -> memref<8x128xf32, #tpu.memory_space<hbm>>
      %dma_wait3A_1600 = tpu.memref_slice %arg8[%rem3A_1523] : memref<4x!tpu.dma_semaphore, #tpu.memory_space<semaphore_mem>> -> memref<1x!tpu.dma_semaphore, #tpu.memory_space<semaphore_mem>>
      %dma_wait3A_1601 = tpu.memref_squeeze %dma_wait3A_1600 : memref<1x!tpu.dma_semaphore, #tpu.memory_space<semaphore_mem>> -> memref<!tpu.dma_semaphore, #tpu.memory_space<semaphore_mem>>
      %dma_wait3A_1602 = arith.constant 0 : i32
      %dma_wait3A_1603 = arith.constant 0 : i32
      %dma_wait3A_1604 = tpu.memref_slice %arg6[%rem3A_1523, %dma_wait3A_1592, %dma_wait3A_1602, %dma_wait3A_1603] : memref<4x16x8x128xf32, #tpu.memory_space<vmem>> -> memref<1x1x8x128xf32, #tpu.memory_space<vmem>>
      %dma_wait3A_1605 = tpu.memref_squeeze %dma_wait3A_1604 : memref<1x1x8x128xf32, #tpu.memory_space<vmem>> -> memref<8x128xf32, #tpu.memory_space<vmem>>
      %dma_wait3A_1606 = arith.constant 0 : i32
      %dma_wait3A_1607 = arith.constant 0 : i32
      %dma_wait3A_1608 = tpu.memref_slice %arg2[%dma_wait3A_1606, %dma_wait3A_1607] : memref<16384x1664xf32, #tpu.memory_space<hbm>> -> memref<8x128xf32, #tpu.memory_space<hbm>>
      tpu.wait_dma2 semaphore(%dma_wait3A_1601 : memref<!tpu.dma_semaphore, #tpu.memory_space<semaphore_mem>>) src(%dma_wait3A_1608 : memref<8x128xf32, #tpu.memory_space<hbm>>) dst(%dma_wait3A_1605 : memref<8x128xf32, #tpu.memory_space<vmem>>)
      %dma_wait3A_1609 = arith.constant 5 : i32
      %dma_wait3A_1610 = arith.constant 0 : i32
      %dma_wait3A_1611 = arith.constant 0 : i32
      %dma_wait3A_1612 = tpu.memref_slice %arg6[%rem3A_1523, %dma_wait3A_1609, %dma_wait3A_1610, %dma_wait3A_1611] : memref<4x16x8x128xf32, #tpu.memory_space<vmem>> -> memref<1x1x8x128xf32, #tpu.memory_space<vmem>>
      %dma_wait3A_1613 = tpu.memref_squeeze %dma_wait3A_1612 : memref<1x1x8x128xf32, #tpu.memory_space<vmem>> -> memref<8x128xf32, #tpu.memory_space<vmem>>
      %dma_wait3A_1614 = arith.constant 0 : i32
      %dma_wait3A_1615 = arith.constant 0 : i32
      %dma_wait3A_1616 = tpu.memref_slice %arg2[%dma_wait3A_1614, %dma_wait3A_1615] : memref<16384x1664xf32, #tpu.memory_space<hbm>> -> memref<8x128xf32, #tpu.memory_space<hbm>>
      %dma_wait3A_1617 = tpu.memref_slice %arg8[%rem3A_1523] : memref<4x!tpu.dma_semaphore, #tpu.memory_space<semaphore_mem>> -> memref<1x!tpu.dma_semaphore, #tpu.memory_space<semaphore_mem>>
      %dma_wait3A_1618 = tpu.memref_squeeze %dma_wait3A_1617 : memref<1x!tpu.dma_semaphore, #tpu.memory_space<semaphore_mem>> -> memref<!tpu.dma_semaphore, #tpu.memory_space<semaphore_mem>>
      %dma_wait3A_1619 = arith.constant 0 : i32
      %dma_wait3A_1620 = arith.constant 0 : i32
      %dma_wait3A_1621 = tpu.memref_slice %arg6[%rem3A_1523, %dma_wait3A_1609, %dma_wait3A_1619, %dma_wait3A_1620] : memref<4x16x8x128xf32, #tpu.memory_space<vmem>> -> memref<1x1x8x128xf32, #tpu.memory_space<vmem>>
      %dma_wait3A_1622 = tpu.memref_squeeze %dma_wait3A_1621 : memref<1x1x8x128xf32, #tpu.memory_space<vmem>> -> memref<8x128xf32, #tpu.memory_space<vmem>>
      %dma_wait3A_1623 = arith.constant 0 : i32
      %dma_wait3A_1624 = arith.constant 0 : i32
      %dma_wait3A_1625 = tpu.memref_slice %arg2[%dma_wait3A_1623, %dma_wait3A_1624] : memref<16384x1664xf32, #tpu.memory_space<hbm>> -> memref<8x128xf32, #tpu.memory_space<hbm>>
      tpu.wait_dma2 semaphore(%dma_wait3A_1618 : memref<!tpu.dma_semaphore, #tpu.memory_space<semaphore_mem>>) src(%dma_wait3A_1625 : memref<8x128xf32, #tpu.memory_space<hbm>>) dst(%dma_wait3A_1622 : memref<8x128xf32, #tpu.memory_space<vmem>>)
      %dma_wait3A_1626 = arith.constant 6 : i32
      %dma_wait3A_1627 = arith.constant 0 : i32
      %dma_wait3A_1628 = arith.constant 0 : i32
      %dma_wait3A_1629 = tpu.memref_slice %arg6[%rem3A_1523, %dma_wait3A_1626, %dma_wait3A_1627, %dma_wait3A_1628] : memref<4x16x8x128xf32, #tpu.memory_space<vmem>> -> memref<1x1x8x128xf32, #tpu.memory_space<vmem>>
      %dma_wait3A_1630 = tpu.memref_squeeze %dma_wait3A_1629 : memref<1x1x8x128xf32, #tpu.memory_space<vmem>> -> memref<8x128xf32, #tpu.memory_space<vmem>>
      %dma_wait3A_1631 = arith.constant 0 : i32
      %dma_wait3A_1632 = arith.constant 0 : i32
      %dma_wait3A_1633 = tpu.memref_slice %arg2[%dma_wait3A_1631, %dma_wait3A_1632] : memref<16384x1664xf32, #tpu.memory_space<hbm>> -> memref<8x128xf32, #tpu.memory_space<hbm>>
      %dma_wait3A_1634 = tpu.memref_slice %arg8[%rem3A_1523] : memref<4x!tpu.dma_semaphore, #tpu.memory_space<semaphore_mem>> -> memref<1x!tpu.dma_semaphore, #tpu.memory_space<semaphore_mem>>
      %dma_wait3A_1635 = tpu.memref_squeeze %dma_wait3A_1634 : memref<1x!tpu.dma_semaphore, #tpu.memory_space<semaphore_mem>> -> memref<!tpu.dma_semaphore, #tpu.memory_space<semaphore_mem>>
      %dma_wait3A_1636 = arith.constant 0 : i32
      %dma_wait3A_1637 = arith.constant 0 : i32
      %dma_wait3A_1638 = tpu.memref_slice %arg6[%rem3A_1523, %dma_wait3A_1626, %dma_wait3A_1636, %dma_wait3A_1637] : memref<4x16x8x128xf32, #tpu.memory_space<vmem>> -> memref<1x1x8x128xf32, #tpu.memory_space<vmem>>
      %dma_wait3A_1639 = tpu.memref_squeeze %dma_wait3A_1638 : memref<1x1x8x128xf32, #tpu.memory_space<vmem>> -> memref<8x128xf32, #tpu.memory_space<vmem>>
      %dma_wait3A_1640 = arith.constant 0 : i32
      %dma_wait3A_1641 = arith.constant 0 : i32
      %dma_wait3A_1642 = tpu.memref_slice %arg2[%dma_wait3A_1640, %dma_wait3A_1641] : memref<16384x1664xf32, #tpu.memory_space<hbm>> -> memref<8x128xf32, #tpu.memory_space<hbm>>
      tpu.wait_dma2 semaphore(%dma_wait3A_1635 : memref<!tpu.dma_semaphore, #tpu.memory_space<semaphore_mem>>) src(%dma_wait3A_1642 : memref<8x128xf32, #tpu.memory_space<hbm>>) dst(%dma_wait3A_1639 : memref<8x128xf32, #tpu.memory_space<vmem>>)
      %dma_wait3A_1643 = arith.constant 7 : i32
      %dma_wait3A_1644 = arith.constant 0 : i32
      %dma_wait3A_1645 = arith.constant 0 : i32
      %dma_wait3A_1646 = tpu.memref_slice %arg6[%rem3A_1523, %dma_wait3A_1643, %dma_wait3A_1644, %dma_wait3A_1645] : memref<4x16x8x128xf32, #tpu.memory_space<vmem>> -> memref<1x1x8x128xf32, #tpu.memory_space<vmem>>
      %dma_wait3A_1647 = tpu.memref_squeeze %dma_wait3A_1646 : memref<1x1x8x128xf32, #tpu.memory_space<vmem>> -> memref<8x128xf32, #tpu.memory_space<vmem>>
      %dma_wait3A_1648 = arith.constant 0 : i32
      %dma_wait3A_1649 = arith.constant 0 : i32
      %dma_wait3A_1650 = tpu.memref_slice %arg2[%dma_wait3A_1648, %dma_wait3A_1649] : memref<16384x1664xf32, #tpu.memory_space<hbm>> -> memref<8x128xf32, #tpu.memory_space<hbm>>
      %dma_wait3A_1651 = tpu.memref_slice %arg8[%rem3A_1523] : memref<4x!tpu.dma_semaphore, #tpu.memory_space<semaphore_mem>> -> memref<1x!tpu.dma_semaphore, #tpu.memory_space<semaphore_mem>>
      %dma_wait3A_1652 = tpu.memref_squeeze %dma_wait3A_1651 : memref<1x!tpu.dma_semaphore, #tpu.memory_space<semaphore_mem>> -> memref<!tpu.dma_semaphore, #tpu.memory_space<semaphore_mem>>
      %dma_wait3A_1653 = arith.constant 0 : i32
      %dma_wait3A_1654 = arith.constant 0 : i32
      %dma_wait3A_1655 = tpu.memref_slice %arg6[%rem3A_1523, %dma_wait3A_1643, %dma_wait3A_1653, %dma_wait3A_1654] : memref<4x16x8x128xf32, #tpu.memory_space<vmem>> -> memref<1x1x8x128xf32, #tpu.memory_space<vmem>>
      %dma_wait3A_1656 = tpu.memref_squeeze %dma_wait3A_1655 : memref<1x1x8x128xf32, #tpu.memory_space<vmem>> -> memref<8x128xf32, #tpu.memory_space<vmem>>
      %dma_wait3A_1657 = arith.constant 0 : i32
      %dma_wait3A_1658 = arith.constant 0 : i32
      %dma_wait3A_1659 = tpu.memref_slice %arg2[%dma_wait3A_1657, %dma_wait3A_1658] : memref<16384x1664xf32, #tpu.memory_space<hbm>> -> memref<8x128xf32, #tpu.memory_space<hbm>>
      tpu.wait_dma2 semaphore(%dma_wait3A_1652 : memref<!tpu.dma_semaphore, #tpu.memory_space<semaphore_mem>>) src(%dma_wait3A_1659 : memref<8x128xf32, #tpu.memory_space<hbm>>) dst(%dma_wait3A_1656 : memref<8x128xf32, #tpu.memory_space<vmem>>)
      %dma_wait3A_1660 = arith.constant 8 : i32
      %dma_wait3A_1661 = arith.constant 0 : i32
      %dma_wait3A_1662 = arith.constant 0 : i32
      %dma_wait3A_1663 = tpu.memref_slice %arg6[%rem3A_1523, %dma_wait3A_1660, %dma_wait3A_1661, %dma_wait3A_1662] : memref<4x16x8x128xf32, #tpu.memory_space<vmem>> -> memref<1x1x8x128xf32, #tpu.memory_space<vmem>>
      %dma_wait3A_1664 = tpu.memref_squeeze %dma_wait3A_1663 : memref<1x1x8x128xf32, #tpu.memory_space<vmem>> -> memref<8x128xf32, #tpu.memory_space<vmem>>
      %dma_wait3A_1665 = arith.constant 0 : i32
      %dma_wait3A_1666 = arith.constant 0 : i32
      %dma_wait3A_1667 = tpu.memref_slice %arg2[%dma_wait3A_1665, %dma_wait3A_1666] : memref<16384x1664xf32, #tpu.memory_space<hbm>> -> memref<8x128xf32, #tpu.memory_space<hbm>>
      %dma_wait3A_1668 = tpu.memref_slice %arg8[%rem3A_1523] : memref<4x!tpu.dma_semaphore, #tpu.memory_space<semaphore_mem>> -> memref<1x!tpu.dma_semaphore, #tpu.memory_space<semaphore_mem>>
      %dma_wait3A_1669 = tpu.memref_squeeze %dma_wait3A_1668 : memref<1x!tpu.dma_semaphore, #tpu.memory_space<semaphore_mem>> -> memref<!tpu.dma_semaphore, #tpu.memory_space<semaphore_mem>>
      %dma_wait3A_1670 = arith.constant 0 : i32
      %dma_wait3A_1671 = arith.constant 0 : i32
      %dma_wait3A_1672 = tpu.memref_slice %arg6[%rem3A_1523, %dma_wait3A_1660, %dma_wait3A_1670, %dma_wait3A_1671] : memref<4x16x8x128xf32, #tpu.memory_space<vmem>> -> memref<1x1x8x128xf32, #tpu.memory_space<vmem>>
      %dma_wait3A_1673 = tpu.memref_squeeze %dma_wait3A_1672 : memref<1x1x8x128xf32, #tpu.memory_space<vmem>> -> memref<8x128xf32, #tpu.memory_space<vmem>>
      %dma_wait3A_1674 = arith.constant 0 : i32
      %dma_wait3A_1675 = arith.constant 0 : i32
      %dma_wait3A_1676 = tpu.memref_slice %arg2[%dma_wait3A_1674, %dma_wait3A_1675] : memref<16384x1664xf32, #tpu.memory_space<hbm>> -> memref<8x128xf32, #tpu.memory_space<hbm>>
      tpu.wait_dma2 semaphore(%dma_wait3A_1669 : memref<!tpu.dma_semaphore, #tpu.memory_space<semaphore_mem>>) src(%dma_wait3A_1676 : memref<8x128xf32, #tpu.memory_space<hbm>>) dst(%dma_wait3A_1673 : memref<8x128xf32, #tpu.memory_space<vmem>>)
      %dma_wait3A_1677 = arith.constant 9 : i32
      %dma_wait3A_1678 = arith.constant 0 : i32
      %dma_wait3A_1679 = arith.constant 0 : i32
      %dma_wait3A_1680 = tpu.memref_slice %arg6[%rem3A_1523, %dma_wait3A_1677, %dma_wait3A_1678, %dma_wait3A_1679] : memref<4x16x8x128xf32, #tpu.memory_space<vmem>> -> memref<1x1x8x128xf32, #tpu.memory_space<vmem>>
      %dma_wait3A_1681 = tpu.memref_squeeze %dma_wait3A_1680 : memref<1x1x8x128xf32, #tpu.memory_space<vmem>> -> memref<8x128xf32, #tpu.memory_space<vmem>>
      %dma_wait3A_1682 = arith.constant 0 : i32
      %dma_wait3A_1683 = arith.constant 0 : i32
      %dma_wait3A_1684 = tpu.memref_slice %arg2[%dma_wait3A_1682, %dma_wait3A_1683] : memref<16384x1664xf32, #tpu.memory_space<hbm>> -> memref<8x128xf32, #tpu.memory_space<hbm>>
      %dma_wait3A_1685 = tpu.memref_slice %arg8[%rem3A_1523] : memref<4x!tpu.dma_semaphore, #tpu.memory_space<semaphore_mem>> -> memref<1x!tpu.dma_semaphore, #tpu.memory_space<semaphore_mem>>
      %dma_wait3A_1686 = tpu.memref_squeeze %dma_wait3A_1685 : memref<1x!tpu.dma_semaphore, #tpu.memory_space<semaphore_mem>> -> memref<!tpu.dma_semaphore, #tpu.memory_space<semaphore_mem>>
      %dma_wait3A_1687 = arith.constant 0 : i32
      %dma_wait3A_1688 = arith.constant 0 : i32
      %dma_wait3A_1689 = tpu.memref_slice %arg6[%rem3A_1523, %dma_wait3A_1677, %dma_wait3A_1687, %dma_wait3A_1688] : memref<4x16x8x128xf32, #tpu.memory_space<vmem>> -> memref<1x1x8x128xf32, #tpu.memory_space<vmem>>
      %dma_wait3A_1690 = tpu.memref_squeeze %dma_wait3A_1689 : memref<1x1x8x128xf32, #tpu.memory_space<vmem>> -> memref<8x128xf32, #tpu.memory_space<vmem>>
      %dma_wait3A_1691 = arith.constant 0 : i32
      %dma_wait3A_1692 = arith.constant 0 : i32
      %dma_wait3A_1693 = tpu.memref_slice %arg2[%dma_wait3A_1691, %dma_wait3A_1692] : memref<16384x1664xf32, #tpu.memory_space<hbm>> -> memref<8x128xf32, #tpu.memory_space<hbm>>
      tpu.wait_dma2 semaphore(%dma_wait3A_1686 : memref<!tpu.dma_semaphore, #tpu.memory_space<semaphore_mem>>) src(%dma_wait3A_1693 : memref<8x128xf32, #tpu.memory_space<hbm>>) dst(%dma_wait3A_1690 : memref<8x128xf32, #tpu.memory_space<vmem>>)
      %dma_wait3A_1694 = arith.constant 10 : i32
      %dma_wait3A_1695 = arith.constant 0 : i32
      %dma_wait3A_1696 = arith.constant 0 : i32
      %dma_wait3A_1697 = tpu.memref_slice %arg6[%rem3A_1523, %dma_wait3A_1694, %dma_wait3A_1695, %dma_wait3A_1696] : memref<4x16x8x128xf32, #tpu.memory_space<vmem>> -> memref<1x1x8x128xf32, #tpu.memory_space<vmem>>
      %dma_wait3A_1698 = tpu.memref_squeeze %dma_wait3A_1697 : memref<1x1x8x128xf32, #tpu.memory_space<vmem>> -> memref<8x128xf32, #tpu.memory_space<vmem>>
      %dma_wait3A_1699 = arith.constant 0 : i32
      %dma_wait3A_1700 = arith.constant 0 : i32
      %dma_wait3A_1701 = tpu.memref_slice %arg2[%dma_wait3A_1699, %dma_wait3A_1700] : memref<16384x1664xf32, #tpu.memory_space<hbm>> -> memref<8x128xf32, #tpu.memory_space<hbm>>
      %dma_wait3A_1702 = tpu.memref_slice %arg8[%rem3A_1523] : memref<4x!tpu.dma_semaphore, #tpu.memory_space<semaphore_mem>> -> memref<1x!tpu.dma_semaphore, #tpu.memory_space<semaphore_mem>>
      %dma_wait3A_1703 = tpu.memref_squeeze %dma_wait3A_1702 : memref<1x!tpu.dma_semaphore, #tpu.memory_space<semaphore_mem>> -> memref<!tpu.dma_semaphore, #tpu.memory_space<semaphore_mem>>
      %dma_wait3A_1704 = arith.constant 0 : i32
      %dma_wait3A_1705 = arith.constant 0 : i32
      %dma_wait3A_1706 = tpu.memref_slice %arg6[%rem3A_1523, %dma_wait3A_1694, %dma_wait3A_1704, %dma_wait3A_1705] : memref<4x16x8x128xf32, #tpu.memory_space<vmem>> -> memref<1x1x8x128xf32, #tpu.memory_space<vmem>>
      %dma_wait3A_1707 = tpu.memref_squeeze %dma_wait3A_1706 : memref<1x1x8x128xf32, #tpu.memory_space<vmem>> -> memref<8x128xf32, #tpu.memory_space<vmem>>
      %dma_wait3A_1708 = arith.constant 0 : i32
      %dma_wait3A_1709 = arith.constant 0 : i32
      %dma_wait3A_1710 = tpu.memref_slice %arg2[%dma_wait3A_1708, %dma_wait3A_1709] : memref<16384x1664xf32, #tpu.memory_space<hbm>> -> memref<8x128xf32, #tpu.memory_space<hbm>>
      tpu.wait_dma2 semaphore(%dma_wait3A_1703 : memref<!tpu.dma_semaphore, #tpu.memory_space<semaphore_mem>>) src(%dma_wait3A_1710 : memref<8x128xf32, #tpu.memory_space<hbm>>) dst(%dma_wait3A_1707 : memref<8x128xf32, #tpu.memory_space<vmem>>)
      %dma_wait3A_1711 = arith.constant 11 : i32
      %dma_wait3A_1712 = arith.constant 0 : i32
      %dma_wait3A_1713 = arith.constant 0 : i32
      %dma_wait3A_1714 = tpu.memref_slice %arg6[%rem3A_1523, %dma_wait3A_1711, %dma_wait3A_1712, %dma_wait3A_1713] : memref<4x16x8x128xf32, #tpu.memory_space<vmem>> -> memref<1x1x8x128xf32, #tpu.memory_space<vmem>>
      %dma_wait3A_1715 = tpu.memref_squeeze %dma_wait3A_1714 : memref<1x1x8x128xf32, #tpu.memory_space<vmem>> -> memref<8x128xf32, #tpu.memory_space<vmem>>
      %dma_wait3A_1716 = arith.constant 0 : i32
      %dma_wait3A_1717 = arith.constant 0 : i32
      %dma_wait3A_1718 = tpu.memref_slice %arg2[%dma_wait3A_1716, %dma_wait3A_1717] : memref<16384x1664xf32, #tpu.memory_space<hbm>> -> memref<8x128xf32, #tpu.memory_space<hbm>>
      %dma_wait3A_1719 = tpu.memref_slice %arg8[%rem3A_1523] : memref<4x!tpu.dma_semaphore, #tpu.memory_space<semaphore_mem>> -> memref<1x!tpu.dma_semaphore, #tpu.memory_space<semaphore_mem>>
      %dma_wait3A_1720 = tpu.memref_squeeze %dma_wait3A_1719 : memref<1x!tpu.dma_semaphore, #tpu.memory_space<semaphore_mem>> -> memref<!tpu.dma_semaphore, #tpu.memory_space<semaphore_mem>>
      %dma_wait3A_1721 = arith.constant 0 : i32
      %dma_wait3A_1722 = arith.constant 0 : i32
      %dma_wait3A_1723 = tpu.memref_slice %arg6[%rem3A_1523, %dma_wait3A_1711, %dma_wait3A_1721, %dma_wait3A_1722] : memref<4x16x8x128xf32, #tpu.memory_space<vmem>> -> memref<1x1x8x128xf32, #tpu.memory_space<vmem>>
      %dma_wait3A_1724 = tpu.memref_squeeze %dma_wait3A_1723 : memref<1x1x8x128xf32, #tpu.memory_space<vmem>> -> memref<8x128xf32, #tpu.memory_space<vmem>>
      %dma_wait3A_1725 = arith.constant 0 : i32
      %dma_wait3A_1726 = arith.constant 0 : i32
      %dma_wait3A_1727 = tpu.memref_slice %arg2[%dma_wait3A_1725, %dma_wait3A_1726] : memref<16384x1664xf32, #tpu.memory_space<hbm>> -> memref<8x128xf32, #tpu.memory_space<hbm>>
      tpu.wait_dma2 semaphore(%dma_wait3A_1720 : memref<!tpu.dma_semaphore, #tpu.memory_space<semaphore_mem>>) src(%dma_wait3A_1727 : memref<8x128xf32, #tpu.memory_space<hbm>>) dst(%dma_wait3A_1724 : memref<8x128xf32, #tpu.memory_space<vmem>>)
      %dma_wait3A_1728 = arith.constant 12 : i32
      %dma_wait3A_1729 = arith.constant 0 : i32
      %dma_wait3A_1730 = arith.constant 0 : i32
      %dma_wait3A_1731 = tpu.memref_slice %arg6[%rem3A_1523, %dma_wait3A_1728, %dma_wait3A_1729, %dma_wait3A_1730] : memref<4x16x8x128xf32, #tpu.memory_space<vmem>> -> memref<1x1x8x128xf32, #tpu.memory_space<vmem>>
      %dma_wait3A_1732 = tpu.memref_squeeze %dma_wait3A_1731 : memref<1x1x8x128xf32, #tpu.memory_space<vmem>> -> memref<8x128xf32, #tpu.memory_space<vmem>>
      %dma_wait3A_1733 = arith.constant 0 : i32
      %dma_wait3A_1734 = arith.constant 0 : i32
      %dma_wait3A_1735 = tpu.memref_slice %arg2[%dma_wait3A_1733, %dma_wait3A_1734] : memref<16384x1664xf32, #tpu.memory_space<hbm>> -> memref<8x128xf32, #tpu.memory_space<hbm>>
      %dma_wait3A_1736 = tpu.memref_slice %arg8[%rem3A_1523] : memref<4x!tpu.dma_semaphore, #tpu.memory_space<semaphore_mem>> -> memref<1x!tpu.dma_semaphore, #tpu.memory_space<semaphore_mem>>
      %dma_wait3A_1737 = tpu.memref_squeeze %dma_wait3A_1736 : memref<1x!tpu.dma_semaphore, #tpu.memory_space<semaphore_mem>> -> memref<!tpu.dma_semaphore, #tpu.memory_space<semaphore_mem>>
      %dma_wait3A_1738 = arith.constant 0 : i32
      %dma_wait3A_1739 = arith.constant 0 : i32
      %dma_wait3A_1740 = tpu.memref_slice %arg6[%rem3A_1523, %dma_wait3A_1728, %dma_wait3A_1738, %dma_wait3A_1739] : memref<4x16x8x128xf32, #tpu.memory_space<vmem>> -> memref<1x1x8x128xf32, #tpu.memory_space<vmem>>
      %dma_wait3A_1741 = tpu.memref_squeeze %dma_wait3A_1740 : memref<1x1x8x128xf32, #tpu.memory_space<vmem>> -> memref<8x128xf32, #tpu.memory_space<vmem>>
      %dma_wait3A_1742 = arith.constant 0 : i32
      %dma_wait3A_1743 = arith.constant 0 : i32
      %dma_wait3A_1744 = tpu.memref_slice %arg2[%dma_wait3A_1742, %dma_wait3A_1743] : memref<16384x1664xf32, #tpu.memory_space<hbm>> -> memref<8x128xf32, #tpu.memory_space<hbm>>
      tpu.wait_dma2 semaphore(%dma_wait3A_1737 : memref<!tpu.dma_semaphore, #tpu.memory_space<semaphore_mem>>) src(%dma_wait3A_1744 : memref<8x128xf32, #tpu.memory_space<hbm>>) dst(%dma_wait3A_1741 : memref<8x128xf32, #tpu.memory_space<vmem>>)
      %dma_wait3A_1745 = arith.constant 13 : i32
      %dma_wait3A_1746 = arith.constant 0 : i32
      %dma_wait3A_1747 = arith.constant 0 : i32
      %dma_wait3A_1748 = tpu.memref_slice %arg6[%rem3A_1523, %dma_wait3A_1745, %dma_wait3A_1746, %dma_wait3A_1747] : memref<4x16x8x128xf32, #tpu.memory_space<vmem>> -> memref<1x1x8x128xf32, #tpu.memory_space<vmem>>
      %dma_wait3A_1749 = tpu.memref_squeeze %dma_wait3A_1748 : memref<1x1x8x128xf32, #tpu.memory_space<vmem>> -> memref<8x128xf32, #tpu.memory_space<vmem>>
      %dma_wait3A_1750 = arith.constant 0 : i32
      %dma_wait3A_1751 = arith.constant 0 : i32
      %dma_wait3A_1752 = tpu.memref_slice %arg2[%dma_wait3A_1750, %dma_wait3A_1751] : memref<16384x1664xf32, #tpu.memory_space<hbm>> -> memref<8x128xf32, #tpu.memory_space<hbm>>
      %dma_wait3A_1753 = tpu.memref_slice %arg8[%rem3A_1523] : memref<4x!tpu.dma_semaphore, #tpu.memory_space<semaphore_mem>> -> memref<1x!tpu.dma_semaphore, #tpu.memory_space<semaphore_mem>>
      %dma_wait3A_1754 = tpu.memref_squeeze %dma_wait3A_1753 : memref<1x!tpu.dma_semaphore, #tpu.memory_space<semaphore_mem>> -> memref<!tpu.dma_semaphore, #tpu.memory_space<semaphore_mem>>
      %dma_wait3A_1755 = arith.constant 0 : i32
      %dma_wait3A_1756 = arith.constant 0 : i32
      %dma_wait3A_1757 = tpu.memref_slice %arg6[%rem3A_1523, %dma_wait3A_1745, %dma_wait3A_1755, %dma_wait3A_1756] : memref<4x16x8x128xf32, #tpu.memory_space<vmem>> -> memref<1x1x8x128xf32, #tpu.memory_space<vmem>>
      %dma_wait3A_1758 = tpu.memref_squeeze %dma_wait3A_1757 : memref<1x1x8x128xf32, #tpu.memory_space<vmem>> -> memref<8x128xf32, #tpu.memory_space<vmem>>
      %dma_wait3A_1759 = arith.constant 0 : i32
      %dma_wait3A_1760 = arith.constant 0 : i32
      %dma_wait3A_1761 = tpu.memref_slice %arg2[%dma_wait3A_1759, %dma_wait3A_1760] : memref<16384x1664xf32, #tpu.memory_space<hbm>> -> memref<8x128xf32, #tpu.memory_space<hbm>>
      tpu.wait_dma2 semaphore(%dma_wait3A_1754 : memref<!tpu.dma_semaphore, #tpu.memory_space<semaphore_mem>>) src(%dma_wait3A_1761 : memref<8x128xf32, #tpu.memory_space<hbm>>) dst(%dma_wait3A_1758 : memref<8x128xf32, #tpu.memory_space<vmem>>)
      %dma_wait3A_1762 = arith.constant 14 : i32
      %dma_wait3A_1763 = arith.constant 0 : i32
      %dma_wait3A_1764 = arith.constant 0 : i32
      %dma_wait3A_1765 = tpu.memref_slice %arg6[%rem3A_1523, %dma_wait3A_1762, %dma_wait3A_1763, %dma_wait3A_1764] : memref<4x16x8x128xf32, #tpu.memory_space<vmem>> -> memref<1x1x8x128xf32, #tpu.memory_space<vmem>>
      %dma_wait3A_1766 = tpu.memref_squeeze %dma_wait3A_1765 : memref<1x1x8x128xf32, #tpu.memory_space<vmem>> -> memref<8x128xf32, #tpu.memory_space<vmem>>
      %dma_wait3A_1767 = arith.constant 0 : i32
      %dma_wait3A_1768 = arith.constant 0 : i32
      %dma_wait3A_1769 = tpu.memref_slice %arg2[%dma_wait3A_1767, %dma_wait3A_1768] : memref<16384x1664xf32, #tpu.memory_space<hbm>> -> memref<8x128xf32, #tpu.memory_space<hbm>>
      %dma_wait3A_1770 = tpu.memref_slice %arg8[%rem3A_1523] : memref<4x!tpu.dma_semaphore, #tpu.memory_space<semaphore_mem>> -> memref<1x!tpu.dma_semaphore, #tpu.memory_space<semaphore_mem>>
      %dma_wait3A_1771 = tpu.memref_squeeze %dma_wait3A_1770 : memref<1x!tpu.dma_semaphore, #tpu.memory_space<semaphore_mem>> -> memref<!tpu.dma_semaphore, #tpu.memory_space<semaphore_mem>>
      %dma_wait3A_1772 = arith.constant 0 : i32
      %dma_wait3A_1773 = arith.constant 0 : i32
      %dma_wait3A_1774 = tpu.memref_slice %arg6[%rem3A_1523, %dma_wait3A_1762, %dma_wait3A_1772, %dma_wait3A_1773] : memref<4x16x8x128xf32, #tpu.memory_space<vmem>> -> memref<1x1x8x128xf32, #tpu.memory_space<vmem>>
      %dma_wait3A_1775 = tpu.memref_squeeze %dma_wait3A_1774 : memref<1x1x8x128xf32, #tpu.memory_space<vmem>> -> memref<8x128xf32, #tpu.memory_space<vmem>>
      %dma_wait3A_1776 = arith.constant 0 : i32
      %dma_wait3A_1777 = arith.constant 0 : i32
      %dma_wait3A_1778 = tpu.memref_slice %arg2[%dma_wait3A_1776, %dma_wait3A_1777] : memref<16384x1664xf32, #tpu.memory_space<hbm>> -> memref<8x128xf32, #tpu.memory_space<hbm>>
      tpu.wait_dma2 semaphore(%dma_wait3A_1771 : memref<!tpu.dma_semaphore, #tpu.memory_space<semaphore_mem>>) src(%dma_wait3A_1778 : memref<8x128xf32, #tpu.memory_space<hbm>>) dst(%dma_wait3A_1775 : memref<8x128xf32, #tpu.memory_space<vmem>>)
      %dma_wait3A_1779 = arith.constant 15 : i32
      %dma_wait3A_1780 = arith.constant 0 : i32
      %dma_wait3A_1781 = arith.constant 0 : i32
      %dma_wait3A_1782 = tpu.memref_slice %arg6[%rem3A_1523, %dma_wait3A_1779, %dma_wait3A_1780, %dma_wait3A_1781] : memref<4x16x8x128xf32, #tpu.memory_space<vmem>> -> memref<1x1x8x128xf32, #tpu.memory_space<vmem>>
      %dma_wait3A_1783 = tpu.memref_squeeze %dma_wait3A_1782 : memref<1x1x8x128xf32, #tpu.memory_space<vmem>> -> memref<8x128xf32, #tpu.memory_space<vmem>>
      %dma_wait3A_1784 = arith.constant 0 : i32
      %dma_wait3A_1785 = arith.constant 0 : i32
      %dma_wait3A_1786 = tpu.memref_slice %arg2[%dma_wait3A_1784, %dma_wait3A_1785] : memref<16384x1664xf32, #tpu.memory_space<hbm>> -> memref<8x128xf32, #tpu.memory_space<hbm>>
      %dma_wait3A_1787 = tpu.memref_slice %arg8[%rem3A_1523] : memref<4x!tpu.dma_semaphore, #tpu.memory_space<semaphore_mem>> -> memref<1x!tpu.dma_semaphore, #tpu.memory_space<semaphore_mem>>
      %dma_wait3A_1788 = tpu.memref_squeeze %dma_wait3A_1787 : memref<1x!tpu.dma_semaphore, #tpu.memory_space<semaphore_mem>> -> memref<!tpu.dma_semaphore, #tpu.memory_space<semaphore_mem>>
      %dma_wait3A_1789 = arith.constant 0 : i32
      %dma_wait3A_1790 = arith.constant 0 : i32
      %dma_wait3A_1791 = tpu.memref_slice %arg6[%rem3A_1523, %dma_wait3A_1779, %dma_wait3A_1789, %dma_wait3A_1790] : memref<4x16x8x128xf32, #tpu.memory_space<vmem>> -> memref<1x1x8x128xf32, #tpu.memory_space<vmem>>
      %dma_wait3A_1792 = tpu.memref_squeeze %dma_wait3A_1791 : memref<1x1x8x128xf32, #tpu.memory_space<vmem>> -> memref<8x128xf32, #tpu.memory_space<vmem>>
      %dma_wait3A_1793 = arith.constant 0 : i32
      %dma_wait3A_1794 = arith.constant 0 : i32
      %dma_wait3A_1795 = tpu.memref_slice %arg2[%dma_wait3A_1793, %dma_wait3A_1794] : memref<16384x1664xf32, #tpu.memory_space<hbm>> -> memref<8x128xf32, #tpu.memory_space<hbm>>
      tpu.wait_dma2 semaphore(%dma_wait3A_1788 : memref<!tpu.dma_semaphore, #tpu.memory_space<semaphore_mem>>) src(%dma_wait3A_1795 : memref<8x128xf32, #tpu.memory_space<hbm>>) dst(%dma_wait3A_1792 : memref<8x128xf32, #tpu.memory_space<vmem>>)
      %ge3A = arith.constant 4 : i32
      %ge3A_1796 = arith.cmpi sge, %scan3A_1520, %ge3A : i32
      %convert_element_type3A = arith.extui %ge3A_1796 : i1 to i32
      %cond3A = arith.constant 0 : i32
      %cond3A_1797 = arith.cmpi ne, %convert_element_type3A, %cond3A : i32
      scf.if %cond3A_1797 {
        %sub3A = arith.constant 4 : i32
        %sub3A_2215 = arith.subi %scan3A_1520, %sub3A : i32
        %mul3A_2216 = arith.constant 16 : i32
        %mul3A_2217 = arith.muli %sub3A_2215, %mul3A_2216 : i32
        %add3A_2218 = arith.addi %mul3A_2, %mul3A_2217 : i32
        %dma_wait3A_2219 = arith.constant 0 : i32
        %dma_wait3A_2220 = arith.constant 0 : i32
        %dma_wait3A_2221 = tpu.memref_slice %arg7[%rem3A_1523, %dma_wait3A_2219, %dma_wait3A_2220] : memref<4x16x64xf32, #tpu.memory_space<vmem>> -> memref<1x16x64xf32, #tpu.memory_space<vmem>>
        %dma_wait3A_2222 = tpu.memref_squeeze %dma_wait3A_2221 : memref<1x16x64xf32, #tpu.memory_space<vmem>> -> memref<16x64xf32, #tpu.memory_space<vmem>>
        %dma_wait3A_2223 = arith.constant 0 : i32
        %dma_wait3A_2224 = tpu.memref_slice %arg4[%add3A_2218, %dma_wait3A_2223] : memref<9216x64xf32, #tpu.memory_space<hbm>> -> memref<16x64xf32, #tpu.memory_space<hbm>>
        %dma_wait3A_2225 = tpu.memref_slice %arg9[%rem3A_1523] : memref<4x!tpu.dma_semaphore, #tpu.memory_space<semaphore_mem>> -> memref<1x!tpu.dma_semaphore, #tpu.memory_space<semaphore_mem>>
        %dma_wait3A_2226 = tpu.memref_squeeze %dma_wait3A_2225 : memref<1x!tpu.dma_semaphore, #tpu.memory_space<semaphore_mem>> -> memref<!tpu.dma_semaphore, #tpu.memory_space<semaphore_mem>>
        %dma_wait3A_2227 = arith.constant 0 : i32
        %dma_wait3A_2228 = tpu.memref_slice %arg4[%add3A_2218, %dma_wait3A_2227] : memref<9216x64xf32, #tpu.memory_space<hbm>> -> memref<16x64xf32, #tpu.memory_space<hbm>>
        %dma_wait3A_2229 = arith.constant 0 : i32
        %dma_wait3A_2230 = arith.constant 0 : i32
        %dma_wait3A_2231 = tpu.memref_slice %arg7[%rem3A_1523, %dma_wait3A_2229, %dma_wait3A_2230] : memref<4x16x64xf32, #tpu.memory_space<vmem>> -> memref<1x16x64xf32, #tpu.memory_space<vmem>>
        %dma_wait3A_2232 = tpu.memref_squeeze %dma_wait3A_2231 : memref<1x16x64xf32, #tpu.memory_space<vmem>> -> memref<16x64xf32, #tpu.memory_space<vmem>>
        tpu.wait_dma2 semaphore(%dma_wait3A_2226 : memref<!tpu.dma_semaphore, #tpu.memory_space<semaphore_mem>>) src(%dma_wait3A_2232 : memref<16x64xf32, #tpu.memory_space<vmem>>) dst(%dma_wait3A_2228 : memref<16x64xf32, #tpu.memory_space<hbm>>)
      } else {
      }
      %mul3A_1798 = arith.constant 16 : i32
      %mul3A_1799 = arith.muli %scan3A_1520, %mul3A_1798 : i32
      %get3A_1800 = arith.index_cast %mul3A_1799 : i32 to index
      %get3A_1801 = tpu.vector_load %arg5[%get3A_1800] {strides = array<i32>} : memref<288xi32, #tpu.memory_space<vmem>>, vector<16xi32>,
      %rem3A_1802 = arith.constant 2 : i32
      %rem3A_1803 = vector.broadcast %rem3A_1802 : i32 to vector<16xi32>
      %rem3A_1804 = arith.remsi %get3A_1801, %rem3A_1803 : vector<16xi32>
      %mul3A_1805 = arith.constant 64 : i32
      %mul3A_1806 = vector.broadcast %mul3A_1805 : i32 to vector<16xi32>
      %mul3A_1807 = arith.muli %rem3A_1804, %mul3A_1806 : vector<16xi32>
      %broadcast_in_dim3A = vector.broadcast %rem3A_1523 : i32 to vector<16xi32>
      %add3A_1808 = arith.constant 0 : i32
      %add3A_1809 = vector.broadcast %add3A_1808 : i32 to vector<16xi32>
      %add3A_1810 = arith.addi %mul3A_1807, %add3A_1809 : vector<16xi32>
      %gather3A = tpu.vector_load_idx %arg6[%broadcast_in_dim3A, %iota3A, %rem3A_1438, %add3A_1810] : memref<4x16x8x128xf32, #tpu.memory_space<vmem>>[vector<16xi32>, vector<16xi32>, vector<16xi32>, vector<16xi32>], vector<16xf32>,
      %broadcast_in_dim3A_1811 = arith.constant 0 : i32
      %broadcast_in_dim3A_1812 = vector.broadcast %broadcast_in_dim3A_1811 : i32 to vector<16xi32>
      tpu.vector_store_idx %arg7[%broadcast_in_dim3A, %iota3A, %broadcast_in_dim3A_1812], %gather3A : memref<4x16x64xf32, #tpu.memory_space<vmem>>[vector<16xi32>, vector<16xi32>, vector<16xi32>], vector<16xf32>,
      %add3A_1813 = arith.constant 1 : i32
      %add3A_1814 = vector.broadcast %add3A_1813 : i32 to vector<16xi32>
      %add3A_1815 = arith.addi %mul3A_1807, %add3A_1814 : vector<16xi32>
      %gather3A_1816 = tpu.vector_load_idx %arg6[%broadcast_in_dim3A, %iota3A, %rem3A_1438, %add3A_1815] : memref<4x16x8x128xf32, #tpu.memory_space<vmem>>[vector<16xi32>, vector<16xi32>, vector<16xi32>, vector<16xi32>], vector<16xf32>,
      %broadcast_in_dim3A_1817 = arith.constant 1 : i32
      %broadcast_in_dim3A_1818 = vector.broadcast %broadcast_in_dim3A_1817 : i32 to vector<16xi32>
      tpu.vector_store_idx %arg7[%broadcast_in_dim3A, %iota3A, %broadcast_in_dim3A_1818], %gather3A_1816 : memref<4x16x64xf32, #tpu.memory_space<vmem>>[vector<16xi32>, vector<16xi32>, vector<16xi32>], vector<16xf32>,
      %add3A_1819 = arith.constant 2 : i32
      %add3A_1820 = vector.broadcast %add3A_1819 : i32 to vector<16xi32>
      %add3A_1821 = arith.addi %mul3A_1807, %add3A_1820 : vector<16xi32>
      %gather3A_1822 = tpu.vector_load_idx %arg6[%broadcast_in_dim3A, %iota3A, %rem3A_1438, %add3A_1821] : memref<4x16x8x128xf32, #tpu.memory_space<vmem>>[vector<16xi32>, vector<16xi32>, vector<16xi32>, vector<16xi32>], vector<16xf32>,
      %broadcast_in_dim3A_1823 = arith.constant 2 : i32
      %broadcast_in_dim3A_1824 = vector.broadcast %broadcast_in_dim3A_1823 : i32 to vector<16xi32>
      tpu.vector_store_idx %arg7[%broadcast_in_dim3A, %iota3A, %broadcast_in_dim3A_1824], %gather3A_1822 : memref<4x16x64xf32, #tpu.memory_space<vmem>>[vector<16xi32>, vector<16xi32>, vector<16xi32>], vector<16xf32>,
      %add3A_1825 = arith.constant 3 : i32
      %add3A_1826 = vector.broadcast %add3A_1825 : i32 to vector<16xi32>
      %add3A_1827 = arith.addi %mul3A_1807, %add3A_1826 : vector<16xi32>
      %gather3A_1828 = tpu.vector_load_idx %arg6[%broadcast_in_dim3A, %iota3A, %rem3A_1438, %add3A_1827] : memref<4x16x8x128xf32, #tpu.memory_space<vmem>>[vector<16xi32>, vector<16xi32>, vector<16xi32>, vector<16xi32>], vector<16xf32>,
      %broadcast_in_dim3A_1829 = arith.constant 3 : i32
      %broadcast_in_dim3A_1830 = vector.broadcast %broadcast_in_dim3A_1829 : i32 to vector<16xi32>
      tpu.vector_store_idx %arg7[%broadcast_in_dim3A, %iota3A, %broadcast_in_dim3A_1830], %gather3A_1828 : memref<4x16x64xf32, #tpu.memory_space<vmem>>[vector<16xi32>, vector<16xi32>, vector<16xi32>], vector<16xf32>,
      %add3A_1831 = arith.constant 4 : i32
      %add3A_1832 = vector.broadcast %add3A_1831 : i32 to vector<16xi32>
      %add3A_1833 = arith.addi %mul3A_1807, %add3A_1832 : vector<16xi32>
      %gather3A_1834 = tpu.vector_load_idx %arg6[%broadcast_in_dim3A, %iota3A, %rem3A_1438, %add3A_1833] : memref<4x16x8x128xf32, #tpu.memory_space<vmem>>[vector<16xi32>, vector<16xi32>, vector<16xi32>, vector<16xi32>], vector<16xf32>,
      %broadcast_in_dim3A_1835 = arith.constant 4 : i32
      %broadcast_in_dim3A_1836 = vector.broadcast %broadcast_in_dim3A_1835 : i32 to vector<16xi32>
      tpu.vector_store_idx %arg7[%broadcast_in_dim3A, %iota3A, %broadcast_in_dim3A_1836], %gather3A_1834 : memref<4x16x64xf32, #tpu.memory_space<vmem>>[vector<16xi32>, vector<16xi32>, vector<16xi32>], vector<16xf32>,
      %add3A_1837 = arith.constant 5 : i32
      %add3A_1838 = vector.broadcast %add3A_1837 : i32 to vector<16xi32>
      %add3A_1839 = arith.addi %mul3A_1807, %add3A_1838 : vector<16xi32>
      %gather3A_1840 = tpu.vector_load_idx %arg6[%broadcast_in_dim3A, %iota3A, %rem3A_1438, %add3A_1839] : memref<4x16x8x128xf32, #tpu.memory_space<vmem>>[vector<16xi32>, vector<16xi32>, vector<16xi32>, vector<16xi32>], vector<16xf32>,
      %broadcast_in_dim3A_1841 = arith.constant 5 : i32
      %broadcast_in_dim3A_1842 = vector.broadcast %broadcast_in_dim3A_1841 : i32 to vector<16xi32>
      tpu.vector_store_idx %arg7[%broadcast_in_dim3A, %iota3A, %broadcast_in_dim3A_1842], %gather3A_1840 : memref<4x16x64xf32, #tpu.memory_space<vmem>>[vector<16xi32>, vector<16xi32>, vector<16xi32>], vector<16xf32>,
      %add3A_1843 = arith.constant 6 : i32
      %add3A_1844 = vector.broadcast %add3A_1843 : i32 to vector<16xi32>
      %add3A_1845 = arith.addi %mul3A_1807, %add3A_1844 : vector<16xi32>
      %gather3A_1846 = tpu.vector_load_idx %arg6[%broadcast_in_dim3A, %iota3A, %rem3A_1438, %add3A_1845] : memref<4x16x8x128xf32, #tpu.memory_space<vmem>>[vector<16xi32>, vector<16xi32>, vector<16xi32>, vector<16xi32>], vector<16xf32>,
      %broadcast_in_dim3A_1847 = arith.constant 6 : i32
      %broadcast_in_dim3A_1848 = vector.broadcast %broadcast_in_dim3A_1847 : i32 to vector<16xi32>
      tpu.vector_store_idx %arg7[%broadcast_in_dim3A, %iota3A, %broadcast_in_dim3A_1848], %gather3A_1846 : memref<4x16x64xf32, #tpu.memory_space<vmem>>[vector<16xi32>, vector<16xi32>, vector<16xi32>], vector<16xf32>,
      %add3A_1849 = arith.constant 7 : i32
      %add3A_1850 = vector.broadcast %add3A_1849 : i32 to vector<16xi32>
      %add3A_1851 = arith.addi %mul3A_1807, %add3A_1850 : vector<16xi32>
      %gather3A_1852 = tpu.vector_load_idx %arg6[%broadcast_in_dim3A, %iota3A, %rem3A_1438, %add3A_1851] : memref<4x16x8x128xf32, #tpu.memory_space<vmem>>[vector<16xi32>, vector<16xi32>, vector<16xi32>, vector<16xi32>], vector<16xf32>,
      %broadcast_in_dim3A_1853 = arith.constant 7 : i32
      %broadcast_in_dim3A_1854 = vector.broadcast %broadcast_in_dim3A_1853 : i32 to vector<16xi32>
      tpu.vector_store_idx %arg7[%broadcast_in_dim3A, %iota3A, %broadcast_in_dim3A_1854], %gather3A_1852 : memref<4x16x64xf32, #tpu.memory_space<vmem>>[vector<16xi32>, vector<16xi32>, vector<16xi32>], vector<16xf32>,
      %add3A_1855 = arith.constant 8 : i32
      %add3A_1856 = vector.broadcast %add3A_1855 : i32 to vector<16xi32>
      %add3A_1857 = arith.addi %mul3A_1807, %add3A_1856 : vector<16xi32>
      %gather3A_1858 = tpu.vector_load_idx %arg6[%broadcast_in_dim3A, %iota3A, %rem3A_1438, %add3A_1857] : memref<4x16x8x128xf32, #tpu.memory_space<vmem>>[vector<16xi32>, vector<16xi32>, vector<16xi32>, vector<16xi32>], vector<16xf32>,
      %broadcast_in_dim3A_1859 = arith.constant 8 : i32
      %broadcast_in_dim3A_1860 = vector.broadcast %broadcast_in_dim3A_1859 : i32 to vector<16xi32>
      tpu.vector_store_idx %arg7[%broadcast_in_dim3A, %iota3A, %broadcast_in_dim3A_1860], %gather3A_1858 : memref<4x16x64xf32, #tpu.memory_space<vmem>>[vector<16xi32>, vector<16xi32>, vector<16xi32>], vector<16xf32>,
      %add3A_1861 = arith.constant 9 : i32
      %add3A_1862 = vector.broadcast %add3A_1861 : i32 to vector<16xi32>
      %add3A_1863 = arith.addi %mul3A_1807, %add3A_1862 : vector<16xi32>
      %gather3A_1864 = tpu.vector_load_idx %arg6[%broadcast_in_dim3A, %iota3A, %rem3A_1438, %add3A_1863] : memref<4x16x8x128xf32, #tpu.memory_space<vmem>>[vector<16xi32>, vector<16xi32>, vector<16xi32>, vector<16xi32>], vector<16xf32>,
      %broadcast_in_dim3A_1865 = arith.constant 9 : i32
      %broadcast_in_dim3A_1866 = vector.broadcast %broadcast_in_dim3A_1865 : i32 to vector<16xi32>
      tpu.vector_store_idx %arg7[%broadcast_in_dim3A, %iota3A, %broadcast_in_dim3A_1866], %gather3A_1864 : memref<4x16x64xf32, #tpu.memory_space<vmem>>[vector<16xi32>, vector<16xi32>, vector<16xi32>], vector<16xf32>,
      %add3A_1867 = arith.constant 10 : i32
      %add3A_1868 = vector.broadcast %add3A_1867 : i32 to vector<16xi32>
      %add3A_1869 = arith.addi %mul3A_1807, %add3A_1868 : vector<16xi32>
      %gather3A_1870 = tpu.vector_load_idx %arg6[%broadcast_in_dim3A, %iota3A, %rem3A_1438, %add3A_1869] : memref<4x16x8x128xf32, #tpu.memory_space<vmem>>[vector<16xi32>, vector<16xi32>, vector<16xi32>, vector<16xi32>], vector<16xf32>,
      %broadcast_in_dim3A_1871 = arith.constant 10 : i32
      %broadcast_in_dim3A_1872 = vector.broadcast %broadcast_in_dim3A_1871 : i32 to vector<16xi32>
      tpu.vector_store_idx %arg7[%broadcast_in_dim3A, %iota3A, %broadcast_in_dim3A_1872], %gather3A_1870 : memref<4x16x64xf32, #tpu.memory_space<vmem>>[vector<16xi32>, vector<16xi32>, vector<16xi32>], vector<16xf32>,
      %add3A_1873 = arith.constant 11 : i32
      %add3A_1874 = vector.broadcast %add3A_1873 : i32 to vector<16xi32>
      %add3A_1875 = arith.addi %mul3A_1807, %add3A_1874 : vector<16xi32>
      %gather3A_1876 = tpu.vector_load_idx %arg6[%broadcast_in_dim3A, %iota3A, %rem3A_1438, %add3A_1875] : memref<4x16x8x128xf32, #tpu.memory_space<vmem>>[vector<16xi32>, vector<16xi32>, vector<16xi32>, vector<16xi32>], vector<16xf32>,
      %broadcast_in_dim3A_1877 = arith.constant 11 : i32
      %broadcast_in_dim3A_1878 = vector.broadcast %broadcast_in_dim3A_1877 : i32 to vector<16xi32>
      tpu.vector_store_idx %arg7[%broadcast_in_dim3A, %iota3A, %broadcast_in_dim3A_1878], %gather3A_1876 : memref<4x16x64xf32, #tpu.memory_space<vmem>>[vector<16xi32>, vector<16xi32>, vector<16xi32>], vector<16xf32>,
      %add3A_1879 = arith.constant 12 : i32
      %add3A_1880 = vector.broadcast %add3A_1879 : i32 to vector<16xi32>
      %add3A_1881 = arith.addi %mul3A_1807, %add3A_1880 : vector<16xi32>
      %gather3A_1882 = tpu.vector_load_idx %arg6[%broadcast_in_dim3A, %iota3A, %rem3A_1438, %add3A_1881] : memref<4x16x8x128xf32, #tpu.memory_space<vmem>>[vector<16xi32>, vector<16xi32>, vector<16xi32>, vector<16xi32>], vector<16xf32>,
      %broadcast_in_dim3A_1883 = arith.constant 12 : i32
      %broadcast_in_dim3A_1884 = vector.broadcast %broadcast_in_dim3A_1883 : i32 to vector<16xi32>
      tpu.vector_store_idx %arg7[%broadcast_in_dim3A, %iota3A, %broadcast_in_dim3A_1884], %gather3A_1882 : memref<4x16x64xf32, #tpu.memory_space<vmem>>[vector<16xi32>, vector<16xi32>, vector<16xi32>], vector<16xf32>,
      %add3A_1885 = arith.constant 13 : i32
      %add3A_1886 = vector.broadcast %add3A_1885 : i32 to vector<16xi32>
      %add3A_1887 = arith.addi %mul3A_1807, %add3A_1886 : vector<16xi32>
      %gather3A_1888 = tpu.vector_load_idx %arg6[%broadcast_in_dim3A, %iota3A, %rem3A_1438, %add3A_1887] : memref<4x16x8x128xf32, #tpu.memory_space<vmem>>[vector<16xi32>, vector<16xi32>, vector<16xi32>, vector<16xi32>], vector<16xf32>,
      %broadcast_in_dim3A_1889 = arith.constant 13 : i32
      %broadcast_in_dim3A_1890 = vector.broadcast %broadcast_in_dim3A_1889 : i32 to vector<16xi32>
      tpu.vector_store_idx %arg7[%broadcast_in_dim3A, %iota3A, %broadcast_in_dim3A_1890], %gather3A_1888 : memref<4x16x64xf32, #tpu.memory_space<vmem>>[vector<16xi32>, vector<16xi32>, vector<16xi32>], vector<16xf32>,
      %add3A_1891 = arith.constant 14 : i32
      %add3A_1892 = vector.broadcast %add3A_1891 : i32 to vector<16xi32>
      %add3A_1893 = arith.addi %mul3A_1807, %add3A_1892 : vector<16xi32>
      %gather3A_1894 = tpu.vector_load_idx %arg6[%broadcast_in_dim3A, %iota3A, %rem3A_1438, %add3A_1893] : memref<4x16x8x128xf32, #tpu.memory_space<vmem>>[vector<16xi32>, vector<16xi32>, vector<16xi32>, vector<16xi32>], vector<16xf32>,
      %broadcast_in_dim3A_1895 = arith.constant 14 : i32
      %broadcast_in_dim3A_1896 = vector.broadcast %broadcast_in_dim3A_1895 : i32 to vector<16xi32>
      tpu.vector_store_idx %arg7[%broadcast_in_dim3A, %iota3A, %broadcast_in_dim3A_1896], %gather3A_1894 : memref<4x16x64xf32, #tpu.memory_space<vmem>>[vector<16xi32>, vector<16xi32>, vector<16xi32>], vector<16xf32>,
      %add3A_1897 = arith.constant 15 : i32
      %add3A_1898 = vector.broadcast %add3A_1897 : i32 to vector<16xi32>
      %add3A_1899 = arith.addi %mul3A_1807, %add3A_1898 : vector<16xi32>
      %gather3A_1900 = tpu.vector_load_idx %arg6[%broadcast_in_dim3A, %iota3A, %rem3A_1438, %add3A_1899] : memref<4x16x8x128xf32, #tpu.memory_space<vmem>>[vector<16xi32>, vector<16xi32>, vector<16xi32>, vector<16xi32>], vector<16xf32>,
      %broadcast_in_dim3A_1901 = arith.constant 15 : i32
      %broadcast_in_dim3A_1902 = vector.broadcast %broadcast_in_dim3A_1901 : i32 to vector<16xi32>
      tpu.vector_store_idx %arg7[%broadcast_in_dim3A, %iota3A, %broadcast_in_dim3A_1902], %gather3A_1900 : memref<4x16x64xf32, #tpu.memory_space<vmem>>[vector<16xi32>, vector<16xi32>, vector<16xi32>], vector<16xf32>,
      %add3A_1903 = arith.constant 16 : i32
      %add3A_1904 = vector.broadcast %add3A_1903 : i32 to vector<16xi32>
      %add3A_1905 = arith.addi %mul3A_1807, %add3A_1904 : vector<16xi32>
      %gather3A_1906 = tpu.vector_load_idx %arg6[%broadcast_in_dim3A, %iota3A, %rem3A_1438, %add3A_1905] : memref<4x16x8x128xf32, #tpu.memory_space<vmem>>[vector<16xi32>, vector<16xi32>, vector<16xi32>, vector<16xi32>], vector<16xf32>,
      %broadcast_in_dim3A_1907 = arith.constant 16 : i32
      %broadcast_in_dim3A_1908 = vector.broadcast %broadcast_in_dim3A_1907 : i32 to vector<16xi32>
      tpu.vector_store_idx %arg7[%broadcast_in_dim3A, %iota3A, %broadcast_in_dim3A_1908], %gather3A_1906 : memref<4x16x64xf32, #tpu.memory_space<vmem>>[vector<16xi32>, vector<16xi32>, vector<16xi32>], vector<16xf32>,
      %add3A_1909 = arith.constant 17 : i32
      %add3A_1910 = vector.broadcast %add3A_1909 : i32 to vector<16xi32>
      %add3A_1911 = arith.addi %mul3A_1807, %add3A_1910 : vector<16xi32>
      %gather3A_1912 = tpu.vector_load_idx %arg6[%broadcast_in_dim3A, %iota3A, %rem3A_1438, %add3A_1911] : memref<4x16x8x128xf32, #tpu.memory_space<vmem>>[vector<16xi32>, vector<16xi32>, vector<16xi32>, vector<16xi32>], vector<16xf32>,
      %broadcast_in_dim3A_1913 = arith.constant 17 : i32
      %broadcast_in_dim3A_1914 = vector.broadcast %broadcast_in_dim3A_1913 : i32 to vector<16xi32>
      tpu.vector_store_idx %arg7[%broadcast_in_dim3A, %iota3A, %broadcast_in_dim3A_1914], %gather3A_1912 : memref<4x16x64xf32, #tpu.memory_space<vmem>>[vector<16xi32>, vector<16xi32>, vector<16xi32>], vector<16xf32>,
      %add3A_1915 = arith.constant 18 : i32
      %add3A_1916 = vector.broadcast %add3A_1915 : i32 to vector<16xi32>
      %add3A_1917 = arith.addi %mul3A_1807, %add3A_1916 : vector<16xi32>
      %gather3A_1918 = tpu.vector_load_idx %arg6[%broadcast_in_dim3A, %iota3A, %rem3A_1438, %add3A_1917] : memref<4x16x8x128xf32, #tpu.memory_space<vmem>>[vector<16xi32>, vector<16xi32>, vector<16xi32>, vector<16xi32>], vector<16xf32>,
      %broadcast_in_dim3A_1919 = arith.constant 18 : i32
      %broadcast_in_dim3A_1920 = vector.broadcast %broadcast_in_dim3A_1919 : i32 to vector<16xi32>
      tpu.vector_store_idx %arg7[%broadcast_in_dim3A, %iota3A, %broadcast_in_dim3A_1920], %gather3A_1918 : memref<4x16x64xf32, #tpu.memory_space<vmem>>[vector<16xi32>, vector<16xi32>, vector<16xi32>], vector<16xf32>,
      %add3A_1921 = arith.constant 19 : i32
      %add3A_1922 = vector.broadcast %add3A_1921 : i32 to vector<16xi32>
      %add3A_1923 = arith.addi %mul3A_1807, %add3A_1922 : vector<16xi32>
      %gather3A_1924 = tpu.vector_load_idx %arg6[%broadcast_in_dim3A, %iota3A, %rem3A_1438, %add3A_1923] : memref<4x16x8x128xf32, #tpu.memory_space<vmem>>[vector<16xi32>, vector<16xi32>, vector<16xi32>, vector<16xi32>], vector<16xf32>,
      %broadcast_in_dim3A_1925 = arith.constant 19 : i32
      %broadcast_in_dim3A_1926 = vector.broadcast %broadcast_in_dim3A_1925 : i32 to vector<16xi32>
      tpu.vector_store_idx %arg7[%broadcast_in_dim3A, %iota3A, %broadcast_in_dim3A_1926], %gather3A_1924 : memref<4x16x64xf32, #tpu.memory_space<vmem>>[vector<16xi32>, vector<16xi32>, vector<16xi32>], vector<16xf32>,
      %add3A_1927 = arith.constant 20 : i32
      %add3A_1928 = vector.broadcast %add3A_1927 : i32 to vector<16xi32>
      %add3A_1929 = arith.addi %mul3A_1807, %add3A_1928 : vector<16xi32>
      %gather3A_1930 = tpu.vector_load_idx %arg6[%broadcast_in_dim3A, %iota3A, %rem3A_1438, %add3A_1929] : memref<4x16x8x128xf32, #tpu.memory_space<vmem>>[vector<16xi32>, vector<16xi32>, vector<16xi32>, vector<16xi32>], vector<16xf32>,
      %broadcast_in_dim3A_1931 = arith.constant 20 : i32
      %broadcast_in_dim3A_1932 = vector.broadcast %broadcast_in_dim3A_1931 : i32 to vector<16xi32>
      tpu.vector_store_idx %arg7[%broadcast_in_dim3A, %iota3A, %broadcast_in_dim3A_1932], %gather3A_1930 : memref<4x16x64xf32, #tpu.memory_space<vmem>>[vector<16xi32>, vector<16xi32>, vector<16xi32>], vector<16xf32>,
      %add3A_1933 = arith.constant 21 : i32
      %add3A_1934 = vector.broadcast %add3A_1933 : i32 to vector<16xi32>
      %add3A_1935 = arith.addi %mul3A_1807, %add3A_1934 : vector<16xi32>
      %gather3A_1936 = tpu.vector_load_idx %arg6[%broadcast_in_dim3A, %iota3A, %rem3A_1438, %add3A_1935] : memref<4x16x8x128xf32, #tpu.memory_space<vmem>>[vector<16xi32>, vector<16xi32>, vector<16xi32>, vector<16xi32>], vector<16xf32>,
      %broadcast_in_dim3A_1937 = arith.constant 21 : i32
      %broadcast_in_dim3A_1938 = vector.broadcast %broadcast_in_dim3A_1937 : i32 to vector<16xi32>
      tpu.vector_store_idx %arg7[%broadcast_in_dim3A, %iota3A, %broadcast_in_dim3A_1938], %gather3A_1936 : memref<4x16x64xf32, #tpu.memory_space<vmem>>[vector<16xi32>, vector<16xi32>, vector<16xi32>], vector<16xf32>,
      %add3A_1939 = arith.constant 22 : i32
      %add3A_1940 = vector.broadcast %add3A_1939 : i32 to vector<16xi32>
      %add3A_1941 = arith.addi %mul3A_1807, %add3A_1940 : vector<16xi32>
      %gather3A_1942 = tpu.vector_load_idx %arg6[%broadcast_in_dim3A, %iota3A, %rem3A_1438, %add3A_1941] : memref<4x16x8x128xf32, #tpu.memory_space<vmem>>[vector<16xi32>, vector<16xi32>, vector<16xi32>, vector<16xi32>], vector<16xf32>,
      %broadcast_in_dim3A_1943 = arith.constant 22 : i32
      %broadcast_in_dim3A_1944 = vector.broadcast %broadcast_in_dim3A_1943 : i32 to vector<16xi32>
      tpu.vector_store_idx %arg7[%broadcast_in_dim3A, %iota3A, %broadcast_in_dim3A_1944], %gather3A_1942 : memref<4x16x64xf32, #tpu.memory_space<vmem>>[vector<16xi32>, vector<16xi32>, vector<16xi32>], vector<16xf32>,
      %add3A_1945 = arith.constant 23 : i32
      %add3A_1946 = vector.broadcast %add3A_1945 : i32 to vector<16xi32>
      %add3A_1947 = arith.addi %mul3A_1807, %add3A_1946 : vector<16xi32>
      %gather3A_1948 = tpu.vector_load_idx %arg6[%broadcast_in_dim3A, %iota3A, %rem3A_1438, %add3A_1947] : memref<4x16x8x128xf32, #tpu.memory_space<vmem>>[vector<16xi32>, vector<16xi32>, vector<16xi32>, vector<16xi32>], vector<16xf32>,
      %broadcast_in_dim3A_1949 = arith.constant 23 : i32
      %broadcast_in_dim3A_1950 = vector.broadcast %broadcast_in_dim3A_1949 : i32 to vector<16xi32>
      tpu.vector_store_idx %arg7[%broadcast_in_dim3A, %iota3A, %broadcast_in_dim3A_1950], %gather3A_1948 : memref<4x16x64xf32, #tpu.memory_space<vmem>>[vector<16xi32>, vector<16xi32>, vector<16xi32>], vector<16xf32>,
      %add3A_1951 = arith.constant 24 : i32
      %add3A_1952 = vector.broadcast %add3A_1951 : i32 to vector<16xi32>
      %add3A_1953 = arith.addi %mul3A_1807, %add3A_1952 : vector<16xi32>
      %gather3A_1954 = tpu.vector_load_idx %arg6[%broadcast_in_dim3A, %iota3A, %rem3A_1438, %add3A_1953] : memref<4x16x8x128xf32, #tpu.memory_space<vmem>>[vector<16xi32>, vector<16xi32>, vector<16xi32>, vector<16xi32>], vector<16xf32>,
      %broadcast_in_dim3A_1955 = arith.constant 24 : i32
      %broadcast_in_dim3A_1956 = vector.broadcast %broadcast_in_dim3A_1955 : i32 to vector<16xi32>
      tpu.vector_store_idx %arg7[%broadcast_in_dim3A, %iota3A, %broadcast_in_dim3A_1956], %gather3A_1954 : memref<4x16x64xf32, #tpu.memory_space<vmem>>[vector<16xi32>, vector<16xi32>, vector<16xi32>], vector<16xf32>,
      %add3A_1957 = arith.constant 25 : i32
      %add3A_1958 = vector.broadcast %add3A_1957 : i32 to vector<16xi32>
      %add3A_1959 = arith.addi %mul3A_1807, %add3A_1958 : vector<16xi32>
      %gather3A_1960 = tpu.vector_load_idx %arg6[%broadcast_in_dim3A, %iota3A, %rem3A_1438, %add3A_1959] : memref<4x16x8x128xf32, #tpu.memory_space<vmem>>[vector<16xi32>, vector<16xi32>, vector<16xi32>, vector<16xi32>], vector<16xf32>,
      %broadcast_in_dim3A_1961 = arith.constant 25 : i32
      %broadcast_in_dim3A_1962 = vector.broadcast %broadcast_in_dim3A_1961 : i32 to vector<16xi32>
      tpu.vector_store_idx %arg7[%broadcast_in_dim3A, %iota3A, %broadcast_in_dim3A_1962], %gather3A_1960 : memref<4x16x64xf32, #tpu.memory_space<vmem>>[vector<16xi32>, vector<16xi32>, vector<16xi32>], vector<16xf32>,
      %add3A_1963 = arith.constant 26 : i32
      %add3A_1964 = vector.broadcast %add3A_1963 : i32 to vector<16xi32>
      %add3A_1965 = arith.addi %mul3A_1807, %add3A_1964 : vector<16xi32>
      %gather3A_1966 = tpu.vector_load_idx %arg6[%broadcast_in_dim3A, %iota3A, %rem3A_1438, %add3A_1965] : memref<4x16x8x128xf32, #tpu.memory_space<vmem>>[vector<16xi32>, vector<16xi32>, vector<16xi32>, vector<16xi32>], vector<16xf32>,
      %broadcast_in_dim3A_1967 = arith.constant 26 : i32
      %broadcast_in_dim3A_1968 = vector.broadcast %broadcast_in_dim3A_1967 : i32 to vector<16xi32>
      tpu.vector_store_idx %arg7[%broadcast_in_dim3A, %iota3A, %broadcast_in_dim3A_1968], %gather3A_1966 : memref<4x16x64xf32, #tpu.memory_space<vmem>>[vector<16xi32>, vector<16xi32>, vector<16xi32>], vector<16xf32>,
      %add3A_1969 = arith.constant 27 : i32
      %add3A_1970 = vector.broadcast %add3A_1969 : i32 to vector<16xi32>
      %add3A_1971 = arith.addi %mul3A_1807, %add3A_1970 : vector<16xi32>
      %gather3A_1972 = tpu.vector_load_idx %arg6[%broadcast_in_dim3A, %iota3A, %rem3A_1438, %add3A_1971] : memref<4x16x8x128xf32, #tpu.memory_space<vmem>>[vector<16xi32>, vector<16xi32>, vector<16xi32>, vector<16xi32>], vector<16xf32>,
      %broadcast_in_dim3A_1973 = arith.constant 27 : i32
      %broadcast_in_dim3A_1974 = vector.broadcast %broadcast_in_dim3A_1973 : i32 to vector<16xi32>
      tpu.vector_store_idx %arg7[%broadcast_in_dim3A, %iota3A, %broadcast_in_dim3A_1974], %gather3A_1972 : memref<4x16x64xf32, #tpu.memory_space<vmem>>[vector<16xi32>, vector<16xi32>, vector<16xi32>], vector<16xf32>,
      %add3A_1975 = arith.constant 28 : i32
      %add3A_1976 = vector.broadcast %add3A_1975 : i32 to vector<16xi32>
      %add3A_1977 = arith.addi %mul3A_1807, %add3A_1976 : vector<16xi32>
      %gather3A_1978 = tpu.vector_load_idx %arg6[%broadcast_in_dim3A, %iota3A, %rem3A_1438, %add3A_1977] : memref<4x16x8x128xf32, #tpu.memory_space<vmem>>[vector<16xi32>, vector<16xi32>, vector<16xi32>, vector<16xi32>], vector<16xf32>,
      %broadcast_in_dim3A_1979 = arith.constant 28 : i32
      %broadcast_in_dim3A_1980 = vector.broadcast %broadcast_in_dim3A_1979 : i32 to vector<16xi32>
      tpu.vector_store_idx %arg7[%broadcast_in_dim3A, %iota3A, %broadcast_in_dim3A_1980], %gather3A_1978 : memref<4x16x64xf32, #tpu.memory_space<vmem>>[vector<16xi32>, vector<16xi32>, vector<16xi32>], vector<16xf32>,
      %add3A_1981 = arith.constant 29 : i32
      %add3A_1982 = vector.broadcast %add3A_1981 : i32 to vector<16xi32>
      %add3A_1983 = arith.addi %mul3A_1807, %add3A_1982 : vector<16xi32>
      %gather3A_1984 = tpu.vector_load_idx %arg6[%broadcast_in_dim3A, %iota3A, %rem3A_1438, %add3A_1983] : memref<4x16x8x128xf32, #tpu.memory_space<vmem>>[vector<16xi32>, vector<16xi32>, vector<16xi32>, vector<16xi32>], vector<16xf32>,
      %broadcast_in_dim3A_1985 = arith.constant 29 : i32
      %broadcast_in_dim3A_1986 = vector.broadcast %broadcast_in_dim3A_1985 : i32 to vector<16xi32>
      tpu.vector_store_idx %arg7[%broadcast_in_dim3A, %iota3A, %broadcast_in_dim3A_1986], %gather3A_1984 : memref<4x16x64xf32, #tpu.memory_space<vmem>>[vector<16xi32>, vector<16xi32>, vector<16xi32>], vector<16xf32>,
      %add3A_1987 = arith.constant 30 : i32
      %add3A_1988 = vector.broadcast %add3A_1987 : i32 to vector<16xi32>
      %add3A_1989 = arith.addi %mul3A_1807, %add3A_1988 : vector<16xi32>
      %gather3A_1990 = tpu.vector_load_idx %arg6[%broadcast_in_dim3A, %iota3A, %rem3A_1438, %add3A_1989] : memref<4x16x8x128xf32, #tpu.memory_space<vmem>>[vector<16xi32>, vector<16xi32>, vector<16xi32>, vector<16xi32>], vector<16xf32>,
      %broadcast_in_dim3A_1991 = arith.constant 30 : i32
      %broadcast_in_dim3A_1992 = vector.broadcast %broadcast_in_dim3A_1991 : i32 to vector<16xi32>
      tpu.vector_store_idx %arg7[%broadcast_in_dim3A, %iota3A, %broadcast_in_dim3A_1992], %gather3A_1990 : memref<4x16x64xf32, #tpu.memory_space<vmem>>[vector<16xi32>, vector<16xi32>, vector<16xi32>], vector<16xf32>,
      %add3A_1993 = arith.constant 31 : i32
      %add3A_1994 = vector.broadcast %add3A_1993 : i32 to vector<16xi32>
      %add3A_1995 = arith.addi %mul3A_1807, %add3A_1994 : vector<16xi32>
      %gather3A_1996 = tpu.vector_load_idx %arg6[%broadcast_in_dim3A, %iota3A, %rem3A_1438, %add3A_1995] : memref<4x16x8x128xf32, #tpu.memory_space<vmem>>[vector<16xi32>, vector<16xi32>, vector<16xi32>, vector<16xi32>], vector<16xf32>,
      %broadcast_in_dim3A_1997 = arith.constant 31 : i32
      %broadcast_in_dim3A_1998 = vector.broadcast %broadcast_in_dim3A_1997 : i32 to vector<16xi32>
      tpu.vector_store_idx %arg7[%broadcast_in_dim3A, %iota3A, %broadcast_in_dim3A_1998], %gather3A_1996 : memref<4x16x64xf32, #tpu.memory_space<vmem>>[vector<16xi32>, vector<16xi32>, vector<16xi32>], vector<16xf32>,
      %add3A_1999 = arith.constant 32 : i32
      %add3A_2000 = vector.broadcast %add3A_1999 : i32 to vector<16xi32>
      %add3A_2001 = arith.addi %mul3A_1807, %add3A_2000 : vector<16xi32>
      %gather3A_2002 = tpu.vector_load_idx %arg6[%broadcast_in_dim3A, %iota3A, %rem3A_1438, %add3A_2001] : memref<4x16x8x128xf32, #tpu.memory_space<vmem>>[vector<16xi32>, vector<16xi32>, vector<16xi32>, vector<16xi32>], vector<16xf32>,
      %broadcast_in_dim3A_2003 = arith.constant 32 : i32
      %broadcast_in_dim3A_2004 = vector.broadcast %broadcast_in_dim3A_2003 : i32 to vector<16xi32>
      tpu.vector_store_idx %arg7[%broadcast_in_dim3A, %iota3A, %broadcast_in_dim3A_2004], %gather3A_2002 : memref<4x16x64xf32, #tpu.memory_space<vmem>>[vector<16xi32>, vector<16xi32>, vector<16xi32>], vector<16xf32>,
      %add3A_2005 = arith.constant 33 : i32
      %add3A_2006 = vector.broadcast %add3A_2005 : i32 to vector<16xi32>
      %add3A_2007 = arith.addi %mul3A_1807, %add3A_2006 : vector<16xi32>
      %gather3A_2008 = tpu.vector_load_idx %arg6[%broadcast_in_dim3A, %iota3A, %rem3A_1438, %add3A_2007] : memref<4x16x8x128xf32, #tpu.memory_space<vmem>>[vector<16xi32>, vector<16xi32>, vector<16xi32>, vector<16xi32>], vector<16xf32>,
      %broadcast_in_dim3A_2009 = arith.constant 33 : i32
      %broadcast_in_dim3A_2010 = vector.broadcast %broadcast_in_dim3A_2009 : i32 to vector<16xi32>
      tpu.vector_store_idx %arg7[%broadcast_in_dim3A, %iota3A, %broadcast_in_dim3A_2010], %gather3A_2008 : memref<4x16x64xf32, #tpu.memory_space<vmem>>[vector<16xi32>, vector<16xi32>, vector<16xi32>], vector<16xf32>,
      %add3A_2011 = arith.constant 34 : i32
      %add3A_2012 = vector.broadcast %add3A_2011 : i32 to vector<16xi32>
      %add3A_2013 = arith.addi %mul3A_1807, %add3A_2012 : vector<16xi32>
      %gather3A_2014 = tpu.vector_load_idx %arg6[%broadcast_in_dim3A, %iota3A, %rem3A_1438, %add3A_2013] : memref<4x16x8x128xf32, #tpu.memory_space<vmem>>[vector<16xi32>, vector<16xi32>, vector<16xi32>, vector<16xi32>], vector<16xf32>,
      %broadcast_in_dim3A_2015 = arith.constant 34 : i32
      %broadcast_in_dim3A_2016 = vector.broadcast %broadcast_in_dim3A_2015 : i32 to vector<16xi32>
      tpu.vector_store_idx %arg7[%broadcast_in_dim3A, %iota3A, %broadcast_in_dim3A_2016], %gather3A_2014 : memref<4x16x64xf32, #tpu.memory_space<vmem>>[vector<16xi32>, vector<16xi32>, vector<16xi32>], vector<16xf32>,
      %add3A_2017 = arith.constant 35 : i32
      %add3A_2018 = vector.broadcast %add3A_2017 : i32 to vector<16xi32>
      %add3A_2019 = arith.addi %mul3A_1807, %add3A_2018 : vector<16xi32>
      %gather3A_2020 = tpu.vector_load_idx %arg6[%broadcast_in_dim3A, %iota3A, %rem3A_1438, %add3A_2019] : memref<4x16x8x128xf32, #tpu.memory_space<vmem>>[vector<16xi32>, vector<16xi32>, vector<16xi32>, vector<16xi32>], vector<16xf32>,
      %broadcast_in_dim3A_2021 = arith.constant 35 : i32
      %broadcast_in_dim3A_2022 = vector.broadcast %broadcast_in_dim3A_2021 : i32 to vector<16xi32>
      tpu.vector_store_idx %arg7[%broadcast_in_dim3A, %iota3A, %broadcast_in_dim3A_2022], %gather3A_2020 : memref<4x16x64xf32, #tpu.memory_space<vmem>>[vector<16xi32>, vector<16xi32>, vector<16xi32>], vector<16xf32>,
      %add3A_2023 = arith.constant 36 : i32
      %add3A_2024 = vector.broadcast %add3A_2023 : i32 to vector<16xi32>
      %add3A_2025 = arith.addi %mul3A_1807, %add3A_2024 : vector<16xi32>
      %gather3A_2026 = tpu.vector_load_idx %arg6[%broadcast_in_dim3A, %iota3A, %rem3A_1438, %add3A_2025] : memref<4x16x8x128xf32, #tpu.memory_space<vmem>>[vector<16xi32>, vector<16xi32>, vector<16xi32>, vector<16xi32>], vector<16xf32>,
      %broadcast_in_dim3A_2027 = arith.constant 36 : i32
      %broadcast_in_dim3A_2028 = vector.broadcast %broadcast_in_dim3A_2027 : i32 to vector<16xi32>
      tpu.vector_store_idx %arg7[%broadcast_in_dim3A, %iota3A, %broadcast_in_dim3A_2028], %gather3A_2026 : memref<4x16x64xf32, #tpu.memory_space<vmem>>[vector<16xi32>, vector<16xi32>, vector<16xi32>], vector<16xf32>,
      %add3A_2029 = arith.constant 37 : i32
      %add3A_2030 = vector.broadcast %add3A_2029 : i32 to vector<16xi32>
      %add3A_2031 = arith.addi %mul3A_1807, %add3A_2030 : vector<16xi32>
      %gather3A_2032 = tpu.vector_load_idx %arg6[%broadcast_in_dim3A, %iota3A, %rem3A_1438, %add3A_2031] : memref<4x16x8x128xf32, #tpu.memory_space<vmem>>[vector<16xi32>, vector<16xi32>, vector<16xi32>, vector<16xi32>], vector<16xf32>,
      %broadcast_in_dim3A_2033 = arith.constant 37 : i32
      %broadcast_in_dim3A_2034 = vector.broadcast %broadcast_in_dim3A_2033 : i32 to vector<16xi32>
      tpu.vector_store_idx %arg7[%broadcast_in_dim3A, %iota3A, %broadcast_in_dim3A_2034], %gather3A_2032 : memref<4x16x64xf32, #tpu.memory_space<vmem>>[vector<16xi32>, vector<16xi32>, vector<16xi32>], vector<16xf32>,
      %add3A_2035 = arith.constant 38 : i32
      %add3A_2036 = vector.broadcast %add3A_2035 : i32 to vector<16xi32>
      %add3A_2037 = arith.addi %mul3A_1807, %add3A_2036 : vector<16xi32>
      %gather3A_2038 = tpu.vector_load_idx %arg6[%broadcast_in_dim3A, %iota3A, %rem3A_1438, %add3A_2037] : memref<4x16x8x128xf32, #tpu.memory_space<vmem>>[vector<16xi32>, vector<16xi32>, vector<16xi32>, vector<16xi32>], vector<16xf32>,
      %broadcast_in_dim3A_2039 = arith.constant 38 : i32
      %broadcast_in_dim3A_2040 = vector.broadcast %broadcast_in_dim3A_2039 : i32 to vector<16xi32>
      tpu.vector_store_idx %arg7[%broadcast_in_dim3A, %iota3A, %broadcast_in_dim3A_2040], %gather3A_2038 : memref<4x16x64xf32, #tpu.memory_space<vmem>>[vector<16xi32>, vector<16xi32>, vector<16xi32>], vector<16xf32>,
      %add3A_2041 = arith.constant 39 : i32
      %add3A_2042 = vector.broadcast %add3A_2041 : i32 to vector<16xi32>
      %add3A_2043 = arith.addi %mul3A_1807, %add3A_2042 : vector<16xi32>
      %gather3A_2044 = tpu.vector_load_idx %arg6[%broadcast_in_dim3A, %iota3A, %rem3A_1438, %add3A_2043] : memref<4x16x8x128xf32, #tpu.memory_space<vmem>>[vector<16xi32>, vector<16xi32>, vector<16xi32>, vector<16xi32>], vector<16xf32>,
      %broadcast_in_dim3A_2045 = arith.constant 39 : i32
      %broadcast_in_dim3A_2046 = vector.broadcast %broadcast_in_dim3A_2045 : i32 to vector<16xi32>
      tpu.vector_store_idx %arg7[%broadcast_in_dim3A, %iota3A, %broadcast_in_dim3A_2046], %gather3A_2044 : memref<4x16x64xf32, #tpu.memory_space<vmem>>[vector<16xi32>, vector<16xi32>, vector<16xi32>], vector<16xf32>,
      %add3A_2047 = arith.constant 40 : i32
      %add3A_2048 = vector.broadcast %add3A_2047 : i32 to vector<16xi32>
      %add3A_2049 = arith.addi %mul3A_1807, %add3A_2048 : vector<16xi32>
      %gather3A_2050 = tpu.vector_load_idx %arg6[%broadcast_in_dim3A, %iota3A, %rem3A_1438, %add3A_2049] : memref<4x16x8x128xf32, #tpu.memory_space<vmem>>[vector<16xi32>, vector<16xi32>, vector<16xi32>, vector<16xi32>], vector<16xf32>,
      %broadcast_in_dim3A_2051 = arith.constant 40 : i32
      %broadcast_in_dim3A_2052 = vector.broadcast %broadcast_in_dim3A_2051 : i32 to vector<16xi32>
      tpu.vector_store_idx %arg7[%broadcast_in_dim3A, %iota3A, %broadcast_in_dim3A_2052], %gather3A_2050 : memref<4x16x64xf32, #tpu.memory_space<vmem>>[vector<16xi32>, vector<16xi32>, vector<16xi32>], vector<16xf32>,
      %add3A_2053 = arith.constant 41 : i32
      %add3A_2054 = vector.broadcast %add3A_2053 : i32 to vector<16xi32>
      %add3A_2055 = arith.addi %mul3A_1807, %add3A_2054 : vector<16xi32>
      %gather3A_2056 = tpu.vector_load_idx %arg6[%broadcast_in_dim3A, %iota3A, %rem3A_1438, %add3A_2055] : memref<4x16x8x128xf32, #tpu.memory_space<vmem>>[vector<16xi32>, vector<16xi32>, vector<16xi32>, vector<16xi32>], vector<16xf32>,
      %broadcast_in_dim3A_2057 = arith.constant 41 : i32
      %broadcast_in_dim3A_2058 = vector.broadcast %broadcast_in_dim3A_2057 : i32 to vector<16xi32>
      tpu.vector_store_idx %arg7[%broadcast_in_dim3A, %iota3A, %broadcast_in_dim3A_2058], %gather3A_2056 : memref<4x16x64xf32, #tpu.memory_space<vmem>>[vector<16xi32>, vector<16xi32>, vector<16xi32>], vector<16xf32>,
      %add3A_2059 = arith.constant 42 : i32
      %add3A_2060 = vector.broadcast %add3A_2059 : i32 to vector<16xi32>
      %add3A_2061 = arith.addi %mul3A_1807, %add3A_2060 : vector<16xi32>
      %gather3A_2062 = tpu.vector_load_idx %arg6[%broadcast_in_dim3A, %iota3A, %rem3A_1438, %add3A_2061] : memref<4x16x8x128xf32, #tpu.memory_space<vmem>>[vector<16xi32>, vector<16xi32>, vector<16xi32>, vector<16xi32>], vector<16xf32>,
      %broadcast_in_dim3A_2063 = arith.constant 42 : i32
      %broadcast_in_dim3A_2064 = vector.broadcast %broadcast_in_dim3A_2063 : i32 to vector<16xi32>
      tpu.vector_store_idx %arg7[%broadcast_in_dim3A, %iota3A, %broadcast_in_dim3A_2064], %gather3A_2062 : memref<4x16x64xf32, #tpu.memory_space<vmem>>[vector<16xi32>, vector<16xi32>, vector<16xi32>], vector<16xf32>,
      %add3A_2065 = arith.constant 43 : i32
      %add3A_2066 = vector.broadcast %add3A_2065 : i32 to vector<16xi32>
      %add3A_2067 = arith.addi %mul3A_1807, %add3A_2066 : vector<16xi32>
      %gather3A_2068 = tpu.vector_load_idx %arg6[%broadcast_in_dim3A, %iota3A, %rem3A_1438, %add3A_2067] : memref<4x16x8x128xf32, #tpu.memory_space<vmem>>[vector<16xi32>, vector<16xi32>, vector<16xi32>, vector<16xi32>], vector<16xf32>,
      %broadcast_in_dim3A_2069 = arith.constant 43 : i32
      %broadcast_in_dim3A_2070 = vector.broadcast %broadcast_in_dim3A_2069 : i32 to vector<16xi32>
      tpu.vector_store_idx %arg7[%broadcast_in_dim3A, %iota3A, %broadcast_in_dim3A_2070], %gather3A_2068 : memref<4x16x64xf32, #tpu.memory_space<vmem>>[vector<16xi32>, vector<16xi32>, vector<16xi32>], vector<16xf32>,
      %add3A_2071 = arith.constant 44 : i32
      %add3A_2072 = vector.broadcast %add3A_2071 : i32 to vector<16xi32>
      %add3A_2073 = arith.addi %mul3A_1807, %add3A_2072 : vector<16xi32>
      %gather3A_2074 = tpu.vector_load_idx %arg6[%broadcast_in_dim3A, %iota3A, %rem3A_1438, %add3A_2073] : memref<4x16x8x128xf32, #tpu.memory_space<vmem>>[vector<16xi32>, vector<16xi32>, vector<16xi32>, vector<16xi32>], vector<16xf32>,
      %broadcast_in_dim3A_2075 = arith.constant 44 : i32
      %broadcast_in_dim3A_2076 = vector.broadcast %broadcast_in_dim3A_2075 : i32 to vector<16xi32>
      tpu.vector_store_idx %arg7[%broadcast_in_dim3A, %iota3A, %broadcast_in_dim3A_2076], %gather3A_2074 : memref<4x16x64xf32, #tpu.memory_space<vmem>>[vector<16xi32>, vector<16xi32>, vector<16xi32>], vector<16xf32>,
      %add3A_2077 = arith.constant 45 : i32
      %add3A_2078 = vector.broadcast %add3A_2077 : i32 to vector<16xi32>
      %add3A_2079 = arith.addi %mul3A_1807, %add3A_2078 : vector<16xi32>
      %gather3A_2080 = tpu.vector_load_idx %arg6[%broadcast_in_dim3A, %iota3A, %rem3A_1438, %add3A_2079] : memref<4x16x8x128xf32, #tpu.memory_space<vmem>>[vector<16xi32>, vector<16xi32>, vector<16xi32>, vector<16xi32>], vector<16xf32>,
      %broadcast_in_dim3A_2081 = arith.constant 45 : i32
      %broadcast_in_dim3A_2082 = vector.broadcast %broadcast_in_dim3A_2081 : i32 to vector<16xi32>
      tpu.vector_store_idx %arg7[%broadcast_in_dim3A, %iota3A, %broadcast_in_dim3A_2082], %gather3A_2080 : memref<4x16x64xf32, #tpu.memory_space<vmem>>[vector<16xi32>, vector<16xi32>, vector<16xi32>], vector<16xf32>,
      %add3A_2083 = arith.constant 46 : i32
      %add3A_2084 = vector.broadcast %add3A_2083 : i32 to vector<16xi32>
      %add3A_2085 = arith.addi %mul3A_1807, %add3A_2084 : vector<16xi32>
      %gather3A_2086 = tpu.vector_load_idx %arg6[%broadcast_in_dim3A, %iota3A, %rem3A_1438, %add3A_2085] : memref<4x16x8x128xf32, #tpu.memory_space<vmem>>[vector<16xi32>, vector<16xi32>, vector<16xi32>, vector<16xi32>], vector<16xf32>,
      %broadcast_in_dim3A_2087 = arith.constant 46 : i32
      %broadcast_in_dim3A_2088 = vector.broadcast %broadcast_in_dim3A_2087 : i32 to vector<16xi32>
      tpu.vector_store_idx %arg7[%broadcast_in_dim3A, %iota3A, %broadcast_in_dim3A_2088], %gather3A_2086 : memref<4x16x64xf32, #tpu.memory_space<vmem>>[vector<16xi32>, vector<16xi32>, vector<16xi32>], vector<16xf32>,
      %add3A_2089 = arith.constant 47 : i32
      %add3A_2090 = vector.broadcast %add3A_2089 : i32 to vector<16xi32>
      %add3A_2091 = arith.addi %mul3A_1807, %add3A_2090 : vector<16xi32>
      %gather3A_2092 = tpu.vector_load_idx %arg6[%broadcast_in_dim3A, %iota3A, %rem3A_1438, %add3A_2091] : memref<4x16x8x128xf32, #tpu.memory_space<vmem>>[vector<16xi32>, vector<16xi32>, vector<16xi32>, vector<16xi32>], vector<16xf32>,
      %broadcast_in_dim3A_2093 = arith.constant 47 : i32
      %broadcast_in_dim3A_2094 = vector.broadcast %broadcast_in_dim3A_2093 : i32 to vector<16xi32>
      tpu.vector_store_idx %arg7[%broadcast_in_dim3A, %iota3A, %broadcast_in_dim3A_2094], %gather3A_2092 : memref<4x16x64xf32, #tpu.memory_space<vmem>>[vector<16xi32>, vector<16xi32>, vector<16xi32>], vector<16xf32>,
      %add3A_2095 = arith.constant 48 : i32
      %add3A_2096 = vector.broadcast %add3A_2095 : i32 to vector<16xi32>
      %add3A_2097 = arith.addi %mul3A_1807, %add3A_2096 : vector<16xi32>
      %gather3A_2098 = tpu.vector_load_idx %arg6[%broadcast_in_dim3A, %iota3A, %rem3A_1438, %add3A_2097] : memref<4x16x8x128xf32, #tpu.memory_space<vmem>>[vector<16xi32>, vector<16xi32>, vector<16xi32>, vector<16xi32>], vector<16xf32>,
      %broadcast_in_dim3A_2099 = arith.constant 48 : i32
      %broadcast_in_dim3A_2100 = vector.broadcast %broadcast_in_dim3A_2099 : i32 to vector<16xi32>
      tpu.vector_store_idx %arg7[%broadcast_in_dim3A, %iota3A, %broadcast_in_dim3A_2100], %gather3A_2098 : memref<4x16x64xf32, #tpu.memory_space<vmem>>[vector<16xi32>, vector<16xi32>, vector<16xi32>], vector<16xf32>,
      %add3A_2101 = arith.constant 49 : i32
      %add3A_2102 = vector.broadcast %add3A_2101 : i32 to vector<16xi32>
      %add3A_2103 = arith.addi %mul3A_1807, %add3A_2102 : vector<16xi32>
      %gather3A_2104 = tpu.vector_load_idx %arg6[%broadcast_in_dim3A, %iota3A, %rem3A_1438, %add3A_2103] : memref<4x16x8x128xf32, #tpu.memory_space<vmem>>[vector<16xi32>, vector<16xi32>, vector<16xi32>, vector<16xi32>], vector<16xf32>,
      %broadcast_in_dim3A_2105 = arith.constant 49 : i32
      %broadcast_in_dim3A_2106 = vector.broadcast %broadcast_in_dim3A_2105 : i32 to vector<16xi32>
      tpu.vector_store_idx %arg7[%broadcast_in_dim3A, %iota3A, %broadcast_in_dim3A_2106], %gather3A_2104 : memref<4x16x64xf32, #tpu.memory_space<vmem>>[vector<16xi32>, vector<16xi32>, vector<16xi32>], vector<16xf32>,
      %add3A_2107 = arith.constant 50 : i32
      %add3A_2108 = vector.broadcast %add3A_2107 : i32 to vector<16xi32>
      %add3A_2109 = arith.addi %mul3A_1807, %add3A_2108 : vector<16xi32>
      %gather3A_2110 = tpu.vector_load_idx %arg6[%broadcast_in_dim3A, %iota3A, %rem3A_1438, %add3A_2109] : memref<4x16x8x128xf32, #tpu.memory_space<vmem>>[vector<16xi32>, vector<16xi32>, vector<16xi32>, vector<16xi32>], vector<16xf32>,
      %broadcast_in_dim3A_2111 = arith.constant 50 : i32
      %broadcast_in_dim3A_2112 = vector.broadcast %broadcast_in_dim3A_2111 : i32 to vector<16xi32>
      tpu.vector_store_idx %arg7[%broadcast_in_dim3A, %iota3A, %broadcast_in_dim3A_2112], %gather3A_2110 : memref<4x16x64xf32, #tpu.memory_space<vmem>>[vector<16xi32>, vector<16xi32>, vector<16xi32>], vector<16xf32>,
      %add3A_2113 = arith.constant 51 : i32
      %add3A_2114 = vector.broadcast %add3A_2113 : i32 to vector<16xi32>
      %add3A_2115 = arith.addi %mul3A_1807, %add3A_2114 : vector<16xi32>
      %gather3A_2116 = tpu.vector_load_idx %arg6[%broadcast_in_dim3A, %iota3A, %rem3A_1438, %add3A_2115] : memref<4x16x8x128xf32, #tpu.memory_space<vmem>>[vector<16xi32>, vector<16xi32>, vector<16xi32>, vector<16xi32>], vector<16xf32>,
      %broadcast_in_dim3A_2117 = arith.constant 51 : i32
      %broadcast_in_dim3A_2118 = vector.broadcast %broadcast_in_dim3A_2117 : i32 to vector<16xi32>
      tpu.vector_store_idx %arg7[%broadcast_in_dim3A, %iota3A, %broadcast_in_dim3A_2118], %gather3A_2116 : memref<4x16x64xf32, #tpu.memory_space<vmem>>[vector<16xi32>, vector<16xi32>, vector<16xi32>], vector<16xf32>,
      %add3A_2119 = arith.constant 52 : i32
      %add3A_2120 = vector.broadcast %add3A_2119 : i32 to vector<16xi32>
      %add3A_2121 = arith.addi %mul3A_1807, %add3A_2120 : vector<16xi32>
      %gather3A_2122 = tpu.vector_load_idx %arg6[%broadcast_in_dim3A, %iota3A, %rem3A_1438, %add3A_2121] : memref<4x16x8x128xf32, #tpu.memory_space<vmem>>[vector<16xi32>, vector<16xi32>, vector<16xi32>, vector<16xi32>], vector<16xf32>,
      %broadcast_in_dim3A_2123 = arith.constant 52 : i32
      %broadcast_in_dim3A_2124 = vector.broadcast %broadcast_in_dim3A_2123 : i32 to vector<16xi32>
      tpu.vector_store_idx %arg7[%broadcast_in_dim3A, %iota3A, %broadcast_in_dim3A_2124], %gather3A_2122 : memref<4x16x64xf32, #tpu.memory_space<vmem>>[vector<16xi32>, vector<16xi32>, vector<16xi32>], vector<16xf32>,
      %add3A_2125 = arith.constant 53 : i32
      %add3A_2126 = vector.broadcast %add3A_2125 : i32 to vector<16xi32>
      %add3A_2127 = arith.addi %mul3A_1807, %add3A_2126 : vector<16xi32>
      %gather3A_2128 = tpu.vector_load_idx %arg6[%broadcast_in_dim3A, %iota3A, %rem3A_1438, %add3A_2127] : memref<4x16x8x128xf32, #tpu.memory_space<vmem>>[vector<16xi32>, vector<16xi32>, vector<16xi32>, vector<16xi32>], vector<16xf32>,
      %broadcast_in_dim3A_2129 = arith.constant 53 : i32
      %broadcast_in_dim3A_2130 = vector.broadcast %broadcast_in_dim3A_2129 : i32 to vector<16xi32>
      tpu.vector_store_idx %arg7[%broadcast_in_dim3A, %iota3A, %broadcast_in_dim3A_2130], %gather3A_2128 : memref<4x16x64xf32, #tpu.memory_space<vmem>>[vector<16xi32>, vector<16xi32>, vector<16xi32>], vector<16xf32>,
      %add3A_2131 = arith.constant 54 : i32
      %add3A_2132 = vector.broadcast %add3A_2131 : i32 to vector<16xi32>
      %add3A_2133 = arith.addi %mul3A_1807, %add3A_2132 : vector<16xi32>
      %gather3A_2134 = tpu.vector_load_idx %arg6[%broadcast_in_dim3A, %iota3A, %rem3A_1438, %add3A_2133] : memref<4x16x8x128xf32, #tpu.memory_space<vmem>>[vector<16xi32>, vector<16xi32>, vector<16xi32>, vector<16xi32>], vector<16xf32>,
      %broadcast_in_dim3A_2135 = arith.constant 54 : i32
      %broadcast_in_dim3A_2136 = vector.broadcast %broadcast_in_dim3A_2135 : i32 to vector<16xi32>
      tpu.vector_store_idx %arg7[%broadcast_in_dim3A, %iota3A, %broadcast_in_dim3A_2136], %gather3A_2134 : memref<4x16x64xf32, #tpu.memory_space<vmem>>[vector<16xi32>, vector<16xi32>, vector<16xi32>], vector<16xf32>,
      %add3A_2137 = arith.constant 55 : i32
      %add3A_2138 = vector.broadcast %add3A_2137 : i32 to vector<16xi32>
      %add3A_2139 = arith.addi %mul3A_1807, %add3A_2138 : vector<16xi32>
      %gather3A_2140 = tpu.vector_load_idx %arg6[%broadcast_in_dim3A, %iota3A, %rem3A_1438, %add3A_2139] : memref<4x16x8x128xf32, #tpu.memory_space<vmem>>[vector<16xi32>, vector<16xi32>, vector<16xi32>, vector<16xi32>], vector<16xf32>,
      %broadcast_in_dim3A_2141 = arith.constant 55 : i32
      %broadcast_in_dim3A_2142 = vector.broadcast %broadcast_in_dim3A_2141 : i32 to vector<16xi32>
      tpu.vector_store_idx %arg7[%broadcast_in_dim3A, %iota3A, %broadcast_in_dim3A_2142], %gather3A_2140 : memref<4x16x64xf32, #tpu.memory_space<vmem>>[vector<16xi32>, vector<16xi32>, vector<16xi32>], vector<16xf32>,
      %add3A_2143 = arith.constant 56 : i32
      %add3A_2144 = vector.broadcast %add3A_2143 : i32 to vector<16xi32>
      %add3A_2145 = arith.addi %mul3A_1807, %add3A_2144 : vector<16xi32>
      %gather3A_2146 = tpu.vector_load_idx %arg6[%broadcast_in_dim3A, %iota3A, %rem3A_1438, %add3A_2145] : memref<4x16x8x128xf32, #tpu.memory_space<vmem>>[vector<16xi32>, vector<16xi32>, vector<16xi32>, vector<16xi32>], vector<16xf32>,
      %broadcast_in_dim3A_2147 = arith.constant 56 : i32
      %broadcast_in_dim3A_2148 = vector.broadcast %broadcast_in_dim3A_2147 : i32 to vector<16xi32>
      tpu.vector_store_idx %arg7[%broadcast_in_dim3A, %iota3A, %broadcast_in_dim3A_2148], %gather3A_2146 : memref<4x16x64xf32, #tpu.memory_space<vmem>>[vector<16xi32>, vector<16xi32>, vector<16xi32>], vector<16xf32>,
      %add3A_2149 = arith.constant 57 : i32
      %add3A_2150 = vector.broadcast %add3A_2149 : i32 to vector<16xi32>
      %add3A_2151 = arith.addi %mul3A_1807, %add3A_2150 : vector<16xi32>
      %gather3A_2152 = tpu.vector_load_idx %arg6[%broadcast_in_dim3A, %iota3A, %rem3A_1438, %add3A_2151] : memref<4x16x8x128xf32, #tpu.memory_space<vmem>>[vector<16xi32>, vector<16xi32>, vector<16xi32>, vector<16xi32>], vector<16xf32>,
      %broadcast_in_dim3A_2153 = arith.constant 57 : i32
      %broadcast_in_dim3A_2154 = vector.broadcast %broadcast_in_dim3A_2153 : i32 to vector<16xi32>
      tpu.vector_store_idx %arg7[%broadcast_in_dim3A, %iota3A, %broadcast_in_dim3A_2154], %gather3A_2152 : memref<4x16x64xf32, #tpu.memory_space<vmem>>[vector<16xi32>, vector<16xi32>, vector<16xi32>], vector<16xf32>,
      %add3A_2155 = arith.constant 58 : i32
      %add3A_2156 = vector.broadcast %add3A_2155 : i32 to vector<16xi32>
      %add3A_2157 = arith.addi %mul3A_1807, %add3A_2156 : vector<16xi32>
      %gather3A_2158 = tpu.vector_load_idx %arg6[%broadcast_in_dim3A, %iota3A, %rem3A_1438, %add3A_2157] : memref<4x16x8x128xf32, #tpu.memory_space<vmem>>[vector<16xi32>, vector<16xi32>, vector<16xi32>, vector<16xi32>], vector<16xf32>,
      %broadcast_in_dim3A_2159 = arith.constant 58 : i32
      %broadcast_in_dim3A_2160 = vector.broadcast %broadcast_in_dim3A_2159 : i32 to vector<16xi32>
      tpu.vector_store_idx %arg7[%broadcast_in_dim3A, %iota3A, %broadcast_in_dim3A_2160], %gather3A_2158 : memref<4x16x64xf32, #tpu.memory_space<vmem>>[vector<16xi32>, vector<16xi32>, vector<16xi32>], vector<16xf32>,
      %add3A_2161 = arith.constant 59 : i32
      %add3A_2162 = vector.broadcast %add3A_2161 : i32 to vector<16xi32>
      %add3A_2163 = arith.addi %mul3A_1807, %add3A_2162 : vector<16xi32>
      %gather3A_2164 = tpu.vector_load_idx %arg6[%broadcast_in_dim3A, %iota3A, %rem3A_1438, %add3A_2163] : memref<4x16x8x128xf32, #tpu.memory_space<vmem>>[vector<16xi32>, vector<16xi32>, vector<16xi32>, vector<16xi32>], vector<16xf32>,
      %broadcast_in_dim3A_2165 = arith.constant 59 : i32
      %broadcast_in_dim3A_2166 = vector.broadcast %broadcast_in_dim3A_2165 : i32 to vector<16xi32>
      tpu.vector_store_idx %arg7[%broadcast_in_dim3A, %iota3A, %broadcast_in_dim3A_2166], %gather3A_2164 : memref<4x16x64xf32, #tpu.memory_space<vmem>>[vector<16xi32>, vector<16xi32>, vector<16xi32>], vector<16xf32>,
      %add3A_2167 = arith.constant 60 : i32
      %add3A_2168 = vector.broadcast %add3A_2167 : i32 to vector<16xi32>
      %add3A_2169 = arith.addi %mul3A_1807, %add3A_2168 : vector<16xi32>
      %gather3A_2170 = tpu.vector_load_idx %arg6[%broadcast_in_dim3A, %iota3A, %rem3A_1438, %add3A_2169] : memref<4x16x8x128xf32, #tpu.memory_space<vmem>>[vector<16xi32>, vector<16xi32>, vector<16xi32>, vector<16xi32>], vector<16xf32>,
      %broadcast_in_dim3A_2171 = arith.constant 60 : i32
      %broadcast_in_dim3A_2172 = vector.broadcast %broadcast_in_dim3A_2171 : i32 to vector<16xi32>
      tpu.vector_store_idx %arg7[%broadcast_in_dim3A, %iota3A, %broadcast_in_dim3A_2172], %gather3A_2170 : memref<4x16x64xf32, #tpu.memory_space<vmem>>[vector<16xi32>, vector<16xi32>, vector<16xi32>], vector<16xf32>,
      %add3A_2173 = arith.constant 61 : i32
      %add3A_2174 = vector.broadcast %add3A_2173 : i32 to vector<16xi32>
      %add3A_2175 = arith.addi %mul3A_1807, %add3A_2174 : vector<16xi32>
      %gather3A_2176 = tpu.vector_load_idx %arg6[%broadcast_in_dim3A, %iota3A, %rem3A_1438, %add3A_2175] : memref<4x16x8x128xf32, #tpu.memory_space<vmem>>[vector<16xi32>, vector<16xi32>, vector<16xi32>, vector<16xi32>], vector<16xf32>,
      %broadcast_in_dim3A_2177 = arith.constant 61 : i32
      %broadcast_in_dim3A_2178 = vector.broadcast %broadcast_in_dim3A_2177 : i32 to vector<16xi32>
      tpu.vector_store_idx %arg7[%broadcast_in_dim3A, %iota3A, %broadcast_in_dim3A_2178], %gather3A_2176 : memref<4x16x64xf32, #tpu.memory_space<vmem>>[vector<16xi32>, vector<16xi32>, vector<16xi32>], vector<16xf32>,
      %add3A_2179 = arith.constant 62 : i32
      %add3A_2180 = vector.broadcast %add3A_2179 : i32 to vector<16xi32>
      %add3A_2181 = arith.addi %mul3A_1807, %add3A_2180 : vector<16xi32>
      %gather3A_2182 = tpu.vector_load_idx %arg6[%broadcast_in_dim3A, %iota3A, %rem3A_1438, %add3A_2181] : memref<4x16x8x128xf32, #tpu.memory_space<vmem>>[vector<16xi32>, vector<16xi32>, vector<16xi32>, vector<16xi32>], vector<16xf32>,
      %broadcast_in_dim3A_2183 = arith.constant 62 : i32
      %broadcast_in_dim3A_2184 = vector.broadcast %broadcast_in_dim3A_2183 : i32 to vector<16xi32>
      tpu.vector_store_idx %arg7[%broadcast_in_dim3A, %iota3A, %broadcast_in_dim3A_2184], %gather3A_2182 : memref<4x16x64xf32, #tpu.memory_space<vmem>>[vector<16xi32>, vector<16xi32>, vector<16xi32>], vector<16xf32>,
      %add3A_2185 = arith.constant 63 : i32
      %add3A_2186 = vector.broadcast %add3A_2185 : i32 to vector<16xi32>
      %add3A_2187 = arith.addi %mul3A_1807, %add3A_2186 : vector<16xi32>
      %gather3A_2188 = tpu.vector_load_idx %arg6[%broadcast_in_dim3A, %iota3A, %rem3A_1438, %add3A_2187] : memref<4x16x8x128xf32, #tpu.memory_space<vmem>>[vector<16xi32>, vector<16xi32>, vector<16xi32>, vector<16xi32>], vector<16xf32>,
      %broadcast_in_dim3A_2189 = arith.constant 63 : i32
      %broadcast_in_dim3A_2190 = vector.broadcast %broadcast_in_dim3A_2189 : i32 to vector<16xi32>
      tpu.vector_store_idx %arg7[%broadcast_in_dim3A, %iota3A, %broadcast_in_dim3A_2190], %gather3A_2188 : memref<4x16x64xf32, #tpu.memory_space<vmem>>[vector<16xi32>, vector<16xi32>, vector<16xi32>], vector<16xf32>,
      %mul3A_2191 = arith.constant 16 : i32
      %mul3A_2192 = arith.muli %scan3A_1520, %mul3A_2191 : i32
      %add3A_2193 = arith.addi %mul3A_2, %mul3A_2192 : i32
      %dma_start3A_2194 = arith.constant 0 : i32
      %dma_start3A_2195 = arith.constant 0 : i32
      %dma_start3A_2196 = tpu.memref_slice %arg7[%rem3A_1523, %dma_start3A_2194, %dma_start3A_2195] : memref<4x16x64xf32, #tpu.memory_space<vmem>> -> memref<1x16x64xf32, #tpu.memory_space<vmem>>
      %dma_start3A_2197 = tpu.memref_squeeze %dma_start3A_2196 : memref<1x16x64xf32, #tpu.memory_space<vmem>> -> memref<16x64xf32, #tpu.memory_space<vmem>>
      %dma_start3A_2198 = arith.constant 0 : i32
      %dma_start3A_2199 = tpu.memref_slice %arg4[%add3A_2193, %dma_start3A_2198] : memref<9216x64xf32, #tpu.memory_space<hbm>> -> memref<16x64xf32, #tpu.memory_space<hbm>>
      %dma_start3A_2200 = tpu.memref_slice %arg9[%rem3A_1523] : memref<4x!tpu.dma_semaphore, #tpu.memory_space<semaphore_mem>> -> memref<1x!tpu.dma_semaphore, #tpu.memory_space<semaphore_mem>>
      %dma_start3A_2201 = tpu.memref_squeeze %dma_start3A_2200 : memref<1x!tpu.dma_semaphore, #tpu.memory_space<semaphore_mem>> -> memref<!tpu.dma_semaphore, #tpu.memory_space<semaphore_mem>>
      %dma_start3A_2202 = arith.constant 0 : i32
      %dma_start3A_2203 = tpu.memref_slice %arg4[%add3A_2193, %dma_start3A_2202] : memref<9216x64xf32, #tpu.memory_space<hbm>> -> memref<16x64xf32, #tpu.memory_space<hbm>>
      %dma_start3A_2204 = arith.constant 0 : i32
      %dma_start3A_2205 = arith.constant 0 : i32
      %dma_start3A_2206 = tpu.memref_slice %arg7[%rem3A_1523, %dma_start3A_2204, %dma_start3A_2205] : memref<4x16x64xf32, #tpu.memory_space<vmem>> -> memref<1x16x64xf32, #tpu.memory_space<vmem>>
      %dma_start3A_2207 = tpu.memref_squeeze %dma_start3A_2206 : memref<1x16x64xf32, #tpu.memory_space<vmem>> -> memref<16x64xf32, #tpu.memory_space<vmem>>
      tpu.enqueue_dma source(%dma_start3A_2207 : memref<16x64xf32, #tpu.memory_space<vmem>>) target(%dma_start3A_2203 : memref<16x64xf32, #tpu.memory_space<hbm>>) target_semaphore(%dma_start3A_2201 : memref<!tpu.dma_semaphore, #tpu.memory_space<semaphore_mem>>)
      %add3A_2208 = arith.constant 4 : i32
      %add3A_2209 = arith.addi %scan3A_1520, %add3A_2208 : i32
      %lt3A = arith.constant 18 : i32
      %lt3A_2210 = arith.cmpi slt, %add3A_2209, %lt3A : i32
      %convert_element_type3A_2211 = arith.extui %lt3A_2210 : i1 to i32
      %cond3A_2212 = arith.constant 0 : i32
      %cond3A_2213 = arith.cmpi ne, %convert_element_type3A_2211, %cond3A_2212 : i32
      scf.if %cond3A_2213 {
        %add3A_2215 = arith.constant 4 : i32
        %add3A_2216 = arith.addi %scan3A_1520, %add3A_2215 : i32
        %mul3A_2217 = arith.constant 16 : i32
        %mul3A_2218 = arith.muli %add3A_2216, %mul3A_2217 : i32
        %get3A_2219 = arith.index_cast %mul3A_2218 : i32 to index
        %get3A_2220 = tpu.vector_load %arg5[%get3A_2219] {strides = array<i32>} : memref<288xi32, #tpu.memory_space<vmem>>, vector<16xi32>,
        %div3A_2221 = arith.constant 2 : i32
        %div3A_2222 = vector.broadcast %div3A_2221 : i32 to vector<16xi32>
        %div3A_2223 = arith.divsi %get3A_2220, %div3A_2222 : vector<16xi32>
        %mul3A_2224 = arith.constant 128 : i32
        %mul3A_2225 = vector.broadcast %mul3A_2224 : i32 to vector<16xi32>
        %mul3A_2226 = arith.muli %div3A_2223, %mul3A_2225 : vector<16xi32>
        %slice3A_2227 = vector.extract_strided_slice %mul3A_2226 {offsets = [0], sizes = [1], strides = [1]} : vector<16xi32> to vector<1xi32>
        %squeeze3A_2228 = vector.extract %slice3A_2227[0] : i32 from vector<1xi32>
        %multiple_of3A_2229 = tpu.assume_multiple %squeeze3A_2228, 128 : i32
        %mul3A_2230 = arith.constant 16 : i32
        %mul3A_2231 = arith.muli %add3A_2216, %mul3A_2230 : i32
        %add3A_2232 = arith.addi %mul3A_2, %mul3A_2231 : i32
        %add3A_2233 = arith.constant 0 : i32
        %add3A_2234 = arith.addi %add3A_2232, %add3A_2233 : i32
        %dma_start3A_2235 = arith.constant 0 : i32
        %dma_start3A_2236 = arith.constant 0 : i32
        %dma_start3A_2237 = arith.constant 0 : i32
        %dma_start3A_2238 = tpu.memref_slice %arg6[%rem3A_1523, %dma_start3A_2235, %dma_start3A_2236, %dma_start3A_2237] : memref<4x16x8x128xf32, #tpu.memory_space<vmem>> -> memref<1x1x8x128xf32, #tpu.memory_space<vmem>>
        %dma_start3A_2239 = tpu.memref_squeeze %dma_start3A_2238 : memref<1x1x8x128xf32, #tpu.memory_space<vmem>> -> memref<8x128xf32, #tpu.memory_space<vmem>>
        %dma_start3A_2240 = tpu.memref_slice %arg2[%add3A_2234, %multiple_of3A_2229] : memref<16384x1664xf32, #tpu.memory_space<hbm>> -> memref<8x128xf32, #tpu.memory_space<hbm>>
        %dma_start3A_2241 = tpu.memref_slice %arg8[%rem3A_1523] : memref<4x!tpu.dma_semaphore, #tpu.memory_space<semaphore_mem>> -> memref<1x!tpu.dma_semaphore, #tpu.memory_space<semaphore_mem>>
        %dma_start3A_2242 = tpu.memref_squeeze %dma_start3A_2241 : memref<1x!tpu.dma_semaphore, #tpu.memory_space<semaphore_mem>> -> memref<!tpu.dma_semaphore, #tpu.memory_space<semaphore_mem>>
        %dma_start3A_2243 = arith.constant 0 : i32
        %dma_start3A_2244 = arith.constant 0 : i32
        %dma_start3A_2245 = tpu.memref_slice %arg6[%rem3A_1523, %dma_start3A_2235, %dma_start3A_2243, %dma_start3A_2244] : memref<4x16x8x128xf32, #tpu.memory_space<vmem>> -> memref<1x1x8x128xf32, #tpu.memory_space<vmem>>
        %dma_start3A_2246 = tpu.memref_squeeze %dma_start3A_2245 : memref<1x1x8x128xf32, #tpu.memory_space<vmem>> -> memref<8x128xf32, #tpu.memory_space<vmem>>
        %dma_start3A_2247 = tpu.memref_slice %arg2[%add3A_2234, %multiple_of3A_2229] : memref<16384x1664xf32, #tpu.memory_space<hbm>> -> memref<8x128xf32, #tpu.memory_space<hbm>>
        tpu.enqueue_dma source(%dma_start3A_2247 : memref<8x128xf32, #tpu.memory_space<hbm>>) target(%dma_start3A_2246 : memref<8x128xf32, #tpu.memory_space<vmem>>) target_semaphore(%dma_start3A_2242 : memref<!tpu.dma_semaphore, #tpu.memory_space<semaphore_mem>>)
        %slice3A_2248 = vector.extract_strided_slice %mul3A_2226 {offsets = [1], sizes = [1], strides = [1]} : vector<16xi32> to vector<1xi32>
        %squeeze3A_2249 = vector.extract %slice3A_2248[0] : i32 from vector<1xi32>
        %multiple_of3A_2250 = tpu.assume_multiple %squeeze3A_2249, 128 : i32
        %mul3A_2251 = arith.constant 16 : i32
        %mul3A_2252 = arith.muli %add3A_2216, %mul3A_2251 : i32
        %add3A_2253 = arith.addi %mul3A_2, %mul3A_2252 : i32
        %add3A_2254 = arith.constant 0 : i32
        %add3A_2255 = arith.addi %add3A_2253, %add3A_2254 : i32
        %dma_start3A_2256 = arith.constant 1 : i32
        %dma_start3A_2257 = arith.constant 0 : i32
        %dma_start3A_2258 = arith.constant 0 : i32
        %dma_start3A_2259 = tpu.memref_slice %arg6[%rem3A_1523, %dma_start3A_2256, %dma_start3A_2257, %dma_start3A_2258] : memref<4x16x8x128xf32, #tpu.memory_space<vmem>> -> memref<1x1x8x128xf32, #tpu.memory_space<vmem>>
        %dma_start3A_2260 = tpu.memref_squeeze %dma_start3A_2259 : memref<1x1x8x128xf32, #tpu.memory_space<vmem>> -> memref<8x128xf32, #tpu.memory_space<vmem>>
        %dma_start3A_2261 = tpu.memref_slice %arg2[%add3A_2255, %multiple_of3A_2250] : memref<16384x1664xf32, #tpu.memory_space<hbm>> -> memref<8x128xf32, #tpu.memory_space<hbm>>
        %dma_start3A_2262 = tpu.memref_slice %arg8[%rem3A_1523] : memref<4x!tpu.dma_semaphore, #tpu.memory_space<semaphore_mem>> -> memref<1x!tpu.dma_semaphore, #tpu.memory_space<semaphore_mem>>
        %dma_start3A_2263 = tpu.memref_squeeze %dma_start3A_2262 : memref<1x!tpu.dma_semaphore, #tpu.memory_space<semaphore_mem>> -> memref<!tpu.dma_semaphore, #tpu.memory_space<semaphore_mem>>
        %dma_start3A_2264 = arith.constant 0 : i32
        %dma_start3A_2265 = arith.constant 0 : i32
        %dma_start3A_2266 = tpu.memref_slice %arg6[%rem3A_1523, %dma_start3A_2256, %dma_start3A_2264, %dma_start3A_2265] : memref<4x16x8x128xf32, #tpu.memory_space<vmem>> -> memref<1x1x8x128xf32, #tpu.memory_space<vmem>>
        %dma_start3A_2267 = tpu.memref_squeeze %dma_start3A_2266 : memref<1x1x8x128xf32, #tpu.memory_space<vmem>> -> memref<8x128xf32, #tpu.memory_space<vmem>>
        %dma_start3A_2268 = tpu.memref_slice %arg2[%add3A_2255, %multiple_of3A_2250] : memref<16384x1664xf32, #tpu.memory_space<hbm>> -> memref<8x128xf32, #tpu.memory_space<hbm>>
        tpu.enqueue_dma source(%dma_start3A_2268 : memref<8x128xf32, #tpu.memory_space<hbm>>) target(%dma_start3A_2267 : memref<8x128xf32, #tpu.memory_space<vmem>>) target_semaphore(%dma_start3A_2263 : memref<!tpu.dma_semaphore, #tpu.memory_space<semaphore_mem>>)
        %slice3A_2269 = vector.extract_strided_slice %mul3A_2226 {offsets = [2], sizes = [1], strides = [1]} : vector<16xi32> to vector<1xi32>
        %squeeze3A_2270 = vector.extract %slice3A_2269[0] : i32 from vector<1xi32>
        %multiple_of3A_2271 = tpu.assume_multiple %squeeze3A_2270, 128 : i32
        %mul3A_2272 = arith.constant 16 : i32
        %mul3A_2273 = arith.muli %add3A_2216, %mul3A_2272 : i32
        %add3A_2274 = arith.addi %mul3A_2, %mul3A_2273 : i32
        %add3A_2275 = arith.constant 0 : i32
        %add3A_2276 = arith.addi %add3A_2274, %add3A_2275 : i32
        %dma_start3A_2277 = arith.constant 2 : i32
        %dma_start3A_2278 = arith.constant 0 : i32
        %dma_start3A_2279 = arith.constant 0 : i32
        %dma_start3A_2280 = tpu.memref_slice %arg6[%rem3A_1523, %dma_start3A_2277, %dma_start3A_2278, %dma_start3A_2279] : memref<4x16x8x128xf32, #tpu.memory_space<vmem>> -> memref<1x1x8x128xf32, #tpu.memory_space<vmem>>
        %dma_start3A_2281 = tpu.memref_squeeze %dma_start3A_2280 : memref<1x1x8x128xf32, #tpu.memory_space<vmem>> -> memref<8x128xf32, #tpu.memory_space<vmem>>
        %dma_start3A_2282 = tpu.memref_slice %arg2[%add3A_2276, %multiple_of3A_2271] : memref<16384x1664xf32, #tpu.memory_space<hbm>> -> memref<8x128xf32, #tpu.memory_space<hbm>>
        %dma_start3A_2283 = tpu.memref_slice %arg8[%rem3A_1523] : memref<4x!tpu.dma_semaphore, #tpu.memory_space<semaphore_mem>> -> memref<1x!tpu.dma_semaphore, #tpu.memory_space<semaphore_mem>>
        %dma_start3A_2284 = tpu.memref_squeeze %dma_start3A_2283 : memref<1x!tpu.dma_semaphore, #tpu.memory_space<semaphore_mem>> -> memref<!tpu.dma_semaphore, #tpu.memory_space<semaphore_mem>>
        %dma_start3A_2285 = arith.constant 0 : i32
        %dma_start3A_2286 = arith.constant 0 : i32
        %dma_start3A_2287 = tpu.memref_slice %arg6[%rem3A_1523, %dma_start3A_2277, %dma_start3A_2285, %dma_start3A_2286] : memref<4x16x8x128xf32, #tpu.memory_space<vmem>> -> memref<1x1x8x128xf32, #tpu.memory_space<vmem>>
        %dma_start3A_2288 = tpu.memref_squeeze %dma_start3A_2287 : memref<1x1x8x128xf32, #tpu.memory_space<vmem>> -> memref<8x128xf32, #tpu.memory_space<vmem>>
        %dma_start3A_2289 = tpu.memref_slice %arg2[%add3A_2276, %multiple_of3A_2271] : memref<16384x1664xf32, #tpu.memory_space<hbm>> -> memref<8x128xf32, #tpu.memory_space<hbm>>
        tpu.enqueue_dma source(%dma_start3A_2289 : memref<8x128xf32, #tpu.memory_space<hbm>>) target(%dma_start3A_2288 : memref<8x128xf32, #tpu.memory_space<vmem>>) target_semaphore(%dma_start3A_2284 : memref<!tpu.dma_semaphore, #tpu.memory_space<semaphore_mem>>)
        %slice3A_2290 = vector.extract_strided_slice %mul3A_2226 {offsets = [3], sizes = [1], strides = [1]} : vector<16xi32> to vector<1xi32>
        %squeeze3A_2291 = vector.extract %slice3A_2290[0] : i32 from vector<1xi32>
        %multiple_of3A_2292 = tpu.assume_multiple %squeeze3A_2291, 128 : i32
        %mul3A_2293 = arith.constant 16 : i32
        %mul3A_2294 = arith.muli %add3A_2216, %mul3A_2293 : i32
        %add3A_2295 = arith.addi %mul3A_2, %mul3A_2294 : i32
        %add3A_2296 = arith.constant 0 : i32
        %add3A_2297 = arith.addi %add3A_2295, %add3A_2296 : i32
        %dma_start3A_2298 = arith.constant 3 : i32
        %dma_start3A_2299 = arith.constant 0 : i32
        %dma_start3A_2300 = arith.constant 0 : i32
        %dma_start3A_2301 = tpu.memref_slice %arg6[%rem3A_1523, %dma_start3A_2298, %dma_start3A_2299, %dma_start3A_2300] : memref<4x16x8x128xf32, #tpu.memory_space<vmem>> -> memref<1x1x8x128xf32, #tpu.memory_space<vmem>>
        %dma_start3A_2302 = tpu.memref_squeeze %dma_start3A_2301 : memref<1x1x8x128xf32, #tpu.memory_space<vmem>> -> memref<8x128xf32, #tpu.memory_space<vmem>>
        %dma_start3A_2303 = tpu.memref_slice %arg2[%add3A_2297, %multiple_of3A_2292] : memref<16384x1664xf32, #tpu.memory_space<hbm>> -> memref<8x128xf32, #tpu.memory_space<hbm>>
        %dma_start3A_2304 = tpu.memref_slice %arg8[%rem3A_1523] : memref<4x!tpu.dma_semaphore, #tpu.memory_space<semaphore_mem>> -> memref<1x!tpu.dma_semaphore, #tpu.memory_space<semaphore_mem>>
        %dma_start3A_2305 = tpu.memref_squeeze %dma_start3A_2304 : memref<1x!tpu.dma_semaphore, #tpu.memory_space<semaphore_mem>> -> memref<!tpu.dma_semaphore, #tpu.memory_space<semaphore_mem>>
        %dma_start3A_2306 = arith.constant 0 : i32
        %dma_start3A_2307 = arith.constant 0 : i32
        %dma_start3A_2308 = tpu.memref_slice %arg6[%rem3A_1523, %dma_start3A_2298, %dma_start3A_2306, %dma_start3A_2307] : memref<4x16x8x128xf32, #tpu.memory_space<vmem>> -> memref<1x1x8x128xf32, #tpu.memory_space<vmem>>
        %dma_start3A_2309 = tpu.memref_squeeze %dma_start3A_2308 : memref<1x1x8x128xf32, #tpu.memory_space<vmem>> -> memref<8x128xf32, #tpu.memory_space<vmem>>
        %dma_start3A_2310 = tpu.memref_slice %arg2[%add3A_2297, %multiple_of3A_2292] : memref<16384x1664xf32, #tpu.memory_space<hbm>> -> memref<8x128xf32, #tpu.memory_space<hbm>>
        tpu.enqueue_dma source(%dma_start3A_2310 : memref<8x128xf32, #tpu.memory_space<hbm>>) target(%dma_start3A_2309 : memref<8x128xf32, #tpu.memory_space<vmem>>) target_semaphore(%dma_start3A_2305 : memref<!tpu.dma_semaphore, #tpu.memory_space<semaphore_mem>>)
        %slice3A_2311 = vector.extract_strided_slice %mul3A_2226 {offsets = [4], sizes = [1], strides = [1]} : vector<16xi32> to vector<1xi32>
        %squeeze3A_2312 = vector.extract %slice3A_2311[0] : i32 from vector<1xi32>
        %multiple_of3A_2313 = tpu.assume_multiple %squeeze3A_2312, 128 : i32
        %mul3A_2314 = arith.constant 16 : i32
        %mul3A_2315 = arith.muli %add3A_2216, %mul3A_2314 : i32
        %add3A_2316 = arith.addi %mul3A_2, %mul3A_2315 : i32
        %add3A_2317 = arith.constant 0 : i32
        %add3A_2318 = arith.addi %add3A_2316, %add3A_2317 : i32
        %dma_start3A_2319 = arith.constant 4 : i32
        %dma_start3A_2320 = arith.constant 0 : i32
        %dma_start3A_2321 = arith.constant 0 : i32
        %dma_start3A_2322 = tpu.memref_slice %arg6[%rem3A_1523, %dma_start3A_2319, %dma_start3A_2320, %dma_start3A_2321] : memref<4x16x8x128xf32, #tpu.memory_space<vmem>> -> memref<1x1x8x128xf32, #tpu.memory_space<vmem>>
        %dma_start3A_2323 = tpu.memref_squeeze %dma_start3A_2322 : memref<1x1x8x128xf32, #tpu.memory_space<vmem>> -> memref<8x128xf32, #tpu.memory_space<vmem>>
        %dma_start3A_2324 = tpu.memref_slice %arg2[%add3A_2318, %multiple_of3A_2313] : memref<16384x1664xf32, #tpu.memory_space<hbm>> -> memref<8x128xf32, #tpu.memory_space<hbm>>
        %dma_start3A_2325 = tpu.memref_slice %arg8[%rem3A_1523] : memref<4x!tpu.dma_semaphore, #tpu.memory_space<semaphore_mem>> -> memref<1x!tpu.dma_semaphore, #tpu.memory_space<semaphore_mem>>
        %dma_start3A_2326 = tpu.memref_squeeze %dma_start3A_2325 : memref<1x!tpu.dma_semaphore, #tpu.memory_space<semaphore_mem>> -> memref<!tpu.dma_semaphore, #tpu.memory_space<semaphore_mem>>
        %dma_start3A_2327 = arith.constant 0 : i32
        %dma_start3A_2328 = arith.constant 0 : i32
        %dma_start3A_2329 = tpu.memref_slice %arg6[%rem3A_1523, %dma_start3A_2319, %dma_start3A_2327, %dma_start3A_2328] : memref<4x16x8x128xf32, #tpu.memory_space<vmem>> -> memref<1x1x8x128xf32, #tpu.memory_space<vmem>>
        %dma_start3A_2330 = tpu.memref_squeeze %dma_start3A_2329 : memref<1x1x8x128xf32, #tpu.memory_space<vmem>> -> memref<8x128xf32, #tpu.memory_space<vmem>>
        %dma_start3A_2331 = tpu.memref_slice %arg2[%add3A_2318, %multiple_of3A_2313] : memref<16384x1664xf32, #tpu.memory_space<hbm>> -> memref<8x128xf32, #tpu.memory_space<hbm>>
        tpu.enqueue_dma source(%dma_start3A_2331 : memref<8x128xf32, #tpu.memory_space<hbm>>) target(%dma_start3A_2330 : memref<8x128xf32, #tpu.memory_space<vmem>>) target_semaphore(%dma_start3A_2326 : memref<!tpu.dma_semaphore, #tpu.memory_space<semaphore_mem>>)
        %slice3A_2332 = vector.extract_strided_slice %mul3A_2226 {offsets = [5], sizes = [1], strides = [1]} : vector<16xi32> to vector<1xi32>
        %squeeze3A_2333 = vector.extract %slice3A_2332[0] : i32 from vector<1xi32>
        %multiple_of3A_2334 = tpu.assume_multiple %squeeze3A_2333, 128 : i32
        %mul3A_2335 = arith.constant 16 : i32
        %mul3A_2336 = arith.muli %add3A_2216, %mul3A_2335 : i32
        %add3A_2337 = arith.addi %mul3A_2, %mul3A_2336 : i32
        %add3A_2338 = arith.constant 0 : i32
        %add3A_2339 = arith.addi %add3A_2337, %add3A_2338 : i32
        %dma_start3A_2340 = arith.constant 5 : i32
        %dma_start3A_2341 = arith.constant 0 : i32
        %dma_start3A_2342 = arith.constant 0 : i32
        %dma_start3A_2343 = tpu.memref_slice %arg6[%rem3A_1523, %dma_start3A_2340, %dma_start3A_2341, %dma_start3A_2342] : memref<4x16x8x128xf32, #tpu.memory_space<vmem>> -> memref<1x1x8x128xf32, #tpu.memory_space<vmem>>
        %dma_start3A_2344 = tpu.memref_squeeze %dma_start3A_2343 : memref<1x1x8x128xf32, #tpu.memory_space<vmem>> -> memref<8x128xf32, #tpu.memory_space<vmem>>
        %dma_start3A_2345 = tpu.memref_slice %arg2[%add3A_2339, %multiple_of3A_2334] : memref<16384x1664xf32, #tpu.memory_space<hbm>> -> memref<8x128xf32, #tpu.memory_space<hbm>>
        %dma_start3A_2346 = tpu.memref_slice %arg8[%rem3A_1523] : memref<4x!tpu.dma_semaphore, #tpu.memory_space<semaphore_mem>> -> memref<1x!tpu.dma_semaphore, #tpu.memory_space<semaphore_mem>>
        %dma_start3A_2347 = tpu.memref_squeeze %dma_start3A_2346 : memref<1x!tpu.dma_semaphore, #tpu.memory_space<semaphore_mem>> -> memref<!tpu.dma_semaphore, #tpu.memory_space<semaphore_mem>>
        %dma_start3A_2348 = arith.constant 0 : i32
        %dma_start3A_2349 = arith.constant 0 : i32
        %dma_start3A_2350 = tpu.memref_slice %arg6[%rem3A_1523, %dma_start3A_2340, %dma_start3A_2348, %dma_start3A_2349] : memref<4x16x8x128xf32, #tpu.memory_space<vmem>> -> memref<1x1x8x128xf32, #tpu.memory_space<vmem>>
        %dma_start3A_2351 = tpu.memref_squeeze %dma_start3A_2350 : memref<1x1x8x128xf32, #tpu.memory_space<vmem>> -> memref<8x128xf32, #tpu.memory_space<vmem>>
        %dma_start3A_2352 = tpu.memref_slice %arg2[%add3A_2339, %multiple_of3A_2334] : memref<16384x1664xf32, #tpu.memory_space<hbm>> -> memref<8x128xf32, #tpu.memory_space<hbm>>
        tpu.enqueue_dma source(%dma_start3A_2352 : memref<8x128xf32, #tpu.memory_space<hbm>>) target(%dma_start3A_2351 : memref<8x128xf32, #tpu.memory_space<vmem>>) target_semaphore(%dma_start3A_2347 : memref<!tpu.dma_semaphore, #tpu.memory_space<semaphore_mem>>)
        %slice3A_2353 = vector.extract_strided_slice %mul3A_2226 {offsets = [6], sizes = [1], strides = [1]} : vector<16xi32> to vector<1xi32>
        %squeeze3A_2354 = vector.extract %slice3A_2353[0] : i32 from vector<1xi32>
        %multiple_of3A_2355 = tpu.assume_multiple %squeeze3A_2354, 128 : i32
        %mul3A_2356 = arith.constant 16 : i32
        %mul3A_2357 = arith.muli %add3A_2216, %mul3A_2356 : i32
        %add3A_2358 = arith.addi %mul3A_2, %mul3A_2357 : i32
        %add3A_2359 = arith.constant 0 : i32
        %add3A_2360 = arith.addi %add3A_2358, %add3A_2359 : i32
        %dma_start3A_2361 = arith.constant 6 : i32
        %dma_start3A_2362 = arith.constant 0 : i32
        %dma_start3A_2363 = arith.constant 0 : i32
        %dma_start3A_2364 = tpu.memref_slice %arg6[%rem3A_1523, %dma_start3A_2361, %dma_start3A_2362, %dma_start3A_2363] : memref<4x16x8x128xf32, #tpu.memory_space<vmem>> -> memref<1x1x8x128xf32, #tpu.memory_space<vmem>>
        %dma_start3A_2365 = tpu.memref_squeeze %dma_start3A_2364 : memref<1x1x8x128xf32, #tpu.memory_space<vmem>> -> memref<8x128xf32, #tpu.memory_space<vmem>>
        %dma_start3A_2366 = tpu.memref_slice %arg2[%add3A_2360, %multiple_of3A_2355] : memref<16384x1664xf32, #tpu.memory_space<hbm>> -> memref<8x128xf32, #tpu.memory_space<hbm>>
        %dma_start3A_2367 = tpu.memref_slice %arg8[%rem3A_1523] : memref<4x!tpu.dma_semaphore, #tpu.memory_space<semaphore_mem>> -> memref<1x!tpu.dma_semaphore, #tpu.memory_space<semaphore_mem>>
        %dma_start3A_2368 = tpu.memref_squeeze %dma_start3A_2367 : memref<1x!tpu.dma_semaphore, #tpu.memory_space<semaphore_mem>> -> memref<!tpu.dma_semaphore, #tpu.memory_space<semaphore_mem>>
        %dma_start3A_2369 = arith.constant 0 : i32
        %dma_start3A_2370 = arith.constant 0 : i32
        %dma_start3A_2371 = tpu.memref_slice %arg6[%rem3A_1523, %dma_start3A_2361, %dma_start3A_2369, %dma_start3A_2370] : memref<4x16x8x128xf32, #tpu.memory_space<vmem>> -> memref<1x1x8x128xf32, #tpu.memory_space<vmem>>
        %dma_start3A_2372 = tpu.memref_squeeze %dma_start3A_2371 : memref<1x1x8x128xf32, #tpu.memory_space<vmem>> -> memref<8x128xf32, #tpu.memory_space<vmem>>
        %dma_start3A_2373 = tpu.memref_slice %arg2[%add3A_2360, %multiple_of3A_2355] : memref<16384x1664xf32, #tpu.memory_space<hbm>> -> memref<8x128xf32, #tpu.memory_space<hbm>>
        tpu.enqueue_dma source(%dma_start3A_2373 : memref<8x128xf32, #tpu.memory_space<hbm>>) target(%dma_start3A_2372 : memref<8x128xf32, #tpu.memory_space<vmem>>) target_semaphore(%dma_start3A_2368 : memref<!tpu.dma_semaphore, #tpu.memory_space<semaphore_mem>>)
        %slice3A_2374 = vector.extract_strided_slice %mul3A_2226 {offsets = [7], sizes = [1], strides = [1]} : vector<16xi32> to vector<1xi32>
        %squeeze3A_2375 = vector.extract %slice3A_2374[0] : i32 from vector<1xi32>
        %multiple_of3A_2376 = tpu.assume_multiple %squeeze3A_2375, 128 : i32
        %mul3A_2377 = arith.constant 16 : i32
        %mul3A_2378 = arith.muli %add3A_2216, %mul3A_2377 : i32
        %add3A_2379 = arith.addi %mul3A_2, %mul3A_2378 : i32
        %add3A_2380 = arith.constant 0 : i32
        %add3A_2381 = arith.addi %add3A_2379, %add3A_2380 : i32
        %dma_start3A_2382 = arith.constant 7 : i32
        %dma_start3A_2383 = arith.constant 0 : i32
        %dma_start3A_2384 = arith.constant 0 : i32
        %dma_start3A_2385 = tpu.memref_slice %arg6[%rem3A_1523, %dma_start3A_2382, %dma_start3A_2383, %dma_start3A_2384] : memref<4x16x8x128xf32, #tpu.memory_space<vmem>> -> memref<1x1x8x128xf32, #tpu.memory_space<vmem>>
        %dma_start3A_2386 = tpu.memref_squeeze %dma_start3A_2385 : memref<1x1x8x128xf32, #tpu.memory_space<vmem>> -> memref<8x128xf32, #tpu.memory_space<vmem>>
        %dma_start3A_2387 = tpu.memref_slice %arg2[%add3A_2381, %multiple_of3A_2376] : memref<16384x1664xf32, #tpu.memory_space<hbm>> -> memref<8x128xf32, #tpu.memory_space<hbm>>
        %dma_start3A_2388 = tpu.memref_slice %arg8[%rem3A_1523] : memref<4x!tpu.dma_semaphore, #tpu.memory_space<semaphore_mem>> -> memref<1x!tpu.dma_semaphore, #tpu.memory_space<semaphore_mem>>
        %dma_start3A_2389 = tpu.memref_squeeze %dma_start3A_2388 : memref<1x!tpu.dma_semaphore, #tpu.memory_space<semaphore_mem>> -> memref<!tpu.dma_semaphore, #tpu.memory_space<semaphore_mem>>
        %dma_start3A_2390 = arith.constant 0 : i32
        %dma_start3A_2391 = arith.constant 0 : i32
        %dma_start3A_2392 = tpu.memref_slice %arg6[%rem3A_1523, %dma_start3A_2382, %dma_start3A_2390, %dma_start3A_2391] : memref<4x16x8x128xf32, #tpu.memory_space<vmem>> -> memref<1x1x8x128xf32, #tpu.memory_space<vmem>>
        %dma_start3A_2393 = tpu.memref_squeeze %dma_start3A_2392 : memref<1x1x8x128xf32, #tpu.memory_space<vmem>> -> memref<8x128xf32, #tpu.memory_space<vmem>>
        %dma_start3A_2394 = tpu.memref_slice %arg2[%add3A_2381, %multiple_of3A_2376] : memref<16384x1664xf32, #tpu.memory_space<hbm>> -> memref<8x128xf32, #tpu.memory_space<hbm>>
        tpu.enqueue_dma source(%dma_start3A_2394 : memref<8x128xf32, #tpu.memory_space<hbm>>) target(%dma_start3A_2393 : memref<8x128xf32, #tpu.memory_space<vmem>>) target_semaphore(%dma_start3A_2389 : memref<!tpu.dma_semaphore, #tpu.memory_space<semaphore_mem>>)
        %slice3A_2395 = vector.extract_strided_slice %mul3A_2226 {offsets = [8], sizes = [1], strides = [1]} : vector<16xi32> to vector<1xi32>
        %squeeze3A_2396 = vector.extract %slice3A_2395[0] : i32 from vector<1xi32>
        %multiple_of3A_2397 = tpu.assume_multiple %squeeze3A_2396, 128 : i32
        %mul3A_2398 = arith.constant 16 : i32
        %mul3A_2399 = arith.muli %add3A_2216, %mul3A_2398 : i32
        %add3A_2400 = arith.addi %mul3A_2, %mul3A_2399 : i32
        %add3A_2401 = arith.constant 8 : i32
        %add3A_2402 = arith.addi %add3A_2400, %add3A_2401 : i32
        %dma_start3A_2403 = arith.constant 8 : i32
        %dma_start3A_2404 = arith.constant 0 : i32
        %dma_start3A_2405 = arith.constant 0 : i32
        %dma_start3A_2406 = tpu.memref_slice %arg6[%rem3A_1523, %dma_start3A_2403, %dma_start3A_2404, %dma_start3A_2405] : memref<4x16x8x128xf32, #tpu.memory_space<vmem>> -> memref<1x1x8x128xf32, #tpu.memory_space<vmem>>
        %dma_start3A_2407 = tpu.memref_squeeze %dma_start3A_2406 : memref<1x1x8x128xf32, #tpu.memory_space<vmem>> -> memref<8x128xf32, #tpu.memory_space<vmem>>
        %dma_start3A_2408 = tpu.memref_slice %arg2[%add3A_2402, %multiple_of3A_2397] : memref<16384x1664xf32, #tpu.memory_space<hbm>> -> memref<8x128xf32, #tpu.memory_space<hbm>>
        %dma_start3A_2409 = tpu.memref_slice %arg8[%rem3A_1523] : memref<4x!tpu.dma_semaphore, #tpu.memory_space<semaphore_mem>> -> memref<1x!tpu.dma_semaphore, #tpu.memory_space<semaphore_mem>>
        %dma_start3A_2410 = tpu.memref_squeeze %dma_start3A_2409 : memref<1x!tpu.dma_semaphore, #tpu.memory_space<semaphore_mem>> -> memref<!tpu.dma_semaphore, #tpu.memory_space<semaphore_mem>>
        %dma_start3A_2411 = arith.constant 0 : i32
        %dma_start3A_2412 = arith.constant 0 : i32
        %dma_start3A_2413 = tpu.memref_slice %arg6[%rem3A_1523, %dma_start3A_2403, %dma_start3A_2411, %dma_start3A_2412] : memref<4x16x8x128xf32, #tpu.memory_space<vmem>> -> memref<1x1x8x128xf32, #tpu.memory_space<vmem>>
        %dma_start3A_2414 = tpu.memref_squeeze %dma_start3A_2413 : memref<1x1x8x128xf32, #tpu.memory_space<vmem>> -> memref<8x128xf32, #tpu.memory_space<vmem>>
        %dma_start3A_2415 = tpu.memref_slice %arg2[%add3A_2402, %multiple_of3A_2397] : memref<16384x1664xf32, #tpu.memory_space<hbm>> -> memref<8x128xf32, #tpu.memory_space<hbm>>
        tpu.enqueue_dma source(%dma_start3A_2415 : memref<8x128xf32, #tpu.memory_space<hbm>>) target(%dma_start3A_2414 : memref<8x128xf32, #tpu.memory_space<vmem>>) target_semaphore(%dma_start3A_2410 : memref<!tpu.dma_semaphore, #tpu.memory_space<semaphore_mem>>)
        %slice3A_2416 = vector.extract_strided_slice %mul3A_2226 {offsets = [9], sizes = [1], strides = [1]} : vector<16xi32> to vector<1xi32>
        %squeeze3A_2417 = vector.extract %slice3A_2416[0] : i32 from vector<1xi32>
        %multiple_of3A_2418 = tpu.assume_multiple %squeeze3A_2417, 128 : i32
        %mul3A_2419 = arith.constant 16 : i32
        %mul3A_2420 = arith.muli %add3A_2216, %mul3A_2419 : i32
        %add3A_2421 = arith.addi %mul3A_2, %mul3A_2420 : i32
        %add3A_2422 = arith.constant 8 : i32
        %add3A_2423 = arith.addi %add3A_2421, %add3A_2422 : i32
        %dma_start3A_2424 = arith.constant 9 : i32
        %dma_start3A_2425 = arith.constant 0 : i32
        %dma_start3A_2426 = arith.constant 0 : i32
        %dma_start3A_2427 = tpu.memref_slice %arg6[%rem3A_1523, %dma_start3A_2424, %dma_start3A_2425, %dma_start3A_2426] : memref<4x16x8x128xf32, #tpu.memory_space<vmem>> -> memref<1x1x8x128xf32, #tpu.memory_space<vmem>>
        %dma_start3A_2428 = tpu.memref_squeeze %dma_start3A_2427 : memref<1x1x8x128xf32, #tpu.memory_space<vmem>> -> memref<8x128xf32, #tpu.memory_space<vmem>>
        %dma_start3A_2429 = tpu.memref_slice %arg2[%add3A_2423, %multiple_of3A_2418] : memref<16384x1664xf32, #tpu.memory_space<hbm>> -> memref<8x128xf32, #tpu.memory_space<hbm>>
        %dma_start3A_2430 = tpu.memref_slice %arg8[%rem3A_1523] : memref<4x!tpu.dma_semaphore, #tpu.memory_space<semaphore_mem>> -> memref<1x!tpu.dma_semaphore, #tpu.memory_space<semaphore_mem>>
        %dma_start3A_2431 = tpu.memref_squeeze %dma_start3A_2430 : memref<1x!tpu.dma_semaphore, #tpu.memory_space<semaphore_mem>> -> memref<!tpu.dma_semaphore, #tpu.memory_space<semaphore_mem>>
        %dma_start3A_2432 = arith.constant 0 : i32
        %dma_start3A_2433 = arith.constant 0 : i32
        %dma_start3A_2434 = tpu.memref_slice %arg6[%rem3A_1523, %dma_start3A_2424, %dma_start3A_2432, %dma_start3A_2433] : memref<4x16x8x128xf32, #tpu.memory_space<vmem>> -> memref<1x1x8x128xf32, #tpu.memory_space<vmem>>
        %dma_start3A_2435 = tpu.memref_squeeze %dma_start3A_2434 : memref<1x1x8x128xf32, #tpu.memory_space<vmem>> -> memref<8x128xf32, #tpu.memory_space<vmem>>
        %dma_start3A_2436 = tpu.memref_slice %arg2[%add3A_2423, %multiple_of3A_2418] : memref<16384x1664xf32, #tpu.memory_space<hbm>> -> memref<8x128xf32, #tpu.memory_space<hbm>>
        tpu.enqueue_dma source(%dma_start3A_2436 : memref<8x128xf32, #tpu.memory_space<hbm>>) target(%dma_start3A_2435 : memref<8x128xf32, #tpu.memory_space<vmem>>) target_semaphore(%dma_start3A_2431 : memref<!tpu.dma_semaphore, #tpu.memory_space<semaphore_mem>>)
        %slice3A_2437 = vector.extract_strided_slice %mul3A_2226 {offsets = [10], sizes = [1], strides = [1]} : vector<16xi32> to vector<1xi32>
        %squeeze3A_2438 = vector.extract %slice3A_2437[0] : i32 from vector<1xi32>
        %multiple_of3A_2439 = tpu.assume_multiple %squeeze3A_2438, 128 : i32
        %mul3A_2440 = arith.constant 16 : i32
        %mul3A_2441 = arith.muli %add3A_2216, %mul3A_2440 : i32
        %add3A_2442 = arith.addi %mul3A_2, %mul3A_2441 : i32
        %add3A_2443 = arith.constant 8 : i32
        %add3A_2444 = arith.addi %add3A_2442, %add3A_2443 : i32
        %dma_start3A_2445 = arith.constant 10 : i32
        %dma_start3A_2446 = arith.constant 0 : i32
        %dma_start3A_2447 = arith.constant 0 : i32
        %dma_start3A_2448 = tpu.memref_slice %arg6[%rem3A_1523, %dma_start3A_2445, %dma_start3A_2446, %dma_start3A_2447] : memref<4x16x8x128xf32, #tpu.memory_space<vmem>> -> memref<1x1x8x128xf32, #tpu.memory_space<vmem>>
        %dma_start3A_2449 = tpu.memref_squeeze %dma_start3A_2448 : memref<1x1x8x128xf32, #tpu.memory_space<vmem>> -> memref<8x128xf32, #tpu.memory_space<vmem>>
        %dma_start3A_2450 = tpu.memref_slice %arg2[%add3A_2444, %multiple_of3A_2439] : memref<16384x1664xf32, #tpu.memory_space<hbm>> -> memref<8x128xf32, #tpu.memory_space<hbm>>
        %dma_start3A_2451 = tpu.memref_slice %arg8[%rem3A_1523] : memref<4x!tpu.dma_semaphore, #tpu.memory_space<semaphore_mem>> -> memref<1x!tpu.dma_semaphore, #tpu.memory_space<semaphore_mem>>
        %dma_start3A_2452 = tpu.memref_squeeze %dma_start3A_2451 : memref<1x!tpu.dma_semaphore, #tpu.memory_space<semaphore_mem>> -> memref<!tpu.dma_semaphore, #tpu.memory_space<semaphore_mem>>
        %dma_start3A_2453 = arith.constant 0 : i32
        %dma_start3A_2454 = arith.constant 0 : i32
        %dma_start3A_2455 = tpu.memref_slice %arg6[%rem3A_1523, %dma_start3A_2445, %dma_start3A_2453, %dma_start3A_2454] : memref<4x16x8x128xf32, #tpu.memory_space<vmem>> -> memref<1x1x8x128xf32, #tpu.memory_space<vmem>>
        %dma_start3A_2456 = tpu.memref_squeeze %dma_start3A_2455 : memref<1x1x8x128xf32, #tpu.memory_space<vmem>> -> memref<8x128xf32, #tpu.memory_space<vmem>>
        %dma_start3A_2457 = tpu.memref_slice %arg2[%add3A_2444, %multiple_of3A_2439] : memref<16384x1664xf32, #tpu.memory_space<hbm>> -> memref<8x128xf32, #tpu.memory_space<hbm>>
        tpu.enqueue_dma source(%dma_start3A_2457 : memref<8x128xf32, #tpu.memory_space<hbm>>) target(%dma_start3A_2456 : memref<8x128xf32, #tpu.memory_space<vmem>>) target_semaphore(%dma_start3A_2452 : memref<!tpu.dma_semaphore, #tpu.memory_space<semaphore_mem>>)
        %slice3A_2458 = vector.extract_strided_slice %mul3A_2226 {offsets = [11], sizes = [1], strides = [1]} : vector<16xi32> to vector<1xi32>
        %squeeze3A_2459 = vector.extract %slice3A_2458[0] : i32 from vector<1xi32>
        %multiple_of3A_2460 = tpu.assume_multiple %squeeze3A_2459, 128 : i32
        %mul3A_2461 = arith.constant 16 : i32
        %mul3A_2462 = arith.muli %add3A_2216, %mul3A_2461 : i32
        %add3A_2463 = arith.addi %mul3A_2, %mul3A_2462 : i32
        %add3A_2464 = arith.constant 8 : i32
        %add3A_2465 = arith.addi %add3A_2463, %add3A_2464 : i32
        %dma_start3A_2466 = arith.constant 11 : i32
        %dma_start3A_2467 = arith.constant 0 : i32
        %dma_start3A_2468 = arith.constant 0 : i32
        %dma_start3A_2469 = tpu.memref_slice %arg6[%rem3A_1523, %dma_start3A_2466, %dma_start3A_2467, %dma_start3A_2468] : memref<4x16x8x128xf32, #tpu.memory_space<vmem>> -> memref<1x1x8x128xf32, #tpu.memory_space<vmem>>
        %dma_start3A_2470 = tpu.memref_squeeze %dma_start3A_2469 : memref<1x1x8x128xf32, #tpu.memory_space<vmem>> -> memref<8x128xf32, #tpu.memory_space<vmem>>
        %dma_start3A_2471 = tpu.memref_slice %arg2[%add3A_2465, %multiple_of3A_2460] : memref<16384x1664xf32, #tpu.memory_space<hbm>> -> memref<8x128xf32, #tpu.memory_space<hbm>>
        %dma_start3A_2472 = tpu.memref_slice %arg8[%rem3A_1523] : memref<4x!tpu.dma_semaphore, #tpu.memory_space<semaphore_mem>> -> memref<1x!tpu.dma_semaphore, #tpu.memory_space<semaphore_mem>>
        %dma_start3A_2473 = tpu.memref_squeeze %dma_start3A_2472 : memref<1x!tpu.dma_semaphore, #tpu.memory_space<semaphore_mem>> -> memref<!tpu.dma_semaphore, #tpu.memory_space<semaphore_mem>>
        %dma_start3A_2474 = arith.constant 0 : i32
        %dma_start3A_2475 = arith.constant 0 : i32
        %dma_start3A_2476 = tpu.memref_slice %arg6[%rem3A_1523, %dma_start3A_2466, %dma_start3A_2474, %dma_start3A_2475] : memref<4x16x8x128xf32, #tpu.memory_space<vmem>> -> memref<1x1x8x128xf32, #tpu.memory_space<vmem>>
        %dma_start3A_2477 = tpu.memref_squeeze %dma_start3A_2476 : memref<1x1x8x128xf32, #tpu.memory_space<vmem>> -> memref<8x128xf32, #tpu.memory_space<vmem>>
        %dma_start3A_2478 = tpu.memref_slice %arg2[%add3A_2465, %multiple_of3A_2460] : memref<16384x1664xf32, #tpu.memory_space<hbm>> -> memref<8x128xf32, #tpu.memory_space<hbm>>
        tpu.enqueue_dma source(%dma_start3A_2478 : memref<8x128xf32, #tpu.memory_space<hbm>>) target(%dma_start3A_2477 : memref<8x128xf32, #tpu.memory_space<vmem>>) target_semaphore(%dma_start3A_2473 : memref<!tpu.dma_semaphore, #tpu.memory_space<semaphore_mem>>)
        %slice3A_2479 = vector.extract_strided_slice %mul3A_2226 {offsets = [12], sizes = [1], strides = [1]} : vector<16xi32> to vector<1xi32>
        %squeeze3A_2480 = vector.extract %slice3A_2479[0] : i32 from vector<1xi32>
        %multiple_of3A_2481 = tpu.assume_multiple %squeeze3A_2480, 128 : i32
        %mul3A_2482 = arith.constant 16 : i32
        %mul3A_2483 = arith.muli %add3A_2216, %mul3A_2482 : i32
        %add3A_2484 = arith.addi %mul3A_2, %mul3A_2483 : i32
        %add3A_2485 = arith.constant 8 : i32
        %add3A_2486 = arith.addi %add3A_2484, %add3A_2485 : i32
        %dma_start3A_2487 = arith.constant 12 : i32
        %dma_start3A_2488 = arith.constant 0 : i32
        %dma_start3A_2489 = arith.constant 0 : i32
        %dma_start3A_2490 = tpu.memref_slice %arg6[%rem3A_1523, %dma_start3A_2487, %dma_start3A_2488, %dma_start3A_2489] : memref<4x16x8x128xf32, #tpu.memory_space<vmem>> -> memref<1x1x8x128xf32, #tpu.memory_space<vmem>>
        %dma_start3A_2491 = tpu.memref_squeeze %dma_start3A_2490 : memref<1x1x8x128xf32, #tpu.memory_space<vmem>> -> memref<8x128xf32, #tpu.memory_space<vmem>>
        %dma_start3A_2492 = tpu.memref_slice %arg2[%add3A_2486, %multiple_of3A_2481] : memref<16384x1664xf32, #tpu.memory_space<hbm>> -> memref<8x128xf32, #tpu.memory_space<hbm>>
        %dma_start3A_2493 = tpu.memref_slice %arg8[%rem3A_1523] : memref<4x!tpu.dma_semaphore, #tpu.memory_space<semaphore_mem>> -> memref<1x!tpu.dma_semaphore, #tpu.memory_space<semaphore_mem>>
        %dma_start3A_2494 = tpu.memref_squeeze %dma_start3A_2493 : memref<1x!tpu.dma_semaphore, #tpu.memory_space<semaphore_mem>> -> memref<!tpu.dma_semaphore, #tpu.memory_space<semaphore_mem>>
        %dma_start3A_2495 = arith.constant 0 : i32
        %dma_start3A_2496 = arith.constant 0 : i32
        %dma_start3A_2497 = tpu.memref_slice %arg6[%rem3A_1523, %dma_start3A_2487, %dma_start3A_2495, %dma_start3A_2496] : memref<4x16x8x128xf32, #tpu.memory_space<vmem>> -> memref<1x1x8x128xf32, #tpu.memory_space<vmem>>
        %dma_start3A_2498 = tpu.memref_squeeze %dma_start3A_2497 : memref<1x1x8x128xf32, #tpu.memory_space<vmem>> -> memref<8x128xf32, #tpu.memory_space<vmem>>
        %dma_start3A_2499 = tpu.memref_slice %arg2[%add3A_2486, %multiple_of3A_2481] : memref<16384x1664xf32, #tpu.memory_space<hbm>> -> memref<8x128xf32, #tpu.memory_space<hbm>>
        tpu.enqueue_dma source(%dma_start3A_2499 : memref<8x128xf32, #tpu.memory_space<hbm>>) target(%dma_start3A_2498 : memref<8x128xf32, #tpu.memory_space<vmem>>) target_semaphore(%dma_start3A_2494 : memref<!tpu.dma_semaphore, #tpu.memory_space<semaphore_mem>>)
        %slice3A_2500 = vector.extract_strided_slice %mul3A_2226 {offsets = [13], sizes = [1], strides = [1]} : vector<16xi32> to vector<1xi32>
        %squeeze3A_2501 = vector.extract %slice3A_2500[0] : i32 from vector<1xi32>
        %multiple_of3A_2502 = tpu.assume_multiple %squeeze3A_2501, 128 : i32
        %mul3A_2503 = arith.constant 16 : i32
        %mul3A_2504 = arith.muli %add3A_2216, %mul3A_2503 : i32
        %add3A_2505 = arith.addi %mul3A_2, %mul3A_2504 : i32
        %add3A_2506 = arith.constant 8 : i32
        %add3A_2507 = arith.addi %add3A_2505, %add3A_2506 : i32
        %dma_start3A_2508 = arith.constant 13 : i32
        %dma_start3A_2509 = arith.constant 0 : i32
        %dma_start3A_2510 = arith.constant 0 : i32
        %dma_start3A_2511 = tpu.memref_slice %arg6[%rem3A_1523, %dma_start3A_2508, %dma_start3A_2509, %dma_start3A_2510] : memref<4x16x8x128xf32, #tpu.memory_space<vmem>> -> memref<1x1x8x128xf32, #tpu.memory_space<vmem>>
        %dma_start3A_2512 = tpu.memref_squeeze %dma_start3A_2511 : memref<1x1x8x128xf32, #tpu.memory_space<vmem>> -> memref<8x128xf32, #tpu.memory_space<vmem>>
        %dma_start3A_2513 = tpu.memref_slice %arg2[%add3A_2507, %multiple_of3A_2502] : memref<16384x1664xf32, #tpu.memory_space<hbm>> -> memref<8x128xf32, #tpu.memory_space<hbm>>
        %dma_start3A_2514 = tpu.memref_slice %arg8[%rem3A_1523] : memref<4x!tpu.dma_semaphore, #tpu.memory_space<semaphore_mem>> -> memref<1x!tpu.dma_semaphore, #tpu.memory_space<semaphore_mem>>
        %dma_start3A_2515 = tpu.memref_squeeze %dma_start3A_2514 : memref<1x!tpu.dma_semaphore, #tpu.memory_space<semaphore_mem>> -> memref<!tpu.dma_semaphore, #tpu.memory_space<semaphore_mem>>
        %dma_start3A_2516 = arith.constant 0 : i32
        %dma_start3A_2517 = arith.constant 0 : i32
        %dma_start3A_2518 = tpu.memref_slice %arg6[%rem3A_1523, %dma_start3A_2508, %dma_start3A_2516, %dma_start3A_2517] : memref<4x16x8x128xf32, #tpu.memory_space<vmem>> -> memref<1x1x8x128xf32, #tpu.memory_space<vmem>>
        %dma_start3A_2519 = tpu.memref_squeeze %dma_start3A_2518 : memref<1x1x8x128xf32, #tpu.memory_space<vmem>> -> memref<8x128xf32, #tpu.memory_space<vmem>>
        %dma_start3A_2520 = tpu.memref_slice %arg2[%add3A_2507, %multiple_of3A_2502] : memref<16384x1664xf32, #tpu.memory_space<hbm>> -> memref<8x128xf32, #tpu.memory_space<hbm>>
        tpu.enqueue_dma source(%dma_start3A_2520 : memref<8x128xf32, #tpu.memory_space<hbm>>) target(%dma_start3A_2519 : memref<8x128xf32, #tpu.memory_space<vmem>>) target_semaphore(%dma_start3A_2515 : memref<!tpu.dma_semaphore, #tpu.memory_space<semaphore_mem>>)
        %slice3A_2521 = vector.extract_strided_slice %mul3A_2226 {offsets = [14], sizes = [1], strides = [1]} : vector<16xi32> to vector<1xi32>
        %squeeze3A_2522 = vector.extract %slice3A_2521[0] : i32 from vector<1xi32>
        %multiple_of3A_2523 = tpu.assume_multiple %squeeze3A_2522, 128 : i32
        %mul3A_2524 = arith.constant 16 : i32
        %mul3A_2525 = arith.muli %add3A_2216, %mul3A_2524 : i32
        %add3A_2526 = arith.addi %mul3A_2, %mul3A_2525 : i32
        %add3A_2527 = arith.constant 8 : i32
        %add3A_2528 = arith.addi %add3A_2526, %add3A_2527 : i32
        %dma_start3A_2529 = arith.constant 14 : i32
        %dma_start3A_2530 = arith.constant 0 : i32
        %dma_start3A_2531 = arith.constant 0 : i32
        %dma_start3A_2532 = tpu.memref_slice %arg6[%rem3A_1523, %dma_start3A_2529, %dma_start3A_2530, %dma_start3A_2531] : memref<4x16x8x128xf32, #tpu.memory_space<vmem>> -> memref<1x1x8x128xf32, #tpu.memory_space<vmem>>
        %dma_start3A_2533 = tpu.memref_squeeze %dma_start3A_2532 : memref<1x1x8x128xf32, #tpu.memory_space<vmem>> -> memref<8x128xf32, #tpu.memory_space<vmem>>
        %dma_start3A_2534 = tpu.memref_slice %arg2[%add3A_2528, %multiple_of3A_2523] : memref<16384x1664xf32, #tpu.memory_space<hbm>> -> memref<8x128xf32, #tpu.memory_space<hbm>>
        %dma_start3A_2535 = tpu.memref_slice %arg8[%rem3A_1523] : memref<4x!tpu.dma_semaphore, #tpu.memory_space<semaphore_mem>> -> memref<1x!tpu.dma_semaphore, #tpu.memory_space<semaphore_mem>>
        %dma_start3A_2536 = tpu.memref_squeeze %dma_start3A_2535 : memref<1x!tpu.dma_semaphore, #tpu.memory_space<semaphore_mem>> -> memref<!tpu.dma_semaphore, #tpu.memory_space<semaphore_mem>>
        %dma_start3A_2537 = arith.constant 0 : i32
        %dma_start3A_2538 = arith.constant 0 : i32
        %dma_start3A_2539 = tpu.memref_slice %arg6[%rem3A_1523, %dma_start3A_2529, %dma_start3A_2537, %dma_start3A_2538] : memref<4x16x8x128xf32, #tpu.memory_space<vmem>> -> memref<1x1x8x128xf32, #tpu.memory_space<vmem>>
        %dma_start3A_2540 = tpu.memref_squeeze %dma_start3A_2539 : memref<1x1x8x128xf32, #tpu.memory_space<vmem>> -> memref<8x128xf32, #tpu.memory_space<vmem>>
        %dma_start3A_2541 = tpu.memref_slice %arg2[%add3A_2528, %multiple_of3A_2523] : memref<16384x1664xf32, #tpu.memory_space<hbm>> -> memref<8x128xf32, #tpu.memory_space<hbm>>
        tpu.enqueue_dma source(%dma_start3A_2541 : memref<8x128xf32, #tpu.memory_space<hbm>>) target(%dma_start3A_2540 : memref<8x128xf32, #tpu.memory_space<vmem>>) target_semaphore(%dma_start3A_2536 : memref<!tpu.dma_semaphore, #tpu.memory_space<semaphore_mem>>)
        %slice3A_2542 = vector.extract_strided_slice %mul3A_2226 {offsets = [15], sizes = [1], strides = [1]} : vector<16xi32> to vector<1xi32>
        %squeeze3A_2543 = vector.extract %slice3A_2542[0] : i32 from vector<1xi32>
        %multiple_of3A_2544 = tpu.assume_multiple %squeeze3A_2543, 128 : i32
        %mul3A_2545 = arith.constant 16 : i32
        %mul3A_2546 = arith.muli %add3A_2216, %mul3A_2545 : i32
        %add3A_2547 = arith.addi %mul3A_2, %mul3A_2546 : i32
        %add3A_2548 = arith.constant 8 : i32
        %add3A_2549 = arith.addi %add3A_2547, %add3A_2548 : i32
        %dma_start3A_2550 = arith.constant 15 : i32
        %dma_start3A_2551 = arith.constant 0 : i32
        %dma_start3A_2552 = arith.constant 0 : i32
        %dma_start3A_2553 = tpu.memref_slice %arg6[%rem3A_1523, %dma_start3A_2550, %dma_start3A_2551, %dma_start3A_2552] : memref<4x16x8x128xf32, #tpu.memory_space<vmem>> -> memref<1x1x8x128xf32, #tpu.memory_space<vmem>>
        %dma_start3A_2554 = tpu.memref_squeeze %dma_start3A_2553 : memref<1x1x8x128xf32, #tpu.memory_space<vmem>> -> memref<8x128xf32, #tpu.memory_space<vmem>>
        %dma_start3A_2555 = tpu.memref_slice %arg2[%add3A_2549, %multiple_of3A_2544] : memref<16384x1664xf32, #tpu.memory_space<hbm>> -> memref<8x128xf32, #tpu.memory_space<hbm>>
        %dma_start3A_2556 = tpu.memref_slice %arg8[%rem3A_1523] : memref<4x!tpu.dma_semaphore, #tpu.memory_space<semaphore_mem>> -> memref<1x!tpu.dma_semaphore, #tpu.memory_space<semaphore_mem>>
        %dma_start3A_2557 = tpu.memref_squeeze %dma_start3A_2556 : memref<1x!tpu.dma_semaphore, #tpu.memory_space<semaphore_mem>> -> memref<!tpu.dma_semaphore, #tpu.memory_space<semaphore_mem>>
        %dma_start3A_2558 = arith.constant 0 : i32
        %dma_start3A_2559 = arith.constant 0 : i32
        %dma_start3A_2560 = tpu.memref_slice %arg6[%rem3A_1523, %dma_start3A_2550, %dma_start3A_2558, %dma_start3A_2559] : memref<4x16x8x128xf32, #tpu.memory_space<vmem>> -> memref<1x1x8x128xf32, #tpu.memory_space<vmem>>
        %dma_start3A_2561 = tpu.memref_squeeze %dma_start3A_2560 : memref<1x1x8x128xf32, #tpu.memory_space<vmem>> -> memref<8x128xf32, #tpu.memory_space<vmem>>
        %dma_start3A_2562 = tpu.memref_slice %arg2[%add3A_2549, %multiple_of3A_2544] : memref<16384x1664xf32, #tpu.memory_space<hbm>> -> memref<8x128xf32, #tpu.memory_space<hbm>>
        tpu.enqueue_dma source(%dma_start3A_2562 : memref<8x128xf32, #tpu.memory_space<hbm>>) target(%dma_start3A_2561 : memref<8x128xf32, #tpu.memory_space<vmem>>) target_semaphore(%dma_start3A_2557 : memref<!tpu.dma_semaphore, #tpu.memory_space<semaphore_mem>>)
      } else {
      }
      %scan3A_2214 = arith.constant 0 : i32
      scf.yield %scan3A_2214 : i32
    }
    %scan3A_1444 = arith.constant 18 : i32
    %rem3A_1445 = arith.constant 14 : i32
    %rem3A_1446 = arith.constant 4 : i32
    %rem3A_1447 = arith.remsi %rem3A_1445, %rem3A_1446 : i32
    %add3A_1448 = arith.constant 224 : i32
    %add3A_1449 = arith.addi %mul3A_2, %add3A_1448 : i32
    %dma_wait3A = arith.constant 0 : i32
    %dma_wait3A_1450 = arith.constant 0 : i32
    %dma_wait3A_1451 = tpu.memref_slice %arg7[%rem3A_1447, %dma_wait3A, %dma_wait3A_1450] : memref<4x16x64xf32, #tpu.memory_space<vmem>> -> memref<1x16x64xf32, #tpu.memory_space<vmem>>
    %dma_wait3A_1452 = tpu.memref_squeeze %dma_wait3A_1451 : memref<1x16x64xf32, #tpu.memory_space<vmem>> -> memref<16x64xf32, #tpu.memory_space<vmem>>
    %dma_wait3A_1453 = arith.constant 0 : i32
    %dma_wait3A_1454 = tpu.memref_slice %arg4[%add3A_1449, %dma_wait3A_1453] : memref<9216x64xf32, #tpu.memory_space<hbm>> -> memref<16x64xf32, #tpu.memory_space<hbm>>
    %dma_wait3A_1455 = tpu.memref_slice %arg9[%rem3A_1447] : memref<4x!tpu.dma_semaphore, #tpu.memory_space<semaphore_mem>> -> memref<1x!tpu.dma_semaphore, #tpu.memory_space<semaphore_mem>>
    %dma_wait3A_1456 = tpu.memref_squeeze %dma_wait3A_1455 : memref<1x!tpu.dma_semaphore, #tpu.memory_space<semaphore_mem>> -> memref<!tpu.dma_semaphore, #tpu.memory_space<semaphore_mem>>
    %dma_wait3A_1457 = arith.constant 0 : i32
    %dma_wait3A_1458 = tpu.memref_slice %arg4[%add3A_1449, %dma_wait3A_1457] : memref<9216x64xf32, #tpu.memory_space<hbm>> -> memref<16x64xf32, #tpu.memory_space<hbm>>
    %dma_wait3A_1459 = arith.constant 0 : i32
    %dma_wait3A_1460 = arith.constant 0 : i32
    %dma_wait3A_1461 = tpu.memref_slice %arg7[%rem3A_1447, %dma_wait3A_1459, %dma_wait3A_1460] : memref<4x16x64xf32, #tpu.memory_space<vmem>> -> memref<1x16x64xf32, #tpu.memory_space<vmem>>
    %dma_wait3A_1462 = tpu.memref_squeeze %dma_wait3A_1461 : memref<1x16x64xf32, #tpu.memory_space<vmem>> -> memref<16x64xf32, #tpu.memory_space<vmem>>
    tpu.wait_dma2 semaphore(%dma_wait3A_1456 : memref<!tpu.dma_semaphore, #tpu.memory_space<semaphore_mem>>) src(%dma_wait3A_1462 : memref<16x64xf32, #tpu.memory_space<vmem>>) dst(%dma_wait3A_1458 : memref<16x64xf32, #tpu.memory_space<hbm>>)
    %rem3A_1463 = arith.constant 15 : i32
    %rem3A_1464 = arith.constant 4 : i32
    %rem3A_1465 = arith.remsi %rem3A_1463, %rem3A_1464 : i32
    %add3A_1466 = arith.constant 240 : i32
    %add3A_1467 = arith.addi %mul3A_2, %add3A_1466 : i32
    %dma_wait3A_1468 = arith.constant 0 : i32
    %dma_wait3A_1469 = arith.constant 0 : i32
    %dma_wait3A_1470 = tpu.memref_slice %arg7[%rem3A_1465, %dma_wait3A_1468, %dma_wait3A_1469] : memref<4x16x64xf32, #tpu.memory_space<vmem>> -> memref<1x16x64xf32, #tpu.memory_space<vmem>>
    %dma_wait3A_1471 = tpu.memref_squeeze %dma_wait3A_1470 : memref<1x16x64xf32, #tpu.memory_space<vmem>> -> memref<16x64xf32, #tpu.memory_space<vmem>>
    %dma_wait3A_1472 = arith.constant 0 : i32
    %dma_wait3A_1473 = tpu.memref_slice %arg4[%add3A_1467, %dma_wait3A_1472] : memref<9216x64xf32, #tpu.memory_space<hbm>> -> memref<16x64xf32, #tpu.memory_space<hbm>>
    %dma_wait3A_1474 = tpu.memref_slice %arg9[%rem3A_1465] : memref<4x!tpu.dma_semaphore, #tpu.memory_space<semaphore_mem>> -> memref<1x!tpu.dma_semaphore, #tpu.memory_space<semaphore_mem>>
    %dma_wait3A_1475 = tpu.memref_squeeze %dma_wait3A_1474 : memref<1x!tpu.dma_semaphore, #tpu.memory_space<semaphore_mem>> -> memref<!tpu.dma_semaphore, #tpu.memory_space<semaphore_mem>>
    %dma_wait3A_1476 = arith.constant 0 : i32
    %dma_wait3A_1477 = tpu.memref_slice %arg4[%add3A_1467, %dma_wait3A_1476] : memref<9216x64xf32, #tpu.memory_space<hbm>> -> memref<16x64xf32, #tpu.memory_space<hbm>>
    %dma_wait3A_1478 = arith.constant 0 : i32
    %dma_wait3A_1479 = arith.constant 0 : i32
    %dma_wait3A_1480 = tpu.memref_slice %arg7[%rem3A_1465, %dma_wait3A_1478, %dma_wait3A_1479] : memref<4x16x64xf32, #tpu.memory_space<vmem>> -> memref<1x16x64xf32, #tpu.memory_space<vmem>>
    %dma_wait3A_1481 = tpu.memref_squeeze %dma_wait3A_1480 : memref<1x16x64xf32, #tpu.memory_space<vmem>> -> memref<16x64xf32, #tpu.memory_space<vmem>>
    tpu.wait_dma2 semaphore(%dma_wait3A_1475 : memref<!tpu.dma_semaphore, #tpu.memory_space<semaphore_mem>>) src(%dma_wait3A_1481 : memref<16x64xf32, #tpu.memory_space<vmem>>) dst(%dma_wait3A_1477 : memref<16x64xf32, #tpu.memory_space<hbm>>)
    %rem3A_1482 = arith.constant 16 : i32
    %rem3A_1483 = arith.constant 4 : i32
    %rem3A_1484 = arith.remsi %rem3A_1482, %rem3A_1483 : i32
    %add3A_1485 = arith.constant 256 : i32
    %add3A_1486 = arith.addi %mul3A_2, %add3A_1485 : i32
    %dma_wait3A_1487 = arith.constant 0 : i32
    %dma_wait3A_1488 = arith.constant 0 : i32
    %dma_wait3A_1489 = tpu.memref_slice %arg7[%rem3A_1484, %dma_wait3A_1487, %dma_wait3A_1488] : memref<4x16x64xf32, #tpu.memory_space<vmem>> -> memref<1x16x64xf32, #tpu.memory_space<vmem>>
    %dma_wait3A_1490 = tpu.memref_squeeze %dma_wait3A_1489 : memref<1x16x64xf32, #tpu.memory_space<vmem>> -> memref<16x64xf32, #tpu.memory_space<vmem>>
    %dma_wait3A_1491 = arith.constant 0 : i32
    %dma_wait3A_1492 = tpu.memref_slice %arg4[%add3A_1486, %dma_wait3A_1491] : memref<9216x64xf32, #tpu.memory_space<hbm>> -> memref<16x64xf32, #tpu.memory_space<hbm>>
    %dma_wait3A_1493 = tpu.memref_slice %arg9[%rem3A_1484] : memref<4x!tpu.dma_semaphore, #tpu.memory_space<semaphore_mem>> -> memref<1x!tpu.dma_semaphore, #tpu.memory_space<semaphore_mem>>
    %dma_wait3A_1494 = tpu.memref_squeeze %dma_wait3A_1493 : memref<1x!tpu.dma_semaphore, #tpu.memory_space<semaphore_mem>> -> memref<!tpu.dma_semaphore, #tpu.memory_space<semaphore_mem>>
    %dma_wait3A_1495 = arith.constant 0 : i32
    %dma_wait3A_1496 = tpu.memref_slice %arg4[%add3A_1486, %dma_wait3A_1495] : memref<9216x64xf32, #tpu.memory_space<hbm>> -> memref<16x64xf32, #tpu.memory_space<hbm>>
    %dma_wait3A_1497 = arith.constant 0 : i32
    %dma_wait3A_1498 = arith.constant 0 : i32
    %dma_wait3A_1499 = tpu.memref_slice %arg7[%rem3A_1484, %dma_wait3A_1497, %dma_wait3A_1498] : memref<4x16x64xf32, #tpu.memory_space<vmem>> -> memref<1x16x64xf32, #tpu.memory_space<vmem>>
    %dma_wait3A_1500 = tpu.memref_squeeze %dma_wait3A_1499 : memref<1x16x64xf32, #tpu.memory_space<vmem>> -> memref<16x64xf32, #tpu.memory_space<vmem>>
    tpu.wait_dma2 semaphore(%dma_wait3A_1494 : memref<!tpu.dma_semaphore, #tpu.memory_space<semaphore_mem>>) src(%dma_wait3A_1500 : memref<16x64xf32, #tpu.memory_space<vmem>>) dst(%dma_wait3A_1496 : memref<16x64xf32, #tpu.memory_space<hbm>>)
    %rem3A_1501 = arith.constant 17 : i32
    %rem3A_1502 = arith.constant 4 : i32
    %rem3A_1503 = arith.remsi %rem3A_1501, %rem3A_1502 : i32
    %add3A_1504 = arith.constant 272 : i32
    %add3A_1505 = arith.addi %mul3A_2, %add3A_1504 : i32
    %dma_wait3A_1506 = arith.constant 0 : i32
    %dma_wait3A_1507 = arith.constant 0 : i32
    %dma_wait3A_1508 = tpu.memref_slice %arg7[%rem3A_1503, %dma_wait3A_1506, %dma_wait3A_1507] : memref<4x16x64xf32, #tpu.memory_space<vmem>> -> memref<1x16x64xf32, #tpu.memory_space<vmem>>
    %dma_wait3A_1509 = tpu.memref_squeeze %dma_wait3A_1508 : memref<1x16x64xf32, #tpu.memory_space<vmem>> -> memref<16x64xf32, #tpu.memory_space<vmem>>
    %dma_wait3A_1510 = arith.constant 0 : i32
    %dma_wait3A_1511 = tpu.memref_slice %arg4[%add3A_1505, %dma_wait3A_1510] : memref<9216x64xf32, #tpu.memory_space<hbm>> -> memref<16x64xf32, #tpu.memory_space<hbm>>
    %dma_wait3A_1512 = tpu.memref_slice %arg9[%rem3A_1503] : memref<4x!tpu.dma_semaphore, #tpu.memory_space<semaphore_mem>> -> memref<1x!tpu.dma_semaphore, #tpu.memory_space<semaphore_mem>>
    %dma_wait3A_1513 = tpu.memref_squeeze %dma_wait3A_1512 : memref<1x!tpu.dma_semaphore, #tpu.memory_space<semaphore_mem>> -> memref<!tpu.dma_semaphore, #tpu.memory_space<semaphore_mem>>
    %dma_wait3A_1514 = arith.constant 0 : i32
    %dma_wait3A_1515 = tpu.memref_slice %arg4[%add3A_1505, %dma_wait3A_1514] : memref<9216x64xf32, #tpu.memory_space<hbm>> -> memref<16x64xf32, #tpu.memory_space<hbm>>
    %dma_wait3A_1516 = arith.constant 0 : i32
    %dma_wait3A_1517 = arith.constant 0 : i32
    %dma_wait3A_1518 = tpu.memref_slice %arg7[%rem3A_1503, %dma_wait3A_1516, %dma_wait3A_1517] : memref<4x16x64xf32, #tpu.memory_space<vmem>> -> memref<1x16x64xf32, #tpu.memory_space<vmem>>
    %dma_wait3A_1519 = tpu.memref_squeeze %dma_wait3A_1518 : memref<1x16x64xf32, #tpu.memory_space<vmem>> -> memref<16x64xf32, #tpu.memory_space<vmem>>
    tpu.wait_dma2 semaphore(%dma_wait3A_1513 : memref<!tpu.dma_semaphore, #tpu.memory_space<semaphore_mem>>) src(%dma_wait3A_1519 : memref<16x64xf32, #tpu.memory_space<vmem>>) dst(%dma_wait3A_1515 : memref<16x64xf32, #tpu.memory_space<hbm>>)
    return
  }
}

module attributes {stable_mosaic.version = 14 : i64} {
  func.func @_tc_kernel(%arg0: i32, %arg1: memref<512x1664xf32, #tpu.memory_space<vmem>>, %arg2: memref<512x1xi32, #tpu.memory_space<vmem>>, %arg3: memref<512x64xf32, #tpu.memory_space<vmem>>) attributes {dimension_semantics = [#tpu.dimension_semantics<arbitrary>], iteration_bounds = array<i64: 14>, scalar_prefetch = 0 : i64, scratch_operands = 0 : i64, tpu.core_type = #tpu.core_type<tc>, window_params = [{transform_indices = @transform_0, window_bounds = array<i64: 512, 1664>}, {transform_indices = @transform_1, window_bounds = array<i64: 512, 1>}, {transform_indices = @transform_2, window_bounds = array<i64: 512, 64>}]} {
    %get3A = arith.constant 0 : index
    %get3A_0 = arith.constant 0 : index
    %get3A_1 = vector.load %arg2[%get3A, %get3A_0] : memref<512x1xi32, #tpu.memory_space<vmem>>, vector<512x1xi32>
    %get3A_2 = arith.constant 0 : index
    %get3A_3 = arith.constant 0 : index
    %get3A_4 = vector.load %arg1[%get3A_2, %get3A_3] : memref<512x1664xf32, #tpu.memory_space<vmem>>, vector<512x1664xf32>
    %div3A = arith.constant 2 : i32
    %div3A_5 = vector.broadcast %div3A : i32 to vector<512x1xi32>
    %div3A_6 = arith.divsi %get3A_1, %div3A_5 : vector<512x1xi32>
    %slice3A = vector.extract_strided_slice %get3A_4 {offsets = [0, 0], sizes = [512, 128], strides = [1, 1]} : vector<512x1664xf32> to vector<512x128xf32>
    %slice3A_7 = vector.extract_strided_slice %get3A_4 {offsets = [0, 128], sizes = [512, 128], strides = [1, 1]} : vector<512x1664xf32> to vector<512x128xf32>
    %slice3A_8 = vector.extract_strided_slice %get3A_4 {offsets = [0, 256], sizes = [512, 128], strides = [1, 1]} : vector<512x1664xf32> to vector<512x128xf32>
    %slice3A_9 = vector.extract_strided_slice %get3A_4 {offsets = [0, 384], sizes = [512, 128], strides = [1, 1]} : vector<512x1664xf32> to vector<512x128xf32>
    %slice3A_10 = vector.extract_strided_slice %get3A_4 {offsets = [0, 512], sizes = [512, 128], strides = [1, 1]} : vector<512x1664xf32> to vector<512x128xf32>
    %slice3A_11 = vector.extract_strided_slice %get3A_4 {offsets = [0, 640], sizes = [512, 128], strides = [1, 1]} : vector<512x1664xf32> to vector<512x128xf32>
    %slice3A_12 = vector.extract_strided_slice %get3A_4 {offsets = [0, 768], sizes = [512, 128], strides = [1, 1]} : vector<512x1664xf32> to vector<512x128xf32>
    %slice3A_13 = vector.extract_strided_slice %get3A_4 {offsets = [0, 896], sizes = [512, 128], strides = [1, 1]} : vector<512x1664xf32> to vector<512x128xf32>
    %slice3A_14 = vector.extract_strided_slice %get3A_4 {offsets = [0, 1024], sizes = [512, 128], strides = [1, 1]} : vector<512x1664xf32> to vector<512x128xf32>
    %slice3A_15 = vector.extract_strided_slice %get3A_4 {offsets = [0, 1152], sizes = [512, 128], strides = [1, 1]} : vector<512x1664xf32> to vector<512x128xf32>
    %slice3A_16 = vector.extract_strided_slice %get3A_4 {offsets = [0, 1280], sizes = [512, 128], strides = [1, 1]} : vector<512x1664xf32> to vector<512x128xf32>
    %slice3A_17 = vector.extract_strided_slice %get3A_4 {offsets = [0, 1408], sizes = [512, 128], strides = [1, 1]} : vector<512x1664xf32> to vector<512x128xf32>
    %slice3A_18 = vector.extract_strided_slice %get3A_4 {offsets = [0, 1536], sizes = [512, 128], strides = [1, 1]} : vector<512x1664xf32> to vector<512x128xf32>
    %shift_right_logical3A = arith.constant 0 : i32
    %shift_right_logical3A_19 = vector.broadcast %shift_right_logical3A : i32 to vector<512x1xi32>
    %shift_right_logical3A_20 = arith.shrui %div3A_6, %shift_right_logical3A_19 : vector<512x1xi32>
    %rem3A = arith.constant 2 : i32
    %rem3A_21 = vector.broadcast %rem3A : i32 to vector<512x1xi32>
    %rem3A_22 = arith.remsi %shift_right_logical3A_20, %rem3A_21 : vector<512x1xi32>
    %eq3A = arith.constant 1 : i32
    %eq3A_23 = vector.broadcast %eq3A : i32 to vector<512x1xi32>
    %eq3A_24 = arith.cmpi eq, %rem3A_22, %eq3A_23 : vector<512x1xi32>
    %broadcast_in_dim3A = vector.shape_cast %eq3A_24 : vector<512x1xi1> to vector<512x1xi1>
    %broadcast_in_dim3A_25 = vector.broadcast %broadcast_in_dim3A : vector<512x1xi1> to vector<512x128xi1>
    %select_n3A = arith.select %broadcast_in_dim3A_25, %slice3A_7, %slice3A : vector<512x128xi1>, vector<512x128xf32>
    %broadcast_in_dim3A_26 = vector.shape_cast %eq3A_24 : vector<512x1xi1> to vector<512x1xi1>
    %broadcast_in_dim3A_27 = vector.broadcast %broadcast_in_dim3A_26 : vector<512x1xi1> to vector<512x128xi1>
    %select_n3A_28 = arith.select %broadcast_in_dim3A_27, %slice3A_9, %slice3A_8 : vector<512x128xi1>, vector<512x128xf32>
    %broadcast_in_dim3A_29 = vector.shape_cast %eq3A_24 : vector<512x1xi1> to vector<512x1xi1>
    %broadcast_in_dim3A_30 = vector.broadcast %broadcast_in_dim3A_29 : vector<512x1xi1> to vector<512x128xi1>
    %select_n3A_31 = arith.select %broadcast_in_dim3A_30, %slice3A_11, %slice3A_10 : vector<512x128xi1>, vector<512x128xf32>
    %broadcast_in_dim3A_32 = vector.shape_cast %eq3A_24 : vector<512x1xi1> to vector<512x1xi1>
    %broadcast_in_dim3A_33 = vector.broadcast %broadcast_in_dim3A_32 : vector<512x1xi1> to vector<512x128xi1>
    %select_n3A_34 = arith.select %broadcast_in_dim3A_33, %slice3A_13, %slice3A_12 : vector<512x128xi1>, vector<512x128xf32>
    %broadcast_in_dim3A_35 = vector.shape_cast %eq3A_24 : vector<512x1xi1> to vector<512x1xi1>
    %broadcast_in_dim3A_36 = vector.broadcast %broadcast_in_dim3A_35 : vector<512x1xi1> to vector<512x128xi1>
    %select_n3A_37 = arith.select %broadcast_in_dim3A_36, %slice3A_15, %slice3A_14 : vector<512x128xi1>, vector<512x128xf32>
    %broadcast_in_dim3A_38 = vector.shape_cast %eq3A_24 : vector<512x1xi1> to vector<512x1xi1>
    %broadcast_in_dim3A_39 = vector.broadcast %broadcast_in_dim3A_38 : vector<512x1xi1> to vector<512x128xi1>
    %select_n3A_40 = arith.select %broadcast_in_dim3A_39, %slice3A_17, %slice3A_16 : vector<512x128xi1>, vector<512x128xf32>
    %broadcast_in_dim3A_41 = vector.shape_cast %eq3A_24 : vector<512x1xi1> to vector<512x1xi1>
    %broadcast_in_dim3A_42 = vector.broadcast %broadcast_in_dim3A_41 : vector<512x1xi1> to vector<512x128xi1>
    %select_n3A_43 = arith.select %broadcast_in_dim3A_42, %slice3A, %slice3A_18 : vector<512x128xi1>, vector<512x128xf32>
    %broadcast_in_dim3A_44 = vector.shape_cast %eq3A_24 : vector<512x1xi1> to vector<512x1xi1>
    %broadcast_in_dim3A_45 = vector.broadcast %broadcast_in_dim3A_44 : vector<512x1xi1> to vector<512x128xi1>
    %select_n3A_46 = arith.select %broadcast_in_dim3A_45, %slice3A, %slice3A : vector<512x128xi1>, vector<512x128xf32>
    %shift_right_logical3A_47 = arith.constant 1 : i32
    %shift_right_logical3A_48 = vector.broadcast %shift_right_logical3A_47 : i32 to vector<512x1xi32>
    %shift_right_logical3A_49 = arith.shrui %div3A_6, %shift_right_logical3A_48 : vector<512x1xi32>
    %rem3A_50 = arith.constant 2 : i32
    %rem3A_51 = vector.broadcast %rem3A_50 : i32 to vector<512x1xi32>
    %rem3A_52 = arith.remsi %shift_right_logical3A_49, %rem3A_51 : vector<512x1xi32>
    %eq3A_53 = arith.constant 1 : i32
    %eq3A_54 = vector.broadcast %eq3A_53 : i32 to vector<512x1xi32>
    %eq3A_55 = arith.cmpi eq, %rem3A_52, %eq3A_54 : vector<512x1xi32>
    %broadcast_in_dim3A_56 = vector.shape_cast %eq3A_55 : vector<512x1xi1> to vector<512x1xi1>
    %broadcast_in_dim3A_57 = vector.broadcast %broadcast_in_dim3A_56 : vector<512x1xi1> to vector<512x128xi1>
    %select_n3A_58 = arith.select %broadcast_in_dim3A_57, %select_n3A_28, %select_n3A : vector<512x128xi1>, vector<512x128xf32>
    %broadcast_in_dim3A_59 = vector.shape_cast %eq3A_55 : vector<512x1xi1> to vector<512x1xi1>
    %broadcast_in_dim3A_60 = vector.broadcast %broadcast_in_dim3A_59 : vector<512x1xi1> to vector<512x128xi1>
    %select_n3A_61 = arith.select %broadcast_in_dim3A_60, %select_n3A_34, %select_n3A_31 : vector<512x128xi1>, vector<512x128xf32>
    %broadcast_in_dim3A_62 = vector.shape_cast %eq3A_55 : vector<512x1xi1> to vector<512x1xi1>
    %broadcast_in_dim3A_63 = vector.broadcast %broadcast_in_dim3A_62 : vector<512x1xi1> to vector<512x128xi1>
    %select_n3A_64 = arith.select %broadcast_in_dim3A_63, %select_n3A_40, %select_n3A_37 : vector<512x128xi1>, vector<512x128xf32>
    %broadcast_in_dim3A_65 = vector.shape_cast %eq3A_55 : vector<512x1xi1> to vector<512x1xi1>
    %broadcast_in_dim3A_66 = vector.broadcast %broadcast_in_dim3A_65 : vector<512x1xi1> to vector<512x128xi1>
    %select_n3A_67 = arith.select %broadcast_in_dim3A_66, %select_n3A_46, %select_n3A_43 : vector<512x128xi1>, vector<512x128xf32>
    %shift_right_logical3A_68 = arith.constant 2 : i32
    %shift_right_logical3A_69 = vector.broadcast %shift_right_logical3A_68 : i32 to vector<512x1xi32>
    %shift_right_logical3A_70 = arith.shrui %div3A_6, %shift_right_logical3A_69 : vector<512x1xi32>
    %rem3A_71 = arith.constant 2 : i32
    %rem3A_72 = vector.broadcast %rem3A_71 : i32 to vector<512x1xi32>
    %rem3A_73 = arith.remsi %shift_right_logical3A_70, %rem3A_72 : vector<512x1xi32>
    %eq3A_74 = arith.constant 1 : i32
    %eq3A_75 = vector.broadcast %eq3A_74 : i32 to vector<512x1xi32>
    %eq3A_76 = arith.cmpi eq, %rem3A_73, %eq3A_75 : vector<512x1xi32>
    %broadcast_in_dim3A_77 = vector.shape_cast %eq3A_76 : vector<512x1xi1> to vector<512x1xi1>
    %broadcast_in_dim3A_78 = vector.broadcast %broadcast_in_dim3A_77 : vector<512x1xi1> to vector<512x128xi1>
    %select_n3A_79 = arith.select %broadcast_in_dim3A_78, %select_n3A_61, %select_n3A_58 : vector<512x128xi1>, vector<512x128xf32>
    %broadcast_in_dim3A_80 = vector.shape_cast %eq3A_76 : vector<512x1xi1> to vector<512x1xi1>
    %broadcast_in_dim3A_81 = vector.broadcast %broadcast_in_dim3A_80 : vector<512x1xi1> to vector<512x128xi1>
    %select_n3A_82 = arith.select %broadcast_in_dim3A_81, %select_n3A_67, %select_n3A_64 : vector<512x128xi1>, vector<512x128xf32>
    %shift_right_logical3A_83 = arith.constant 3 : i32
    %shift_right_logical3A_84 = vector.broadcast %shift_right_logical3A_83 : i32 to vector<512x1xi32>
    %shift_right_logical3A_85 = arith.shrui %div3A_6, %shift_right_logical3A_84 : vector<512x1xi32>
    %rem3A_86 = arith.constant 2 : i32
    %rem3A_87 = vector.broadcast %rem3A_86 : i32 to vector<512x1xi32>
    %rem3A_88 = arith.remsi %shift_right_logical3A_85, %rem3A_87 : vector<512x1xi32>
    %eq3A_89 = arith.constant 1 : i32
    %eq3A_90 = vector.broadcast %eq3A_89 : i32 to vector<512x1xi32>
    %eq3A_91 = arith.cmpi eq, %rem3A_88, %eq3A_90 : vector<512x1xi32>
    %broadcast_in_dim3A_92 = vector.shape_cast %eq3A_91 : vector<512x1xi1> to vector<512x1xi1>
    %broadcast_in_dim3A_93 = vector.broadcast %broadcast_in_dim3A_92 : vector<512x1xi1> to vector<512x128xi1>
    %select_n3A_94 = arith.select %broadcast_in_dim3A_93, %select_n3A_82, %select_n3A_79 : vector<512x128xi1>, vector<512x128xf32>
    %rem3A_95 = arith.constant 2 : i32
    %rem3A_96 = vector.broadcast %rem3A_95 : i32 to vector<512x1xi32>
    %rem3A_97 = arith.remsi %get3A_1, %rem3A_96 : vector<512x1xi32>
    %eq3A_98 = arith.constant 0 : i32
    %eq3A_99 = vector.broadcast %eq3A_98 : i32 to vector<512x1xi32>
    %eq3A_100 = arith.cmpi eq, %rem3A_97, %eq3A_99 : vector<512x1xi32>
    %slice3A_101 = vector.extract_strided_slice %select_n3A_94 {offsets = [0, 0], sizes = [512, 64], strides = [1, 1]} : vector<512x128xf32> to vector<512x64xf32>
    %slice3A_102 = vector.extract_strided_slice %select_n3A_94 {offsets = [0, 64], sizes = [512, 64], strides = [1, 1]} : vector<512x128xf32> to vector<512x64xf32>
    %broadcast_in_dim3A_103 = vector.shape_cast %eq3A_100 : vector<512x1xi1> to vector<512x1xi1>
    %broadcast_in_dim3A_104 = vector.broadcast %broadcast_in_dim3A_103 : vector<512x1xi1> to vector<512x64xi1>
    %select_n3A_105 = arith.select %broadcast_in_dim3A_104, %slice3A_101, %slice3A_102 : vector<512x64xi1>, vector<512x64xf32>
    %swap3A = arith.constant 0 : index
    %swap3A_106 = arith.constant 0 : index
    %swap3A_107 = vector.load %arg3[%swap3A, %swap3A_106] : memref<512x64xf32, #tpu.memory_space<vmem>>, vector<512x64xf32>
    tpu.vector_store %arg3[%swap3A, %swap3A_106], %select_n3A_105 {strides = array<i32>} : memref<512x64xf32, #tpu.memory_space<vmem>>, vector<512x64xf32>,
    return
  }
  func.func @transform_0(%arg0: i32) -> (i32, i32) {
    %add3A = arith.constant 18 : i32
    %add3A_0 = arith.addi %add3A, %arg0 : i32
    %c0_i32 = arith.constant 0 : i32
    %c0_i32_1 = arith.constant 0 : i32
    return %add3A_0, %c0_i32 : i32, i32
  }
  func.func @transform_1(%arg0: i32) -> (i32, i32) {
    %add3A = arith.constant 18 : i32
    %add3A_0 = arith.addi %add3A, %arg0 : i32
    %c0_i32 = arith.constant 0 : i32
    %c0_i32_1 = arith.constant 0 : i32
    return %add3A_0, %c0_i32 : i32, i32
  }
  func.func @transform_2(%arg0: i32) -> (i32, i32) {
    %c0_i32 = arith.constant 0 : i32
    %c0_i32_0 = arith.constant 0 : i32
    return %arg0, %c0_i32 : i32, i32
  }
}

</mosaic_0001>

<sc_bundles>
// kernel: _run.4.cloned.1.call-start
scs
__scs_entry_jumppad:
0x0: {  	(pc) =	sbr.rel $0x88, $3  }
0x1: {  	(tag) =	ssettag $0x0;
	lr =	simm.s32 $0x1  }
0x2: {  	[smem:$0x3F9E] =	sst lr;
	_ =	strace $0xD0000000  }
0x3: {  	_ = 	snop  }
0x4: {  	_ = 	snop  }
0x5: {  	_ = 	snop  }
0x6: {  	_ = 	snop  }
0x7: {  	_ = 	snop  }
__scs_overlays_trampoline_lowered:
0x8: {  	[smem:$0x3FAD] =	sst s0  }
0x9: {  	[smem:$0x3FAE] =	sst s1  }
0xa: {  	[smem:$0x3FAF] =	sst s2  }
0xb: {  	[smem:$0x3FB0] =	sst s3  }
0xc: {  	[smem:$0x3FB1] =	sst s4  }
0xd: {  	[smem:$0x3FB2] =	sst s5  }
0xe: {  	[smem:$0x3FB3] =	sst s6  }
0xf: {  	[smem:$0x3FB4] =	sst s7  }
0x10: {  	[smem:$0x3FB5] =	sst s8  }
0x11: {  	[smem:$0x3FB6] =	sst s9;
	s0 =	simm.s32 @!p0 $0x0  }
0x12: {  	s1 =	sld [smem:$0x3F9C];
	s0 =	simm.s32 @p0 $0x1  }
0x13: {  	[smem:$0x3FB7] =	sst s0;
	s0 =	simm.s32 @!p1 $0x0  }
0x14: {  	s2 =	sld [smem:$0x3F9B];
	s0 =	simm.s32 @p1 $0x1  }
0x15: {  	[smem:$0x3FB8] =	sst s0;
	s0 =	simm.s32 @!p2 $0x0  }
0x16: {  	s3 =	sld [smem:$0x3FDB];
	s0 =	simm.s32 @p2 $0x1  }
0x17: {  	s4 =	simm.s32 $0x1BF5;
	[smem:$0x3FBA] =	sst s0  }
0x18: {  	s0 =	sld [smem:$0x3F9D];
	_ =	swait.ge [sflag:s4], $0x0  }
0x19: {  	s7 =	sld [smem:$0x3F9E]  }
0x1a: {  	s8 =	sadd.s32 $0xFFFFE003, lr  }
0x1b: {  	s9 =	sadd.s32 $0xFFFFFEF7, lr;
	s5 =	simm.s32 $0xFFFFFFFF;
	p2 =	slt.u32 s8, $0xFFFFF086  }
0x1c: {  	p1 =	slt.u32 s9, $0xF7A;
	s5 =	simm.s32 @!p2 $0x0  }
0x1d: {  	s5 =	simm.s32 @p1 $0x1;
	p0 =	seq.s32 s7, s2  }
0x1e: {  	s7 =	smul.u32 @!p0 $0xF7A, s2;
	p2 =	seq.s32 @!p0 s5, $0x0  }
0x1f: {  	s9 =	smul.u32 $0xF7A, s1;
	s8 =	simm.s32 @!p0 $0x1BF5;
	p2 =	por !p2, p0  }
0x20: {  	[sflag:s8] =	ssyncset.s32 @!p0 $0xFFFFF086;
	s6 =	sadd.s32 @!p0 s3, s7;
	s7 =	simm.s32 @!p0 $0x108  }
0x21: {  	s3 =	sadd.s32 s3, s9;
	s6 =	sadd.s32 @!p0 $0x88, s6;
	s7 =	simm.s32 @p2 $0x1082  }
0x22: {  	[simem:s7], [sflag:s8] =	dma.local @!p0 [hbm:s6], $0xF7A  }
0x23: {  	s9 =	sor.u32 $0xD0000000, s2;
	s6 =	simm.s32 $0x108;
	_ =	swait.ge @!p0 [sflag:s8], $0x0  }
0x24: {  	s3 =	sadd.s32 $0x88, s3;
	s6 =	simm.s32 @!p1 $0x1082;
	[sflag:s4] =	ssyncset.s32 $0xFFFFF086  }
0x25: {  	[simem:s6], [sflag:s4] =	dma.local [hbm:s3], $0xF7A  }
0x26: {  	[smem:$0x3F9E] =	sst s1;
	(tag) =	ssettag s2;
	_ =	strace s9  }
0x27: {  	s1 =	sld [smem:$0x3FAE]  }
0x28: {  	s2 =	sld [smem:$0x3FAF]  }
0x29: {  	s4 =	sld [smem:$0x3FB1]  }
0x2a: {  	p0 =	seq.s32 s5, $0x0;
	s5 =	sld [smem:$0x3FB2]  }
0x2b: {  	s6 =	sld [smem:$0x3FB3]  }
0x2c: {  	s7 =	sld [smem:$0x3FB4]  }
0x2d: {  	s3 =	simm.s32 $0x108;
	s8 =	sld [smem:$0x3FB5]  }
0x2e: {  	s3 =	simm.s32 @!p0 $0x1082;
	s9 =	sld [smem:$0x3FB6]  }
0x2f: {  	lr =	sadd.s32 s0, s3;
	s0 =	sld [smem:$0x3FAD]  }
0x30: {  	s3 =	sld [smem:$0x3FB0]  }
0x31: {  	[smem:$0x3FB9] =	sst s10  }
0x32: {  	s10 =	sld [smem:$0x3FB7];
	_ =	sdelay $0x3  }
0x33: {  	p0 =	seq.s32 s10, $0x1;
	s10 =	sld [smem:$0x3FB9];
	_ =	sdelay $0x3  }
0x34: {  	[smem:$0x3FB9] =	sst s10  }
0x35: {  	s10 =	sld [smem:$0x3FB8];
	_ =	sdelay $0x3  }
0x36: {  	p1 =	seq.s32 s10, $0x1;
	s10 =	sld [smem:$0x3FB9];
	_ =	sdelay $0x3  }
0x37: {  	[smem:$0x3FB9] =	sst s10  }
0x38: {  	s10 =	sld [smem:$0x3FBA]  }
0x39: {  	_ = 	snop;
	(pc) =	sbr.ind lr, $3  }
0x3a: {  	_ = 	snop  }
0x3b: {  	_ = 	snop  }
0x3c: {  	p2 =	seq.s32 s10, $0x1;
	s10 =	sld [smem:$0x3FB9]  }
0x3d: {  	_ =	shalt  }
0x3e: {  	_ =	shalt  }
0x3f: {  	_ =	shalt  }
0x40: {  	_ =	shalt  }
0x41: {  	_ =	shalt  }
0x42: {  	_ =	shalt  }
0x43: {  	_ =	shalt  }
0x44: {  	_ =	shalt  }
0x45: {  	_ =	shalt  }
0x46: {  	_ =	shalt  }
0x47: {  	_ =	shalt  }
0x48: {  	_ =	shalt  }
0x49: {  	_ =	shalt  }
0x4a: {  	_ =	shalt  }
0x4b: {  	_ =	shalt  }
0x4c: {  	_ =	shalt  }
0x4d: {  	_ =	shalt  }
0x4e: {  	_ =	shalt  }
0x4f: {  	_ =	shalt  }
0x50: {  	_ =	shalt  }
0x51: {  	_ =	shalt  }
0x52: {  	_ =	shalt  }
0x53: {  	_ =	shalt  }
0x54: {  	_ =	shalt  }
0x55: {  	_ =	shalt  }
0x56: {  	_ =	shalt  }
0x57: {  	_ =	shalt  }
0x58: {  	_ =	shalt  }
0x59: {  	_ =	shalt  }
0x5a: {  	_ =	shalt  }
0x5b: {  	_ =	shalt  }
0x5c: {  	_ =	shalt  }
0x5d: {  	_ =	shalt  }
0x5e: {  	_ =	shalt  }
0x5f: {  	_ =	shalt  }
0x60: {  	_ =	shalt  }
0x61: {  	_ =	shalt  }
0x62: {  	_ =	shalt  }
0x63: {  	_ =	shalt  }
0x64: {  	_ =	shalt  }
0x65: {  	_ =	shalt  }
0x66: {  	_ =	shalt  }
0x67: {  	_ =	shalt  }
0x68: {  	_ =	shalt  }
0x69: {  	_ =	shalt  }
0x6a: {  	_ =	shalt  }
0x6b: {  	_ =	shalt  }
0x6c: {  	_ =	shalt  }
0x6d: {  	_ =	shalt  }
0x6e: {  	_ =	shalt  }
0x6f: {  	_ =	shalt  }
0x70: {  	_ =	shalt  }
0x71: {  	_ =	shalt  }
0x72: {  	_ =	shalt  }
0x73: {  	_ =	shalt  }
0x74: {  	_ =	shalt  }
0x75: {  	_ =	shalt  }
0x76: {  	_ =	shalt  }
0x77: {  	_ =	shalt  }
0x78: {  	_ =	shalt  }
0x79: {  	_ =	shalt  }
0x7a: {  	_ =	shalt  }
0x7b: {  	_ =	shalt  }
0x7c: {  	_ =	shalt  }
0x7d: {  	_ =	shalt  }
0x7e: {  	_ =	shalt  }
0x7f: {  	_ =	shalt  }
0x80: {  	_ =	shalt  }
0x81: {  	_ =	shalt  }
0x82: {  	_ =	shalt  }
0x83: {  	_ =	shalt  }
0x84: {  	_ =	shalt  }
0x85: {  	_ =	shalt  }
0x86: {  	_ =	shalt  }
0x87: {  	_ =	shalt  }
.Lfunc_end0:
.L_simem_size_0:
called_computation_lowered:
.L_overlay_start_0:
0x88: {  	s2 =	sld [smem:$0x3FD9]  }
0x89: {  	s3 =	sld [smem:$0x3FFE];
	_ =	sdelay $0x1  }
0x8a: {  	s1 =	srdreg.scid  }
0x8b: {  	s0 =	sand.u32 $0x1, s1  }
0x8c: {  	s17 =	sshll.u32 s0, $0xA;
	s2 =	sadd.s32 s3, s2  }
0x8d: {  	s2 =	sadd.s32 s2, s17  }
0x8e: {  	[smem:$0x3FC5] =	sst s2  }
0x8f: {  	_ = 	snop  }
0x90: {  	s2 =	sld [smem:$0x3FC9]  }
0x91: {  	s18 =	sld [smem:$0x3FC8];
	(tm) =	ssettm $0x1  }
0x92: {  	s4 =	sld [smem:$0x3FFB];
	_ =	sdelay $0x3  }
0x93: {  	_ =	strace s4  }
0x94: {  	s4 =	sld [smem:$0x3FFC];
	_ =	sdelay $0x3  }
0x95: {  	_ =	strace s4  }
0x96: {  	s4 =	sld [smem:$0x3FFD];
	_ =	sdelay $0x3  }
0x97: {  	_ =	strace s4  }
0x98: {  	_ =	strace $0x8FFFFFFF  }
0x99: {  	s19 =	sld [smem:$0x3FDB];
	_ =	sdelay $0x1  }
0x9a: {  	s5 =	simm.s32 $_scs_section_size  }
0x9b: {  	s6 =	simm.s32 $_size__tile_overlayer_lowered;
	s7 =	simm.s32 $_tile_overlayer_lowered  }
0x9c: {  	s22 =	simm.s32 $0x1BFF;
	s21 =	sshll.u32 s7, $0x1;
	s4 =	sadd.s32 s5, s19  }
0x9d: {  	s8 =	simm.s32 $0x0;
	s20 =	sshll.u32 s6, $0x1;
	s6 =	sadd.s32 s21, s4  }
0x9e: {  	[timem:s8], [sflag:s22] =	dma.local [hbm:s6], s20  }
0x9f: {  	_ =	swait.ge [sflag:s22], s20  }
0xa0: {  	s5 =	ssub.s32 $0x0, s20;
	[sflag:s22] =	ssyncset.done $0x0  }
0xa1: {  	[sflag:s22] =	ssyncadd.s32 s5;
	_ =	sdelay $0x1  }
0xa2: {  	s23 =	simm.s32 $0x1B8B  }
0xa3: {  	_ =	swait.ge [sflag:s23], $0x1  }
0xa4: {  	[sflag:s23] =	ssyncset.done $0x0  }
0xa5: {  	s25 =	simm.s32 $0x1B8E;
	s24 =	sld [smem:$0x3FFE];
	[sflag:s23] =	ssyncadd.s32 $0xFFFFFFFF  }
0xa6: {  	s26 =	simm.s32 $execute0_lowered;
	[smem:$0x3FD2] =	sst s25  }
0xa7: {  	s6 =	sshll.u32 s26, $0x1;
	_ =	strace $0x80000046;
	[dreg:$0x1] =	wrdreg $0xFFFFFFFF  }
0xa8: {  	s28 =	simm.s32 $_size_execute0_lowered;
	s4 =	sadd.s32 s4, s6;
	[dreg:$0x0] =	wrdreg $0x0  }
0xa9: {  	s6 =	sshll.u32 s28, $0x1;
	[dreg:$0x2] =	wrdreg s4  }
0xaa: {  	[dreg:$0x3] =	wrdreg s6  }
0xab: {  	[dreg:$0x4] =	wrdreg $0xC0  }
0xac: {  	_ =	task [dreg:s8], $0x5FFFF  }
0xad: {  	[dreg:$0x1] =	wrdreg $0xFFFFFFFF  }
0xae: {  	[dreg:$0x0] =	wrdreg $0x60  }
0xaf: {  	[dreg:$0x2] =	wrdreg s2  }
0xb0: {  	[dreg:$0x3] =	wrdreg s18  }
0xb1: {  	[dreg:$0x4] =	wrdreg s24  }
0xb2: {  	[dreg:$0x5] =	wrdreg $0x9  }
0xb3: {  	_ =	task.clear_ibuf [dreg:s8], $0x6FFFF;
	_ =	strace $0x90000046  }
0xb4: {  	s29 =	simm.s32 $0x9;
	_ =	strace $0x80000048  }
0xb5: {  	_ =	swait.ge [sflag:s29], $0x1  }
0xb6: {  	[sflag:s29] =	ssyncadd.s32 $0xFFFFFFFF  }
0xb7: {  	_ =	strace $0x90000048  }
0xb8: {  	_ =	sfence  }
0xb9: {  	s30 =	sld [smem:$0x0];
	_ =	sdelay $0x2  }
0xba: {  	s31 =	sshll.u32 s1, $0xD;
	s1 =	sshrl.u32 s1, $0x2  }
0xbb: {  	s3 =	sand.u32 $0x4000, s31;
	s1 =	sadd.s32 s1, s30  }
0xbc: {  	s0 =	sor.u32 s3, s0;
	s1 =	sshll.u32 s1, $0x11  }
0xbd: {  	s0 =	sor.u32 s1, s0  }
0xbe: {  	s0 =	sadd.s32 $0x8F2B, s0  }
0xbf: {  	[sflag:s0] =	ssyncadd.remote.s32 $0x1  }
0xc0: {  	_ =	sfence.sel $0xFFFF  }
0xc1: {  	[dreg:$0x0] =	wrdreg $0xFFFFFFFF;
	(pc) =	sbr.abs _section_cstart, $3  }
0xc2: {  	[dreg:$0x1] =	wrdreg $0xFFFFFFFF  }
0xc3: {  	_ =	task.clear_ibuf [dreg:s8], $0x2FFFF;
	_ =	strace $0x9FFFFFFF  }
0xc4: {  	(tm) =	ssettm $0x7FFFFFFF  }
0xc5: {  	_ =	shalt  }
tec
execute0_lowered:
.L_overlay_start_1:
0x0: {  	(tag) =	ssettag $0x1  }
0x1: {  	v0 =	vimm.s32 $0x3F80  }
0x2: {  	vm14 =	vcmask $0x300;
	vm13 =	vcmask $0x704;
	vm12 =	vcmask $0xB08  }
0x3: {  	vm9 =	vcmask $0xF0C;
	vm10 =	vcmask $0x1310;
	vm11 =	vcmask $0x1714  }
0x4: {  	vm8 =	vcmask $0x1B18;
	vm7 =	vcmask $0x1F1C;
	vm6 =	vcmask $0x2320  }
0x5: {  	vm5 =	vcmask $0x2724;
	vm4 =	vcmask $0x2B28;
	vm0 =	vcmask $0x2F2C  }
0x6: {  	v1 =	vimm.s32 $0x3F82;
	vm1 =	vcmask $0x3330;
	vm2 =	vcmask $0x3734  }
0x7: {  	vm3 =	vcmask $0x3B38;
	v4 =	vimm.s32 $0x3F86;
	v5 =	vimm.s32 $0x3F8E  }
0x8: {  	v0 =	vsel vm14, $0x0, v0;
	v1 =	vsel vm14, $0x2, v1;
	v4 =	vsel vm14, $0x6, v4  }
0x9: {  	v5 =	vsel vm14, $0xE, v5;
	v0 =	vsel vm13, $0x480, v0;
	v1 =	vsel vm13, $0x482, v1  }
0xa: {  	v4 =	vsel vm13, $0x486, v4;
	v5 =	vsel vm13, $0x48E, v5;
	v0 =	vsel vm12, $0x900, v0  }
0xb: {  	v4 =	vsel vm12, $0x906, v4;
	v5 =	vsel vm12, $0x90E, v5;
	v0 =	vsel vm9, $0xD80, v0  }
0xc: {  	v4 =	vsel vm9, $0xD86, v4;
	v5 =	vsel vm9, $0xD8E, v5;
	v0 =	vsel vm10, $0x1200, v0  }
0xd: {  	v4 =	vsel vm10, $0x1206, v4;
	v5 =	vsel vm10, $0x120E, v5;
	v0 =	vsel vm11, $0x1680, v0  }
0xe: {  	v4 =	vsel vm11, $0x1686, v4;
	v5 =	vsel vm11, $0x168E, v5;
	v0 =	vsel vm8, $0x1B00, v0  }
0xf: {  	v4 =	vsel vm8, $0x1B06, v4;
	v5 =	vsel vm8, $0x1B0E, v5;
	v0 =	vsel vm7, $0x1F80, v0  }
0x10: {  	v4 =	vsel vm7, $0x1F86, v4;
	v7 =	vsel vm7, $0x1F8E, v5;
	v0 =	vsel vm6, $0x2000, v0  }
0x11: {  	v4 =	vsel vm6, $0x2006, v4;
	v7 =	vsel vm6, $0x200E, v7;
	v0 =	vsel vm5, $0x2480, v0  }
0x12: {  	v4 =	vsel vm5, $0x2486, v4;
	v9 =	vsel vm5, $0x248E, v7;
	v0 =	vsel vm4, $0x2900, v0  }
0x13: {  	v6 =	vsel vm4, $0x2906, v4;
	v11 =	vsel vm4, $0x290E, v9;
	v0 =	vsel vm0, $0x2D80, v0  }
0x14: {  	v6 =	vsel vm0, $0x2D86, v6;
	v13 =	vsel vm0, $0x2D8E, v11;
	v0 =	vsel vm1, $0x3200, v0  }
0x15: {  	v8 =	vsel vm1, $0x3206, v6;
	v15 =	vsel vm1, $0x320E, v13;
	v2 =	vsel vm2, $0x3680, v0  }
0x16: {  	v0 =	vsel vm12, $0x902, v1;
	v1 =	vlaneseq.u32;
	v8 =	vsel vm2, $0x3686, v8  }
0x17: {  	s1 =	rddreg [dreg:$0x0];
	s11 =	stileid.u32;
	v17 =	vsel vm2, $0x368E, v15;
	v3 =	vsel vm9, $0xD82, v0;
	v0 =	vmul.u32 $0x80, v1  }
0x18: {  	s0 =	srdreg.scid;
	s2 =	rddreg [dreg:$0x1];
	v1 =	vsel vm3, $0x3B00, v2;
	v8 =	vsel vm3, $0x3B06, v8;
	v3 =	vsel vm10, $0x1202, v3  }
0x19: {  	s4 =	rddreg [dreg:$0x2];
	s17 =	simm.s32 $0x9;
	s18 =	simm.s32 $0x180;
	v17 =	vsel vm3, $0x3B0E, v17;
	v3 =	vsel vm11, $0x1682, v3;
	v2 =	vor.u32 $0x1, v0  }
0x1a: {  	s28 =	simm.s32 $0x7;
	s29 =	simm.s32 $0x8;
	s19 =	smul.u32 $0x2400, s11;
	v4 =	vor.u32 $0x2, v0;
	v5 =	vor.u32 $0x3, v0;
	v6 =	vor.u32 $0x4, v0  }
0x1b: {  	s0 =	sand.u32 $0x1, s0;
	s3 =	sshll.u32 s11, $0x1;
	s20 =	smul.u32 $0x240, s11;
	v7 =	vor.u32 $0x5, v0;
	v9 =	vor.u32 $0x6, v0;
	v10 =	vor.u32 $0x7, v0  }
0x1c: {  	s30 =	simm.s32 $0x5;
	s5 =	sor.u32 s0, s3;
	s22 =	smul.u32 $0x120, s0;
	v11 =	vor.u32 $0x8, v0;
	v12 =	vor.u32 $0x9, v0;
	v13 =	vor.u32 $0xA, v0  }
0x1d: {  	s3 =	simm.s32 $0x0;
	s7 =	ssub.s32 $0x2, s0;
	s0 =	smul.u32 $0x1200, s0;
	v14 =	vor.u32 $0xB, v0;
	v15 =	vor.u32 $0xC, v0;
	v16 =	vor.u32 $0xD, v0  }
0x1e: {  	s31 =	simm.s32 $0x6;
	s6 =	smul.u32 $0x120, s5;
	[smem:$0x7FF] =	sst s3;
	v18 =	vor.u32 $0xE, v0;
	v19 =	vor.u32 $0xF, v0;
	v20 =	vor.u32 $0x10, v0  }
0x1f: {  	s9 =	sshrl.u32 s7, $0x1;
	s16 =	sadd.s32 s19, s4;
	_ =	strace $0x80000047;
	v21 =	vor.u32 $0x11, v0;
	v22 =	vor.u32 $0x12, v0;
	v23 =	vor.u32 $0x13, v0  }
0x20: {  	s14 =	ssub.s32 s7, s9;
	s7 =	sadd.s32 s22, s20;
	s0 =	sadd.s32 s0, s16;
	v24 =	vor.u32 $0x14, v0;
	v25 =	vor.u32 $0x15, v0;
	v26 =	vor.u32 $0x16, v0  }
0x21: {  	s8 =	sshrl.u32 s6, $0x3;
	s23 =	sadd.s32 $0x28, s6;
	s6 =	sadd.s32 $0x38, s6;
	v27 =	vor.u32 $0x17, v0;
	v28 =	vor.u32 $0x18, v0;
	v29 =	vor.u32 $0x19, v0  }
0x22: {  	s7 =	sadd.s32 $0x40, s7;
	s14 =	smax.u32 s14, $0x1;
	s10 =	smul.u32 $0x3400, s8;
	v30 =	vor.u32 $0x1A, v0;
	v31 =	vor.u32 $0x1B, v0;
	v3 =	vsel vm8, $0x1B02, v3  }
0x23: {  	s19 =	sadd.s32 $0x600, s0;
	s2 =	sadd.s32 s2, s8;
	s8 =	smul.u32 $0x680, s8;
	v32 =	vor.u32 $0x1C, v0;
	v33 =	vor.u32 $0x1D, v0;
	v3 =	vsel vm7, $0x1F82, v3  }
0x24: {  	s25 =	sshrl.u32 s6, $0x3;
	s26 =	sshrl.u32 s7, $0x3;
	[dreg:$0x4] =	wrdreg s2;
	v34 =	vor.u32 $0x1E, v0;
	v35 =	vor.u32 $0x1F, v0;
	v3 =	vsel vm6, $0x2002, v3  }
0x25: {  	s13 =	smul.u32 $0x680, s25;
	s2 =	simm.s32 $0x0;
	s21 =	sshrl.u32 s10, $0x3;
	v36 =	vor.u32 $0x20, v0;
	v37 =	vor.u32 $0x21, v0;
	v3 =	vsel vm5, $0x2482, v3  }
.Ltmp0:
0x26: {  	s10 =	sshrl.u32 s23, $0x3;
	s12 =	sadd.s32 s1, s8;
	v38 =	vor.u32 $0x22, v0;
	v39 =	vor.u32 $0x23, v0;
	v3 =	vsel vm4, $0x2902, v3;
	(pc) =	sbr.rel .LBB2_1-.Ltmp0, $4  }
0x27: {  	s8 =	smul.u32 $0x680, s26;
	s26 =	simm.s32 $0x10180;
	s5 =	sadd.s32 s1, s21;
	v40 =	vor.u32 $0x24, v0;
	v41 =	vor.u32 $0x25, v0;
	v3 =	vsel vm0, $0x2D82, v3  }
0x28: {  	s24 =	smul.u32 $0x680, s10;
	s6 =	sadd.s32 $0x680, s21;
	s7 =	sadd.s32 $0xD00, s21;
	v42 =	vor.u32 $0x26, v0;
	v43 =	vor.u32 $0x27, v0;
	v3 =	vsel vm1, $0x3202, v3  }
0x29: {  	s9 =	sadd.s32 $0x1380, s21;
	s10 =	sadd.s32 $0x1A00, s12;
	s12 =	sadd.s32 $0x2700, s12;
	v44 =	vor.u32 $0x28, v0;
	v45 =	vor.u32 $0x29, v0;
	v3 =	vsel vm2, $0x3682, v3  }
0x2a: {  	s13 =	sadd.s32 s1, s13;
	s15 =	sadd.s32 s8, s1;
	s11 =	sadd.s32 s1, s24;
	v46 =	vor.u32 $0x2A, v0;
	v47 =	vor.u32 $0x2B, v0;
	v3 =	vsel vm3, $0x3B02, v3  }
.LBB2_5:
0x2b: {  	_ =	swait.ge [sflag:s28], $0x800  }
0x2c: {  	[sflag:s28] =	ssyncset.done $0x0  }
0x2d: {  	[sflag:s28] =	ssyncadd.s32 $0xFFFFF800  }
0x2e: {  	_ =	swait.ge [sflag:s29], $0x800  }
0x2f: {  	[sflag:s29] =	ssyncset.done $0x0  }
0x30: {  	s2 =	sadd.s32 $0x1, s2;
	[sflag:s29] =	ssyncadd.s32 $0xFFFFF800  }
0x31: {  	p0 =	sne.s32 s2, s14;
	_ =	swait.ge [sflag:s30], $0x800  }
.Ltmp1:
0x32: {  	[sflag:s30] =	ssyncset.done $0x0;
	(pc) =	sbr.rel @!p0 .LBB2_6-.Ltmp1, $4  }
0x33: {  	[sflag:s30] =	ssyncadd.s32 $0xFFFFF800  }
0x34: {  	_ =	swait.ge [sflag:s31], $0x800  }
0x35: {  	[sflag:s31] =	ssyncset.done $0x0  }
0x36: {  	[sflag:s31] =	ssyncadd.s32 $0xFFFFF800  }
.LBB2_1:
0x37: {  	s0 =	rddreg [dreg:$0x4]  }
0x38: {  	[tilespmem:s3], [sflag:$0x9] =	stream.linear.gather [hbm4b:s0+s3], $0x120, $0x38;
	[tilespmem:$0x12180] =	vst v63  }
0x39: {  	_ =	swait.ge [sflag:s17], $0x120  }
0x3a: {  	[sflag:s17] =	ssyncset.done $0x0  }
0x3b: {  	[sflag:s17] =	ssyncadd.s32 $0xFFFFFEE0  }
0x3c: {  	v48 =	vld [tilespmem:$0x0];
	_ =	sdelay $0x4  }
0x3d: {  	v49 =	vshrl.u32 v48, $0x1F  }
0x3e: {  	v48 =	vadd.s32 v49, v48  }
0x3f: {  	v48 =	vshrl.u32 v48, $0x1  }
0x40: {  	v48 =	vshll.u32 v48, $0x7  }
0x41: {  	v54 =	vadd.s32 s5, v48  }
0x42: {  	(v2sf) =	vpush v54, $0x0;
	_ =	sdelay $0x1  }
0x43: {  	(v2sf) =	vpush v54, $0x1;
	_ =	sdelay $0x1  }
0x44: {  	(v2sf) =	vpush v54, $0x2;
	_ =	sdelay $0x1  }
0x45: {  	(v2sf) =	vpush v54, $0x3;
	_ =	sdelay $0x1  }
0x46: {  	(v2sf) =	vpush v54, $0x4;
	_ =	sdelay $0x1  }
0x47: {  	(v2sf) =	vpush v54, $0x5;
	_ =	sdelay $0x1  }
0x48: {  	(v2sf) =	vpush v54, $0x6;
	_ =	sdelay $0x1  }
0x49: {  	(v2sf) =	vpush v54, $0x7  }
0x4a: {  	v48 =	vadd.s32 s6, v48;
	s20 =	spop (v2sf)  }
0x4b: {  	(v2sf) =	vpush v48, $0x8;
	[tilespmem:s18], [sflag:$0x1] =	stream.linear.gather [hbm4b:s20+s3], $0x400, $0x38;
	[tilespmem:$0x12180] =	vst v63  }
0x4c: {  	s4 =	simm.s32 $0x580;
	s21 =	spop (v2sf)  }
0x4d: {  	(v2sf) =	vpush v48, $0x9;
	[tilespmem:s4], [sflag:$0x1] =	stream.linear.gather [hbm4b:s21+s3], $0x400, $0x38;
	[tilespmem:$0x12180] =	vst v63  }
0x4e: {  	s23 =	simm.s32 $0x980;
	s22 =	spop (v2sf)  }
0x4f: {  	[tilespmem:s23], [sflag:$0x1] =	stream.linear.gather [hbm4b:s22+s3], $0x400, $0x38;
	[tilespmem:$0x12180] =	vst v63  }
0x50: {  	s25 =	simm.s32 $0xD80;
	(v2sf) =	vpush v48, $0xA;
	s24 =	spop (v2sf)  }
0x51: {  	[tilespmem:s25], [sflag:$0x1] =	stream.linear.gather [hbm4b:s24+s3], $0x400, $0x38;
	[tilespmem:$0x12180] =	vst v63  }
0x52: {  	s16 =	simm.s32 $0x1180;
	s4 =	spop (v2sf)  }
0x53: {  	(v2sf) =	vpush v48, $0xB;
	[tilespmem:s16], [sflag:$0x1] =	stream.linear.gather [hbm4b:s4+s3], $0x400, $0x38;
	[tilespmem:$0x12180] =	vst v63  }
0x54: {  	s21 =	simm.s32 $0x1580;
	s20 =	spop (v2sf)  }
0x55: {  	[tilespmem:s21], [sflag:$0x1] =	stream.linear.gather [hbm4b:s20+s3], $0x400, $0x38;
	[tilespmem:$0x12180] =	vst v63  }
0x56: {  	(v2sf) =	vpush v48, $0xC;
	s23 =	simm.s32 $0x1980;
	s22 =	spop (v2sf)  }
0x57: {  	[tilespmem:s23], [sflag:$0x1] =	stream.linear.gather [hbm4b:s22+s3], $0x400, $0x38;
	[tilespmem:$0x12180] =	vst v63  }
0x58: {  	s24 =	spop (v2sf);
	s25 =	simm.s32 $0x1D80  }
0x59: {  	(v2sf) =	vpush v48, $0xD;
	[tilespmem:s25], [sflag:$0x1] =	stream.linear.gather [hbm4b:s24+s3], $0x400, $0x38;
	[tilespmem:$0x12180] =	vst v63  }
0x5a: {  	s4 =	spop (v2sf)  }
0x5b: {  	s0 =	sand.u32 $0x1FFFFF80, s4  }
0x5c: {  	(v2sf) =	vpush v48, $0xE;
	s16 =	simm.s32 $0x2180;
	s20 =	spop (v2sf);
	s0 =	sadd.s32 s1, s0  }
0x5d: {  	[tilespmem:s16], [sflag:$0x1] =	stream.linear.gather [hbm4b:s0+s3], $0x400, $0x38;
	[tilespmem:$0x12180] =	vst v63  }
0x5e: {  	s0 =	sand.u32 $0x1FFFFF80, s20  }
0x5f: {  	(v2sf) =	vpush v48, $0xF;
	s21 =	simm.s32 $0x2580;
	s22 =	spop (v2sf);
	s0 =	sadd.s32 s1, s0  }
0x60: {  	[tilespmem:s21], [sflag:$0x1] =	stream.linear.gather [hbm4b:s0+s3], $0x400, $0x38;
	[tilespmem:$0x12180] =	vst v63  }
0x61: {  	s0 =	sand.u32 $0x1FFFFF80, s22  }
0x62: {  	s23 =	simm.s32 $0x2980;
	s24 =	spop (v2sf);
	s0 =	sadd.s32 s1, s0  }
0x63: {  	[tilespmem:s23], [sflag:$0x1] =	stream.linear.gather [hbm4b:s0+s3], $0x400, $0x38;
	[tilespmem:$0x12180] =	vst v63  }
0x64: {  	s0 =	sand.u32 $0x1FFFFF80, s24  }
0x65: {  	s25 =	simm.s32 $0x2D80;
	s4 =	spop (v2sf);
	s0 =	sadd.s32 s1, s0  }
0x66: {  	[tilespmem:s25], [sflag:$0x1] =	stream.linear.gather [hbm4b:s0+s3], $0x400, $0x38;
	[tilespmem:$0x12180] =	vst v63  }
0x67: {  	s0 =	sand.u32 $0x1FFFFF80, s4  }
0x68: {  	s16 =	simm.s32 $0x3180;
	s20 =	spop (v2sf);
	s0 =	sadd.s32 s1, s0  }
0x69: {  	[tilespmem:s16], [sflag:$0x1] =	stream.linear.gather [hbm4b:s0+s3], $0x400, $0x38;
	[tilespmem:$0x12180] =	vst v63  }
0x6a: {  	s0 =	sand.u32 $0x1FFFFF80, s20  }
0x6b: {  	s21 =	simm.s32 $0x3580;
	s22 =	spop (v2sf);
	s0 =	sadd.s32 s1, s0  }
0x6c: {  	[tilespmem:s21], [sflag:$0x1] =	stream.linear.gather [hbm4b:s0+s3], $0x400, $0x38;
	[tilespmem:$0x12180] =	vst v63  }
0x6d: {  	s0 =	sand.u32 $0x1FFFFF80, s22  }
0x6e: {  	s23 =	simm.s32 $0x3980;
	s24 =	spop (v2sf);
	s0 =	sadd.s32 s1, s0  }
0x6f: {  	[tilespmem:s23], [sflag:$0x1] =	stream.linear.gather [hbm4b:s0+s3], $0x400, $0x38;
	[tilespmem:$0x12180] =	vst v63  }
0x70: {  	s0 =	sand.u32 $0x1FFFFF80, s24  }
0x71: {  	s25 =	simm.s32 $0x3D80;
	s0 =	sadd.s32 s1, s0  }
0x72: {  	[tilespmem:s25], [sflag:$0x1] =	stream.linear.gather [hbm4b:s0+s3], $0x400, $0x38;
	[tilespmem:$0x12180] =	vst v63  }
0x73: {  	v55 =	vld [tilespmem:$0x10];
	_ =	sdelay $0x4  }
0x74: {  	v56 =	vshrl.u32 v55, $0x1F  }
0x75: {  	v48 =	vadd.s32 v56, v55  }
0x76: {  	v48 =	vshrl.u32 v48, $0x1  }
0x77: {  	v48 =	vshll.u32 v48, $0x7  }
0x78: {  	v57 =	vadd.s32 s7, v48  }
0x79: {  	(v2sf) =	vpush v57, $0x0;
	_ =	sdelay $0x1  }
0x7a: {  	(v2sf) =	vpush v57, $0x1;
	_ =	sdelay $0x1  }
0x7b: {  	(v2sf) =	vpush v57, $0x2;
	_ =	sdelay $0x2  }
0x7c: {  	(v2sf) =	vpush v57, $0x3;
	_ =	sdelay $0x7  }
0x7d: {  	s4 =	spop (v2sf);
	(v2sf) =	vpush v57, $0x4;
	_ =	sdelay $0x1  }
0x7e: {  	s20 =	spop (v2sf);
	(v2sf) =	vpush v57, $0x5;
	_ =	sdelay $0x1  }
0x7f: {  	s22 =	spop (v2sf);
	(v2sf) =	vpush v57, $0x6;
	_ =	sdelay $0x1  }
0x80: {  	s0 =	sand.u32 $0x1FFFFF80, s4  }
0x81: {  	s16 =	simm.s32 $0x4180;
	s0 =	sadd.s32 s1, s0;
	s24 =	spop (v2sf);
	(v2sf) =	vpush v57, $0x7  }
0x82: {  	[tilespmem:s16], [sflag:$0x2] =	stream.linear.gather [hbm4b:s0+s3], $0x400, $0x38;
	[tilespmem:$0x12180] =	vst v63  }
0x83: {  	s0 =	sand.u32 $0x1FFFFF80, s20  }
0x84: {  	s21 =	simm.s32 $0x4580;
	s0 =	sadd.s32 s1, s0  }
0x85: {  	[tilespmem:s21], [sflag:$0x2] =	stream.linear.gather [hbm4b:s0+s3], $0x400, $0x38;
	[tilespmem:$0x12180] =	vst v63  }
0x86: {  	s0 =	sand.u32 $0x1FFFFF80, s22  }
0x87: {  	s23 =	simm.s32 $0x4980;
	s0 =	sadd.s32 s1, s0  }
0x88: {  	v48 =	vadd.s32 s9, v48;
	[tilespmem:s23], [sflag:$0x2] =	stream.linear.gather [hbm4b:s0+s3], $0x400, $0x38;
	[tilespmem:$0x12180] =	vst v63  }
0x89: {  	s4 =	spop (v2sf);
	(v2sf) =	vpush v48, $0x8  }
0x8a: {  	s0 =	sand.u32 $0x1FFFFF80, s24  }
0x8b: {  	s25 =	simm.s32 $0x4D80;
	s0 =	sadd.s32 s1, s0;
	s20 =	spop (v2sf);
	(v2sf) =	vpush v48, $0x9  }
0x8c: {  	[tilespmem:s25], [sflag:$0x2] =	stream.linear.gather [hbm4b:s0+s3], $0x400, $0x38;
	[tilespmem:$0x12180] =	vst v63  }
0x8d: {  	s0 =	sand.u32 $0x1FFFFF80, s4;
	s22 =	spop (v2sf);
	(v2sf) =	vpush v48, $0xA  }
0x8e: {  	s16 =	simm.s32 $0x5180;
	s0 =	sadd.s32 s1, s0  }
0x8f: {  	[tilespmem:s16], [sflag:$0x2] =	stream.linear.gather [hbm4b:s0+s3], $0x400, $0x38;
	[tilespmem:$0x12180] =	vst v63  }
0x90: {  	s24 =	spop (v2sf);
	(v2sf) =	vpush v48, $0xB  }
0x91: {  	s0 =	sand.u32 $0x1FFFFF80, s20  }
0x92: {  	s21 =	simm.s32 $0x5580;
	s0 =	sadd.s32 s1, s0  }
0x93: {  	[tilespmem:s21], [sflag:$0x2] =	stream.linear.gather [hbm4b:s0+s3], $0x400, $0x38;
	[tilespmem:$0x12180] =	vst v63  }
0x94: {  	s0 =	sand.u32 $0x1FFFFF80, s22  }
0x95: {  	s23 =	simm.s32 $0x5980;
	s0 =	sadd.s32 s1, s0  }
0x96: {  	[tilespmem:s23], [sflag:$0x2] =	stream.linear.gather [hbm4b:s0+s3], $0x400, $0x38;
	[tilespmem:$0x12180] =	vst v63  }
0x97: {  	s0 =	sand.u32 $0x1FFFFF80, s24  }
0x98: {  	s25 =	simm.s32 $0x5D80;
	s0 =	sadd.s32 s1, s0;
	s4 =	spop (v2sf);
	(v2sf) =	vpush v48, $0xC  }
0x99: {  	[tilespmem:s25], [sflag:$0x2] =	stream.linear.gather [hbm4b:s0+s3], $0x400, $0x38;
	[tilespmem:$0x12180] =	vst v63  }
0x9a: {  	s20 =	spop (v2sf);
	(v2sf) =	vpush v48, $0xD  }
0x9b: {  	s0 =	sand.u32 $0x1FFFFF80, s4  }
0x9c: {  	s16 =	simm.s32 $0x6180;
	s0 =	sadd.s32 s1, s0;
	s22 =	spop (v2sf)  }
0x9d: {  	(v2sf) =	vpush v48, $0xE;
	[tilespmem:s16], [sflag:$0x2] =	stream.linear.gather [hbm4b:s0+s3], $0x400, $0x38;
	[tilespmem:$0x12180] =	vst v63  }
0x9e: {  	s0 =	sand.u32 $0x1FFFFF80, s20  }
0x9f: {  	s21 =	simm.s32 $0x6580;
	s24 =	spop (v2sf);
	s0 =	sadd.s32 s1, s0  }
0xa0: {  	(v2sf) =	vpush v48, $0xF;
	[tilespmem:s21], [sflag:$0x2] =	stream.linear.gather [hbm4b:s0+s3], $0x400, $0x38;
	[tilespmem:$0x12180] =	vst v63  }
0xa1: {  	s0 =	sand.u32 $0x1FFFFF80, s22  }
0xa2: {  	s23 =	simm.s32 $0x6980;
	s0 =	sadd.s32 s1, s0  }
0xa3: {  	[tilespmem:s23], [sflag:$0x2] =	stream.linear.gather [hbm4b:s0+s3], $0x400, $0x38;
	[tilespmem:$0x12180] =	vst v63  }
0xa4: {  	s0 =	sand.u32 $0x1FFFFF80, s24  }
0xa5: {  	s25 =	simm.s32 $0x6D80;
	s0 =	sadd.s32 s1, s0  }
0xa6: {  	[tilespmem:s25], [sflag:$0x2] =	stream.linear.gather [hbm4b:s0+s3], $0x400, $0x38;
	[tilespmem:$0x12180] =	vst v63  }
0xa7: {  	s4 =	spop (v2sf)  }
0xa8: {  	s0 =	sand.u32 $0x1FFFFF80, s4  }
0xa9: {  	s16 =	simm.s32 $0x7180;
	s20 =	spop (v2sf);
	s0 =	sadd.s32 s1, s0  }
0xaa: {  	[tilespmem:s16], [sflag:$0x2] =	stream.linear.gather [hbm4b:s0+s3], $0x400, $0x38;
	[tilespmem:$0x12180] =	vst v63  }
0xab: {  	s0 =	sand.u32 $0x1FFFFF80, s20  }
0xac: {  	s21 =	simm.s32 $0x7580;
	s22 =	spop (v2sf);
	s0 =	sadd.s32 s1, s0  }
0xad: {  	[tilespmem:s21], [sflag:$0x2] =	stream.linear.gather [hbm4b:s0+s3], $0x400, $0x38;
	[tilespmem:$0x12180] =	vst v63  }
0xae: {  	s0 =	sand.u32 $0x1FFFFF80, s22  }
0xaf: {  	s23 =	simm.s32 $0x7980;
	s24 =	spop (v2sf);
	s0 =	sadd.s32 s1, s0  }
0xb0: {  	[tilespmem:s23], [sflag:$0x2] =	stream.linear.gather [hbm4b:s0+s3], $0x400, $0x38;
	[tilespmem:$0x12180] =	vst v63  }
0xb1: {  	s0 =	sand.u32 $0x1FFFFF80, s24  }
0xb2: {  	s25 =	simm.s32 $0x7D80;
	s0 =	sadd.s32 s1, s0  }
0xb3: {  	[tilespmem:s25], [sflag:$0x2] =	stream.linear.gather [hbm4b:s0+s3], $0x400, $0x38;
	[tilespmem:$0x12180] =	vst v63  }
0xb4: {  	v58 =	vld [tilespmem:$0x20];
	_ =	sdelay $0x4  }
0xb5: {  	v59 =	vshrl.u32 v58, $0x1F  }
0xb6: {  	v48 =	vadd.s32 v59, v58  }
0xb7: {  	v48 =	vshrl.u32 v48, $0x1  }
0xb8: {  	v48 =	vshll.u32 v48, $0x7  }
0xb9: {  	v60 =	vadd.s32 s10, v48  }
0xba: {  	(v2sf) =	vpush v60, $0x0;
	_ =	sdelay $0x1  }
0xbb: {  	(v2sf) =	vpush v60, $0x1;
	_ =	sdelay $0x1  }
0xbc: {  	(v2sf) =	vpush v60, $0x2;
	_ =	sdelay $0x1  }
0xbd: {  	(v2sf) =	vpush v60, $0x3;
	_ =	sdelay $0x1  }
0xbe: {  	(v2sf) =	vpush v60, $0x4;
	_ =	sdelay $0x1  }
0xbf: {  	(v2sf) =	vpush v60, $0x5;
	_ =	sdelay $0x1  }
0xc0: {  	(v2sf) =	vpush v60, $0x6;
	_ =	sdelay $0x1  }
0xc1: {  	(v2sf) =	vpush v60, $0x7  }
0xc2: {  	s16 =	simm.s32 $0x8180;
	v48 =	vadd.s32 s11, v48;
	s4 =	spop (v2sf)  }
0xc3: {  	(v2sf) =	vpush v48, $0x8;
	[tilespmem:s16], [sflag:$0x3] =	stream.linear.gather [hbm4b:s4+s3], $0x400, $0x38;
	[tilespmem:$0x12180] =	vst v63  }
0xc4: {  	s21 =	simm.s32 $0x8580;
	s20 =	spop (v2sf)  }
0xc5: {  	(v2sf) =	vpush v48, $0x9;
	[tilespmem:s21], [sflag:$0x3] =	stream.linear.gather [hbm4b:s20+s3], $0x400, $0x38;
	[tilespmem:$0x12180] =	vst v63  }
0xc6: {  	s23 =	simm.s32 $0x8980;
	s22 =	spop (v2sf)  }
0xc7: {  	(v2sf) =	vpush v48, $0xA;
	[tilespmem:s23], [sflag:$0x3] =	stream.linear.gather [hbm4b:s22+s3], $0x400, $0x38;
	[tilespmem:$0x12180] =	vst v63  }
0xc8: {  	s25 =	simm.s32 $0x8D80;
	s24 =	spop (v2sf)  }
0xc9: {  	(v2sf) =	vpush v48, $0xB;
	[tilespmem:s25], [sflag:$0x3] =	stream.linear.gather [hbm4b:s24+s3], $0x400, $0x38;
	[tilespmem:$0x12180] =	vst v63  }
0xca: {  	s16 =	simm.s32 $0x9180;
	s4 =	spop (v2sf)  }
0xcb: {  	(v2sf) =	vpush v48, $0xC;
	[tilespmem:s16], [sflag:$0x3] =	stream.linear.gather [hbm4b:s4+s3], $0x400, $0x38;
	[tilespmem:$0x12180] =	vst v63  }
0xcc: {  	s21 =	simm.s32 $0x9580;
	s20 =	spop (v2sf)  }
0xcd: {  	(v2sf) =	vpush v48, $0xD;
	[tilespmem:s21], [sflag:$0x3] =	stream.linear.gather [hbm4b:s20+s3], $0x400, $0x38;
	[tilespmem:$0x12180] =	vst v63  }
0xce: {  	s23 =	simm.s32 $0x9980;
	s22 =	spop (v2sf)  }
0xcf: {  	(v2sf) =	vpush v48, $0xE;
	[tilespmem:s23], [sflag:$0x3] =	stream.linear.gather [hbm4b:s22+s3], $0x400, $0x38;
	[tilespmem:$0x12180] =	vst v63  }
0xd0: {  	s24 =	spop (v2sf);
	s25 =	simm.s32 $0x9D80  }
0xd1: {  	(v2sf) =	vpush v48, $0xF;
	[tilespmem:s25], [sflag:$0x3] =	stream.linear.gather [hbm4b:s24+s3], $0x400, $0x38;
	[tilespmem:$0x12180] =	vst v63  }
0xd2: {  	s16 =	simm.s32 $0xA180;
	s4 =	spop (v2sf)  }
0xd3: {  	[tilespmem:s16], [sflag:$0x3] =	stream.linear.gather [hbm4b:s4+s3], $0x400, $0x38;
	[tilespmem:$0x12180] =	vst v63  }
0xd4: {  	s21 =	simm.s32 $0xA580;
	s20 =	spop (v2sf)  }
0xd5: {  	[tilespmem:s21], [sflag:$0x3] =	stream.linear.gather [hbm4b:s20+s3], $0x400, $0x38;
	[tilespmem:$0x12180] =	vst v63  }
0xd6: {  	s23 =	simm.s32 $0xA980;
	s22 =	spop (v2sf)  }
0xd7: {  	[tilespmem:s23], [sflag:$0x3] =	stream.linear.gather [hbm4b:s22+s3], $0x400, $0x38;
	[tilespmem:$0x12180] =	vst v63  }
0xd8: {  	s25 =	simm.s32 $0xAD80;
	s24 =	spop (v2sf)  }
0xd9: {  	[tilespmem:s25], [sflag:$0x3] =	stream.linear.gather [hbm4b:s24+s3], $0x400, $0x38;
	[tilespmem:$0x12180] =	vst v63  }
0xda: {  	s16 =	simm.s32 $0xB180;
	s4 =	spop (v2sf)  }
0xdb: {  	[tilespmem:s16], [sflag:$0x3] =	stream.linear.gather [hbm4b:s4+s3], $0x400, $0x38;
	[tilespmem:$0x12180] =	vst v63  }
0xdc: {  	s21 =	simm.s32 $0xB580;
	s20 =	spop (v2sf)  }
0xdd: {  	[tilespmem:s21], [sflag:$0x3] =	stream.linear.gather [hbm4b:s20+s3], $0x400, $0x38;
	[tilespmem:$0x12180] =	vst v63  }
0xde: {  	s22 =	spop (v2sf);
	s23 =	simm.s32 $0xB980  }
0xdf: {  	[tilespmem:s23], [sflag:$0x3] =	stream.linear.gather [hbm4b:s22+s3], $0x400, $0x38;
	[tilespmem:$0x12180] =	vst v63  }
0xe0: {  	s24 =	spop (v2sf);
	s25 =	simm.s32 $0xBD80  }
0xe1: {  	[tilespmem:s25], [sflag:$0x3] =	stream.linear.gather [hbm4b:s24+s3], $0x400, $0x38;
	[tilespmem:$0x12180] =	vst v63  }
0xe2: {  	v61 =	vld [tilespmem:$0x30];
	_ =	sdelay $0x4  }
0xe3: {  	v62 =	vshrl.u32 v61, $0x1F  }
0xe4: {  	v48 =	vadd.s32 v62, v61  }
0xe5: {  	v48 =	vshrl.u32 v48, $0x1  }
0xe6: {  	v48 =	vshll.u32 v48, $0x7  }
0xe7: {  	v63 =	vadd.s32 s12, v48  }
0xe8: {  	(v2sf) =	vpush v63, $0x0;
	_ =	sdelay $0x1  }
0xe9: {  	(v2sf) =	vpush v63, $0x1;
	_ =	sdelay $0x1  }
0xea: {  	(v2sf) =	vpush v63, $0x2;
	_ =	sdelay $0x1  }
0xeb: {  	(v2sf) =	vpush v63, $0x3;
	_ =	sdelay $0x1  }
0xec: {  	(v2sf) =	vpush v63, $0x4;
	_ =	sdelay $0x1  }
0xed: {  	(v2sf) =	vpush v63, $0x5;
	_ =	sdelay $0x1  }
0xee: {  	(v2sf) =	vpush v63, $0x6;
	_ =	sdelay $0x1  }
0xef: {  	(v2sf) =	vpush v63, $0x7  }
0xf0: {  	s16 =	simm.s32 $0xC180;
	v48 =	vadd.s32 s13, v48;
	s4 =	spop (v2sf)  }
0xf1: {  	(v2sf) =	vpush v48, $0x8;
	[tilespmem:s16], [sflag:$0x4] =	stream.linear.gather [hbm4b:s4+s3], $0x400, $0x38;
	[tilespmem:$0x12180] =	vst v63  }
0xf2: {  	s21 =	simm.s32 $0xC580;
	s20 =	spop (v2sf)  }
0xf3: {  	(v2sf) =	vpush v48, $0x9;
	[tilespmem:s21], [sflag:$0x4] =	stream.linear.gather [hbm4b:s20+s3], $0x400, $0x38;
	[tilespmem:$0x12180] =	vst v63  }
0xf4: {  	s23 =	simm.s32 $0xC980;
	s22 =	spop (v2sf)  }
0xf5: {  	(v2sf) =	vpush v48, $0xA;
	[tilespmem:s23], [sflag:$0x4] =	stream.linear.gather [hbm4b:s22+s3], $0x400, $0x38;
	[tilespmem:$0x12180] =	vst v63  }
0xf6: {  	s25 =	simm.s32 $0xCD80;
	s24 =	spop (v2sf)  }
0xf7: {  	(v2sf) =	vpush v48, $0xB;
	[tilespmem:s25], [sflag:$0x4] =	stream.linear.gather [hbm4b:s24+s3], $0x400, $0x38;
	[tilespmem:$0x12180] =	vst v63  }
0xf8: {  	s16 =	simm.s32 $0xD180;
	s4 =	spop (v2sf)  }
0xf9: {  	(v2sf) =	vpush v48, $0xC;
	[tilespmem:s16], [sflag:$0x4] =	stream.linear.gather [hbm4b:s4+s3], $0x400, $0x38;
	[tilespmem:$0x12180] =	vst v63  }
0xfa: {  	s21 =	simm.s32 $0xD580;
	s20 =	spop (v2sf)  }
0xfb: {  	(v2sf) =	vpush v48, $0xD;
	[tilespmem:s21], [sflag:$0x4] =	stream.linear.gather [hbm4b:s20+s3], $0x400, $0x38;
	[tilespmem:$0x12180] =	vst v63  }
0xfc: {  	s23 =	simm.s32 $0xD980;
	s22 =	spop (v2sf)  }
0xfd: {  	(v2sf) =	vpush v48, $0xE;
	[tilespmem:s23], [sflag:$0x4] =	stream.linear.gather [hbm4b:s22+s3], $0x400, $0x38;
	[tilespmem:$0x12180] =	vst v63  }
0xfe: {  	s24 =	spop (v2sf);
	s25 =	simm.s32 $0xDD80;
	(v2sf) =	vpush v48, $0xF  }
0xff: {  	[tilespmem:s25], [sflag:$0x4] =	stream.linear.gather [hbm4b:s24+s3], $0x400, $0x38;
	[tilespmem:$0x12180] =	vst v63  }
0x100: {  	s16 =	simm.s32 $0xE180;
	s4 =	spop (v2sf)  }
0x101: {  	[tilespmem:s16], [sflag:$0x4] =	stream.linear.gather [hbm4b:s4+s3], $0x400, $0x38;
	[tilespmem:$0x12180] =	vst v63  }
0x102: {  	s21 =	simm.s32 $0xE580;
	s20 =	spop (v2sf)  }
0x103: {  	[tilespmem:s21], [sflag:$0x4] =	stream.linear.gather [hbm4b:s20+s3], $0x400, $0x38;
	[tilespmem:$0x12180] =	vst v63  }
0x104: {  	s23 =	simm.s32 $0xE980;
	s22 =	spop (v2sf)  }
0x105: {  	[tilespmem:s23], [sflag:$0x4] =	stream.linear.gather [hbm4b:s22+s3], $0x400, $0x38;
	[tilespmem:$0x12180] =	vst v63  }
0x106: {  	s25 =	simm.s32 $0xED80;
	s24 =	spop (v2sf)  }
0x107: {  	[tilespmem:s25], [sflag:$0x4] =	stream.linear.gather [hbm4b:s24+s3], $0x400, $0x38;
	[tilespmem:$0x12180] =	vst v63  }
0x108: {  	s16 =	simm.s32 $0xF180;
	s4 =	spop (v2sf)  }
0x109: {  	[tilespmem:s16], [sflag:$0x4] =	stream.linear.gather [hbm4b:s4+s3], $0x400, $0x38;
	[tilespmem:$0x12180] =	vst v63  }
0x10a: {  	s21 =	simm.s32 $0xF580;
	s20 =	spop (v2sf)  }
0x10b: {  	[tilespmem:s21], [sflag:$0x4] =	stream.linear.gather [hbm4b:s20+s3], $0x400, $0x38;
	[tilespmem:$0x12180] =	vst v63  }
.Ltmp2:
0x10c: {  	s0 =	simm.s32 $0x40;
	s22 =	spop (v2sf);
	(pc) =	sbr.rel .LBB2_2-.Ltmp2, $4  }
0x10d: {  	s23 =	simm.s32 $0xF980;
	s24 =	spop (v2sf);
	s25 =	simm.s32 $0xFD80  }
0x10e: {  	[tilespmem:s23], [sflag:$0x4] =	stream.linear.gather [hbm4b:s22+s3], $0x400, $0x38;
	[tilespmem:$0x12180] =	vst v63  }
0x10f: {  	s16 =	smov.u32 s19;
	s20 =	simm.s32 $0x0;
	s21 =	simm.s32 $0x0  }
0x110: {  	[tilespmem:s25], [sflag:$0x4] =	stream.linear.gather [hbm4b:s24+s3], $0x400, $0x38;
	[tilespmem:$0x12180] =	vst v63  }
.LBB2_4:
0x111: {  	s20 =	sadd.s32 $0xD00, s20  }
0x112: {  	p0 =	sne.s32 s20, $0xEA00  }
.Ltmp3:
0x113: {  	_ = 	snop;
	(pc) =	sbr.rel @!p0 .LBB2_5-.Ltmp3, $2  }
0x114: {  	_ =	sdelay $0x2  }
0x115: {  	s21 =	sadd.s32 $0x1, s21;
	s0 =	sadd.s32 $0x10, s0;
	s16 =	sadd.s32 $0x100, s16  }
.LBB2_2:
0x116: {  	s23 =	sand.u32 $0x3, s21  }
0x117: {  	s22 =	sadd.s32 $0x1, s23  }
0x118: {  	_ =	swait.ge [sflag:s22], $0x400  }
0x119: {  	[sflag:s22] =	ssyncset.done $0x0  }
0x11a: {  	[sflag:s22] =	ssyncadd.s32 $0xFFFFFC00  }
0x11b: {  	_ =	swait.ge [sflag:s22], $0x400  }
0x11c: {  	[sflag:s22] =	ssyncset.done $0x0  }
0x11d: {  	[sflag:s22] =	ssyncadd.s32 $0xFFFFFC00  }
0x11e: {  	_ =	swait.ge [sflag:s22], $0x400  }
0x11f: {  	[sflag:s22] =	ssyncset.done $0x0  }
0x120: {  	[sflag:s22] =	ssyncadd.s32 $0xFFFFFC00  }
0x121: {  	_ =	swait.ge [sflag:s22], $0x400  }
0x122: {  	[sflag:s22] =	ssyncset.done $0x0  }
0x123: {  	[sflag:s22] =	ssyncadd.s32 $0xFFFFFC00  }
0x124: {  	_ =	swait.ge [sflag:s22], $0x400  }
0x125: {  	[sflag:s22] =	ssyncset.done $0x0  }
0x126: {  	[sflag:s22] =	ssyncadd.s32 $0xFFFFFC00  }
0x127: {  	_ =	swait.ge [sflag:s22], $0x400  }
0x128: {  	[sflag:s22] =	ssyncset.done $0x0  }
0x129: {  	[sflag:s22] =	ssyncadd.s32 $0xFFFFFC00  }
0x12a: {  	_ =	swait.ge [sflag:s22], $0x400  }
0x12b: {  	[sflag:s22] =	ssyncset.done $0x0  }
0x12c: {  	[sflag:s22] =	ssyncadd.s32 $0xFFFFFC00  }
0x12d: {  	_ =	swait.ge [sflag:s22], $0x400  }
0x12e: {  	[sflag:s22] =	ssyncset.done $0x0  }
0x12f: {  	[sflag:s22] =	ssyncadd.s32 $0xFFFFFC00  }
0x130: {  	_ =	swait.ge [sflag:s22], $0x400  }
0x131: {  	[sflag:s22] =	ssyncset.done $0x0  }
0x132: {  	[sflag:s22] =	ssyncadd.s32 $0xFFFFFC00  }
0x133: {  	_ =	swait.ge [sflag:s22], $0x400  }
0x134: {  	[sflag:s22] =	ssyncset.done $0x0  }
0x135: {  	[sflag:s22] =	ssyncadd.s32 $0xFFFFFC00  }
0x136: {  	_ =	swait.ge [sflag:s22], $0x400  }
0x137: {  	[sflag:s22] =	ssyncset.done $0x0  }
0x138: {  	[sflag:s22] =	ssyncadd.s32 $0xFFFFFC00  }
0x139: {  	_ =	swait.ge [sflag:s22], $0x400  }
0x13a: {  	[sflag:s22] =	ssyncset.done $0x0  }
0x13b: {  	[sflag:s22] =	ssyncadd.s32 $0xFFFFFC00  }
0x13c: {  	_ =	swait.ge [sflag:s22], $0x400  }
0x13d: {  	[sflag:s22] =	ssyncset.done $0x0  }
0x13e: {  	[sflag:s22] =	ssyncadd.s32 $0xFFFFFC00  }
0x13f: {  	_ =	swait.ge [sflag:s22], $0x400  }
0x140: {  	[sflag:s22] =	ssyncset.done $0x0  }
0x141: {  	[sflag:s22] =	ssyncadd.s32 $0xFFFFFC00  }
0x142: {  	_ =	swait.ge [sflag:s22], $0x400  }
0x143: {  	[sflag:s22] =	ssyncset.done $0x0  }
0x144: {  	[sflag:s22] =	ssyncadd.s32 $0xFFFFFC00  }
0x145: {  	_ =	swait.ge [sflag:s22], $0x400  }
0x146: {  	p0 =	slt.u32 s21, $0x4;
	[sflag:s22] =	ssyncset.done $0x0  }
0x147: {  	s24 =	sadd.s32 @!p0 $0x5, s23;
	[sflag:s22] =	ssyncadd.s32 $0xFFFFFC00  }
0x148: {  	_ =	swait.ge @!p0 [sflag:s24], $0x800  }
0x149: {  	[sflag:s24] =	ssyncset.done @!p0 $0x0  }
0x14a: {  	[sflag:s24] =	ssyncadd.s32 @!p0 $0xFFFFF800  }
0x14b: {  	v48 =	vld [tilespmem:s0+$0xFFFFFFC0];
	_ =	sdelay $0x4  }
0x14c: {  	v49 =	vshrl.u32 v48, $0x1F  }
0x14d: {  	v49 =	vadd.s32 v49, v48  }
0x14e: {  	v49 =	vshrl.u32 v49, $0x1  }
0x14f: {  	v49 =	vshll.u32 v49, $0x1  }
0x150: {  	v48 =	vsub.s32 v48, v49  }
0x151: {  	v50 =	vmov s23;
	v48 =	vshll.u32 v48, $0x6  }
0x152: {  	v51 =	vshll.u32 v50, $0xE;
	v59 =	vand.u32 $0xFFFFFF80, v48  }
0x153: {  	v48 =	vand.u32 $0x40, v48;
	v49 =	vadd.s32 v51, v59  }
0x154: {  	v51 =	vor.u32 v48, v49  }
0x155: {  	v49 =	vadd.s32 v1, v51;
	_ =	sdelay $0x3  }
0x156: {  	v48 =	vshll.u32 v50, $0xB  }
0x157: {  	v52 =	vor.u32 v0, v48;
	v60 =	vld.idx.msk [tilespmem:v49+s18+$0x0], $0xffff  }
0x158: {  	v53 =	vor.u32 $0x1, v49;
	_ =	sdelay $0x3  }
0x159: {  	[tilespmem:v52+s26+$0x0] =	vst.idx.msk $0xffff, v60  }
0x15a: {  	v61 =	vor.u32 v2, v48;
	v50 =	vld.idx.msk [tilespmem:v53+s18+$0x0], $0xffff  }
0x15b: {  	v62 =	vadd.s32 v3, v51;
	_ =	sdelay $0x3  }
0x15c: {  	[tilespmem:v61+s26+$0x0] =	vst.idx.msk $0xffff, v50  }
0x15d: {  	v63 =	vor.u32 v4, v48;
	v50 =	vld.idx.msk [tilespmem:v62+s18+$0x0], $0xffff  }
0x15e: {  	v56 =	vor.u32 $0x3, v49;
	_ =	sdelay $0x3  }
0x15f: {  	[tilespmem:v63+s26+$0x0] =	vst.idx.msk $0xffff, v50  }
0x160: {  	v57 =	vor.u32 v5, v48;
	v50 =	vld.idx.msk [tilespmem:v56+s18+$0x0], $0xffff  }
0x161: {  	v58 =	vor.u32 $0x4, v49;
	_ =	sdelay $0x3  }
0x162: {  	[tilespmem:v57+s26+$0x0] =	vst.idx.msk $0xffff, v50  }
0x163: {  	v59 =	vor.u32 v6, v48;
	v50 =	vld.idx.msk [tilespmem:v58+s18+$0x0], $0xffff  }
0x164: {  	v60 =	vor.u32 $0x5, v49;
	_ =	sdelay $0x3  }
0x165: {  	[tilespmem:v59+s26+$0x0] =	vst.idx.msk $0xffff, v50  }
0x166: {  	v61 =	vor.u32 v7, v48;
	v50 =	vld.idx.msk [tilespmem:v60+s18+$0x0], $0xffff  }
0x167: {  	v62 =	vadd.s32 v8, v51;
	_ =	sdelay $0x3  }
0x168: {  	[tilespmem:v61+s26+$0x0] =	vst.idx.msk $0xffff, v50  }
0x169: {  	v63 =	vor.u32 v9, v48;
	v50 =	vld.idx.msk [tilespmem:v62+s18+$0x0], $0xffff  }
0x16a: {  	v56 =	vor.u32 $0x7, v49;
	_ =	sdelay $0x3  }
0x16b: {  	[tilespmem:v63+s26+$0x0] =	vst.idx.msk $0xffff, v50  }
0x16c: {  	v57 =	vor.u32 v10, v48;
	v50 =	vld.idx.msk [tilespmem:v56+s18+$0x0], $0xffff  }
0x16d: {  	v58 =	vor.u32 $0x8, v49;
	_ =	sdelay $0x3  }
0x16e: {  	[tilespmem:v57+s26+$0x0] =	vst.idx.msk $0xffff, v50  }
0x16f: {  	v59 =	vor.u32 v11, v48;
	v50 =	vld.idx.msk [tilespmem:v58+s18+$0x0], $0xffff  }
0x170: {  	v60 =	vor.u32 $0x9, v49;
	_ =	sdelay $0x3  }
0x171: {  	[tilespmem:v59+s26+$0x0] =	vst.idx.msk $0xffff, v50  }
0x172: {  	v61 =	vor.u32 v12, v48;
	v50 =	vld.idx.msk [tilespmem:v60+s18+$0x0], $0xffff  }
0x173: {  	v62 =	vor.u32 $0xA, v49;
	_ =	sdelay $0x3  }
0x174: {  	[tilespmem:v61+s26+$0x0] =	vst.idx.msk $0xffff, v50  }
0x175: {  	v63 =	vor.u32 v13, v48;
	v50 =	vld.idx.msk [tilespmem:v62+s18+$0x0], $0xffff  }
0x176: {  	v56 =	vor.u32 $0xB, v49;
	_ =	sdelay $0x3  }
0x177: {  	[tilespmem:v63+s26+$0x0] =	vst.idx.msk $0xffff, v50  }
0x178: {  	v57 =	vor.u32 v14, v48;
	v50 =	vld.idx.msk [tilespmem:v56+s18+$0x0], $0xffff  }
0x179: {  	v58 =	vor.u32 $0xC, v49;
	_ =	sdelay $0x3  }
0x17a: {  	[tilespmem:v57+s26+$0x0] =	vst.idx.msk $0xffff, v50  }
0x17b: {  	v59 =	vor.u32 v15, v48;
	v50 =	vld.idx.msk [tilespmem:v58+s18+$0x0], $0xffff  }
0x17c: {  	v60 =	vor.u32 $0xD, v49;
	_ =	sdelay $0x3  }
0x17d: {  	[tilespmem:v59+s26+$0x0] =	vst.idx.msk $0xffff, v50  }
0x17e: {  	v61 =	vor.u32 v16, v48;
	v50 =	vld.idx.msk [tilespmem:v60+s18+$0x0], $0xffff  }
0x17f: {  	v51 =	vadd.s32 v17, v51;
	_ =	sdelay $0x3  }
0x180: {  	[tilespmem:v61+s26+$0x0] =	vst.idx.msk $0xffff, v50  }
0x181: {  	v62 =	vor.u32 v18, v48;
	v50 =	vld.idx.msk [tilespmem:v51+s18+$0x0], $0xffff  }
0x182: {  	v63 =	vor.u32 $0xF, v49;
	_ =	sdelay $0x3  }
0x183: {  	[tilespmem:v62+s26+$0x0] =	vst.idx.msk $0xffff, v50  }
0x184: {  	v56 =	vor.u32 v19, v48;
	v50 =	vld.idx.msk [tilespmem:v63+s18+$0x0], $0xffff  }
0x185: {  	v57 =	vor.u32 $0x10, v49;
	_ =	sdelay $0x3  }
0x186: {  	[tilespmem:v56+s26+$0x0] =	vst.idx.msk $0xffff, v50  }
0x187: {  	v58 =	vor.u32 v20, v48;
	v50 =	vld.idx.msk [tilespmem:v57+s18+$0x0], $0xffff  }
0x188: {  	v59 =	vor.u32 $0x11, v49;
	_ =	sdelay $0x3  }
0x189: {  	[tilespmem:v58+s26+$0x0] =	vst.idx.msk $0xffff, v50  }
0x18a: {  	v60 =	vor.u32 v21, v48;
	v50 =	vld.idx.msk [tilespmem:v59+s18+$0x0], $0xffff  }
0x18b: {  	v61 =	vor.u32 $0x12, v49;
	_ =	sdelay $0x3  }
0x18c: {  	[tilespmem:v60+s26+$0x0] =	vst.idx.msk $0xffff, v50  }
0x18d: {  	v62 =	vor.u32 v22, v48;
	v50 =	vld.idx.msk [tilespmem:v61+s18+$0x0], $0xffff  }
0x18e: {  	v63 =	vor.u32 $0x13, v49;
	_ =	sdelay $0x3  }
0x18f: {  	[tilespmem:v62+s26+$0x0] =	vst.idx.msk $0xffff, v50  }
0x190: {  	v56 =	vor.u32 v23, v48;
	v50 =	vld.idx.msk [tilespmem:v63+s18+$0x0], $0xffff  }
0x191: {  	v57 =	vor.u32 $0x14, v49;
	_ =	sdelay $0x3  }
0x192: {  	[tilespmem:v56+s26+$0x0] =	vst.idx.msk $0xffff, v50  }
0x193: {  	v58 =	vor.u32 v24, v48;
	v50 =	vld.idx.msk [tilespmem:v57+s18+$0x0], $0xffff  }
0x194: {  	v59 =	vor.u32 $0x15, v49;
	_ =	sdelay $0x3  }
0x195: {  	[tilespmem:v58+s26+$0x0] =	vst.idx.msk $0xffff, v50  }
0x196: {  	v60 =	vor.u32 v25, v48;
	v50 =	vld.idx.msk [tilespmem:v59+s18+$0x0], $0xffff  }
0x197: {  	v61 =	vor.u32 $0x16, v49;
	_ =	sdelay $0x3  }
0x198: {  	[tilespmem:v60+s26+$0x0] =	vst.idx.msk $0xffff, v50  }
0x199: {  	v62 =	vor.u32 v26, v48;
	v50 =	vld.idx.msk [tilespmem:v61+s18+$0x0], $0xffff  }
0x19a: {  	v63 =	vor.u32 $0x17, v49;
	_ =	sdelay $0x3  }
0x19b: {  	[tilespmem:v62+s26+$0x0] =	vst.idx.msk $0xffff, v50  }
0x19c: {  	v56 =	vor.u32 v27, v48;
	v50 =	vld.idx.msk [tilespmem:v63+s18+$0x0], $0xffff  }
0x19d: {  	v57 =	vor.u32 $0x18, v49;
	_ =	sdelay $0x3  }
0x19e: {  	[tilespmem:v56+s26+$0x0] =	vst.idx.msk $0xffff, v50  }
0x19f: {  	v58 =	vor.u32 v28, v48;
	v50 =	vld.idx.msk [tilespmem:v57+s18+$0x0], $0xffff  }
0x1a0: {  	v59 =	vor.u32 $0x19, v49;
	_ =	sdelay $0x3  }
0x1a1: {  	[tilespmem:v58+s26+$0x0] =	vst.idx.msk $0xffff, v50  }
0x1a2: {  	v60 =	vor.u32 v29, v48;
	v50 =	vld.idx.msk [tilespmem:v59+s18+$0x0], $0xffff  }
0x1a3: {  	v61 =	vor.u32 $0x1A, v49;
	_ =	sdelay $0x3  }
0x1a4: {  	[tilespmem:v60+s26+$0x0] =	vst.idx.msk $0xffff, v50  }
0x1a5: {  	v62 =	vor.u32 v30, v48;
	v50 =	vld.idx.msk [tilespmem:v61+s18+$0x0], $0xffff  }
0x1a6: {  	v63 =	vor.u32 $0x1B, v49;
	_ =	sdelay $0x3  }
0x1a7: {  	[tilespmem:v62+s26+$0x0] =	vst.idx.msk $0xffff, v50  }
0x1a8: {  	v56 =	vor.u32 v31, v48;
	v50 =	vld.idx.msk [tilespmem:v63+s18+$0x0], $0xffff  }
0x1a9: {  	v57 =	vor.u32 $0x1C, v49;
	_ =	sdelay $0x3  }
0x1aa: {  	[tilespmem:v56+s26+$0x0] =	vst.idx.msk $0xffff, v50  }
0x1ab: {  	v58 =	vor.u32 v32, v48;
	v50 =	vld.idx.msk [tilespmem:v57+s18+$0x0], $0xffff  }
0x1ac: {  	v59 =	vor.u32 $0x1D, v49;
	_ =	sdelay $0x3  }
0x1ad: {  	[tilespmem:v58+s26+$0x0] =	vst.idx.msk $0xffff, v50  }
0x1ae: {  	v60 =	vor.u32 v33, v48;
	v50 =	vld.idx.msk [tilespmem:v59+s18+$0x0], $0xffff  }
0x1af: {  	v61 =	vor.u32 $0x1E, v49;
	_ =	sdelay $0x3  }
0x1b0: {  	[tilespmem:v60+s26+$0x0] =	vst.idx.msk $0xffff, v50  }
0x1b1: {  	v62 =	vor.u32 v34, v48;
	v50 =	vld.idx.msk [tilespmem:v61+s18+$0x0], $0xffff  }
0x1b2: {  	v63 =	vor.u32 $0x1F, v49;
	_ =	sdelay $0x3  }
0x1b3: {  	[tilespmem:v62+s26+$0x0] =	vst.idx.msk $0xffff, v50  }
0x1b4: {  	v56 =	vor.u32 v35, v48;
	v50 =	vld.idx.msk [tilespmem:v63+s18+$0x0], $0xffff  }
0x1b5: {  	v57 =	vor.u32 $0x20, v49;
	_ =	sdelay $0x3  }
0x1b6: {  	[tilespmem:v56+s26+$0x0] =	vst.idx.msk $0xffff, v50  }
0x1b7: {  	v58 =	vor.u32 v36, v48;
	v50 =	vld.idx.msk [tilespmem:v57+s18+$0x0], $0xffff  }
0x1b8: {  	v59 =	vor.u32 $0x21, v49;
	_ =	sdelay $0x3  }
0x1b9: {  	[tilespmem:v58+s26+$0x0] =	vst.idx.msk $0xffff, v50  }
0x1ba: {  	v60 =	vor.u32 v37, v48;
	v50 =	vld.idx.msk [tilespmem:v59+s18+$0x0], $0xffff  }
0x1bb: {  	v61 =	vor.u32 $0x22, v49;
	_ =	sdelay $0x3  }
0x1bc: {  	[tilespmem:v60+s26+$0x0] =	vst.idx.msk $0xffff, v50  }
0x1bd: {  	v62 =	vor.u32 v38, v48;
	v50 =	vld.idx.msk [tilespmem:v61+s18+$0x0], $0xffff  }
0x1be: {  	v63 =	vor.u32 $0x23, v49;
	_ =	sdelay $0x3  }
0x1bf: {  	[tilespmem:v62+s26+$0x0] =	vst.idx.msk $0xffff, v50  }
0x1c0: {  	v56 =	vor.u32 v39, v48;
	v50 =	vld.idx.msk [tilespmem:v63+s18+$0x0], $0xffff  }
0x1c1: {  	v57 =	vor.u32 $0x24, v49;
	_ =	sdelay $0x3  }
0x1c2: {  	[tilespmem:v56+s26+$0x0] =	vst.idx.msk $0xffff, v50  }
0x1c3: {  	v58 =	vor.u32 v40, v48;
	v50 =	vld.idx.msk [tilespmem:v57+s18+$0x0], $0xffff  }
0x1c4: {  	v59 =	vor.u32 $0x25, v49;
	_ =	sdelay $0x3  }
0x1c5: {  	[tilespmem:v58+s26+$0x0] =	vst.idx.msk $0xffff, v50  }
0x1c6: {  	v60 =	vor.u32 v41, v48;
	v50 =	vld.idx.msk [tilespmem:v59+s18+$0x0], $0xffff  }
0x1c7: {  	v61 =	vor.u32 $0x26, v49;
	_ =	sdelay $0x3  }
0x1c8: {  	[tilespmem:v60+s26+$0x0] =	vst.idx.msk $0xffff, v50  }
0x1c9: {  	v62 =	vor.u32 v42, v48;
	v50 =	vld.idx.msk [tilespmem:v61+s18+$0x0], $0xffff  }
0x1ca: {  	v63 =	vor.u32 $0x27, v49;
	_ =	sdelay $0x3  }
0x1cb: {  	[tilespmem:v62+s26+$0x0] =	vst.idx.msk $0xffff, v50  }
0x1cc: {  	v56 =	vor.u32 v43, v48;
	v50 =	vld.idx.msk [tilespmem:v63+s18+$0x0], $0xffff  }
0x1cd: {  	v57 =	vor.u32 $0x28, v49;
	_ =	sdelay $0x3  }
0x1ce: {  	[tilespmem:v56+s26+$0x0] =	vst.idx.msk $0xffff, v50  }
0x1cf: {  	v58 =	vor.u32 v44, v48;
	v50 =	vld.idx.msk [tilespmem:v57+s18+$0x0], $0xffff  }
0x1d0: {  	v59 =	vor.u32 $0x29, v49;
	_ =	sdelay $0x3  }
0x1d1: {  	[tilespmem:v58+s26+$0x0] =	vst.idx.msk $0xffff, v50  }
0x1d2: {  	v60 =	vor.u32 v45, v48;
	v50 =	vld.idx.msk [tilespmem:v59+s18+$0x0], $0xffff  }
0x1d3: {  	v61 =	vor.u32 $0x2A, v49;
	_ =	sdelay $0x3  }
0x1d4: {  	[tilespmem:v60+s26+$0x0] =	vst.idx.msk $0xffff, v50  }
0x1d5: {  	v62 =	vor.u32 v46, v48;
	v50 =	vld.idx.msk [tilespmem:v61+s18+$0x0], $0xffff  }
0x1d6: {  	v63 =	vor.u32 $0x2B, v49;
	_ =	sdelay $0x3  }
0x1d7: {  	[tilespmem:v62+s26+$0x0] =	vst.idx.msk $0xffff, v50  }
0x1d8: {  	v56 =	vor.u32 v47, v48;
	v50 =	vld.idx.msk [tilespmem:v63+s18+$0x0], $0xffff  }
0x1d9: {  	v57 =	vor.u32 $0x2C, v49;
	_ =	sdelay $0x3  }
0x1da: {  	v58 =	vor.u32 $0x2C, v0;
	[tilespmem:v56+s26+$0x0] =	vst.idx.msk $0xffff, v50  }
0x1db: {  	v50 =	vor.u32 v58, v48;
	v51 =	vld.idx.msk [tilespmem:v57+s18+$0x0], $0xffff  }
0x1dc: {  	v59 =	vor.u32 $0x2D, v49;
	_ =	sdelay $0x3  }
0x1dd: {  	v60 =	vor.u32 $0x2D, v0;
	[tilespmem:v50+s26+$0x0] =	vst.idx.msk $0xffff, v51  }
0x1de: {  	v50 =	vor.u32 v60, v48;
	v51 =	vld.idx.msk [tilespmem:v59+s18+$0x0], $0xffff  }
0x1df: {  	v61 =	vor.u32 $0x2E, v49;
	_ =	sdelay $0x3  }
0x1e0: {  	v62 =	vor.u32 $0x2E, v0;
	[tilespmem:v50+s26+$0x0] =	vst.idx.msk $0xffff, v51  }
0x1e1: {  	v50 =	vor.u32 v62, v48;
	v51 =	vld.idx.msk [tilespmem:v61+s18+$0x0], $0xffff  }
0x1e2: {  	v63 =	vor.u32 $0x2F, v49;
	_ =	sdelay $0x3  }
0x1e3: {  	v56 =	vor.u32 $0x2F, v0;
	[tilespmem:v50+s26+$0x0] =	vst.idx.msk $0xffff, v51  }
0x1e4: {  	v50 =	vor.u32 v56, v48;
	v51 =	vld.idx.msk [tilespmem:v63+s18+$0x0], $0xffff  }
0x1e5: {  	v57 =	vor.u32 $0x30, v49;
	_ =	sdelay $0x3  }
0x1e6: {  	v58 =	vor.u32 $0x30, v0;
	[tilespmem:v50+s26+$0x0] =	vst.idx.msk $0xffff, v51  }
0x1e7: {  	v50 =	vor.u32 v58, v48;
	v51 =	vld.idx.msk [tilespmem:v57+s18+$0x0], $0xffff  }
0x1e8: {  	v59 =	vor.u32 $0x31, v49;
	_ =	sdelay $0x3  }
0x1e9: {  	v60 =	vor.u32 $0x31, v0;
	[tilespmem:v50+s26+$0x0] =	vst.idx.msk $0xffff, v51  }
0x1ea: {  	v50 =	vor.u32 v60, v48;
	v51 =	vld.idx.msk [tilespmem:v59+s18+$0x0], $0xffff  }
0x1eb: {  	v61 =	vor.u32 $0x32, v49;
	_ =	sdelay $0x3  }
0x1ec: {  	v62 =	vor.u32 $0x32, v0;
	[tilespmem:v50+s26+$0x0] =	vst.idx.msk $0xffff, v51  }
0x1ed: {  	v50 =	vor.u32 v62, v48;
	v51 =	vld.idx.msk [tilespmem:v61+s18+$0x0], $0xffff  }
0x1ee: {  	v63 =	vor.u32 $0x33, v49;
	_ =	sdelay $0x3  }
0x1ef: {  	v56 =	vor.u32 $0x33, v0;
	[tilespmem:v50+s26+$0x0] =	vst.idx.msk $0xffff, v51  }
0x1f0: {  	v50 =	vor.u32 v56, v48;
	v51 =	vld.idx.msk [tilespmem:v63+s18+$0x0], $0xffff  }
0x1f1: {  	v57 =	vor.u32 $0x34, v49;
	_ =	sdelay $0x3  }
0x1f2: {  	v58 =	vor.u32 $0x34, v0;
	[tilespmem:v50+s26+$0x0] =	vst.idx.msk $0xffff, v51  }
0x1f3: {  	v50 =	vor.u32 v58, v48;
	v51 =	vld.idx.msk [tilespmem:v57+s18+$0x0], $0xffff  }
0x1f4: {  	v59 =	vor.u32 $0x35, v49;
	_ =	sdelay $0x3  }
0x1f5: {  	v60 =	vor.u32 $0x35, v0;
	[tilespmem:v50+s26+$0x0] =	vst.idx.msk $0xffff, v51  }
0x1f6: {  	v50 =	vor.u32 v60, v48;
	v51 =	vld.idx.msk [tilespmem:v59+s18+$0x0], $0xffff  }
0x1f7: {  	v61 =	vor.u32 $0x36, v49;
	_ =	sdelay $0x3  }
0x1f8: {  	v62 =	vor.u32 $0x36, v0;
	[tilespmem:v50+s26+$0x0] =	vst.idx.msk $0xffff, v51  }
0x1f9: {  	v50 =	vor.u32 v62, v48;
	v51 =	vld.idx.msk [tilespmem:v61+s18+$0x0], $0xffff  }
0x1fa: {  	v63 =	vor.u32 $0x37, v49;
	_ =	sdelay $0x3  }
0x1fb: {  	v56 =	vor.u32 $0x37, v0;
	[tilespmem:v50+s26+$0x0] =	vst.idx.msk $0xffff, v51  }
0x1fc: {  	v50 =	vor.u32 v56, v48;
	v51 =	vld.idx.msk [tilespmem:v63+s18+$0x0], $0xffff  }
0x1fd: {  	v57 =	vor.u32 $0x38, v49;
	_ =	sdelay $0x3  }
0x1fe: {  	v58 =	vor.u32 $0x38, v0;
	[tilespmem:v50+s26+$0x0] =	vst.idx.msk $0xffff, v51  }
0x1ff: {  	v50 =	vor.u32 v58, v48;
	v51 =	vld.idx.msk [tilespmem:v57+s18+$0x0], $0xffff  }
0x200: {  	v59 =	vor.u32 $0x39, v49;
	_ =	sdelay $0x3  }
0x201: {  	v60 =	vor.u32 $0x39, v0;
	[tilespmem:v50+s26+$0x0] =	vst.idx.msk $0xffff, v51  }
0x202: {  	v50 =	vor.u32 v60, v48;
	v51 =	vld.idx.msk [tilespmem:v59+s18+$0x0], $0xffff  }
0x203: {  	v61 =	vor.u32 $0x3A, v49;
	_ =	sdelay $0x3  }
0x204: {  	v62 =	vor.u32 $0x3A, v0;
	[tilespmem:v50+s26+$0x0] =	vst.idx.msk $0xffff, v51  }
0x205: {  	v50 =	vor.u32 v62, v48;
	v51 =	vld.idx.msk [tilespmem:v61+s18+$0x0], $0xffff  }
0x206: {  	v63 =	vor.u32 $0x3B, v49;
	_ =	sdelay $0x3  }
0x207: {  	v56 =	vor.u32 $0x3B, v0;
	[tilespmem:v50+s26+$0x0] =	vst.idx.msk $0xffff, v51  }
0x208: {  	v50 =	vor.u32 v56, v48;
	v51 =	vld.idx.msk [tilespmem:v63+s18+$0x0], $0xffff  }
0x209: {  	v57 =	vor.u32 $0x3C, v49;
	_ =	sdelay $0x3  }
0x20a: {  	v58 =	vor.u32 $0x3C, v0;
	[tilespmem:v50+s26+$0x0] =	vst.idx.msk $0xffff, v51  }
0x20b: {  	v50 =	vor.u32 v58, v48;
	v51 =	vld.idx.msk [tilespmem:v57+s18+$0x0], $0xffff  }
0x20c: {  	v59 =	vor.u32 $0x3D, v49;
	_ =	sdelay $0x3  }
0x20d: {  	v60 =	vor.u32 $0x3D, v0;
	[tilespmem:v50+s26+$0x0] =	vst.idx.msk $0xffff, v51  }
0x20e: {  	v50 =	vor.u32 v60, v48;
	v51 =	vld.idx.msk [tilespmem:v59+s18+$0x0], $0xffff  }
0x20f: {  	v61 =	vor.u32 $0x3E, v49;
	_ =	sdelay $0x3  }
0x210: {  	v62 =	vor.u32 $0x3E, v0;
	[tilespmem:v50+s26+$0x0] =	vst.idx.msk $0xffff, v51  }
0x211: {  	v50 =	vor.u32 v62, v48;
	v51 =	vld.idx.msk [tilespmem:v61+s18+$0x0], $0xffff  }
0x212: {  	v49 =	vor.u32 $0x3F, v49;
	_ =	sdelay $0x3  }
0x213: {  	v63 =	vor.u32 $0x3F, v0;
	[tilespmem:v50+s26+$0x0] =	vst.idx.msk $0xffff, v51  }
0x214: {  	v48 =	vor.u32 v63, v48;
	v49 =	vld.idx.msk [tilespmem:v49+s18+$0x0], $0xffff  }
0x215: {  	p0 =	sgt.u32 s21, $0xD  }
.Ltmp4:
0x216: {  	_ = 	snop;
	(pc) =	sbr.rel @p0 .LBB2_4-.Ltmp4, $4  }
0x217: {  	_ = 	snop  }
0x218: {  	s25 =	sshll.u32 s23, $0xB  }
0x219: {  	s24 =	sor.u32 $0x10180, s25;
	s25 =	sadd.s32 $0x5, s23;
	[tilespmem:v48+s26+$0x0] =	vst.idx.msk $0xffff, v49  }
0x21a: {  	[hbm4b:s16+s3] =	stream.linear.scatter [tilespmem:s24], [sflag:s25], $0x800, $0x38;
	[tilespmem:$0x12180] =	vst v63  }
0x21b: {  	v48 =	vld [tilespmem:s0+$0x0];
	_ =	sdelay $0x4  }
0x21c: {  	v49 =	vshrl.u32 v48, $0x1F  }
0x21d: {  	v48 =	vadd.s32 v49, v48  }
0x21e: {  	v48 =	vshrl.u32 v48, $0x1  }
0x21f: {  	v48 =	vshll.u32 v48, $0x7  }
0x220: {  	v63 =	vadd.s32 s15, v48  }
0x221: {  	v49 =	vadd.s32 s20, v63  }
0x222: {  	(v2sf) =	vpush v49, $0x0;
	_ =	sdelay $0x1  }
0x223: {  	(v2sf) =	vpush v49, $0x1;
	_ =	sdelay $0x1  }
0x224: {  	(v2sf) =	vpush v49, $0x2;
	_ =	sdelay $0x1  }
0x225: {  	(v2sf) =	vpush v49, $0x3;
	_ =	sdelay $0x1  }
0x226: {  	(v2sf) =	vpush v49, $0x4;
	_ =	sdelay $0x1  }
0x227: {  	(v2sf) =	vpush v49, $0x5;
	_ =	sdelay $0x1  }
0x228: {  	(v2sf) =	vpush v49, $0x6  }
0x229: {  	v48 =	vadd.s32 s8, v48  }
0x22a: {  	s23 =	sshll.u32 s23, $0xE;
	v48 =	vadd.s32 s20, v48;
	(v2sf) =	vpush v49, $0x7  }
0x22b: {  	s24 =	sor.u32 $0x180, s23;
	v48 =	vadd.s32 $0x680, v48;
	s25 =	spop (v2sf)  }
0x22c: {  	(v2sf) =	vpush v48, $0x8;
	[tilespmem:s24], [sflag:s22] =	stream.linear.gather [hbm4b:s25+s3], $0x400, $0x38;
	[tilespmem:$0x12180] =	vst v63  }
0x22d: {  	s4 =	sor.u32 $0x580, s23;
	s25 =	spop (v2sf)  }
0x22e: {  	(v2sf) =	vpush v48, $0x9;
	[tilespmem:s4], [sflag:s22] =	stream.linear.gather [hbm4b:s25+s3], $0x400, $0x38;
	[tilespmem:$0x12180] =	vst v63  }
0x22f: {  	s25 =	sor.u32 $0x980, s23;
	s4 =	spop (v2sf)  }
0x230: {  	[tilespmem:s25], [sflag:s22] =	stream.linear.gather [hbm4b:s4+s3], $0x400, $0x38;
	[tilespmem:$0x12180] =	vst v63  }
0x231: {  	s25 =	spop (v2sf);
	s4 =	sor.u32 $0xD80, s23  }
0x232: {  	[tilespmem:s4], [sflag:s22] =	stream.linear.gather [hbm4b:s25+s3], $0x400, $0x38;
	[tilespmem:$0x12180] =	vst v63  }
0x233: {  	(v2sf) =	vpush v48, $0xA;
	s25 =	sor.u32 $0x1180, s23;
	s4 =	spop (v2sf)  }
0x234: {  	[tilespmem:s25], [sflag:s22] =	stream.linear.gather [hbm4b:s4+s3], $0x400, $0x38;
	[tilespmem:$0x12180] =	vst v63  }
0x235: {  	(v2sf) =	vpush v48, $0xB;
	s25 =	sor.u32 $0x1580, s23;
	s4 =	spop (v2sf)  }
0x236: {  	[tilespmem:s25], [sflag:s22] =	stream.linear.gather [hbm4b:s4+s3], $0x400, $0x38;
	[tilespmem:$0x12180] =	vst v63  }
0x237: {  	s25 =	spop (v2sf);
	s4 =	sor.u32 $0x1980, s23  }
0x238: {  	(v2sf) =	vpush v48, $0xC;
	[tilespmem:s4], [sflag:s22] =	stream.linear.gather [hbm4b:s25+s3], $0x400, $0x38;
	[tilespmem:$0x12180] =	vst v63  }
0x239: {  	s25 =	sor.u32 $0x1D80, s23;
	s4 =	spop (v2sf)  }
0x23a: {  	[tilespmem:s25], [sflag:s22] =	stream.linear.gather [hbm4b:s4+s3], $0x400, $0x38;
	[tilespmem:$0x12180] =	vst v63  }
0x23b: {  	s25 =	spop (v2sf)  }
0x23c: {  	s24 =	sand.u32 $0x1FFFFF80, s25  }
0x23d: {  	(v2sf) =	vpush v48, $0xD;
	s4 =	sor.u32 $0x2180, s23;
	s25 =	spop (v2sf);
	s24 =	sadd.s32 s1, s24  }
0x23e: {  	(v2sf) =	vpush v48, $0xE;
	[tilespmem:s4], [sflag:s22] =	stream.linear.gather [hbm4b:s24+s3], $0x400, $0x38;
	[tilespmem:$0x12180] =	vst v63  }
0x23f: {  	s24 =	sand.u32 $0x1FFFFF80, s25  }
0x240: {  	s4 =	sor.u32 $0x2580, s23;
	s24 =	sadd.s32 s1, s24  }
0x241: {  	[tilespmem:s4], [sflag:s22] =	stream.linear.gather [hbm4b:s24+s3], $0x400, $0x38;
	[tilespmem:$0x12180] =	vst v63  }
0x242: {  	s4 =	spop (v2sf)  }
0x243: {  	s24 =	sand.u32 $0x1FFFFF80, s4  }
0x244: {  	(v2sf) =	vpush v48, $0xF;
	s25 =	spop (v2sf);
	s4 =	sor.u32 $0x2980, s23;
	s24 =	sadd.s32 s1, s24  }
0x245: {  	[tilespmem:s4], [sflag:s22] =	stream.linear.gather [hbm4b:s24+s3], $0x400, $0x38;
	[tilespmem:$0x12180] =	vst v63  }
0x246: {  	s4 =	sand.u32 $0x1FFFFF80, s25  }
0x247: {  	s24 =	spop (v2sf);
	s25 =	sor.u32 $0x2D80, s23;
	s4 =	sadd.s32 s1, s4  }
0x248: {  	[tilespmem:s25], [sflag:s22] =	stream.linear.gather [hbm4b:s4+s3], $0x400, $0x38;
	[tilespmem:$0x12180] =	vst v63  }
0x249: {  	s4 =	sand.u32 $0x1FFFFF80, s24  }
0x24a: {  	s25 =	sor.u32 $0x3180, s23;
	s4 =	sadd.s32 s1, s4  }
0x24b: {  	[tilespmem:s25], [sflag:s22] =	stream.linear.gather [hbm4b:s4+s3], $0x400, $0x38;
	[tilespmem:$0x12180] =	vst v63  }
0x24c: {  	s24 =	spop (v2sf)  }
0x24d: {  	s4 =	sand.u32 $0x1FFFFF80, s24;
	s24 =	spop (v2sf)  }
0x24e: {  	s25 =	sor.u32 $0x3580, s23;
	s4 =	sadd.s32 s1, s4;
	s24 =	sand.u32 $0x1FFFFF80, s24  }
0x24f: {  	[tilespmem:s25], [sflag:s22] =	stream.linear.gather [hbm4b:s4+s3], $0x400, $0x38;
	[tilespmem:$0x12180] =	vst v63  }
0x250: {  	s25 =	sor.u32 $0x3980, s23;
	s4 =	sadd.s32 s1, s24  }
0x251: {  	[tilespmem:s25], [sflag:s22] =	stream.linear.gather [hbm4b:s4+s3], $0x400, $0x38;
	[tilespmem:$0x12180] =	vst v63  }
.Ltmp5:
0x252: {  	_ = 	snop;
	(pc) =	sbr.rel .LBB2_4-.Ltmp5, $4  }
0x253: {  	s25 =	spop (v2sf)  }
0x254: {  	s4 =	sand.u32 $0x1FFFFF80, s25  }
0x255: {  	s23 =	sor.u32 $0x3D80, s23;
	s4 =	sadd.s32 s1, s4  }
0x256: {  	[tilespmem:s23], [sflag:s22] =	stream.linear.gather [hbm4b:s4+s3], $0x400, $0x38;
	[tilespmem:$0x12180] =	vst v63  }
.LBB2_6:
0x257: {  	_ =	sfence.sel $0x180000  }
0x258: {  	[bflag:$0x0] =	sbarrier.arrive $0xFFFF  }
0x259: {  	_ =	strace $0x90000047  }
0x25a: {  	s0 =	stileid.u32;
	[bflag:$0x2] =	sbarrier.arrive $0xFFFF  }
0x25b: {  	p0 =	sne.s32 s0, $0x0;
	s0 =	rddreg [dreg:$0x3]  }
0x25c: {  	s0 =	sadd.s32 @!p0 $0x100000, s0  }
0x25d: {  	[sflag:s0] =	ssyncadd.tile.s32 @!p0 $0x1;
	_ =	shalt  }
.Lfunc_end2:
_tile_overlayer_lowered:
.L_overlay_start_2:
0x25e: {  	(tag) =	ssettag $0x2  }
0x25f: {  	s0 =	rddreg [dreg:$0x0];
	s2 =	stileid.u32  }
0x260: {  	s1 =	rddreg [dreg:$0x1];
	p0 =	sne.s32 s2, $0x0  }
0x261: {  	s3 =	rddreg [dreg:$0x2];
	[bflag:$0x3] =	sbarrier.arrive $0xFFFF;
	s2 =	simm.s32 @!p0 $0x1C09  }
0x262: {  	[timem:s3], [sflag:s2] =	dma.local @!p0 [hbm:s0], s1  }
0x263: {  	s0 =	simm.s32 @!p0 $0x9  }
0x264: {  	_ =	swait.ge @!p0 [sflag:s0], s1  }
0x265: {  	s1 =	ssub.s32 @!p0 $0x0, s1;
	[sflag:s0] =	ssyncset.done @!p0 $0x0  }
0x266: {  	[sflag:s0] =	ssyncadd.s32 @!p0 s1  }
0x267: {  	[bflag:$0x3] =	sbarrier.arrive $0xFFFF  }
0x268: {  	_ =	shalt  }

</sc_bundles>
